<compile_context>
chip_gen: v7x
topology: tpu7x:2x2x1
jax: 0.10.2.dev20260603
libtpu: 0.0.44.dev20260713+nightly
codegen_flags: <defaults>
</compile_context>

<pallas_src>
import functools

import jax
import jax.numpy as jnp
import numpy as np
from jax.experimental import pallas as pl
from jax.experimental.pallas import tpu as pltpu
from jax.experimental.pallas import tpu_sc as plsc

D_MODEL = 1024
N_HEADS = 16
N_KV_HEADS = 8
N_REP = N_HEADS // N_KV_HEADS
HEAD_DIM = D_MODEL // N_HEADS
D_FF = 2048
N_EXPERTS = 8
ROPE_THETA = 10000.0
EPS = 1e-06
TB = 256
E_PAD = 128
NEG = float(jnp.finfo(jnp.float32).min)


def _pre_kernel(pos_ref, h_ref, wq_ref, wqr_ref, wk_ref, wkr_ref, wv_ref,
                n1_ref, q_ref, k_ref, v_ref):
    x = h_ref[...]
    var = jnp.mean(x * x, axis=-1, keepdims=True)
    xn = n1_ref[...] * (x * jax.lax.rsqrt(var + EPS))
    pos = pos_ref[...].astype(jnp.float32)
    half = HEAD_DIM // 2
    expo = jax.lax.broadcasted_iota(jnp.int32, (1, half), 1).astype(
        jnp.float32) * (2.0 / HEAD_DIM)
    inv_freq = jnp.exp(-expo * float(np.log(ROPE_THETA)))
    freqs = pos * inv_freq
    cos = jnp.cos(freqs)
    sin = jnp.sin(freqs)
    cos2 = jnp.concatenate([cos, cos], axis=1)
    sin2 = jnp.concatenate([sin, sin], axis=1)
    cq = jnp.tile(cos2, (1, N_HEADS))
    sq = jnp.tile(sin2, (1, N_HEADS))
    ck = jnp.tile(cos2, (1, N_KV_HEADS))
    sk = jnp.tile(sin2, (1, N_KV_HEADS))
    xnb = xn.astype(jnp.bfloat16)
    q = jnp.dot(xnb, wq_ref[...], preferred_element_type=jnp.float32)
    qs = jnp.dot(xnb, wqr_ref[...], preferred_element_type=jnp.float32)
    q_ref[...] = (q * cq + qs * sq).astype(jnp.bfloat16)
    k = jnp.dot(xnb, wk_ref[...], preferred_element_type=jnp.float32)
    ks = jnp.dot(xnb, wkr_ref[...], preferred_element_type=jnp.float32)
    k_ref[...] = (k * ck + ks * sk).astype(jnp.bfloat16)
    v_ref[...] = jnp.dot(xnb, wv_ref[...],
                         preferred_element_type=jnp.float32).astype(jnp.bfloat16)


def _attn_kernel(qoff, q_ref, kt_ref, v_ref, o_ref):
    qi = pl.program_id(1) + qoff
    q = q_ref[0]
    s = jnp.dot(q, kt_ref[0], preferred_element_type=jnp.float32)
    s = s * (1.0 / float(np.sqrt(HEAD_DIM)))
    t = s.shape[1]
    row = jax.lax.broadcasted_iota(jnp.int32, (TB, t), 0) + qi * TB
    col = jax.lax.broadcasted_iota(jnp.int32, (TB, t), 1)
    p = jnp.where(col <= row, jnp.exp(s), 0.0)
    r = 1.0 / jnp.sum(p, axis=1, keepdims=True)
    o = jnp.dot(p.astype(jnp.bfloat16), v_ref[0],
                preferred_element_type=jnp.float32)
    o_ref[0] = (o * r).astype(jnp.bfloat16)


def _post_kernel(attn_ref, wo_ref, res_ref, n2_ref, gate_ref,
                 h2_ref, x2_ref, comb_ref):
    o = jnp.dot(attn_ref[...], wo_ref[...], preferred_element_type=jnp.float32)
    h2 = res_ref[...] + o
    h2_ref[...] = h2
    var = jnp.mean(h2 * h2, axis=-1, keepdims=True)
    x2 = n2_ref[...] * (h2 * jax.lax.rsqrt(var + EPS))
    x2_ref[...] = x2.astype(jnp.bfloat16)
    logits = jnp.dot(x2, gate_ref[...], preferred_element_type=jnp.float32)
    lane = jax.lax.broadcasted_iota(jnp.int32, logits.shape, 1)
    logits = jnp.where(lane < N_EXPERTS, logits, NEG)
    m = jnp.max(logits, axis=1, keepdims=True)
    p = jnp.exp(logits - m)
    p = p / jnp.sum(p, axis=1, keepdims=True)
    m1 = jnp.max(p, axis=1, keepdims=True)
    p_wo_top = jnp.where(p < m1, p, -1.0)
    m2 = jnp.max(p_wo_top, axis=1, keepdims=True)
    keep = p >= m2
    comb_ref[...] = jnp.where(keep, p, 0.0) / (m1 + m2)


BG = 256
NB = (2 * 2048) // BG + N_EXPERTS
GP = NB * BG


def _route_kernel(comb_ref, pos_ref, poff_ref, pend_ref, pmm_ref):
    comb = comb_ref[...]
    t2 = comb.shape[0]
    ind = (comb > 0.0).astype(jnp.float32)
    ti = jax.lax.broadcasted_iota(jnp.int32, (t2, t2), 0)
    tj = jax.lax.broadcasted_iota(jnp.int32, (t2, t2), 1)
    ltri = (tj < ti).astype(jnp.float32)
    rank = jnp.dot(ltri, ind, preferred_element_type=jnp.float32)
    counts = jnp.sum(ind, axis=0, keepdims=True)
    counts_i = counts.astype(jnp.int32)
    padded = ((counts_i + (BG - 1)) // BG) * BG
    li = jax.lax.broadcasted_iota(jnp.int32, (E_PAD, E_PAD), 0)
    lj = jax.lax.broadcasted_iota(jnp.int32, (E_PAD, E_PAD), 1)
    tl = (li < lj).astype(jnp.float32)
    poff = jnp.dot(padded.astype(jnp.float32), tl,
                   preferred_element_type=jnp.float32)
    pos = jnp.where(ind > 0.0, rank + poff + 0.5, -1.0)
    pos_ref[...] = pos.astype(jnp.int32)
    poff_i = (poff + 0.5).astype(jnp.int32)
    poff_ref[...] = poff_i
    pend_ref[...] = poff_i + padded
    pmax = jnp.max(pos, axis=1, keepdims=True)
    psum = jnp.sum(jnp.where(pos > 0.0, pos, 0.0), axis=1, keepdims=True)
    pmin = psum - pmax
    lane = jax.lax.broadcasted_iota(jnp.int32, pos.shape, 1)
    pmm = jnp.where(lane == 0, pmin, jnp.where(lane == 1, pmax, 0.0))
    pmm_ref[...] = pmm.astype(jnp.int32)


def _moe_kernel(be_ref, posT_ref, combT_ref, x2_ref,
                w1_ref, w3_ref, w2_ref, yw_ref):
    b = pl.program_id(0)
    t2 = x2_ref.shape[0]
    prow = posT_ref[0]
    ridx = jax.lax.broadcasted_iota(jnp.int32, (BG, t2), 0) + b * BG
    msk = prow == ridx
    m = msk.astype(jnp.bfloat16)
    xg = jnp.dot(m, x2_ref[...],
                 preferred_element_type=jnp.float32).astype(jnp.bfloat16)
    a = jnp.dot(xg, w1_ref[0], preferred_element_type=jnp.float32)
    bb = jnp.dot(xg, w3_ref[0], preferred_element_type=jnp.float32)
    g = ((a * jax.nn.sigmoid(a)) * bb).astype(jnp.bfloat16)
    y = jnp.dot(g, w2_ref[0], preferred_element_type=jnp.float32)
    cw = jnp.sum(jnp.where(msk, combT_ref[0], 0.0), axis=1, keepdims=True)
    yw_ref[...] = y * cw


TPW = 2048 // 32
SUB = 32


def _sc_combine_body(yw_hbm, h2_hbm, pidx_hbm, out_hbm, idx_v, acc_v, rows_v,
                     sem):
    w = jax.lax.axis_index("s") * 2 + jax.lax.axis_index("c")
    base = w * TPW
    pltpu.sync_copy(pidx_hbm.at[w], idx_v)
    for sub in range(TPW // SUB):
        t0 = base + sub * SUB
        gath = pltpu.async_copy(yw_hbm.at[idx_v.at[sub]], rows_v, sem)
        pltpu.sync_copy(h2_hbm.at[pl.ds(t0, SUB)], acc_v)
        gath.wait()

        def row_body(i, _):
            for j in range(D_MODEL // 16):
                chunk = (rows_v[i, pl.ds(j * 16, 16)] +
                         rows_v[i + SUB, pl.ds(j * 16, 16)])
                plsc.addupdate(acc_v.at[i, pl.ds(j * 16, 16)], chunk)
            return 0

        jax.lax.fori_loop(0, SUB, row_body, 0)
        pltpu.sync_copy(acc_v, out_hbm.at[pl.ds(t0, SUB)])


def _rot_weights(w, n_heads):
    w3 = w.reshape(w.shape[0], n_heads, HEAD_DIM)
    half = HEAD_DIM // 2
    w1 = w3[:, :, :half]
    w2 = w3[:, :, half:]
    return jnp.concatenate([-w2, w1], axis=-1).reshape(w.shape)


def kernel(h, Wq, Wk, Wv, Wo, norm1_w, norm2_w, gate_w, w1, w2, w3,
           position_ids):
    T = h.shape[0]
    n_tb = T // TB
    DKV = N_KV_HEADS * HEAD_DIM

    Wq_rot = _rot_weights(Wq, N_HEADS).astype(jnp.bfloat16)
    Wk_rot = _rot_weights(Wk, N_KV_HEADS).astype(jnp.bfloat16)
    Wq = Wq.astype(jnp.bfloat16)
    Wk = Wk.astype(jnp.bfloat16)
    Wv = Wv.astype(jnp.bfloat16)
    Wo = Wo.astype(jnp.bfloat16)
    w1 = w1.astype(jnp.bfloat16)
    w2 = w2.astype(jnp.bfloat16)
    w3 = w3.astype(jnp.bfloat16)
    n1 = norm1_w.reshape(1, D_MODEL)
    n2 = norm2_w.reshape(1, D_MODEL)
    pos2 = position_ids.reshape(T, 1)
    gate_pad = jnp.zeros((D_MODEL, E_PAD), jnp.float32).at[:, :N_EXPERTS].set(gate_w)

    q, k, v = pl.pallas_call(
        _pre_kernel,
        grid=(n_tb,),
        in_specs=[
            pl.BlockSpec((TB, 1), lambda i: (i, 0)),
            pl.BlockSpec((TB, D_MODEL), lambda i: (i, 0)),
            pl.BlockSpec((D_MODEL, D_MODEL), lambda i: (0, 0)),
            pl.BlockSpec((D_MODEL, D_MODEL), lambda i: (0, 0)),
            pl.BlockSpec((D_MODEL, DKV), lambda i: (0, 0)),
            pl.BlockSpec((D_MODEL, DKV), lambda i: (0, 0)),
            pl.BlockSpec((D_MODEL, DKV), lambda i: (0, 0)),
            pl.BlockSpec((1, D_MODEL), lambda i: (0, 0)),
        ],
        out_specs=[
            pl.BlockSpec((TB, D_MODEL), lambda i: (i, 0)),
            pl.BlockSpec((TB, DKV), lambda i: (i, 0)),
            pl.BlockSpec((TB, DKV), lambda i: (i, 0)),
        ],
        out_shape=[
            jax.ShapeDtypeStruct((T, D_MODEL), jnp.bfloat16),
            jax.ShapeDtypeStruct((T, DKV), jnp.bfloat16),
            jax.ShapeDtypeStruct((T, DKV), jnp.bfloat16),
        ],
    )(pos2, h, Wq, Wq_rot, Wk, Wk_rot, Wv, n1)

    q4 = q.reshape(T, N_HEADS, HEAD_DIM).transpose(1, 0, 2)
    kT = k.reshape(T, N_KV_HEADS, HEAD_DIM).transpose(1, 2, 0)
    v4 = v.reshape(T, N_KV_HEADS, HEAD_DIM).transpose(1, 0, 2)

    o4 = pl.pallas_call(
        functools.partial(_attn_kernel, 0),
        grid=(N_HEADS, n_tb),
        in_specs=[
            pl.BlockSpec((1, TB, HEAD_DIM), lambda hh, i: (hh, i, 0)),
            pl.BlockSpec((1, HEAD_DIM, T), lambda hh, i: (hh // N_REP, 0, 0)),
            pl.BlockSpec((1, T, HEAD_DIM), lambda hh, i: (hh // N_REP, 0, 0)),
        ],
        out_specs=pl.BlockSpec((1, TB, HEAD_DIM), lambda hh, i: (hh, i, 0)),
        out_shape=jax.ShapeDtypeStruct((N_HEADS, T, HEAD_DIM), jnp.bfloat16),
    )(q4, kT, v4)

    attn = o4.transpose(1, 0, 2).reshape(T, D_MODEL)

    h2, x2, comb = pl.pallas_call(
        _post_kernel,
        grid=(n_tb,),
        in_specs=[
            pl.BlockSpec((TB, D_MODEL), lambda i: (i, 0)),
            pl.BlockSpec((D_MODEL, D_MODEL), lambda i: (0, 0)),
            pl.BlockSpec((TB, D_MODEL), lambda i: (i, 0)),
            pl.BlockSpec((1, D_MODEL), lambda i: (0, 0)),
            pl.BlockSpec((D_MODEL, E_PAD), lambda i: (0, 0)),
        ],
        out_specs=[
            pl.BlockSpec((TB, D_MODEL), lambda i: (i, 0)),
            pl.BlockSpec((TB, D_MODEL), lambda i: (i, 0)),
            pl.BlockSpec((TB, E_PAD), lambda i: (i, 0)),
        ],
        out_shape=[
            jax.ShapeDtypeStruct((T, D_MODEL), jnp.float32),
            jax.ShapeDtypeStruct((T, D_MODEL), jnp.bfloat16),
            jax.ShapeDtypeStruct((T, E_PAD), jnp.float32),
        ],
    )(attn, Wo, h, n2, gate_pad)

    pos, poff, pend, pmm = pl.pallas_call(
        _route_kernel,
        grid=(1,),
        in_specs=[pl.BlockSpec((T, E_PAD), lambda i: (0, 0))],
        out_specs=[
            pl.BlockSpec((T, E_PAD), lambda i: (0, 0)),
            pl.BlockSpec((1, E_PAD), lambda i: (0, 0)),
            pl.BlockSpec((1, E_PAD), lambda i: (0, 0)),
            pl.BlockSpec((T, E_PAD), lambda i: (0, 0)),
        ],
        out_shape=[
            jax.ShapeDtypeStruct((T, E_PAD), jnp.int32),
            jax.ShapeDtypeStruct((1, E_PAD), jnp.int32),
            jax.ShapeDtypeStruct((1, E_PAD), jnp.int32),
            jax.ShapeDtypeStruct((T, E_PAD), jnp.int32),
        ],
    )(comb)

    starts = jnp.arange(NB, dtype=jnp.int32) * BG
    be = jnp.clip(
        jnp.sum((pend[0, :N_EXPERTS][None, :] <= starts[:, None]).astype(
            jnp.int32), axis=1), 0, N_EXPERTS - 1).astype(jnp.int32)
    posT8 = pos.T[:N_EXPERTS].reshape(N_EXPERTS, 1, T)
    combT8 = comb.T[:N_EXPERTS].reshape(N_EXPERTS, 1, T)

    grid_spec = pltpu.PrefetchScalarGridSpec(
        num_scalar_prefetch=1,
        grid=(NB,),
        in_specs=[
            pl.BlockSpec((1, 1, T), lambda b, be_r: (be_r[b], 0, 0)),
            pl.BlockSpec((1, 1, T), lambda b, be_r: (be_r[b], 0, 0)),
            pl.BlockSpec((T, D_MODEL), lambda b, be_r: (0, 0)),
            pl.BlockSpec((1, D_MODEL, D_FF), lambda b, be_r: (be_r[b], 0, 0)),
            pl.BlockSpec((1, D_MODEL, D_FF), lambda b, be_r: (be_r[b], 0, 0)),
            pl.BlockSpec((1, D_FF, D_MODEL), lambda b, be_r: (be_r[b], 0, 0)),
        ],
        out_specs=pl.BlockSpec((BG, D_MODEL), lambda b, be_r: (b, 0)),
    )
    yw = pl.pallas_call(
        _moe_kernel,
        grid_spec=grid_spec,
        out_shape=jax.ShapeDtypeStruct((GP, D_MODEL), jnp.float32),
    )(be, posT8, combT8, x2, w1, w3, w2)

    pmin = pmm[:, 0].reshape(32, 2, SUB)
    pmax = pmm[:, 1].reshape(32, 2, SUB)
    pidx = jnp.concatenate([pmin, pmax], axis=2)

    mesh = plsc.VectorSubcoreMesh(core_axis_name="c", subcore_axis_name="s")
    sc_combine = functools.partial(
        pl.kernel,
        mesh=mesh,
        out_type=jax.ShapeDtypeStruct((T, D_MODEL), jnp.float32),
        scratch_types=[
            pltpu.VMEM((2, 2 * SUB), jnp.int32),
            pltpu.VMEM((SUB, D_MODEL), jnp.float32),
            pltpu.VMEM((2 * SUB, D_MODEL), jnp.float32),
            pltpu.SemaphoreType.DMA,
        ],
    )(_sc_combine_body)
    out = sc_combine(yw, h2, pidx)

    return out

# --- scband reference (transcript-rebuilt; emitter-appended) ---
"""Pipeline reference for scband-mixtral-decoder-layer-21182778704251 (READ-ONLY COPY).

The authoritative reference and input builder live on the scoring server;
editing this copy changes nothing except your own understanding.
"""

import jax, jax.numpy as jnp
import numpy as np

D_MODEL = 1024
N_HEADS = 16
N_KV_HEADS = 8
HEAD_DIM = D_MODEL // N_HEADS
N_REP = N_HEADS // N_KV_HEADS
D_FF = 2048
N_EXPERTS = 8
TOP_K = 2
ROPE_THETA = 10000.0
EPS = 1e-06
N_TOKENS = 2048


def setup_inputs(seed: int = 0) -> dict:
    key = jax.random.key(seed)
    ks = jax.random.split(key, 12)
    s = 0.02
    return {
        "h": jax.random.normal(ks[0], (N_TOKENS, D_MODEL), jnp.float32),
        "Wq": jax.random.normal(ks[1], (D_MODEL, N_HEADS * HEAD_DIM), jnp.float32) * s,
        "Wk": jax.random.normal(ks[2], (D_MODEL, N_KV_HEADS * HEAD_DIM), jnp.float32) * s,
        "Wv": jax.random.normal(ks[3], (D_MODEL, N_KV_HEADS * HEAD_DIM), jnp.float32) * s,
        "Wo": jax.random.normal(ks[4], (N_HEADS * HEAD_DIM, D_MODEL), jnp.float32) * s,
        "norm1_w": jnp.ones((D_MODEL,), jnp.float32),
        "norm2_w": jnp.ones((D_MODEL,), jnp.float32),
        "gate_w": jax.random.normal(ks[5], (D_MODEL, N_EXPERTS), jnp.float32) * s,
        "w1": jax.random.normal(ks[6], (N_EXPERTS, D_MODEL, D_FF), jnp.float32) * s,
        "w2": jax.random.normal(ks[7], (N_EXPERTS, D_FF, D_MODEL), jnp.float32) * s,
        "w3": jax.random.normal(ks[8], (N_EXPERTS, D_MODEL, D_FF), jnp.float32) * s,
        "position_ids": jnp.arange(N_TOKENS, dtype=jnp.int32),
    }


def _rms_norm(x, w):
    xf = x.astype(jnp.float32)
    v = jnp.mean(jnp.square(xf), axis=-1, keepdims=True)
    return w * (xf * jax.lax.rsqrt(v + EPS))


def _rope(x, pos):
    # non-interleaved (rotate_half) RoPE; x: [T, H, HEAD_DIM]
    half = HEAD_DIM // 2
    inv_freq = 1.0 / (ROPE_THETA ** (jnp.arange(half, dtype=jnp.float32) * 2.0 / HEAD_DIM))
    freqs = pos.astype(jnp.float32)[:, None] * inv_freq[None, :]
    cos = jnp.cos(freqs)[:, None, :]
    sin = jnp.sin(freqs)[:, None, :]
    x1 = x[..., :half]
    x2 = x[..., half:]
    return jnp.concatenate([x1 * cos - x2 * sin, x2 * cos + x1 * sin], axis=-1)


def _forward(h, Wq, Wk, Wv, Wo, norm1_w, norm2_w, gate_w, w1, w2, w3, position_ids):
    T = h.shape[0]
    # --- attention block ---
    r = h
    x = _rms_norm(h, norm1_w)
    q = (x @ Wq).reshape(T, N_HEADS, HEAD_DIM)
    k = (x @ Wk).reshape(T, N_KV_HEADS, HEAD_DIM)
    v = (x @ Wv).reshape(T, N_KV_HEADS, HEAD_DIM)
    q = _rope(q, position_ids)
    k = _rope(k, position_ids)
    k = jnp.repeat(k, N_REP, axis=1)
    v = jnp.repeat(v, N_REP, axis=1)
    scores = jnp.einsum('thd,shd->hts', q, k) / jnp.sqrt(jnp.float32(HEAD_DIM))
    causal = jnp.tril(jnp.ones((T, T), dtype=bool))
    scores = jnp.where(causal[None, :, :], scores, jnp.finfo(jnp.float32).min)
    attn = jax.nn.softmax(scores, axis=-1)
    o = jnp.einsum('hts,shd->thd', attn, v).reshape(T, N_HEADS * HEAD_DIM)
    o = o @ Wo
    h = r + o
    # --- sparse MoE block ---
    r = h
    x = _rms_norm(h, norm2_w)
    router_logits = x @ gate_w
    routing_weights = jax.nn.softmax(router_logits.astype(jnp.float32), axis=-1)
    top_w, sel = jax.lax.top_k(routing_weights, TOP_K)
    top_w = top_w / jnp.sum(top_w, axis=-1, keepdims=True)
    # per-token combine weights over experts (0 for unselected experts)
    combine = jnp.zeros((T, N_EXPERTS), jnp.float32).at[jnp.arange(T)[:, None], sel].add(top_w)
    h1 = jax.nn.silu(jnp.einsum('td,edf->etf', x, w1))
    h2 = jnp.einsum('td,edf->etf', x, w3)
    expert_out = jnp.einsum('etf,efd->etd', h1 * h2, w2)
    moe_out = jnp.einsum('te,etd->td', combine, expert_out)
    return r + moe_out


def reference(h, Wq, Wk, Wv, Wo, norm1_w, norm2_w, gate_w, w1, w2, w3, position_ids):
    return _forward(h, Wq, Wk, Wv, Wo, norm1_w, norm2_w, gate_w, w1, w2, w3, position_ids)

if __name__ == "__main__":
    import jax
    _d = setup_inputs()
    print(jax.jit(kernel)(*tuple(_d.values())))

</pallas_src>

<mosaic_0001>
#map = affine_map<(d0, d1) -> (0, 0)>
#map1 = affine_map<(d0, d1) -> (0, 0, 0)>
module attributes {stable_mosaic.version = 14 : i64} {
  func.func @_sc_combine_body(%arg0: i32, %arg1: i32, %arg2: memref<6144x1024xf32, #tpu.memory_space<hbm>>, %arg3: memref<2048x1024xf32, #tpu.memory_space<hbm>>, %arg4: memref<32x2x64xi32, #tpu.memory_space<hbm>>, %arg5: memref<2048x1024xf32, #tpu.memory_space<hbm>>, %arg6: memref<2x64xi32, #tpu.memory_space<vmem>>, %arg7: memref<32x1024xf32, #tpu.memory_space<vmem>>, %arg8: memref<64x1024xf32, #tpu.memory_space<vmem>>, %arg9: memref<!tpu.dma_semaphore, #tpu.memory_space<semaphore_mem>>) attributes {dimension_semantics = [#tpu.dimension_semantics<core_parallel>, #tpu.dimension_semantics<subcore_parallel>], iteration_bounds = array<i64: 2, 16>, scalar_prefetch = 0 : i64, scratch_operands = 4 : i64, tpu.core_type = #tpu.core_type<sc_vector_subcore>, window_params = [{transform_indices = #map}, {transform_indices = #map}, {transform_indices = #map1}, {transform_indices = #map}]} {
    %mul3A = arith.constant 2 : i32
    %mul3A_0 = arith.muli %arg1, %mul3A : i32
    %add3A = arith.addi %mul3A_0, %arg0 : i32
    %mul3A_1 = arith.constant 64 : i32
    %mul3A_2 = arith.muli %add3A, %mul3A_1 : i32
    "tpu.region"() ({
      %run_scoped3A = tpu.sem_alloc : memref<!tpu.dma_semaphore, #tpu.memory_space<semaphore_mem>>
      %dma_start3A_46 = arith.constant 0 : i32
      %dma_start3A_47 = arith.constant 0 : i32
      %dma_start3A_48 = tpu.memref_slice %arg4[%add3A, %dma_start3A_46, %dma_start3A_47] : memref<32x2x64xi32, #tpu.memory_space<hbm>> -> memref<1x2x64xi32, #tpu.memory_space<hbm>>
      %dma_start3A_49 = tpu.memref_squeeze %dma_start3A_48 : memref<1x2x64xi32, #tpu.memory_space<hbm>> -> memref<2x64xi32, #tpu.memory_space<hbm>>
      %dma_start3A_50 = arith.constant 0 : i32
      %dma_start3A_51 = arith.constant 0 : i32
      %dma_start3A_52 = tpu.memref_slice %arg4[%add3A, %dma_start3A_50, %dma_start3A_51] : memref<32x2x64xi32, #tpu.memory_space<hbm>> -> memref<1x2x64xi32, #tpu.memory_space<hbm>>
      %dma_start3A_53 = tpu.memref_squeeze %dma_start3A_52 : memref<1x2x64xi32, #tpu.memory_space<hbm>> -> memref<2x64xi32, #tpu.memory_space<hbm>>
      tpu.enqueue_dma source(%dma_start3A_53 : memref<2x64xi32, #tpu.memory_space<hbm>>) target(%arg6 : memref<2x64xi32, #tpu.memory_space<vmem>>) target_semaphore(%run_scoped3A : memref<!tpu.dma_semaphore, #tpu.memory_space<semaphore_mem>>)
      %dma_wait3A_54 = arith.constant 0 : i32
      %dma_wait3A_55 = arith.constant 0 : i32
      %dma_wait3A_56 = tpu.memref_slice %arg4[%add3A, %dma_wait3A_54, %dma_wait3A_55] : memref<32x2x64xi32, #tpu.memory_space<hbm>> -> memref<1x2x64xi32, #tpu.memory_space<hbm>>
      %dma_wait3A_57 = tpu.memref_squeeze %dma_wait3A_56 : memref<1x2x64xi32, #tpu.memory_space<hbm>> -> memref<2x64xi32, #tpu.memory_space<hbm>>
      %dma_wait3A_58 = arith.constant 0 : i32
      %dma_wait3A_59 = arith.constant 0 : i32
      %dma_wait3A_60 = tpu.memref_slice %arg4[%add3A, %dma_wait3A_58, %dma_wait3A_59] : memref<32x2x64xi32, #tpu.memory_space<hbm>> -> memref<1x2x64xi32, #tpu.memory_space<hbm>>
      %dma_wait3A_61 = tpu.memref_squeeze %dma_wait3A_60 : memref<1x2x64xi32, #tpu.memory_space<hbm>> -> memref<2x64xi32, #tpu.memory_space<hbm>>
      tpu.wait_dma2 semaphore(%run_scoped3A : memref<!tpu.dma_semaphore, #tpu.memory_space<semaphore_mem>>) src(%dma_wait3A_61 : memref<2x64xi32, #tpu.memory_space<hbm>>) dst(%arg6 : memref<2x64xi32, #tpu.memory_space<vmem>>)
      tpu.yield
    }) : () -> ()
    %add3A_3 = arith.constant 0 : i32
    %add3A_4 = arith.addi %mul3A_2, %add3A_3 : i32
    %dma_start3A = arith.constant 0 : i32
    %dma_start3A_5 = arith.constant 0 : i32
    %dma_start3A_6 = tpu.memref_slice %arg6[%dma_start3A, %dma_start3A_5] : memref<2x64xi32, #tpu.memory_space<vmem>> -> memref<1x64xi32, #tpu.memory_space<vmem>>
    %dma_start3A_7 = tpu.memref_squeeze %dma_start3A_6 : memref<1x64xi32, #tpu.memory_space<vmem>> -> memref<64xi32, #tpu.memory_space<vmem>>
    %dma_start3A_8 = arith.constant 0 : i32
    %dma_start3A_9 = arith.constant 0 : i32
    %dma_start3A_10 = tpu.memref_slice %arg2[%dma_start3A_8, %dma_start3A_9] : memref<6144x1024xf32, #tpu.memory_space<hbm>> -> memref<6144x1024xf32, #tpu.memory_space<hbm>>
    tpu.enqueue_indirect_dma source(%dma_start3A_10 : memref<6144x1024xf32, #tpu.memory_space<hbm>>) target(%arg8 : memref<64x1024xf32, #tpu.memory_space<vmem>>) offsets(%dma_start3A_7 : memref<64xi32, #tpu.memory_space<vmem>>) semaphore(%arg9 : memref<!tpu.dma_semaphore, #tpu.memory_space<semaphore_mem>>)
    "tpu.region"() ({
      %run_scoped3A = tpu.sem_alloc : memref<!tpu.dma_semaphore, #tpu.memory_space<semaphore_mem>>
      %dma_start3A_46 = arith.constant 0 : i32
      %dma_start3A_47 = tpu.memref_slice %arg3[%add3A_4, %dma_start3A_46] : memref<2048x1024xf32, #tpu.memory_space<hbm>> -> memref<32x1024xf32, #tpu.memory_space<hbm>>
      %dma_start3A_48 = arith.constant 0 : i32
      %dma_start3A_49 = tpu.memref_slice %arg3[%add3A_4, %dma_start3A_48] : memref<2048x1024xf32, #tpu.memory_space<hbm>> -> memref<32x1024xf32, #tpu.memory_space<hbm>>
      tpu.enqueue_dma source(%dma_start3A_49 : memref<32x1024xf32, #tpu.memory_space<hbm>>) target(%arg7 : memref<32x1024xf32, #tpu.memory_space<vmem>>) target_semaphore(%run_scoped3A : memref<!tpu.dma_semaphore, #tpu.memory_space<semaphore_mem>>)
      %dma_wait3A_50 = arith.constant 0 : i32
      %dma_wait3A_51 = tpu.memref_slice %arg3[%add3A_4, %dma_wait3A_50] : memref<2048x1024xf32, #tpu.memory_space<hbm>> -> memref<32x1024xf32, #tpu.memory_space<hbm>>
      %dma_wait3A_52 = arith.constant 0 : i32
      %dma_wait3A_53 = tpu.memref_slice %arg3[%add3A_4, %dma_wait3A_52] : memref<2048x1024xf32, #tpu.memory_space<hbm>> -> memref<32x1024xf32, #tpu.memory_space<hbm>>
      tpu.wait_dma2 semaphore(%run_scoped3A : memref<!tpu.dma_semaphore, #tpu.memory_space<semaphore_mem>>) src(%dma_wait3A_53 : memref<32x1024xf32, #tpu.memory_space<hbm>>) dst(%arg7 : memref<32x1024xf32, #tpu.memory_space<vmem>>)
      tpu.yield
    }) : () -> ()
    %dma_wait3A = arith.constant 0 : i32
    %dma_wait3A_11 = arith.constant 0 : i32
    %dma_wait3A_12 = tpu.memref_slice %arg6[%dma_wait3A, %dma_wait3A_11] : memref<2x64xi32, #tpu.memory_space<vmem>> -> memref<1x64xi32, #tpu.memory_space<vmem>>
    %dma_wait3A_13 = tpu.memref_squeeze %dma_wait3A_12 : memref<1x64xi32, #tpu.memory_space<vmem>> -> memref<64xi32, #tpu.memory_space<vmem>>
    %dma_wait3A_14 = arith.constant 0 : i32
    %dma_wait3A_15 = arith.constant 0 : i32
    %dma_wait3A_16 = tpu.memref_slice %arg2[%dma_wait3A_14, %dma_wait3A_15] : memref<6144x1024xf32, #tpu.memory_space<hbm>> -> memref<6144x1024xf32, #tpu.memory_space<hbm>>
    tpu.wait_indirect_dma semaphore(%arg9 : memref<!tpu.dma_semaphore, #tpu.memory_space<semaphore_mem>>) src(%dma_wait3A_16 : memref<6144x1024xf32, #tpu.memory_space<hbm>>) dst(%arg8 : memref<64x1024xf32, #tpu.memory_space<vmem>>)
    %scan3A = arith.constant 0 : i32
    %scan3A_17 = arith.constant 0 : i32
    %scan3A_18 = arith.constant 32 : i32
    %scan3A_19 = arith.addi %scan3A_17, %scan3A_18 : i32
    %scan3A_20 = arith.constant 1 : i32
    %scan3A_21 = scf.for %scan3A_46 = %scan3A_17 to %scan3A_19 step %scan3A_20 iter_args(%scan3A_47 = %scan3A) -> (i32)  : i32 {
      %get3A = arith.index_cast %scan3A_46 : i32 to index
      %get3A_48 = arith.constant 0 : index
      %get3A_49 = tpu.vector_load %arg8[%get3A, %get3A_48] {strides = array<i32>} : memref<64x1024xf32, #tpu.memory_space<vmem>>, vector<1x16xf32>,
      %get3A_50 = vector.shape_cast %get3A_49 : vector<1x16xf32> to vector<16xf32>
      %add3A_51 = arith.constant 32 : i32
      %add3A_52 = arith.addi %scan3A_46, %add3A_51 : i32
      %get3A_53 = arith.index_cast %add3A_52 : i32 to index
      %get3A_54 = arith.constant 0 : index
      %get3A_55 = tpu.vector_load %arg8[%get3A_53, %get3A_54] {strides = array<i32>} : memref<64x1024xf32, #tpu.memory_space<vmem>>, vector<1x16xf32>,
      %get3A_56 = vector.shape_cast %get3A_55 : vector<1x16xf32> to vector<16xf32>
      %add3A_57 = arith.addf %get3A_50, %get3A_56 : vector<16xf32>
      %swap3A = arith.index_cast %scan3A_46 : i32 to index
      %swap3A_58 = arith.constant 0 : index
      %swap3A_59 = tpu.vector_load %arg7[%swap3A, %swap3A_58] {strides = array<i32>} : memref<32x1024xf32, #tpu.memory_space<vmem>>, vector<1x16xf32>,
      %swap3A_60 = vector.shape_cast %swap3A_59 : vector<1x16xf32> to vector<16xf32>
      %swap3A_61 = vector.shape_cast %add3A_57 : vector<16xf32> to vector<1x16xf32>
      tpu.vector_store %arg7[%swap3A, %swap3A_58], %swap3A_61 {add = true, strides = array<i32>} : memref<32x1024xf32, #tpu.memory_space<vmem>>, vector<1x16xf32>,
      %get3A_62 = arith.index_cast %scan3A_46 : i32 to index
      %get3A_63 = arith.constant 16 : index
      %get3A_64 = tpu.vector_load %arg8[%get3A_62, %get3A_63] {strides = array<i32>} : memref<64x1024xf32, #tpu.memory_space<vmem>>, vector<1x16xf32>,
      %get3A_65 = vector.shape_cast %get3A_64 : vector<1x16xf32> to vector<16xf32>
      %add3A_66 = arith.constant 32 : i32
      %add3A_67 = arith.addi %scan3A_46, %add3A_66 : i32
      %get3A_68 = arith.index_cast %add3A_67 : i32 to index
      %get3A_69 = arith.constant 16 : index
      %get3A_70 = tpu.vector_load %arg8[%get3A_68, %get3A_69] {strides = array<i32>} : memref<64x1024xf32, #tpu.memory_space<vmem>>, vector<1x16xf32>,
      %get3A_71 = vector.shape_cast %get3A_70 : vector<1x16xf32> to vector<16xf32>
      %add3A_72 = arith.addf %get3A_65, %get3A_71 : vector<16xf32>
      %swap3A_73 = arith.index_cast %scan3A_46 : i32 to index
      %swap3A_74 = arith.constant 16 : index
      %swap3A_75 = tpu.vector_load %arg7[%swap3A_73, %swap3A_74] {strides = array<i32>} : memref<32x1024xf32, #tpu.memory_space<vmem>>, vector<1x16xf32>,
      %swap3A_76 = vector.shape_cast %swap3A_75 : vector<1x16xf32> to vector<16xf32>
      %swap3A_77 = vector.shape_cast %add3A_72 : vector<16xf32> to vector<1x16xf32>
      tpu.vector_store %arg7[%swap3A_73, %swap3A_74], %swap3A_77 {add = true, strides = array<i32>} : memref<32x1024xf32, #tpu.memory_space<vmem>>, vector<1x16xf32>,
      %get3A_78 = arith.index_cast %scan3A_46 : i32 to index
      %get3A_79 = arith.constant 32 : index
      %get3A_80 = tpu.vector_load %arg8[%get3A_78, %get3A_79] {strides = array<i32>} : memref<64x1024xf32, #tpu.memory_space<vmem>>, vector<1x16xf32>,
      %get3A_81 = vector.shape_cast %get3A_80 : vector<1x16xf32> to vector<16xf32>
      %add3A_82 = arith.constant 32 : i32
      %add3A_83 = arith.addi %scan3A_46, %add3A_82 : i32
      %get3A_84 = arith.index_cast %add3A_83 : i32 to index
      %get3A_85 = arith.constant 32 : index
      %get3A_86 = tpu.vector_load %arg8[%get3A_84, %get3A_85] {strides = array<i32>} : memref<64x1024xf32, #tpu.memory_space<vmem>>, vector<1x16xf32>,
      %get3A_87 = vector.shape_cast %get3A_86 : vector<1x16xf32> to vector<16xf32>
      %add3A_88 = arith.addf %get3A_81, %get3A_87 : vector<16xf32>
      %swap3A_89 = arith.index_cast %scan3A_46 : i32 to index
      %swap3A_90 = arith.constant 32 : index
      %swap3A_91 = tpu.vector_load %arg7[%swap3A_89, %swap3A_90] {strides = array<i32>} : memref<32x1024xf32, #tpu.memory_space<vmem>>, vector<1x16xf32>,
      %swap3A_92 = vector.shape_cast %swap3A_91 : vector<1x16xf32> to vector<16xf32>
      %swap3A_93 = vector.shape_cast %add3A_88 : vector<16xf32> to vector<1x16xf32>
      tpu.vector_store %arg7[%swap3A_89, %swap3A_90], %swap3A_93 {add = true, strides = array<i32>} : memref<32x1024xf32, #tpu.memory_space<vmem>>, vector<1x16xf32>,
      %get3A_94 = arith.index_cast %scan3A_46 : i32 to index
      %get3A_95 = arith.constant 48 : index
      %get3A_96 = tpu.vector_load %arg8[%get3A_94, %get3A_95] {strides = array<i32>} : memref<64x1024xf32, #tpu.memory_space<vmem>>, vector<1x16xf32>,
      %get3A_97 = vector.shape_cast %get3A_96 : vector<1x16xf32> to vector<16xf32>
      %add3A_98 = arith.constant 32 : i32
      %add3A_99 = arith.addi %scan3A_46, %add3A_98 : i32
      %get3A_100 = arith.index_cast %add3A_99 : i32 to index
      %get3A_101 = arith.constant 48 : index
      %get3A_102 = tpu.vector_load %arg8[%get3A_100, %get3A_101] {strides = array<i32>} : memref<64x1024xf32, #tpu.memory_space<vmem>>, vector<1x16xf32>,
      %get3A_103 = vector.shape_cast %get3A_102 : vector<1x16xf32> to vector<16xf32>
      %add3A_104 = arith.addf %get3A_97, %get3A_103 : vector<16xf32>
      %swap3A_105 = arith.index_cast %scan3A_46 : i32 to index
      %swap3A_106 = arith.constant 48 : index
      %swap3A_107 = tpu.vector_load %arg7[%swap3A_105, %swap3A_106] {strides = array<i32>} : memref<32x1024xf32, #tpu.memory_space<vmem>>, vector<1x16xf32>,
      %swap3A_108 = vector.shape_cast %swap3A_107 : vector<1x16xf32> to vector<16xf32>
      %swap3A_109 = vector.shape_cast %add3A_104 : vector<16xf32> to vector<1x16xf32>
      tpu.vector_store %arg7[%swap3A_105, %swap3A_106], %swap3A_109 {add = true, strides = array<i32>} : memref<32x1024xf32, #tpu.memory_space<vmem>>, vector<1x16xf32>,
      %get3A_110 = arith.index_cast %scan3A_46 : i32 to index
      %get3A_111 = arith.constant 64 : index
      %get3A_112 = tpu.vector_load %arg8[%get3A_110, %get3A_111] {strides = array<i32>} : memref<64x1024xf32, #tpu.memory_space<vmem>>, vector<1x16xf32>,
      %get3A_113 = vector.shape_cast %get3A_112 : vector<1x16xf32> to vector<16xf32>
      %add3A_114 = arith.constant 32 : i32
      %add3A_115 = arith.addi %scan3A_46, %add3A_114 : i32
      %get3A_116 = arith.index_cast %add3A_115 : i32 to index
      %get3A_117 = arith.constant 64 : index
      %get3A_118 = tpu.vector_load %arg8[%get3A_116, %get3A_117] {strides = array<i32>} : memref<64x1024xf32, #tpu.memory_space<vmem>>, vector<1x16xf32>,
      %get3A_119 = vector.shape_cast %get3A_118 : vector<1x16xf32> to vector<16xf32>
      %add3A_120 = arith.addf %get3A_113, %get3A_119 : vector<16xf32>
      %swap3A_121 = arith.index_cast %scan3A_46 : i32 to index
      %swap3A_122 = arith.constant 64 : index
      %swap3A_123 = tpu.vector_load %arg7[%swap3A_121, %swap3A_122] {strides = array<i32>} : memref<32x1024xf32, #tpu.memory_space<vmem>>, vector<1x16xf32>,
      %swap3A_124 = vector.shape_cast %swap3A_123 : vector<1x16xf32> to vector<16xf32>
      %swap3A_125 = vector.shape_cast %add3A_120 : vector<16xf32> to vector<1x16xf32>
      tpu.vector_store %arg7[%swap3A_121, %swap3A_122], %swap3A_125 {add = true, strides = array<i32>} : memref<32x1024xf32, #tpu.memory_space<vmem>>, vector<1x16xf32>,
      %get3A_126 = arith.index_cast %scan3A_46 : i32 to index
      %get3A_127 = arith.constant 80 : index
      %get3A_128 = tpu.vector_load %arg8[%get3A_126, %get3A_127] {strides = array<i32>} : memref<64x1024xf32, #tpu.memory_space<vmem>>, vector<1x16xf32>,
      %get3A_129 = vector.shape_cast %get3A_128 : vector<1x16xf32> to vector<16xf32>
      %add3A_130 = arith.constant 32 : i32
      %add3A_131 = arith.addi %scan3A_46, %add3A_130 : i32
      %get3A_132 = arith.index_cast %add3A_131 : i32 to index
      %get3A_133 = arith.constant 80 : index
      %get3A_134 = tpu.vector_load %arg8[%get3A_132, %get3A_133] {strides = array<i32>} : memref<64x1024xf32, #tpu.memory_space<vmem>>, vector<1x16xf32>,
      %get3A_135 = vector.shape_cast %get3A_134 : vector<1x16xf32> to vector<16xf32>
      %add3A_136 = arith.addf %get3A_129, %get3A_135 : vector<16xf32>
      %swap3A_137 = arith.index_cast %scan3A_46 : i32 to index
      %swap3A_138 = arith.constant 80 : index
      %swap3A_139 = tpu.vector_load %arg7[%swap3A_137, %swap3A_138] {strides = array<i32>} : memref<32x1024xf32, #tpu.memory_space<vmem>>, vector<1x16xf32>,
      %swap3A_140 = vector.shape_cast %swap3A_139 : vector<1x16xf32> to vector<16xf32>
      %swap3A_141 = vector.shape_cast %add3A_136 : vector<16xf32> to vector<1x16xf32>
      tpu.vector_store %arg7[%swap3A_137, %swap3A_138], %swap3A_141 {add = true, strides = array<i32>} : memref<32x1024xf32, #tpu.memory_space<vmem>>, vector<1x16xf32>,
      %get3A_142 = arith.index_cast %scan3A_46 : i32 to index
      %get3A_143 = arith.constant 96 : index
      %get3A_144 = tpu.vector_load %arg8[%get3A_142, %get3A_143] {strides = array<i32>} : memref<64x1024xf32, #tpu.memory_space<vmem>>, vector<1x16xf32>,
      %get3A_145 = vector.shape_cast %get3A_144 : vector<1x16xf32> to vector<16xf32>
      %add3A_146 = arith.constant 32 : i32
      %add3A_147 = arith.addi %scan3A_46, %add3A_146 : i32
      %get3A_148 = arith.index_cast %add3A_147 : i32 to index
      %get3A_149 = arith.constant 96 : index
      %get3A_150 = tpu.vector_load %arg8[%get3A_148, %get3A_149] {strides = array<i32>} : memref<64x1024xf32, #tpu.memory_space<vmem>>, vector<1x16xf32>,
      %get3A_151 = vector.shape_cast %get3A_150 : vector<1x16xf32> to vector<16xf32>
      %add3A_152 = arith.addf %get3A_145, %get3A_151 : vector<16xf32>
      %swap3A_153 = arith.index_cast %scan3A_46 : i32 to index
      %swap3A_154 = arith.constant 96 : index
      %swap3A_155 = tpu.vector_load %arg7[%swap3A_153, %swap3A_154] {strides = array<i32>} : memref<32x1024xf32, #tpu.memory_space<vmem>>, vector<1x16xf32>,
      %swap3A_156 = vector.shape_cast %swap3A_155 : vector<1x16xf32> to vector<16xf32>
      %swap3A_157 = vector.shape_cast %add3A_152 : vector<16xf32> to vector<1x16xf32>
      tpu.vector_store %arg7[%swap3A_153, %swap3A_154], %swap3A_157 {add = true, strides = array<i32>} : memref<32x1024xf32, #tpu.memory_space<vmem>>, vector<1x16xf32>,
      %get3A_158 = arith.index_cast %scan3A_46 : i32 to index
      %get3A_159 = arith.constant 112 : index
      %get3A_160 = tpu.vector_load %arg8[%get3A_158, %get3A_159] {strides = array<i32>} : memref<64x1024xf32, #tpu.memory_space<vmem>>, vector<1x16xf32>,
      %get3A_161 = vector.shape_cast %get3A_160 : vector<1x16xf32> to vector<16xf32>
      %add3A_162 = arith.constant 32 : i32
      %add3A_163 = arith.addi %scan3A_46, %add3A_162 : i32
      %get3A_164 = arith.index_cast %add3A_163 : i32 to index
      %get3A_165 = arith.constant 112 : index
      %get3A_166 = tpu.vector_load %arg8[%get3A_164, %get3A_165] {strides = array<i32>} : memref<64x1024xf32, #tpu.memory_space<vmem>>, vector<1x16xf32>,
      %get3A_167 = vector.shape_cast %get3A_166 : vector<1x16xf32> to vector<16xf32>
      %add3A_168 = arith.addf %get3A_161, %get3A_167 : vector<16xf32>
      %swap3A_169 = arith.index_cast %scan3A_46 : i32 to index
      %swap3A_170 = arith.constant 112 : index
      %swap3A_171 = tpu.vector_load %arg7[%swap3A_169, %swap3A_170] {strides = array<i32>} : memref<32x1024xf32, #tpu.memory_space<vmem>>, vector<1x16xf32>,
      %swap3A_172 = vector.shape_cast %swap3A_171 : vector<1x16xf32> to vector<16xf32>
      %swap3A_173 = vector.shape_cast %add3A_168 : vector<16xf32> to vector<1x16xf32>
      tpu.vector_store %arg7[%swap3A_169, %swap3A_170], %swap3A_173 {add = true, strides = array<i32>} : memref<32x1024xf32, #tpu.memory_space<vmem>>, vector<1x16xf32>,
      %get3A_174 = arith.index_cast %scan3A_46 : i32 to index
      %get3A_175 = arith.constant 128 : index
      %get3A_176 = tpu.vector_load %arg8[%get3A_174, %get3A_175] {strides = array<i32>} : memref<64x1024xf32, #tpu.memory_space<vmem>>, vector<1x16xf32>,
      %get3A_177 = vector.shape_cast %get3A_176 : vector<1x16xf32> to vector<16xf32>
      %add3A_178 = arith.constant 32 : i32
      %add3A_179 = arith.addi %scan3A_46, %add3A_178 : i32
      %get3A_180 = arith.index_cast %add3A_179 : i32 to index
      %get3A_181 = arith.constant 128 : index
      %get3A_182 = tpu.vector_load %arg8[%get3A_180, %get3A_181] {strides = array<i32>} : memref<64x1024xf32, #tpu.memory_space<vmem>>, vector<1x16xf32>,
      %get3A_183 = vector.shape_cast %get3A_182 : vector<1x16xf32> to vector<16xf32>
      %add3A_184 = arith.addf %get3A_177, %get3A_183 : vector<16xf32>
      %swap3A_185 = arith.index_cast %scan3A_46 : i32 to index
      %swap3A_186 = arith.constant 128 : index
      %swap3A_187 = tpu.vector_load %arg7[%swap3A_185, %swap3A_186] {strides = array<i32>} : memref<32x1024xf32, #tpu.memory_space<vmem>>, vector<1x16xf32>,
      %swap3A_188 = vector.shape_cast %swap3A_187 : vector<1x16xf32> to vector<16xf32>
      %swap3A_189 = vector.shape_cast %add3A_184 : vector<16xf32> to vector<1x16xf32>
      tpu.vector_store %arg7[%swap3A_185, %swap3A_186], %swap3A_189 {add = true, strides = array<i32>} : memref<32x1024xf32, #tpu.memory_space<vmem>>, vector<1x16xf32>,
      %get3A_190 = arith.index_cast %scan3A_46 : i32 to index
      %get3A_191 = arith.constant 144 : index
      %get3A_192 = tpu.vector_load %arg8[%get3A_190, %get3A_191] {strides = array<i32>} : memref<64x1024xf32, #tpu.memory_space<vmem>>, vector<1x16xf32>,
      %get3A_193 = vector.shape_cast %get3A_192 : vector<1x16xf32> to vector<16xf32>
      %add3A_194 = arith.constant 32 : i32
      %add3A_195 = arith.addi %scan3A_46, %add3A_194 : i32
      %get3A_196 = arith.index_cast %add3A_195 : i32 to index
      %get3A_197 = arith.constant 144 : index
      %get3A_198 = tpu.vector_load %arg8[%get3A_196, %get3A_197] {strides = array<i32>} : memref<64x1024xf32, #tpu.memory_space<vmem>>, vector<1x16xf32>,
      %get3A_199 = vector.shape_cast %get3A_198 : vector<1x16xf32> to vector<16xf32>
      %add3A_200 = arith.addf %get3A_193, %get3A_199 : vector<16xf32>
      %swap3A_201 = arith.index_cast %scan3A_46 : i32 to index
      %swap3A_202 = arith.constant 144 : index
      %swap3A_203 = tpu.vector_load %arg7[%swap3A_201, %swap3A_202] {strides = array<i32>} : memref<32x1024xf32, #tpu.memory_space<vmem>>, vector<1x16xf32>,
      %swap3A_204 = vector.shape_cast %swap3A_203 : vector<1x16xf32> to vector<16xf32>
      %swap3A_205 = vector.shape_cast %add3A_200 : vector<16xf32> to vector<1x16xf32>
      tpu.vector_store %arg7[%swap3A_201, %swap3A_202], %swap3A_205 {add = true, strides = array<i32>} : memref<32x1024xf32, #tpu.memory_space<vmem>>, vector<1x16xf32>,
      %get3A_206 = arith.index_cast %scan3A_46 : i32 to index
      %get3A_207 = arith.constant 160 : index
      %get3A_208 = tpu.vector_load %arg8[%get3A_206, %get3A_207] {strides = array<i32>} : memref<64x1024xf32, #tpu.memory_space<vmem>>, vector<1x16xf32>,
      %get3A_209 = vector.shape_cast %get3A_208 : vector<1x16xf32> to vector<16xf32>
      %add3A_210 = arith.constant 32 : i32
      %add3A_211 = arith.addi %scan3A_46, %add3A_210 : i32
      %get3A_212 = arith.index_cast %add3A_211 : i32 to index
      %get3A_213 = arith.constant 160 : index
      %get3A_214 = tpu.vector_load %arg8[%get3A_212, %get3A_213] {strides = array<i32>} : memref<64x1024xf32, #tpu.memory_space<vmem>>, vector<1x16xf32>,
      %get3A_215 = vector.shape_cast %get3A_214 : vector<1x16xf32> to vector<16xf32>
      %add3A_216 = arith.addf %get3A_209, %get3A_215 : vector<16xf32>
      %swap3A_217 = arith.index_cast %scan3A_46 : i32 to index
      %swap3A_218 = arith.constant 160 : index
      %swap3A_219 = tpu.vector_load %arg7[%swap3A_217, %swap3A_218] {strides = array<i32>} : memref<32x1024xf32, #tpu.memory_space<vmem>>, vector<1x16xf32>,
      %swap3A_220 = vector.shape_cast %swap3A_219 : vector<1x16xf32> to vector<16xf32>
      %swap3A_221 = vector.shape_cast %add3A_216 : vector<16xf32> to vector<1x16xf32>
      tpu.vector_store %arg7[%swap3A_217, %swap3A_218], %swap3A_221 {add = true, strides = array<i32>} : memref<32x1024xf32, #tpu.memory_space<vmem>>, vector<1x16xf32>,
      %get3A_222 = arith.index_cast %scan3A_46 : i32 to index
      %get3A_223 = arith.constant 176 : index
      %get3A_224 = tpu.vector_load %arg8[%get3A_222, %get3A_223] {strides = array<i32>} : memref<64x1024xf32, #tpu.memory_space<vmem>>, vector<1x16xf32>,
      %get3A_225 = vector.shape_cast %get3A_224 : vector<1x16xf32> to vector<16xf32>
      %add3A_226 = arith.constant 32 : i32
      %add3A_227 = arith.addi %scan3A_46, %add3A_226 : i32
      %get3A_228 = arith.index_cast %add3A_227 : i32 to index
      %get3A_229 = arith.constant 176 : index
      %get3A_230 = tpu.vector_load %arg8[%get3A_228, %get3A_229] {strides = array<i32>} : memref<64x1024xf32, #tpu.memory_space<vmem>>, vector<1x16xf32>,
      %get3A_231 = vector.shape_cast %get3A_230 : vector<1x16xf32> to vector<16xf32>
      %add3A_232 = arith.addf %get3A_225, %get3A_231 : vector<16xf32>
      %swap3A_233 = arith.index_cast %scan3A_46 : i32 to index
      %swap3A_234 = arith.constant 176 : index
      %swap3A_235 = tpu.vector_load %arg7[%swap3A_233, %swap3A_234] {strides = array<i32>} : memref<32x1024xf32, #tpu.memory_space<vmem>>, vector<1x16xf32>,
      %swap3A_236 = vector.shape_cast %swap3A_235 : vector<1x16xf32> to vector<16xf32>
      %swap3A_237 = vector.shape_cast %add3A_232 : vector<16xf32> to vector<1x16xf32>
      tpu.vector_store %arg7[%swap3A_233, %swap3A_234], %swap3A_237 {add = true, strides = array<i32>} : memref<32x1024xf32, #tpu.memory_space<vmem>>, vector<1x16xf32>,
      %get3A_238 = arith.index_cast %scan3A_46 : i32 to index
      %get3A_239 = arith.constant 192 : index
      %get3A_240 = tpu.vector_load %arg8[%get3A_238, %get3A_239] {strides = array<i32>} : memref<64x1024xf32, #tpu.memory_space<vmem>>, vector<1x16xf32>,
      %get3A_241 = vector.shape_cast %get3A_240 : vector<1x16xf32> to vector<16xf32>
      %add3A_242 = arith.constant 32 : i32
      %add3A_243 = arith.addi %scan3A_46, %add3A_242 : i32
      %get3A_244 = arith.index_cast %add3A_243 : i32 to index
      %get3A_245 = arith.constant 192 : index
      %get3A_246 = tpu.vector_load %arg8[%get3A_244, %get3A_245] {strides = array<i32>} : memref<64x1024xf32, #tpu.memory_space<vmem>>, vector<1x16xf32>,
      %get3A_247 = vector.shape_cast %get3A_246 : vector<1x16xf32> to vector<16xf32>
      %add3A_248 = arith.addf %get3A_241, %get3A_247 : vector<16xf32>
      %swap3A_249 = arith.index_cast %scan3A_46 : i32 to index
      %swap3A_250 = arith.constant 192 : index
      %swap3A_251 = tpu.vector_load %arg7[%swap3A_249, %swap3A_250] {strides = array<i32>} : memref<32x1024xf32, #tpu.memory_space<vmem>>, vector<1x16xf32>,
      %swap3A_252 = vector.shape_cast %swap3A_251 : vector<1x16xf32> to vector<16xf32>
      %swap3A_253 = vector.shape_cast %add3A_248 : vector<16xf32> to vector<1x16xf32>
      tpu.vector_store %arg7[%swap3A_249, %swap3A_250], %swap3A_253 {add = true, strides = array<i32>} : memref<32x1024xf32, #tpu.memory_space<vmem>>, vector<1x16xf32>,
      %get3A_254 = arith.index_cast %scan3A_46 : i32 to index
      %get3A_255 = arith.constant 208 : index
      %get3A_256 = tpu.vector_load %arg8[%get3A_254, %get3A_255] {strides = array<i32>} : memref<64x1024xf32, #tpu.memory_space<vmem>>, vector<1x16xf32>,
      %get3A_257 = vector.shape_cast %get3A_256 : vector<1x16xf32> to vector<16xf32>
      %add3A_258 = arith.constant 32 : i32
      %add3A_259 = arith.addi %scan3A_46, %add3A_258 : i32
      %get3A_260 = arith.index_cast %add3A_259 : i32 to index
      %get3A_261 = arith.constant 208 : index
      %get3A_262 = tpu.vector_load %arg8[%get3A_260, %get3A_261] {strides = array<i32>} : memref<64x1024xf32, #tpu.memory_space<vmem>>, vector<1x16xf32>,
      %get3A_263 = vector.shape_cast %get3A_262 : vector<1x16xf32> to vector<16xf32>
      %add3A_264 = arith.addf %get3A_257, %get3A_263 : vector<16xf32>
      %swap3A_265 = arith.index_cast %scan3A_46 : i32 to index
      %swap3A_266 = arith.constant 208 : index
      %swap3A_267 = tpu.vector_load %arg7[%swap3A_265, %swap3A_266] {strides = array<i32>} : memref<32x1024xf32, #tpu.memory_space<vmem>>, vector<1x16xf32>,
      %swap3A_268 = vector.shape_cast %swap3A_267 : vector<1x16xf32> to vector<16xf32>
      %swap3A_269 = vector.shape_cast %add3A_264 : vector<16xf32> to vector<1x16xf32>
      tpu.vector_store %arg7[%swap3A_265, %swap3A_266], %swap3A_269 {add = true, strides = array<i32>} : memref<32x1024xf32, #tpu.memory_space<vmem>>, vector<1x16xf32>,
      %get3A_270 = arith.index_cast %scan3A_46 : i32 to index
      %get3A_271 = arith.constant 224 : index
      %get3A_272 = tpu.vector_load %arg8[%get3A_270, %get3A_271] {strides = array<i32>} : memref<64x1024xf32, #tpu.memory_space<vmem>>, vector<1x16xf32>,
      %get3A_273 = vector.shape_cast %get3A_272 : vector<1x16xf32> to vector<16xf32>
      %add3A_274 = arith.constant 32 : i32
      %add3A_275 = arith.addi %scan3A_46, %add3A_274 : i32
      %get3A_276 = arith.index_cast %add3A_275 : i32 to index
      %get3A_277 = arith.constant 224 : index
      %get3A_278 = tpu.vector_load %arg8[%get3A_276, %get3A_277] {strides = array<i32>} : memref<64x1024xf32, #tpu.memory_space<vmem>>, vector<1x16xf32>,
      %get3A_279 = vector.shape_cast %get3A_278 : vector<1x16xf32> to vector<16xf32>
      %add3A_280 = arith.addf %get3A_273, %get3A_279 : vector<16xf32>
      %swap3A_281 = arith.index_cast %scan3A_46 : i32 to index
      %swap3A_282 = arith.constant 224 : index
      %swap3A_283 = tpu.vector_load %arg7[%swap3A_281, %swap3A_282] {strides = array<i32>} : memref<32x1024xf32, #tpu.memory_space<vmem>>, vector<1x16xf32>,
      %swap3A_284 = vector.shape_cast %swap3A_283 : vector<1x16xf32> to vector<16xf32>
      %swap3A_285 = vector.shape_cast %add3A_280 : vector<16xf32> to vector<1x16xf32>
      tpu.vector_store %arg7[%swap3A_281, %swap3A_282], %swap3A_285 {add = true, strides = array<i32>} : memref<32x1024xf32, #tpu.memory_space<vmem>>, vector<1x16xf32>,
      %get3A_286 = arith.index_cast %scan3A_46 : i32 to index
      %get3A_287 = arith.constant 240 : index
      %get3A_288 = tpu.vector_load %arg8[%get3A_286, %get3A_287] {strides = array<i32>} : memref<64x1024xf32, #tpu.memory_space<vmem>>, vector<1x16xf32>,
      %get3A_289 = vector.shape_cast %get3A_288 : vector<1x16xf32> to vector<16xf32>
      %add3A_290 = arith.constant 32 : i32
      %add3A_291 = arith.addi %scan3A_46, %add3A_290 : i32
      %get3A_292 = arith.index_cast %add3A_291 : i32 to index
      %get3A_293 = arith.constant 240 : index
      %get3A_294 = tpu.vector_load %arg8[%get3A_292, %get3A_293] {strides = array<i32>} : memref<64x1024xf32, #tpu.memory_space<vmem>>, vector<1x16xf32>,
      %get3A_295 = vector.shape_cast %get3A_294 : vector<1x16xf32> to vector<16xf32>
      %add3A_296 = arith.addf %get3A_289, %get3A_295 : vector<16xf32>
      %swap3A_297 = arith.index_cast %scan3A_46 : i32 to index
      %swap3A_298 = arith.constant 240 : index
      %swap3A_299 = tpu.vector_load %arg7[%swap3A_297, %swap3A_298] {strides = array<i32>} : memref<32x1024xf32, #tpu.memory_space<vmem>>, vector<1x16xf32>,
      %swap3A_300 = vector.shape_cast %swap3A_299 : vector<1x16xf32> to vector<16xf32>
      %swap3A_301 = vector.shape_cast %add3A_296 : vector<16xf32> to vector<1x16xf32>
      tpu.vector_store %arg7[%swap3A_297, %swap3A_298], %swap3A_301 {add = true, strides = array<i32>} : memref<32x1024xf32, #tpu.memory_space<vmem>>, vector<1x16xf32>,
      %get3A_302 = arith.index_cast %scan3A_46 : i32 to index
      %get3A_303 = arith.constant 256 : index
      %get3A_304 = tpu.vector_load %arg8[%get3A_302, %get3A_303] {strides = array<i32>} : memref<64x1024xf32, #tpu.memory_space<vmem>>, vector<1x16xf32>,
      %get3A_305 = vector.shape_cast %get3A_304 : vector<1x16xf32> to vector<16xf32>
      %add3A_306 = arith.constant 32 : i32
      %add3A_307 = arith.addi %scan3A_46, %add3A_306 : i32
      %get3A_308 = arith.index_cast %add3A_307 : i32 to index
      %get3A_309 = arith.constant 256 : index
      %get3A_310 = tpu.vector_load %arg8[%get3A_308, %get3A_309] {strides = array<i32>} : memref<64x1024xf32, #tpu.memory_space<vmem>>, vector<1x16xf32>,
      %get3A_311 = vector.shape_cast %get3A_310 : vector<1x16xf32> to vector<16xf32>
      %add3A_312 = arith.addf %get3A_305, %get3A_311 : vector<16xf32>
      %swap3A_313 = arith.index_cast %scan3A_46 : i32 to index
      %swap3A_314 = arith.constant 256 : index
      %swap3A_315 = tpu.vector_load %arg7[%swap3A_313, %swap3A_314] {strides = array<i32>} : memref<32x1024xf32, #tpu.memory_space<vmem>>, vector<1x16xf32>,
      %swap3A_316 = vector.shape_cast %swap3A_315 : vector<1x16xf32> to vector<16xf32>
      %swap3A_317 = vector.shape_cast %add3A_312 : vector<16xf32> to vector<1x16xf32>
      tpu.vector_store %arg7[%swap3A_313, %swap3A_314], %swap3A_317 {add = true, strides = array<i32>} : memref<32x1024xf32, #tpu.memory_space<vmem>>, vector<1x16xf32>,
      %get3A_318 = arith.index_cast %scan3A_46 : i32 to index
      %get3A_319 = arith.constant 272 : index
      %get3A_320 = tpu.vector_load %arg8[%get3A_318, %get3A_319] {strides = array<i32>} : memref<64x1024xf32, #tpu.memory_space<vmem>>, vector<1x16xf32>,
      %get3A_321 = vector.shape_cast %get3A_320 : vector<1x16xf32> to vector<16xf32>
      %add3A_322 = arith.constant 32 : i32
      %add3A_323 = arith.addi %scan3A_46, %add3A_322 : i32
      %get3A_324 = arith.index_cast %add3A_323 : i32 to index
      %get3A_325 = arith.constant 272 : index
      %get3A_326 = tpu.vector_load %arg8[%get3A_324, %get3A_325] {strides = array<i32>} : memref<64x1024xf32, #tpu.memory_space<vmem>>, vector<1x16xf32>,
      %get3A_327 = vector.shape_cast %get3A_326 : vector<1x16xf32> to vector<16xf32>
      %add3A_328 = arith.addf %get3A_321, %get3A_327 : vector<16xf32>
      %swap3A_329 = arith.index_cast %scan3A_46 : i32 to index
      %swap3A_330 = arith.constant 272 : index
      %swap3A_331 = tpu.vector_load %arg7[%swap3A_329, %swap3A_330] {strides = array<i32>} : memref<32x1024xf32, #tpu.memory_space<vmem>>, vector<1x16xf32>,
      %swap3A_332 = vector.shape_cast %swap3A_331 : vector<1x16xf32> to vector<16xf32>
      %swap3A_333 = vector.shape_cast %add3A_328 : vector<16xf32> to vector<1x16xf32>
      tpu.vector_store %arg7[%swap3A_329, %swap3A_330], %swap3A_333 {add = true, strides = array<i32>} : memref<32x1024xf32, #tpu.memory_space<vmem>>, vector<1x16xf32>,
      %get3A_334 = arith.index_cast %scan3A_46 : i32 to index
      %get3A_335 = arith.constant 288 : index
      %get3A_336 = tpu.vector_load %arg8[%get3A_334, %get3A_335] {strides = array<i32>} : memref<64x1024xf32, #tpu.memory_space<vmem>>, vector<1x16xf32>,
      %get3A_337 = vector.shape_cast %get3A_336 : vector<1x16xf32> to vector<16xf32>
      %add3A_338 = arith.constant 32 : i32
      %add3A_339 = arith.addi %scan3A_46, %add3A_338 : i32
      %get3A_340 = arith.index_cast %add3A_339 : i32 to index
      %get3A_341 = arith.constant 288 : index
      %get3A_342 = tpu.vector_load %arg8[%get3A_340, %get3A_341] {strides = array<i32>} : memref<64x1024xf32, #tpu.memory_space<vmem>>, vector<1x16xf32>,
      %get3A_343 = vector.shape_cast %get3A_342 : vector<1x16xf32> to vector<16xf32>
      %add3A_344 = arith.addf %get3A_337, %get3A_343 : vector<16xf32>
      %swap3A_345 = arith.index_cast %scan3A_46 : i32 to index
      %swap3A_346 = arith.constant 288 : index
      %swap3A_347 = tpu.vector_load %arg7[%swap3A_345, %swap3A_346] {strides = array<i32>} : memref<32x1024xf32, #tpu.memory_space<vmem>>, vector<1x16xf32>,
      %swap3A_348 = vector.shape_cast %swap3A_347 : vector<1x16xf32> to vector<16xf32>
      %swap3A_349 = vector.shape_cast %add3A_344 : vector<16xf32> to vector<1x16xf32>
      tpu.vector_store %arg7[%swap3A_345, %swap3A_346], %swap3A_349 {add = true, strides = array<i32>} : memref<32x1024xf32, #tpu.memory_space<vmem>>, vector<1x16xf32>,
      %get3A_350 = arith.index_cast %scan3A_46 : i32 to index
      %get3A_351 = arith.constant 304 : index
      %get3A_352 = tpu.vector_load %arg8[%get3A_350, %get3A_351] {strides = array<i32>} : memref<64x1024xf32, #tpu.memory_space<vmem>>, vector<1x16xf32>,
      %get3A_353 = vector.shape_cast %get3A_352 : vector<1x16xf32> to vector<16xf32>
      %add3A_354 = arith.constant 32 : i32
      %add3A_355 = arith.addi %scan3A_46, %add3A_354 : i32
      %get3A_356 = arith.index_cast %add3A_355 : i32 to index
      %get3A_357 = arith.constant 304 : index
      %get3A_358 = tpu.vector_load %arg8[%get3A_356, %get3A_357] {strides = array<i32>} : memref<64x1024xf32, #tpu.memory_space<vmem>>, vector<1x16xf32>,
      %get3A_359 = vector.shape_cast %get3A_358 : vector<1x16xf32> to vector<16xf32>
      %add3A_360 = arith.addf %get3A_353, %get3A_359 : vector<16xf32>
      %swap3A_361 = arith.index_cast %scan3A_46 : i32 to index
      %swap3A_362 = arith.constant 304 : index
      %swap3A_363 = tpu.vector_load %arg7[%swap3A_361, %swap3A_362] {strides = array<i32>} : memref<32x1024xf32, #tpu.memory_space<vmem>>, vector<1x16xf32>,
      %swap3A_364 = vector.shape_cast %swap3A_363 : vector<1x16xf32> to vector<16xf32>
      %swap3A_365 = vector.shape_cast %add3A_360 : vector<16xf32> to vector<1x16xf32>
      tpu.vector_store %arg7[%swap3A_361, %swap3A_362], %swap3A_365 {add = true, strides = array<i32>} : memref<32x1024xf32, #tpu.memory_space<vmem>>, vector<1x16xf32>,
      %get3A_366 = arith.index_cast %scan3A_46 : i32 to index
      %get3A_367 = arith.constant 320 : index
      %get3A_368 = tpu.vector_load %arg8[%get3A_366, %get3A_367] {strides = array<i32>} : memref<64x1024xf32, #tpu.memory_space<vmem>>, vector<1x16xf32>,
      %get3A_369 = vector.shape_cast %get3A_368 : vector<1x16xf32> to vector<16xf32>
      %add3A_370 = arith.constant 32 : i32
      %add3A_371 = arith.addi %scan3A_46, %add3A_370 : i32
      %get3A_372 = arith.index_cast %add3A_371 : i32 to index
      %get3A_373 = arith.constant 320 : index
      %get3A_374 = tpu.vector_load %arg8[%get3A_372, %get3A_373] {strides = array<i32>} : memref<64x1024xf32, #tpu.memory_space<vmem>>, vector<1x16xf32>,
      %get3A_375 = vector.shape_cast %get3A_374 : vector<1x16xf32> to vector<16xf32>
      %add3A_376 = arith.addf %get3A_369, %get3A_375 : vector<16xf32>
      %swap3A_377 = arith.index_cast %scan3A_46 : i32 to index
      %swap3A_378 = arith.constant 320 : index
      %swap3A_379 = tpu.vector_load %arg7[%swap3A_377, %swap3A_378] {strides = array<i32>} : memref<32x1024xf32, #tpu.memory_space<vmem>>, vector<1x16xf32>,
      %swap3A_380 = vector.shape_cast %swap3A_379 : vector<1x16xf32> to vector<16xf32>
      %swap3A_381 = vector.shape_cast %add3A_376 : vector<16xf32> to vector<1x16xf32>
      tpu.vector_store %arg7[%swap3A_377, %swap3A_378], %swap3A_381 {add = true, strides = array<i32>} : memref<32x1024xf32, #tpu.memory_space<vmem>>, vector<1x16xf32>,
      %get3A_382 = arith.index_cast %scan3A_46 : i32 to index
      %get3A_383 = arith.constant 336 : index
      %get3A_384 = tpu.vector_load %arg8[%get3A_382, %get3A_383] {strides = array<i32>} : memref<64x1024xf32, #tpu.memory_space<vmem>>, vector<1x16xf32>,
      %get3A_385 = vector.shape_cast %get3A_384 : vector<1x16xf32> to vector<16xf32>
      %add3A_386 = arith.constant 32 : i32
      %add3A_387 = arith.addi %scan3A_46, %add3A_386 : i32
      %get3A_388 = arith.index_cast %add3A_387 : i32 to index
      %get3A_389 = arith.constant 336 : index
      %get3A_390 = tpu.vector_load %arg8[%get3A_388, %get3A_389] {strides = array<i32>} : memref<64x1024xf32, #tpu.memory_space<vmem>>, vector<1x16xf32>,
      %get3A_391 = vector.shape_cast %get3A_390 : vector<1x16xf32> to vector<16xf32>
      %add3A_392 = arith.addf %get3A_385, %get3A_391 : vector<16xf32>
      %swap3A_393 = arith.index_cast %scan3A_46 : i32 to index
      %swap3A_394 = arith.constant 336 : index
      %swap3A_395 = tpu.vector_load %arg7[%swap3A_393, %swap3A_394] {strides = array<i32>} : memref<32x1024xf32, #tpu.memory_space<vmem>>, vector<1x16xf32>,
      %swap3A_396 = vector.shape_cast %swap3A_395 : vector<1x16xf32> to vector<16xf32>
      %swap3A_397 = vector.shape_cast %add3A_392 : vector<16xf32> to vector<1x16xf32>
      tpu.vector_store %arg7[%swap3A_393, %swap3A_394], %swap3A_397 {add = true, strides = array<i32>} : memref<32x1024xf32, #tpu.memory_space<vmem>>, vector<1x16xf32>,
      %get3A_398 = arith.index_cast %scan3A_46 : i32 to index
      %get3A_399 = arith.constant 352 : index
      %get3A_400 = tpu.vector_load %arg8[%get3A_398, %get3A_399] {strides = array<i32>} : memref<64x1024xf32, #tpu.memory_space<vmem>>, vector<1x16xf32>,
      %get3A_401 = vector.shape_cast %get3A_400 : vector<1x16xf32> to vector<16xf32>
      %add3A_402 = arith.constant 32 : i32
      %add3A_403 = arith.addi %scan3A_46, %add3A_402 : i32
      %get3A_404 = arith.index_cast %add3A_403 : i32 to index
      %get3A_405 = arith.constant 352 : index
      %get3A_406 = tpu.vector_load %arg8[%get3A_404, %get3A_405] {strides = array<i32>} : memref<64x1024xf32, #tpu.memory_space<vmem>>, vector<1x16xf32>,
      %get3A_407 = vector.shape_cast %get3A_406 : vector<1x16xf32> to vector<16xf32>
      %add3A_408 = arith.addf %get3A_401, %get3A_407 : vector<16xf32>
      %swap3A_409 = arith.index_cast %scan3A_46 : i32 to index
      %swap3A_410 = arith.constant 352 : index
      %swap3A_411 = tpu.vector_load %arg7[%swap3A_409, %swap3A_410] {strides = array<i32>} : memref<32x1024xf32, #tpu.memory_space<vmem>>, vector<1x16xf32>,
      %swap3A_412 = vector.shape_cast %swap3A_411 : vector<1x16xf32> to vector<16xf32>
      %swap3A_413 = vector.shape_cast %add3A_408 : vector<16xf32> to vector<1x16xf32>
      tpu.vector_store %arg7[%swap3A_409, %swap3A_410], %swap3A_413 {add = true, strides = array<i32>} : memref<32x1024xf32, #tpu.memory_space<vmem>>, vector<1x16xf32>,
      %get3A_414 = arith.index_cast %scan3A_46 : i32 to index
      %get3A_415 = arith.constant 368 : index
      %get3A_416 = tpu.vector_load %arg8[%get3A_414, %get3A_415] {strides = array<i32>} : memref<64x1024xf32, #tpu.memory_space<vmem>>, vector<1x16xf32>,
      %get3A_417 = vector.shape_cast %get3A_416 : vector<1x16xf32> to vector<16xf32>
      %add3A_418 = arith.constant 32 : i32
      %add3A_419 = arith.addi %scan3A_46, %add3A_418 : i32
      %get3A_420 = arith.index_cast %add3A_419 : i32 to index
      %get3A_421 = arith.constant 368 : index
      %get3A_422 = tpu.vector_load %arg8[%get3A_420, %get3A_421] {strides = array<i32>} : memref<64x1024xf32, #tpu.memory_space<vmem>>, vector<1x16xf32>,
      %get3A_423 = vector.shape_cast %get3A_422 : vector<1x16xf32> to vector<16xf32>
      %add3A_424 = arith.addf %get3A_417, %get3A_423 : vector<16xf32>
      %swap3A_425 = arith.index_cast %scan3A_46 : i32 to index
      %swap3A_426 = arith.constant 368 : index
      %swap3A_427 = tpu.vector_load %arg7[%swap3A_425, %swap3A_426] {strides = array<i32>} : memref<32x1024xf32, #tpu.memory_space<vmem>>, vector<1x16xf32>,
      %swap3A_428 = vector.shape_cast %swap3A_427 : vector<1x16xf32> to vector<16xf32>
      %swap3A_429 = vector.shape_cast %add3A_424 : vector<16xf32> to vector<1x16xf32>
      tpu.vector_store %arg7[%swap3A_425, %swap3A_426], %swap3A_429 {add = true, strides = array<i32>} : memref<32x1024xf32, #tpu.memory_space<vmem>>, vector<1x16xf32>,
      %get3A_430 = arith.index_cast %scan3A_46 : i32 to index
      %get3A_431 = arith.constant 384 : index
      %get3A_432 = tpu.vector_load %arg8[%get3A_430, %get3A_431] {strides = array<i32>} : memref<64x1024xf32, #tpu.memory_space<vmem>>, vector<1x16xf32>,
      %get3A_433 = vector.shape_cast %get3A_432 : vector<1x16xf32> to vector<16xf32>
      %add3A_434 = arith.constant 32 : i32
      %add3A_435 = arith.addi %scan3A_46, %add3A_434 : i32
      %get3A_436 = arith.index_cast %add3A_435 : i32 to index
      %get3A_437 = arith.constant 384 : index
      %get3A_438 = tpu.vector_load %arg8[%get3A_436, %get3A_437] {strides = array<i32>} : memref<64x1024xf32, #tpu.memory_space<vmem>>, vector<1x16xf32>,
      %get3A_439 = vector.shape_cast %get3A_438 : vector<1x16xf32> to vector<16xf32>
      %add3A_440 = arith.addf %get3A_433, %get3A_439 : vector<16xf32>
      %swap3A_441 = arith.index_cast %scan3A_46 : i32 to index
      %swap3A_442 = arith.constant 384 : index
      %swap3A_443 = tpu.vector_load %arg7[%swap3A_441, %swap3A_442] {strides = array<i32>} : memref<32x1024xf32, #tpu.memory_space<vmem>>, vector<1x16xf32>,
      %swap3A_444 = vector.shape_cast %swap3A_443 : vector<1x16xf32> to vector<16xf32>
      %swap3A_445 = vector.shape_cast %add3A_440 : vector<16xf32> to vector<1x16xf32>
      tpu.vector_store %arg7[%swap3A_441, %swap3A_442], %swap3A_445 {add = true, strides = array<i32>} : memref<32x1024xf32, #tpu.memory_space<vmem>>, vector<1x16xf32>,
      %get3A_446 = arith.index_cast %scan3A_46 : i32 to index
      %get3A_447 = arith.constant 400 : index
      %get3A_448 = tpu.vector_load %arg8[%get3A_446, %get3A_447] {strides = array<i32>} : memref<64x1024xf32, #tpu.memory_space<vmem>>, vector<1x16xf32>,
      %get3A_449 = vector.shape_cast %get3A_448 : vector<1x16xf32> to vector<16xf32>
      %add3A_450 = arith.constant 32 : i32
      %add3A_451 = arith.addi %scan3A_46, %add3A_450 : i32
      %get3A_452 = arith.index_cast %add3A_451 : i32 to index
      %get3A_453 = arith.constant 400 : index
      %get3A_454 = tpu.vector_load %arg8[%get3A_452, %get3A_453] {strides = array<i32>} : memref<64x1024xf32, #tpu.memory_space<vmem>>, vector<1x16xf32>,
      %get3A_455 = vector.shape_cast %get3A_454 : vector<1x16xf32> to vector<16xf32>
      %add3A_456 = arith.addf %get3A_449, %get3A_455 : vector<16xf32>
      %swap3A_457 = arith.index_cast %scan3A_46 : i32 to index
      %swap3A_458 = arith.constant 400 : index
      %swap3A_459 = tpu.vector_load %arg7[%swap3A_457, %swap3A_458] {strides = array<i32>} : memref<32x1024xf32, #tpu.memory_space<vmem>>, vector<1x16xf32>,
      %swap3A_460 = vector.shape_cast %swap3A_459 : vector<1x16xf32> to vector<16xf32>
      %swap3A_461 = vector.shape_cast %add3A_456 : vector<16xf32> to vector<1x16xf32>
      tpu.vector_store %arg7[%swap3A_457, %swap3A_458], %swap3A_461 {add = true, strides = array<i32>} : memref<32x1024xf32, #tpu.memory_space<vmem>>, vector<1x16xf32>,
      %get3A_462 = arith.index_cast %scan3A_46 : i32 to index
      %get3A_463 = arith.constant 416 : index
      %get3A_464 = tpu.vector_load %arg8[%get3A_462, %get3A_463] {strides = array<i32>} : memref<64x1024xf32, #tpu.memory_space<vmem>>, vector<1x16xf32>,
      %get3A_465 = vector.shape_cast %get3A_464 : vector<1x16xf32> to vector<16xf32>
      %add3A_466 = arith.constant 32 : i32
      %add3A_467 = arith.addi %scan3A_46, %add3A_466 : i32
      %get3A_468 = arith.index_cast %add3A_467 : i32 to index
      %get3A_469 = arith.constant 416 : index
      %get3A_470 = tpu.vector_load %arg8[%get3A_468, %get3A_469] {strides = array<i32>} : memref<64x1024xf32, #tpu.memory_space<vmem>>, vector<1x16xf32>,
      %get3A_471 = vector.shape_cast %get3A_470 : vector<1x16xf32> to vector<16xf32>
      %add3A_472 = arith.addf %get3A_465, %get3A_471 : vector<16xf32>
      %swap3A_473 = arith.index_cast %scan3A_46 : i32 to index
      %swap3A_474 = arith.constant 416 : index
      %swap3A_475 = tpu.vector_load %arg7[%swap3A_473, %swap3A_474] {strides = array<i32>} : memref<32x1024xf32, #tpu.memory_space<vmem>>, vector<1x16xf32>,
      %swap3A_476 = vector.shape_cast %swap3A_475 : vector<1x16xf32> to vector<16xf32>
      %swap3A_477 = vector.shape_cast %add3A_472 : vector<16xf32> to vector<1x16xf32>
      tpu.vector_store %arg7[%swap3A_473, %swap3A_474], %swap3A_477 {add = true, strides = array<i32>} : memref<32x1024xf32, #tpu.memory_space<vmem>>, vector<1x16xf32>,
      %get3A_478 = arith.index_cast %scan3A_46 : i32 to index
      %get3A_479 = arith.constant 432 : index
      %get3A_480 = tpu.vector_load %arg8[%get3A_478, %get3A_479] {strides = array<i32>} : memref<64x1024xf32, #tpu.memory_space<vmem>>, vector<1x16xf32>,
      %get3A_481 = vector.shape_cast %get3A_480 : vector<1x16xf32> to vector<16xf32>
      %add3A_482 = arith.constant 32 : i32
      %add3A_483 = arith.addi %scan3A_46, %add3A_482 : i32
      %get3A_484 = arith.index_cast %add3A_483 : i32 to index
      %get3A_485 = arith.constant 432 : index
      %get3A_486 = tpu.vector_load %arg8[%get3A_484, %get3A_485] {strides = array<i32>} : memref<64x1024xf32, #tpu.memory_space<vmem>>, vector<1x16xf32>,
      %get3A_487 = vector.shape_cast %get3A_486 : vector<1x16xf32> to vector<16xf32>
      %add3A_488 = arith.addf %get3A_481, %get3A_487 : vector<16xf32>
      %swap3A_489 = arith.index_cast %scan3A_46 : i32 to index
      %swap3A_490 = arith.constant 432 : index
      %swap3A_491 = tpu.vector_load %arg7[%swap3A_489, %swap3A_490] {strides = array<i32>} : memref<32x1024xf32, #tpu.memory_space<vmem>>, vector<1x16xf32>,
      %swap3A_492 = vector.shape_cast %swap3A_491 : vector<1x16xf32> to vector<16xf32>
      %swap3A_493 = vector.shape_cast %add3A_488 : vector<16xf32> to vector<1x16xf32>
      tpu.vector_store %arg7[%swap3A_489, %swap3A_490], %swap3A_493 {add = true, strides = array<i32>} : memref<32x1024xf32, #tpu.memory_space<vmem>>, vector<1x16xf32>,
      %get3A_494 = arith.index_cast %scan3A_46 : i32 to index
      %get3A_495 = arith.constant 448 : index
      %get3A_496 = tpu.vector_load %arg8[%get3A_494, %get3A_495] {strides = array<i32>} : memref<64x1024xf32, #tpu.memory_space<vmem>>, vector<1x16xf32>,
      %get3A_497 = vector.shape_cast %get3A_496 : vector<1x16xf32> to vector<16xf32>
      %add3A_498 = arith.constant 32 : i32
      %add3A_499 = arith.addi %scan3A_46, %add3A_498 : i32
      %get3A_500 = arith.index_cast %add3A_499 : i32 to index
      %get3A_501 = arith.constant 448 : index
      %get3A_502 = tpu.vector_load %arg8[%get3A_500, %get3A_501] {strides = array<i32>} : memref<64x1024xf32, #tpu.memory_space<vmem>>, vector<1x16xf32>,
      %get3A_503 = vector.shape_cast %get3A_502 : vector<1x16xf32> to vector<16xf32>
      %add3A_504 = arith.addf %get3A_497, %get3A_503 : vector<16xf32>
      %swap3A_505 = arith.index_cast %scan3A_46 : i32 to index
      %swap3A_506 = arith.constant 448 : index
      %swap3A_507 = tpu.vector_load %arg7[%swap3A_505, %swap3A_506] {strides = array<i32>} : memref<32x1024xf32, #tpu.memory_space<vmem>>, vector<1x16xf32>,
      %swap3A_508 = vector.shape_cast %swap3A_507 : vector<1x16xf32> to vector<16xf32>
      %swap3A_509 = vector.shape_cast %add3A_504 : vector<16xf32> to vector<1x16xf32>
      tpu.vector_store %arg7[%swap3A_505, %swap3A_506], %swap3A_509 {add = true, strides = array<i32>} : memref<32x1024xf32, #tpu.memory_space<vmem>>, vector<1x16xf32>,
      %get3A_510 = arith.index_cast %scan3A_46 : i32 to index
      %get3A_511 = arith.constant 464 : index
      %get3A_512 = tpu.vector_load %arg8[%get3A_510, %get3A_511] {strides = array<i32>} : memref<64x1024xf32, #tpu.memory_space<vmem>>, vector<1x16xf32>,
      %get3A_513 = vector.shape_cast %get3A_512 : vector<1x16xf32> to vector<16xf32>
      %add3A_514 = arith.constant 32 : i32
      %add3A_515 = arith.addi %scan3A_46, %add3A_514 : i32
      %get3A_516 = arith.index_cast %add3A_515 : i32 to index
      %get3A_517 = arith.constant 464 : index
      %get3A_518 = tpu.vector_load %arg8[%get3A_516, %get3A_517] {strides = array<i32>} : memref<64x1024xf32, #tpu.memory_space<vmem>>, vector<1x16xf32>,
      %get3A_519 = vector.shape_cast %get3A_518 : vector<1x16xf32> to vector<16xf32>
      %add3A_520 = arith.addf %get3A_513, %get3A_519 : vector<16xf32>
      %swap3A_521 = arith.index_cast %scan3A_46 : i32 to index
      %swap3A_522 = arith.constant 464 : index
      %swap3A_523 = tpu.vector_load %arg7[%swap3A_521, %swap3A_522] {strides = array<i32>} : memref<32x1024xf32, #tpu.memory_space<vmem>>, vector<1x16xf32>,
      %swap3A_524 = vector.shape_cast %swap3A_523 : vector<1x16xf32> to vector<16xf32>
      %swap3A_525 = vector.shape_cast %add3A_520 : vector<16xf32> to vector<1x16xf32>
      tpu.vector_store %arg7[%swap3A_521, %swap3A_522], %swap3A_525 {add = true, strides = array<i32>} : memref<32x1024xf32, #tpu.memory_space<vmem>>, vector<1x16xf32>,
      %get3A_526 = arith.index_cast %scan3A_46 : i32 to index
      %get3A_527 = arith.constant 480 : index
      %get3A_528 = tpu.vector_load %arg8[%get3A_526, %get3A_527] {strides = array<i32>} : memref<64x1024xf32, #tpu.memory_space<vmem>>, vector<1x16xf32>,
      %get3A_529 = vector.shape_cast %get3A_528 : vector<1x16xf32> to vector<16xf32>
      %add3A_530 = arith.constant 32 : i32
      %add3A_531 = arith.addi %scan3A_46, %add3A_530 : i32
      %get3A_532 = arith.index_cast %add3A_531 : i32 to index
      %get3A_533 = arith.constant 480 : index
      %get3A_534 = tpu.vector_load %arg8[%get3A_532, %get3A_533] {strides = array<i32>} : memref<64x1024xf32, #tpu.memory_space<vmem>>, vector<1x16xf32>,
      %get3A_535 = vector.shape_cast %get3A_534 : vector<1x16xf32> to vector<16xf32>
      %add3A_536 = arith.addf %get3A_529, %get3A_535 : vector<16xf32>
      %swap3A_537 = arith.index_cast %scan3A_46 : i32 to index
      %swap3A_538 = arith.constant 480 : index
      %swap3A_539 = tpu.vector_load %arg7[%swap3A_537, %swap3A_538] {strides = array<i32>} : memref<32x1024xf32, #tpu.memory_space<vmem>>, vector<1x16xf32>,
      %swap3A_540 = vector.shape_cast %swap3A_539 : vector<1x16xf32> to vector<16xf32>
      %swap3A_541 = vector.shape_cast %add3A_536 : vector<16xf32> to vector<1x16xf32>
      tpu.vector_store %arg7[%swap3A_537, %swap3A_538], %swap3A_541 {add = true, strides = array<i32>} : memref<32x1024xf32, #tpu.memory_space<vmem>>, vector<1x16xf32>,
      %get3A_542 = arith.index_cast %scan3A_46 : i32 to index
      %get3A_543 = arith.constant 496 : index
      %get3A_544 = tpu.vector_load %arg8[%get3A_542, %get3A_543] {strides = array<i32>} : memref<64x1024xf32, #tpu.memory_space<vmem>>, vector<1x16xf32>,
      %get3A_545 = vector.shape_cast %get3A_544 : vector<1x16xf32> to vector<16xf32>
      %add3A_546 = arith.constant 32 : i32
      %add3A_547 = arith.addi %scan3A_46, %add3A_546 : i32
      %get3A_548 = arith.index_cast %add3A_547 : i32 to index
      %get3A_549 = arith.constant 496 : index
      %get3A_550 = tpu.vector_load %arg8[%get3A_548, %get3A_549] {strides = array<i32>} : memref<64x1024xf32, #tpu.memory_space<vmem>>, vector<1x16xf32>,
      %get3A_551 = vector.shape_cast %get3A_550 : vector<1x16xf32> to vector<16xf32>
      %add3A_552 = arith.addf %get3A_545, %get3A_551 : vector<16xf32>
      %swap3A_553 = arith.index_cast %scan3A_46 : i32 to index
      %swap3A_554 = arith.constant 496 : index
      %swap3A_555 = tpu.vector_load %arg7[%swap3A_553, %swap3A_554] {strides = array<i32>} : memref<32x1024xf32, #tpu.memory_space<vmem>>, vector<1x16xf32>,
      %swap3A_556 = vector.shape_cast %swap3A_555 : vector<1x16xf32> to vector<16xf32>
      %swap3A_557 = vector.shape_cast %add3A_552 : vector<16xf32> to vector<1x16xf32>
      tpu.vector_store %arg7[%swap3A_553, %swap3A_554], %swap3A_557 {add = true, strides = array<i32>} : memref<32x1024xf32, #tpu.memory_space<vmem>>, vector<1x16xf32>,
      %get3A_558 = arith.index_cast %scan3A_46 : i32 to index
      %get3A_559 = arith.constant 512 : index
      %get3A_560 = tpu.vector_load %arg8[%get3A_558, %get3A_559] {strides = array<i32>} : memref<64x1024xf32, #tpu.memory_space<vmem>>, vector<1x16xf32>,
      %get3A_561 = vector.shape_cast %get3A_560 : vector<1x16xf32> to vector<16xf32>
      %add3A_562 = arith.constant 32 : i32
      %add3A_563 = arith.addi %scan3A_46, %add3A_562 : i32
      %get3A_564 = arith.index_cast %add3A_563 : i32 to index
      %get3A_565 = arith.constant 512 : index
      %get3A_566 = tpu.vector_load %arg8[%get3A_564, %get3A_565] {strides = array<i32>} : memref<64x1024xf32, #tpu.memory_space<vmem>>, vector<1x16xf32>,
      %get3A_567 = vector.shape_cast %get3A_566 : vector<1x16xf32> to vector<16xf32>
      %add3A_568 = arith.addf %get3A_561, %get3A_567 : vector<16xf32>
      %swap3A_569 = arith.index_cast %scan3A_46 : i32 to index
      %swap3A_570 = arith.constant 512 : index
      %swap3A_571 = tpu.vector_load %arg7[%swap3A_569, %swap3A_570] {strides = array<i32>} : memref<32x1024xf32, #tpu.memory_space<vmem>>, vector<1x16xf32>,
      %swap3A_572 = vector.shape_cast %swap3A_571 : vector<1x16xf32> to vector<16xf32>
      %swap3A_573 = vector.shape_cast %add3A_568 : vector<16xf32> to vector<1x16xf32>
      tpu.vector_store %arg7[%swap3A_569, %swap3A_570], %swap3A_573 {add = true, strides = array<i32>} : memref<32x1024xf32, #tpu.memory_space<vmem>>, vector<1x16xf32>,
      %get3A_574 = arith.index_cast %scan3A_46 : i32 to index
      %get3A_575 = arith.constant 528 : index
      %get3A_576 = tpu.vector_load %arg8[%get3A_574, %get3A_575] {strides = array<i32>} : memref<64x1024xf32, #tpu.memory_space<vmem>>, vector<1x16xf32>,
      %get3A_577 = vector.shape_cast %get3A_576 : vector<1x16xf32> to vector<16xf32>
      %add3A_578 = arith.constant 32 : i32
      %add3A_579 = arith.addi %scan3A_46, %add3A_578 : i32
      %get3A_580 = arith.index_cast %add3A_579 : i32 to index
      %get3A_581 = arith.constant 528 : index
      %get3A_582 = tpu.vector_load %arg8[%get3A_580, %get3A_581] {strides = array<i32>} : memref<64x1024xf32, #tpu.memory_space<vmem>>, vector<1x16xf32>,
      %get3A_583 = vector.shape_cast %get3A_582 : vector<1x16xf32> to vector<16xf32>
      %add3A_584 = arith.addf %get3A_577, %get3A_583 : vector<16xf32>
      %swap3A_585 = arith.index_cast %scan3A_46 : i32 to index
      %swap3A_586 = arith.constant 528 : index
      %swap3A_587 = tpu.vector_load %arg7[%swap3A_585, %swap3A_586] {strides = array<i32>} : memref<32x1024xf32, #tpu.memory_space<vmem>>, vector<1x16xf32>,
      %swap3A_588 = vector.shape_cast %swap3A_587 : vector<1x16xf32> to vector<16xf32>
      %swap3A_589 = vector.shape_cast %add3A_584 : vector<16xf32> to vector<1x16xf32>
      tpu.vector_store %arg7[%swap3A_585, %swap3A_586], %swap3A_589 {add = true, strides = array<i32>} : memref<32x1024xf32, #tpu.memory_space<vmem>>, vector<1x16xf32>,
      %get3A_590 = arith.index_cast %scan3A_46 : i32 to index
      %get3A_591 = arith.constant 544 : index
      %get3A_592 = tpu.vector_load %arg8[%get3A_590, %get3A_591] {strides = array<i32>} : memref<64x1024xf32, #tpu.memory_space<vmem>>, vector<1x16xf32>,
      %get3A_593 = vector.shape_cast %get3A_592 : vector<1x16xf32> to vector<16xf32>
      %add3A_594 = arith.constant 32 : i32
      %add3A_595 = arith.addi %scan3A_46, %add3A_594 : i32
      %get3A_596 = arith.index_cast %add3A_595 : i32 to index
      %get3A_597 = arith.constant 544 : index
      %get3A_598 = tpu.vector_load %arg8[%get3A_596, %get3A_597] {strides = array<i32>} : memref<64x1024xf32, #tpu.memory_space<vmem>>, vector<1x16xf32>,
      %get3A_599 = vector.shape_cast %get3A_598 : vector<1x16xf32> to vector<16xf32>
      %add3A_600 = arith.addf %get3A_593, %get3A_599 : vector<16xf32>
      %swap3A_601 = arith.index_cast %scan3A_46 : i32 to index
      %swap3A_602 = arith.constant 544 : index
      %swap3A_603 = tpu.vector_load %arg7[%swap3A_601, %swap3A_602] {strides = array<i32>} : memref<32x1024xf32, #tpu.memory_space<vmem>>, vector<1x16xf32>,
      %swap3A_604 = vector.shape_cast %swap3A_603 : vector<1x16xf32> to vector<16xf32>
      %swap3A_605 = vector.shape_cast %add3A_600 : vector<16xf32> to vector<1x16xf32>
      tpu.vector_store %arg7[%swap3A_601, %swap3A_602], %swap3A_605 {add = true, strides = array<i32>} : memref<32x1024xf32, #tpu.memory_space<vmem>>, vector<1x16xf32>,
      %get3A_606 = arith.index_cast %scan3A_46 : i32 to index
      %get3A_607 = arith.constant 560 : index
      %get3A_608 = tpu.vector_load %arg8[%get3A_606, %get3A_607] {strides = array<i32>} : memref<64x1024xf32, #tpu.memory_space<vmem>>, vector<1x16xf32>,
      %get3A_609 = vector.shape_cast %get3A_608 : vector<1x16xf32> to vector<16xf32>
      %add3A_610 = arith.constant 32 : i32
      %add3A_611 = arith.addi %scan3A_46, %add3A_610 : i32
      %get3A_612 = arith.index_cast %add3A_611 : i32 to index
      %get3A_613 = arith.constant 560 : index
      %get3A_614 = tpu.vector_load %arg8[%get3A_612, %get3A_613] {strides = array<i32>} : memref<64x1024xf32, #tpu.memory_space<vmem>>, vector<1x16xf32>,
      %get3A_615 = vector.shape_cast %get3A_614 : vector<1x16xf32> to vector<16xf32>
      %add3A_616 = arith.addf %get3A_609, %get3A_615 : vector<16xf32>
      %swap3A_617 = arith.index_cast %scan3A_46 : i32 to index
      %swap3A_618 = arith.constant 560 : index
      %swap3A_619 = tpu.vector_load %arg7[%swap3A_617, %swap3A_618] {strides = array<i32>} : memref<32x1024xf32, #tpu.memory_space<vmem>>, vector<1x16xf32>,
      %swap3A_620 = vector.shape_cast %swap3A_619 : vector<1x16xf32> to vector<16xf32>
      %swap3A_621 = vector.shape_cast %add3A_616 : vector<16xf32> to vector<1x16xf32>
      tpu.vector_store %arg7[%swap3A_617, %swap3A_618], %swap3A_621 {add = true, strides = array<i32>} : memref<32x1024xf32, #tpu.memory_space<vmem>>, vector<1x16xf32>,
      %get3A_622 = arith.index_cast %scan3A_46 : i32 to index
      %get3A_623 = arith.constant 576 : index
      %get3A_624 = tpu.vector_load %arg8[%get3A_622, %get3A_623] {strides = array<i32>} : memref<64x1024xf32, #tpu.memory_space<vmem>>, vector<1x16xf32>,
      %get3A_625 = vector.shape_cast %get3A_624 : vector<1x16xf32> to vector<16xf32>
      %add3A_626 = arith.constant 32 : i32
      %add3A_627 = arith.addi %scan3A_46, %add3A_626 : i32
      %get3A_628 = arith.index_cast %add3A_627 : i32 to index
      %get3A_629 = arith.constant 576 : index
      %get3A_630 = tpu.vector_load %arg8[%get3A_628, %get3A_629] {strides = array<i32>} : memref<64x1024xf32, #tpu.memory_space<vmem>>, vector<1x16xf32>,
      %get3A_631 = vector.shape_cast %get3A_630 : vector<1x16xf32> to vector<16xf32>
      %add3A_632 = arith.addf %get3A_625, %get3A_631 : vector<16xf32>
      %swap3A_633 = arith.index_cast %scan3A_46 : i32 to index
      %swap3A_634 = arith.constant 576 : index
      %swap3A_635 = tpu.vector_load %arg7[%swap3A_633, %swap3A_634] {strides = array<i32>} : memref<32x1024xf32, #tpu.memory_space<vmem>>, vector<1x16xf32>,
      %swap3A_636 = vector.shape_cast %swap3A_635 : vector<1x16xf32> to vector<16xf32>
      %swap3A_637 = vector.shape_cast %add3A_632 : vector<16xf32> to vector<1x16xf32>
      tpu.vector_store %arg7[%swap3A_633, %swap3A_634], %swap3A_637 {add = true, strides = array<i32>} : memref<32x1024xf32, #tpu.memory_space<vmem>>, vector<1x16xf32>,
      %get3A_638 = arith.index_cast %scan3A_46 : i32 to index
      %get3A_639 = arith.constant 592 : index
      %get3A_640 = tpu.vector_load %arg8[%get3A_638, %get3A_639] {strides = array<i32>} : memref<64x1024xf32, #tpu.memory_space<vmem>>, vector<1x16xf32>,
      %get3A_641 = vector.shape_cast %get3A_640 : vector<1x16xf32> to vector<16xf32>
      %add3A_642 = arith.constant 32 : i32
      %add3A_643 = arith.addi %scan3A_46, %add3A_642 : i32
      %get3A_644 = arith.index_cast %add3A_643 : i32 to index
      %get3A_645 = arith.constant 592 : index
      %get3A_646 = tpu.vector_load %arg8[%get3A_644, %get3A_645] {strides = array<i32>} : memref<64x1024xf32, #tpu.memory_space<vmem>>, vector<1x16xf32>,
      %get3A_647 = vector.shape_cast %get3A_646 : vector<1x16xf32> to vector<16xf32>
      %add3A_648 = arith.addf %get3A_641, %get3A_647 : vector<16xf32>
      %swap3A_649 = arith.index_cast %scan3A_46 : i32 to index
      %swap3A_650 = arith.constant 592 : index
      %swap3A_651 = tpu.vector_load %arg7[%swap3A_649, %swap3A_650] {strides = array<i32>} : memref<32x1024xf32, #tpu.memory_space<vmem>>, vector<1x16xf32>,
      %swap3A_652 = vector.shape_cast %swap3A_651 : vector<1x16xf32> to vector<16xf32>
      %swap3A_653 = vector.shape_cast %add3A_648 : vector<16xf32> to vector<1x16xf32>
      tpu.vector_store %arg7[%swap3A_649, %swap3A_650], %swap3A_653 {add = true, strides = array<i32>} : memref<32x1024xf32, #tpu.memory_space<vmem>>, vector<1x16xf32>,
      %get3A_654 = arith.index_cast %scan3A_46 : i32 to index
      %get3A_655 = arith.constant 608 : index
      %get3A_656 = tpu.vector_load %arg8[%get3A_654, %get3A_655] {strides = array<i32>} : memref<64x1024xf32, #tpu.memory_space<vmem>>, vector<1x16xf32>,
      %get3A_657 = vector.shape_cast %get3A_656 : vector<1x16xf32> to vector<16xf32>
      %add3A_658 = arith.constant 32 : i32
      %add3A_659 = arith.addi %scan3A_46, %add3A_658 : i32
      %get3A_660 = arith.index_cast %add3A_659 : i32 to index
      %get3A_661 = arith.constant 608 : index
      %get3A_662 = tpu.vector_load %arg8[%get3A_660, %get3A_661] {strides = array<i32>} : memref<64x1024xf32, #tpu.memory_space<vmem>>, vector<1x16xf32>,
      %get3A_663 = vector.shape_cast %get3A_662 : vector<1x16xf32> to vector<16xf32>
      %add3A_664 = arith.addf %get3A_657, %get3A_663 : vector<16xf32>
      %swap3A_665 = arith.index_cast %scan3A_46 : i32 to index
      %swap3A_666 = arith.constant 608 : index
      %swap3A_667 = tpu.vector_load %arg7[%swap3A_665, %swap3A_666] {strides = array<i32>} : memref<32x1024xf32, #tpu.memory_space<vmem>>, vector<1x16xf32>,
      %swap3A_668 = vector.shape_cast %swap3A_667 : vector<1x16xf32> to vector<16xf32>
      %swap3A_669 = vector.shape_cast %add3A_664 : vector<16xf32> to vector<1x16xf32>
      tpu.vector_store %arg7[%swap3A_665, %swap3A_666], %swap3A_669 {add = true, strides = array<i32>} : memref<32x1024xf32, #tpu.memory_space<vmem>>, vector<1x16xf32>,
      %get3A_670 = arith.index_cast %scan3A_46 : i32 to index
      %get3A_671 = arith.constant 624 : index
      %get3A_672 = tpu.vector_load %arg8[%get3A_670, %get3A_671] {strides = array<i32>} : memref<64x1024xf32, #tpu.memory_space<vmem>>, vector<1x16xf32>,
      %get3A_673 = vector.shape_cast %get3A_672 : vector<1x16xf32> to vector<16xf32>
      %add3A_674 = arith.constant 32 : i32
      %add3A_675 = arith.addi %scan3A_46, %add3A_674 : i32
      %get3A_676 = arith.index_cast %add3A_675 : i32 to index
      %get3A_677 = arith.constant 624 : index
      %get3A_678 = tpu.vector_load %arg8[%get3A_676, %get3A_677] {strides = array<i32>} : memref<64x1024xf32, #tpu.memory_space<vmem>>, vector<1x16xf32>,
      %get3A_679 = vector.shape_cast %get3A_678 : vector<1x16xf32> to vector<16xf32>
      %add3A_680 = arith.addf %get3A_673, %get3A_679 : vector<16xf32>
      %swap3A_681 = arith.index_cast %scan3A_46 : i32 to index
      %swap3A_682 = arith.constant 624 : index
      %swap3A_683 = tpu.vector_load %arg7[%swap3A_681, %swap3A_682] {strides = array<i32>} : memref<32x1024xf32, #tpu.memory_space<vmem>>, vector<1x16xf32>,
      %swap3A_684 = vector.shape_cast %swap3A_683 : vector<1x16xf32> to vector<16xf32>
      %swap3A_685 = vector.shape_cast %add3A_680 : vector<16xf32> to vector<1x16xf32>
      tpu.vector_store %arg7[%swap3A_681, %swap3A_682], %swap3A_685 {add = true, strides = array<i32>} : memref<32x1024xf32, #tpu.memory_space<vmem>>, vector<1x16xf32>,
      %get3A_686 = arith.index_cast %scan3A_46 : i32 to index
      %get3A_687 = arith.constant 640 : index
      %get3A_688 = tpu.vector_load %arg8[%get3A_686, %get3A_687] {strides = array<i32>} : memref<64x1024xf32, #tpu.memory_space<vmem>>, vector<1x16xf32>,
      %get3A_689 = vector.shape_cast %get3A_688 : vector<1x16xf32> to vector<16xf32>
      %add3A_690 = arith.constant 32 : i32
      %add3A_691 = arith.addi %scan3A_46, %add3A_690 : i32
      %get3A_692 = arith.index_cast %add3A_691 : i32 to index
      %get3A_693 = arith.constant 640 : index
      %get3A_694 = tpu.vector_load %arg8[%get3A_692, %get3A_693] {strides = array<i32>} : memref<64x1024xf32, #tpu.memory_space<vmem>>, vector<1x16xf32>,
      %get3A_695 = vector.shape_cast %get3A_694 : vector<1x16xf32> to vector<16xf32>
      %add3A_696 = arith.addf %get3A_689, %get3A_695 : vector<16xf32>
      %swap3A_697 = arith.index_cast %scan3A_46 : i32 to index
      %swap3A_698 = arith.constant 640 : index
      %swap3A_699 = tpu.vector_load %arg7[%swap3A_697, %swap3A_698] {strides = array<i32>} : memref<32x1024xf32, #tpu.memory_space<vmem>>, vector<1x16xf32>,
      %swap3A_700 = vector.shape_cast %swap3A_699 : vector<1x16xf32> to vector<16xf32>
      %swap3A_701 = vector.shape_cast %add3A_696 : vector<16xf32> to vector<1x16xf32>
      tpu.vector_store %arg7[%swap3A_697, %swap3A_698], %swap3A_701 {add = true, strides = array<i32>} : memref<32x1024xf32, #tpu.memory_space<vmem>>, vector<1x16xf32>,
      %get3A_702 = arith.index_cast %scan3A_46 : i32 to index
      %get3A_703 = arith.constant 656 : index
      %get3A_704 = tpu.vector_load %arg8[%get3A_702, %get3A_703] {strides = array<i32>} : memref<64x1024xf32, #tpu.memory_space<vmem>>, vector<1x16xf32>,
      %get3A_705 = vector.shape_cast %get3A_704 : vector<1x16xf32> to vector<16xf32>
      %add3A_706 = arith.constant 32 : i32
      %add3A_707 = arith.addi %scan3A_46, %add3A_706 : i32
      %get3A_708 = arith.index_cast %add3A_707 : i32 to index
      %get3A_709 = arith.constant 656 : index
      %get3A_710 = tpu.vector_load %arg8[%get3A_708, %get3A_709] {strides = array<i32>} : memref<64x1024xf32, #tpu.memory_space<vmem>>, vector<1x16xf32>,
      %get3A_711 = vector.shape_cast %get3A_710 : vector<1x16xf32> to vector<16xf32>
      %add3A_712 = arith.addf %get3A_705, %get3A_711 : vector<16xf32>
      %swap3A_713 = arith.index_cast %scan3A_46 : i32 to index
      %swap3A_714 = arith.constant 656 : index
      %swap3A_715 = tpu.vector_load %arg7[%swap3A_713, %swap3A_714] {strides = array<i32>} : memref<32x1024xf32, #tpu.memory_space<vmem>>, vector<1x16xf32>,
      %swap3A_716 = vector.shape_cast %swap3A_715 : vector<1x16xf32> to vector<16xf32>
      %swap3A_717 = vector.shape_cast %add3A_712 : vector<16xf32> to vector<1x16xf32>
      tpu.vector_store %arg7[%swap3A_713, %swap3A_714], %swap3A_717 {add = true, strides = array<i32>} : memref<32x1024xf32, #tpu.memory_space<vmem>>, vector<1x16xf32>,
      %get3A_718 = arith.index_cast %scan3A_46 : i32 to index
      %get3A_719 = arith.constant 672 : index
      %get3A_720 = tpu.vector_load %arg8[%get3A_718, %get3A_719] {strides = array<i32>} : memref<64x1024xf32, #tpu.memory_space<vmem>>, vector<1x16xf32>,
      %get3A_721 = vector.shape_cast %get3A_720 : vector<1x16xf32> to vector<16xf32>
      %add3A_722 = arith.constant 32 : i32
      %add3A_723 = arith.addi %scan3A_46, %add3A_722 : i32
      %get3A_724 = arith.index_cast %add3A_723 : i32 to index
      %get3A_725 = arith.constant 672 : index
      %get3A_726 = tpu.vector_load %arg8[%get3A_724, %get3A_725] {strides = array<i32>} : memref<64x1024xf32, #tpu.memory_space<vmem>>, vector<1x16xf32>,
      %get3A_727 = vector.shape_cast %get3A_726 : vector<1x16xf32> to vector<16xf32>
      %add3A_728 = arith.addf %get3A_721, %get3A_727 : vector<16xf32>
      %swap3A_729 = arith.index_cast %scan3A_46 : i32 to index
      %swap3A_730 = arith.constant 672 : index
      %swap3A_731 = tpu.vector_load %arg7[%swap3A_729, %swap3A_730] {strides = array<i32>} : memref<32x1024xf32, #tpu.memory_space<vmem>>, vector<1x16xf32>,
      %swap3A_732 = vector.shape_cast %swap3A_731 : vector<1x16xf32> to vector<16xf32>
      %swap3A_733 = vector.shape_cast %add3A_728 : vector<16xf32> to vector<1x16xf32>
      tpu.vector_store %arg7[%swap3A_729, %swap3A_730], %swap3A_733 {add = true, strides = array<i32>} : memref<32x1024xf32, #tpu.memory_space<vmem>>, vector<1x16xf32>,
      %get3A_734 = arith.index_cast %scan3A_46 : i32 to index
      %get3A_735 = arith.constant 688 : index
      %get3A_736 = tpu.vector_load %arg8[%get3A_734, %get3A_735] {strides = array<i32>} : memref<64x1024xf32, #tpu.memory_space<vmem>>, vector<1x16xf32>,
      %get3A_737 = vector.shape_cast %get3A_736 : vector<1x16xf32> to vector<16xf32>
      %add3A_738 = arith.constant 32 : i32
      %add3A_739 = arith.addi %scan3A_46, %add3A_738 : i32
      %get3A_740 = arith.index_cast %add3A_739 : i32 to index
      %get3A_741 = arith.constant 688 : index
      %get3A_742 = tpu.vector_load %arg8[%get3A_740, %get3A_741] {strides = array<i32>} : memref<64x1024xf32, #tpu.memory_space<vmem>>, vector<1x16xf32>,
      %get3A_743 = vector.shape_cast %get3A_742 : vector<1x16xf32> to vector<16xf32>
      %add3A_744 = arith.addf %get3A_737, %get3A_743 : vector<16xf32>
      %swap3A_745 = arith.index_cast %scan3A_46 : i32 to index
      %swap3A_746 = arith.constant 688 : index
      %swap3A_747 = tpu.vector_load %arg7[%swap3A_745, %swap3A_746] {strides = array<i32>} : memref<32x1024xf32, #tpu.memory_space<vmem>>, vector<1x16xf32>,
      %swap3A_748 = vector.shape_cast %swap3A_747 : vector<1x16xf32> to vector<16xf32>
      %swap3A_749 = vector.shape_cast %add3A_744 : vector<16xf32> to vector<1x16xf32>
      tpu.vector_store %arg7[%swap3A_745, %swap3A_746], %swap3A_749 {add = true, strides = array<i32>} : memref<32x1024xf32, #tpu.memory_space<vmem>>, vector<1x16xf32>,
      %get3A_750 = arith.index_cast %scan3A_46 : i32 to index
      %get3A_751 = arith.constant 704 : index
      %get3A_752 = tpu.vector_load %arg8[%get3A_750, %get3A_751] {strides = array<i32>} : memref<64x1024xf32, #tpu.memory_space<vmem>>, vector<1x16xf32>,
      %get3A_753 = vector.shape_cast %get3A_752 : vector<1x16xf32> to vector<16xf32>
      %add3A_754 = arith.constant 32 : i32
      %add3A_755 = arith.addi %scan3A_46, %add3A_754 : i32
      %get3A_756 = arith.index_cast %add3A_755 : i32 to index
      %get3A_757 = arith.constant 704 : index
      %get3A_758 = tpu.vector_load %arg8[%get3A_756, %get3A_757] {strides = array<i32>} : memref<64x1024xf32, #tpu.memory_space<vmem>>, vector<1x16xf32>,
      %get3A_759 = vector.shape_cast %get3A_758 : vector<1x16xf32> to vector<16xf32>
      %add3A_760 = arith.addf %get3A_753, %get3A_759 : vector<16xf32>
      %swap3A_761 = arith.index_cast %scan3A_46 : i32 to index
      %swap3A_762 = arith.constant 704 : index
      %swap3A_763 = tpu.vector_load %arg7[%swap3A_761, %swap3A_762] {strides = array<i32>} : memref<32x1024xf32, #tpu.memory_space<vmem>>, vector<1x16xf32>,
      %swap3A_764 = vector.shape_cast %swap3A_763 : vector<1x16xf32> to vector<16xf32>
      %swap3A_765 = vector.shape_cast %add3A_760 : vector<16xf32> to vector<1x16xf32>
      tpu.vector_store %arg7[%swap3A_761, %swap3A_762], %swap3A_765 {add = true, strides = array<i32>} : memref<32x1024xf32, #tpu.memory_space<vmem>>, vector<1x16xf32>,
      %get3A_766 = arith.index_cast %scan3A_46 : i32 to index
      %get3A_767 = arith.constant 720 : index
      %get3A_768 = tpu.vector_load %arg8[%get3A_766, %get3A_767] {strides = array<i32>} : memref<64x1024xf32, #tpu.memory_space<vmem>>, vector<1x16xf32>,
      %get3A_769 = vector.shape_cast %get3A_768 : vector<1x16xf32> to vector<16xf32>
      %add3A_770 = arith.constant 32 : i32
      %add3A_771 = arith.addi %scan3A_46, %add3A_770 : i32
      %get3A_772 = arith.index_cast %add3A_771 : i32 to index
      %get3A_773 = arith.constant 720 : index
      %get3A_774 = tpu.vector_load %arg8[%get3A_772, %get3A_773] {strides = array<i32>} : memref<64x1024xf32, #tpu.memory_space<vmem>>, vector<1x16xf32>,
      %get3A_775 = vector.shape_cast %get3A_774 : vector<1x16xf32> to vector<16xf32>
      %add3A_776 = arith.addf %get3A_769, %get3A_775 : vector<16xf32>
      %swap3A_777 = arith.index_cast %scan3A_46 : i32 to index
      %swap3A_778 = arith.constant 720 : index
      %swap3A_779 = tpu.vector_load %arg7[%swap3A_777, %swap3A_778] {strides = array<i32>} : memref<32x1024xf32, #tpu.memory_space<vmem>>, vector<1x16xf32>,
      %swap3A_780 = vector.shape_cast %swap3A_779 : vector<1x16xf32> to vector<16xf32>
      %swap3A_781 = vector.shape_cast %add3A_776 : vector<16xf32> to vector<1x16xf32>
      tpu.vector_store %arg7[%swap3A_777, %swap3A_778], %swap3A_781 {add = true, strides = array<i32>} : memref<32x1024xf32, #tpu.memory_space<vmem>>, vector<1x16xf32>,
      %get3A_782 = arith.index_cast %scan3A_46 : i32 to index
      %get3A_783 = arith.constant 736 : index
      %get3A_784 = tpu.vector_load %arg8[%get3A_782, %get3A_783] {strides = array<i32>} : memref<64x1024xf32, #tpu.memory_space<vmem>>, vector<1x16xf32>,
      %get3A_785 = vector.shape_cast %get3A_784 : vector<1x16xf32> to vector<16xf32>
      %add3A_786 = arith.constant 32 : i32
      %add3A_787 = arith.addi %scan3A_46, %add3A_786 : i32
      %get3A_788 = arith.index_cast %add3A_787 : i32 to index
      %get3A_789 = arith.constant 736 : index
      %get3A_790 = tpu.vector_load %arg8[%get3A_788, %get3A_789] {strides = array<i32>} : memref<64x1024xf32, #tpu.memory_space<vmem>>, vector<1x16xf32>,
      %get3A_791 = vector.shape_cast %get3A_790 : vector<1x16xf32> to vector<16xf32>
      %add3A_792 = arith.addf %get3A_785, %get3A_791 : vector<16xf32>
      %swap3A_793 = arith.index_cast %scan3A_46 : i32 to index
      %swap3A_794 = arith.constant 736 : index
      %swap3A_795 = tpu.vector_load %arg7[%swap3A_793, %swap3A_794] {strides = array<i32>} : memref<32x1024xf32, #tpu.memory_space<vmem>>, vector<1x16xf32>,
      %swap3A_796 = vector.shape_cast %swap3A_795 : vector<1x16xf32> to vector<16xf32>
      %swap3A_797 = vector.shape_cast %add3A_792 : vector<16xf32> to vector<1x16xf32>
      tpu.vector_store %arg7[%swap3A_793, %swap3A_794], %swap3A_797 {add = true, strides = array<i32>} : memref<32x1024xf32, #tpu.memory_space<vmem>>, vector<1x16xf32>,
      %get3A_798 = arith.index_cast %scan3A_46 : i32 to index
      %get3A_799 = arith.constant 752 : index
      %get3A_800 = tpu.vector_load %arg8[%get3A_798, %get3A_799] {strides = array<i32>} : memref<64x1024xf32, #tpu.memory_space<vmem>>, vector<1x16xf32>,
      %get3A_801 = vector.shape_cast %get3A_800 : vector<1x16xf32> to vector<16xf32>
      %add3A_802 = arith.constant 32 : i32
      %add3A_803 = arith.addi %scan3A_46, %add3A_802 : i32
      %get3A_804 = arith.index_cast %add3A_803 : i32 to index
      %get3A_805 = arith.constant 752 : index
      %get3A_806 = tpu.vector_load %arg8[%get3A_804, %get3A_805] {strides = array<i32>} : memref<64x1024xf32, #tpu.memory_space<vmem>>, vector<1x16xf32>,
      %get3A_807 = vector.shape_cast %get3A_806 : vector<1x16xf32> to vector<16xf32>
      %add3A_808 = arith.addf %get3A_801, %get3A_807 : vector<16xf32>
      %swap3A_809 = arith.index_cast %scan3A_46 : i32 to index
      %swap3A_810 = arith.constant 752 : index
      %swap3A_811 = tpu.vector_load %arg7[%swap3A_809, %swap3A_810] {strides = array<i32>} : memref<32x1024xf32, #tpu.memory_space<vmem>>, vector<1x16xf32>,
      %swap3A_812 = vector.shape_cast %swap3A_811 : vector<1x16xf32> to vector<16xf32>
      %swap3A_813 = vector.shape_cast %add3A_808 : vector<16xf32> to vector<1x16xf32>
      tpu.vector_store %arg7[%swap3A_809, %swap3A_810], %swap3A_813 {add = true, strides = array<i32>} : memref<32x1024xf32, #tpu.memory_space<vmem>>, vector<1x16xf32>,
      %get3A_814 = arith.index_cast %scan3A_46 : i32 to index
      %get3A_815 = arith.constant 768 : index
      %get3A_816 = tpu.vector_load %arg8[%get3A_814, %get3A_815] {strides = array<i32>} : memref<64x1024xf32, #tpu.memory_space<vmem>>, vector<1x16xf32>,
      %get3A_817 = vector.shape_cast %get3A_816 : vector<1x16xf32> to vector<16xf32>
      %add3A_818 = arith.constant 32 : i32
      %add3A_819 = arith.addi %scan3A_46, %add3A_818 : i32
      %get3A_820 = arith.index_cast %add3A_819 : i32 to index
      %get3A_821 = arith.constant 768 : index
      %get3A_822 = tpu.vector_load %arg8[%get3A_820, %get3A_821] {strides = array<i32>} : memref<64x1024xf32, #tpu.memory_space<vmem>>, vector<1x16xf32>,
      %get3A_823 = vector.shape_cast %get3A_822 : vector<1x16xf32> to vector<16xf32>
      %add3A_824 = arith.addf %get3A_817, %get3A_823 : vector<16xf32>
      %swap3A_825 = arith.index_cast %scan3A_46 : i32 to index
      %swap3A_826 = arith.constant 768 : index
      %swap3A_827 = tpu.vector_load %arg7[%swap3A_825, %swap3A_826] {strides = array<i32>} : memref<32x1024xf32, #tpu.memory_space<vmem>>, vector<1x16xf32>,
      %swap3A_828 = vector.shape_cast %swap3A_827 : vector<1x16xf32> to vector<16xf32>
      %swap3A_829 = vector.shape_cast %add3A_824 : vector<16xf32> to vector<1x16xf32>
      tpu.vector_store %arg7[%swap3A_825, %swap3A_826], %swap3A_829 {add = true, strides = array<i32>} : memref<32x1024xf32, #tpu.memory_space<vmem>>, vector<1x16xf32>,
      %get3A_830 = arith.index_cast %scan3A_46 : i32 to index
      %get3A_831 = arith.constant 784 : index
      %get3A_832 = tpu.vector_load %arg8[%get3A_830, %get3A_831] {strides = array<i32>} : memref<64x1024xf32, #tpu.memory_space<vmem>>, vector<1x16xf32>,
      %get3A_833 = vector.shape_cast %get3A_832 : vector<1x16xf32> to vector<16xf32>
      %add3A_834 = arith.constant 32 : i32
      %add3A_835 = arith.addi %scan3A_46, %add3A_834 : i32
      %get3A_836 = arith.index_cast %add3A_835 : i32 to index
      %get3A_837 = arith.constant 784 : index
      %get3A_838 = tpu.vector_load %arg8[%get3A_836, %get3A_837] {strides = array<i32>} : memref<64x1024xf32, #tpu.memory_space<vmem>>, vector<1x16xf32>,
      %get3A_839 = vector.shape_cast %get3A_838 : vector<1x16xf32> to vector<16xf32>
      %add3A_840 = arith.addf %get3A_833, %get3A_839 : vector<16xf32>
      %swap3A_841 = arith.index_cast %scan3A_46 : i32 to index
      %swap3A_842 = arith.constant 784 : index
      %swap3A_843 = tpu.vector_load %arg7[%swap3A_841, %swap3A_842] {strides = array<i32>} : memref<32x1024xf32, #tpu.memory_space<vmem>>, vector<1x16xf32>,
      %swap3A_844 = vector.shape_cast %swap3A_843 : vector<1x16xf32> to vector<16xf32>
      %swap3A_845 = vector.shape_cast %add3A_840 : vector<16xf32> to vector<1x16xf32>
      tpu.vector_store %arg7[%swap3A_841, %swap3A_842], %swap3A_845 {add = true, strides = array<i32>} : memref<32x1024xf32, #tpu.memory_space<vmem>>, vector<1x16xf32>,
      %get3A_846 = arith.index_cast %scan3A_46 : i32 to index
      %get3A_847 = arith.constant 800 : index
      %get3A_848 = tpu.vector_load %arg8[%get3A_846, %get3A_847] {strides = array<i32>} : memref<64x1024xf32, #tpu.memory_space<vmem>>, vector<1x16xf32>,
      %get3A_849 = vector.shape_cast %get3A_848 : vector<1x16xf32> to vector<16xf32>
      %add3A_850 = arith.constant 32 : i32
      %add3A_851 = arith.addi %scan3A_46, %add3A_850 : i32
      %get3A_852 = arith.index_cast %add3A_851 : i32 to index
      %get3A_853 = arith.constant 800 : index
      %get3A_854 = tpu.vector_load %arg8[%get3A_852, %get3A_853] {strides = array<i32>} : memref<64x1024xf32, #tpu.memory_space<vmem>>, vector<1x16xf32>,
      %get3A_855 = vector.shape_cast %get3A_854 : vector<1x16xf32> to vector<16xf32>
      %add3A_856 = arith.addf %get3A_849, %get3A_855 : vector<16xf32>
      %swap3A_857 = arith.index_cast %scan3A_46 : i32 to index
      %swap3A_858 = arith.constant 800 : index
      %swap3A_859 = tpu.vector_load %arg7[%swap3A_857, %swap3A_858] {strides = array<i32>} : memref<32x1024xf32, #tpu.memory_space<vmem>>, vector<1x16xf32>,
      %swap3A_860 = vector.shape_cast %swap3A_859 : vector<1x16xf32> to vector<16xf32>
      %swap3A_861 = vector.shape_cast %add3A_856 : vector<16xf32> to vector<1x16xf32>
      tpu.vector_store %arg7[%swap3A_857, %swap3A_858], %swap3A_861 {add = true, strides = array<i32>} : memref<32x1024xf32, #tpu.memory_space<vmem>>, vector<1x16xf32>,
      %get3A_862 = arith.index_cast %scan3A_46 : i32 to index
      %get3A_863 = arith.constant 816 : index
      %get3A_864 = tpu.vector_load %arg8[%get3A_862, %get3A_863] {strides = array<i32>} : memref<64x1024xf32, #tpu.memory_space<vmem>>, vector<1x16xf32>,
      %get3A_865 = vector.shape_cast %get3A_864 : vector<1x16xf32> to vector<16xf32>
      %add3A_866 = arith.constant 32 : i32
      %add3A_867 = arith.addi %scan3A_46, %add3A_866 : i32
      %get3A_868 = arith.index_cast %add3A_867 : i32 to index
      %get3A_869 = arith.constant 816 : index
      %get3A_870 = tpu.vector_load %arg8[%get3A_868, %get3A_869] {strides = array<i32>} : memref<64x1024xf32, #tpu.memory_space<vmem>>, vector<1x16xf32>,
      %get3A_871 = vector.shape_cast %get3A_870 : vector<1x16xf32> to vector<16xf32>
      %add3A_872 = arith.addf %get3A_865, %get3A_871 : vector<16xf32>
      %swap3A_873 = arith.index_cast %scan3A_46 : i32 to index
      %swap3A_874 = arith.constant 816 : index
      %swap3A_875 = tpu.vector_load %arg7[%swap3A_873, %swap3A_874] {strides = array<i32>} : memref<32x1024xf32, #tpu.memory_space<vmem>>, vector<1x16xf32>,
      %swap3A_876 = vector.shape_cast %swap3A_875 : vector<1x16xf32> to vector<16xf32>
      %swap3A_877 = vector.shape_cast %add3A_872 : vector<16xf32> to vector<1x16xf32>
      tpu.vector_store %arg7[%swap3A_873, %swap3A_874], %swap3A_877 {add = true, strides = array<i32>} : memref<32x1024xf32, #tpu.memory_space<vmem>>, vector<1x16xf32>,
      %get3A_878 = arith.index_cast %scan3A_46 : i32 to index
      %get3A_879 = arith.constant 832 : index
      %get3A_880 = tpu.vector_load %arg8[%get3A_878, %get3A_879] {strides = array<i32>} : memref<64x1024xf32, #tpu.memory_space<vmem>>, vector<1x16xf32>,
      %get3A_881 = vector.shape_cast %get3A_880 : vector<1x16xf32> to vector<16xf32>
      %add3A_882 = arith.constant 32 : i32
      %add3A_883 = arith.addi %scan3A_46, %add3A_882 : i32
      %get3A_884 = arith.index_cast %add3A_883 : i32 to index
      %get3A_885 = arith.constant 832 : index
      %get3A_886 = tpu.vector_load %arg8[%get3A_884, %get3A_885] {strides = array<i32>} : memref<64x1024xf32, #tpu.memory_space<vmem>>, vector<1x16xf32>,
      %get3A_887 = vector.shape_cast %get3A_886 : vector<1x16xf32> to vector<16xf32>
      %add3A_888 = arith.addf %get3A_881, %get3A_887 : vector<16xf32>
      %swap3A_889 = arith.index_cast %scan3A_46 : i32 to index
      %swap3A_890 = arith.constant 832 : index
      %swap3A_891 = tpu.vector_load %arg7[%swap3A_889, %swap3A_890] {strides = array<i32>} : memref<32x1024xf32, #tpu.memory_space<vmem>>, vector<1x16xf32>,
      %swap3A_892 = vector.shape_cast %swap3A_891 : vector<1x16xf32> to vector<16xf32>
      %swap3A_893 = vector.shape_cast %add3A_888 : vector<16xf32> to vector<1x16xf32>
      tpu.vector_store %arg7[%swap3A_889, %swap3A_890], %swap3A_893 {add = true, strides = array<i32>} : memref<32x1024xf32, #tpu.memory_space<vmem>>, vector<1x16xf32>,
      %get3A_894 = arith.index_cast %scan3A_46 : i32 to index
      %get3A_895 = arith.constant 848 : index
      %get3A_896 = tpu.vector_load %arg8[%get3A_894, %get3A_895] {strides = array<i32>} : memref<64x1024xf32, #tpu.memory_space<vmem>>, vector<1x16xf32>,
      %get3A_897 = vector.shape_cast %get3A_896 : vector<1x16xf32> to vector<16xf32>
      %add3A_898 = arith.constant 32 : i32
      %add3A_899 = arith.addi %scan3A_46, %add3A_898 : i32
      %get3A_900 = arith.index_cast %add3A_899 : i32 to index
      %get3A_901 = arith.constant 848 : index
      %get3A_902 = tpu.vector_load %arg8[%get3A_900, %get3A_901] {strides = array<i32>} : memref<64x1024xf32, #tpu.memory_space<vmem>>, vector<1x16xf32>,
      %get3A_903 = vector.shape_cast %get3A_902 : vector<1x16xf32> to vector<16xf32>
      %add3A_904 = arith.addf %get3A_897, %get3A_903 : vector<16xf32>
      %swap3A_905 = arith.index_cast %scan3A_46 : i32 to index
      %swap3A_906 = arith.constant 848 : index
      %swap3A_907 = tpu.vector_load %arg7[%swap3A_905, %swap3A_906] {strides = array<i32>} : memref<32x1024xf32, #tpu.memory_space<vmem>>, vector<1x16xf32>,
      %swap3A_908 = vector.shape_cast %swap3A_907 : vector<1x16xf32> to vector<16xf32>
      %swap3A_909 = vector.shape_cast %add3A_904 : vector<16xf32> to vector<1x16xf32>
      tpu.vector_store %arg7[%swap3A_905, %swap3A_906], %swap3A_909 {add = true, strides = array<i32>} : memref<32x1024xf32, #tpu.memory_space<vmem>>, vector<1x16xf32>,
      %get3A_910 = arith.index_cast %scan3A_46 : i32 to index
      %get3A_911 = arith.constant 864 : index
      %get3A_912 = tpu.vector_load %arg8[%get3A_910, %get3A_911] {strides = array<i32>} : memref<64x1024xf32, #tpu.memory_space<vmem>>, vector<1x16xf32>,
      %get3A_913 = vector.shape_cast %get3A_912 : vector<1x16xf32> to vector<16xf32>
      %add3A_914 = arith.constant 32 : i32
      %add3A_915 = arith.addi %scan3A_46, %add3A_914 : i32
      %get3A_916 = arith.index_cast %add3A_915 : i32 to index
      %get3A_917 = arith.constant 864 : index
      %get3A_918 = tpu.vector_load %arg8[%get3A_916, %get3A_917] {strides = array<i32>} : memref<64x1024xf32, #tpu.memory_space<vmem>>, vector<1x16xf32>,
      %get3A_919 = vector.shape_cast %get3A_918 : vector<1x16xf32> to vector<16xf32>
      %add3A_920 = arith.addf %get3A_913, %get3A_919 : vector<16xf32>
      %swap3A_921 = arith.index_cast %scan3A_46 : i32 to index
      %swap3A_922 = arith.constant 864 : index
      %swap3A_923 = tpu.vector_load %arg7[%swap3A_921, %swap3A_922] {strides = array<i32>} : memref<32x1024xf32, #tpu.memory_space<vmem>>, vector<1x16xf32>,
      %swap3A_924 = vector.shape_cast %swap3A_923 : vector<1x16xf32> to vector<16xf32>
      %swap3A_925 = vector.shape_cast %add3A_920 : vector<16xf32> to vector<1x16xf32>
      tpu.vector_store %arg7[%swap3A_921, %swap3A_922], %swap3A_925 {add = true, strides = array<i32>} : memref<32x1024xf32, #tpu.memory_space<vmem>>, vector<1x16xf32>,
      %get3A_926 = arith.index_cast %scan3A_46 : i32 to index
      %get3A_927 = arith.constant 880 : index
      %get3A_928 = tpu.vector_load %arg8[%get3A_926, %get3A_927] {strides = array<i32>} : memref<64x1024xf32, #tpu.memory_space<vmem>>, vector<1x16xf32>,
      %get3A_929 = vector.shape_cast %get3A_928 : vector<1x16xf32> to vector<16xf32>
      %add3A_930 = arith.constant 32 : i32
      %add3A_931 = arith.addi %scan3A_46, %add3A_930 : i32
      %get3A_932 = arith.index_cast %add3A_931 : i32 to index
      %get3A_933 = arith.constant 880 : index
      %get3A_934 = tpu.vector_load %arg8[%get3A_932, %get3A_933] {strides = array<i32>} : memref<64x1024xf32, #tpu.memory_space<vmem>>, vector<1x16xf32>,
      %get3A_935 = vector.shape_cast %get3A_934 : vector<1x16xf32> to vector<16xf32>
      %add3A_936 = arith.addf %get3A_929, %get3A_935 : vector<16xf32>
      %swap3A_937 = arith.index_cast %scan3A_46 : i32 to index
      %swap3A_938 = arith.constant 880 : index
      %swap3A_939 = tpu.vector_load %arg7[%swap3A_937, %swap3A_938] {strides = array<i32>} : memref<32x1024xf32, #tpu.memory_space<vmem>>, vector<1x16xf32>,
      %swap3A_940 = vector.shape_cast %swap3A_939 : vector<1x16xf32> to vector<16xf32>
      %swap3A_941 = vector.shape_cast %add3A_936 : vector<16xf32> to vector<1x16xf32>
      tpu.vector_store %arg7[%swap3A_937, %swap3A_938], %swap3A_941 {add = true, strides = array<i32>} : memref<32x1024xf32, #tpu.memory_space<vmem>>, vector<1x16xf32>,
      %get3A_942 = arith.index_cast %scan3A_46 : i32 to index
      %get3A_943 = arith.constant 896 : index
      %get3A_944 = tpu.vector_load %arg8[%get3A_942, %get3A_943] {strides = array<i32>} : memref<64x1024xf32, #tpu.memory_space<vmem>>, vector<1x16xf32>,
      %get3A_945 = vector.shape_cast %get3A_944 : vector<1x16xf32> to vector<16xf32>
      %add3A_946 = arith.constant 32 : i32
      %add3A_947 = arith.addi %scan3A_46, %add3A_946 : i32
      %get3A_948 = arith.index_cast %add3A_947 : i32 to index
      %get3A_949 = arith.constant 896 : index
      %get3A_950 = tpu.vector_load %arg8[%get3A_948, %get3A_949] {strides = array<i32>} : memref<64x1024xf32, #tpu.memory_space<vmem>>, vector<1x16xf32>,
      %get3A_951 = vector.shape_cast %get3A_950 : vector<1x16xf32> to vector<16xf32>
      %add3A_952 = arith.addf %get3A_945, %get3A_951 : vector<16xf32>
      %swap3A_953 = arith.index_cast %scan3A_46 : i32 to index
      %swap3A_954 = arith.constant 896 : index
      %swap3A_955 = tpu.vector_load %arg7[%swap3A_953, %swap3A_954] {strides = array<i32>} : memref<32x1024xf32, #tpu.memory_space<vmem>>, vector<1x16xf32>,
      %swap3A_956 = vector.shape_cast %swap3A_955 : vector<1x16xf32> to vector<16xf32>
      %swap3A_957 = vector.shape_cast %add3A_952 : vector<16xf32> to vector<1x16xf32>
      tpu.vector_store %arg7[%swap3A_953, %swap3A_954], %swap3A_957 {add = true, strides = array<i32>} : memref<32x1024xf32, #tpu.memory_space<vmem>>, vector<1x16xf32>,
      %get3A_958 = arith.index_cast %scan3A_46 : i32 to index
      %get3A_959 = arith.constant 912 : index
      %get3A_960 = tpu.vector_load %arg8[%get3A_958, %get3A_959] {strides = array<i32>} : memref<64x1024xf32, #tpu.memory_space<vmem>>, vector<1x16xf32>,
      %get3A_961 = vector.shape_cast %get3A_960 : vector<1x16xf32> to vector<16xf32>
      %add3A_962 = arith.constant 32 : i32
      %add3A_963 = arith.addi %scan3A_46, %add3A_962 : i32
      %get3A_964 = arith.index_cast %add3A_963 : i32 to index
      %get3A_965 = arith.constant 912 : index
      %get3A_966 = tpu.vector_load %arg8[%get3A_964, %get3A_965] {strides = array<i32>} : memref<64x1024xf32, #tpu.memory_space<vmem>>, vector<1x16xf32>,
      %get3A_967 = vector.shape_cast %get3A_966 : vector<1x16xf32> to vector<16xf32>
      %add3A_968 = arith.addf %get3A_961, %get3A_967 : vector<16xf32>
      %swap3A_969 = arith.index_cast %scan3A_46 : i32 to index
      %swap3A_970 = arith.constant 912 : index
      %swap3A_971 = tpu.vector_load %arg7[%swap3A_969, %swap3A_970] {strides = array<i32>} : memref<32x1024xf32, #tpu.memory_space<vmem>>, vector<1x16xf32>,
      %swap3A_972 = vector.shape_cast %swap3A_971 : vector<1x16xf32> to vector<16xf32>
      %swap3A_973 = vector.shape_cast %add3A_968 : vector<16xf32> to vector<1x16xf32>
      tpu.vector_store %arg7[%swap3A_969, %swap3A_970], %swap3A_973 {add = true, strides = array<i32>} : memref<32x1024xf32, #tpu.memory_space<vmem>>, vector<1x16xf32>,
      %get3A_974 = arith.index_cast %scan3A_46 : i32 to index
      %get3A_975 = arith.constant 928 : index
      %get3A_976 = tpu.vector_load %arg8[%get3A_974, %get3A_975] {strides = array<i32>} : memref<64x1024xf32, #tpu.memory_space<vmem>>, vector<1x16xf32>,
      %get3A_977 = vector.shape_cast %get3A_976 : vector<1x16xf32> to vector<16xf32>
      %add3A_978 = arith.constant 32 : i32
      %add3A_979 = arith.addi %scan3A_46, %add3A_978 : i32
      %get3A_980 = arith.index_cast %add3A_979 : i32 to index
      %get3A_981 = arith.constant 928 : index
      %get3A_982 = tpu.vector_load %arg8[%get3A_980, %get3A_981] {strides = array<i32>} : memref<64x1024xf32, #tpu.memory_space<vmem>>, vector<1x16xf32>,
      %get3A_983 = vector.shape_cast %get3A_982 : vector<1x16xf32> to vector<16xf32>
      %add3A_984 = arith.addf %get3A_977, %get3A_983 : vector<16xf32>
      %swap3A_985 = arith.index_cast %scan3A_46 : i32 to index
      %swap3A_986 = arith.constant 928 : index
      %swap3A_987 = tpu.vector_load %arg7[%swap3A_985, %swap3A_986] {strides = array<i32>} : memref<32x1024xf32, #tpu.memory_space<vmem>>, vector<1x16xf32>,
      %swap3A_988 = vector.shape_cast %swap3A_987 : vector<1x16xf32> to vector<16xf32>
      %swap3A_989 = vector.shape_cast %add3A_984 : vector<16xf32> to vector<1x16xf32>
      tpu.vector_store %arg7[%swap3A_985, %swap3A_986], %swap3A_989 {add = true, strides = array<i32>} : memref<32x1024xf32, #tpu.memory_space<vmem>>, vector<1x16xf32>,
      %get3A_990 = arith.index_cast %scan3A_46 : i32 to index
      %get3A_991 = arith.constant 944 : index
      %get3A_992 = tpu.vector_load %arg8[%get3A_990, %get3A_991] {strides = array<i32>} : memref<64x1024xf32, #tpu.memory_space<vmem>>, vector<1x16xf32>,
      %get3A_993 = vector.shape_cast %get3A_992 : vector<1x16xf32> to vector<16xf32>
      %add3A_994 = arith.constant 32 : i32
      %add3A_995 = arith.addi %scan3A_46, %add3A_994 : i32
      %get3A_996 = arith.index_cast %add3A_995 : i32 to index
      %get3A_997 = arith.constant 944 : index
      %get3A_998 = tpu.vector_load %arg8[%get3A_996, %get3A_997] {strides = array<i32>} : memref<64x1024xf32, #tpu.memory_space<vmem>>, vector<1x16xf32>,
      %get3A_999 = vector.shape_cast %get3A_998 : vector<1x16xf32> to vector<16xf32>
      %add3A_1000 = arith.addf %get3A_993, %get3A_999 : vector<16xf32>
      %swap3A_1001 = arith.index_cast %scan3A_46 : i32 to index
      %swap3A_1002 = arith.constant 944 : index
      %swap3A_1003 = tpu.vector_load %arg7[%swap3A_1001, %swap3A_1002] {strides = array<i32>} : memref<32x1024xf32, #tpu.memory_space<vmem>>, vector<1x16xf32>,
      %swap3A_1004 = vector.shape_cast %swap3A_1003 : vector<1x16xf32> to vector<16xf32>
      %swap3A_1005 = vector.shape_cast %add3A_1000 : vector<16xf32> to vector<1x16xf32>
      tpu.vector_store %arg7[%swap3A_1001, %swap3A_1002], %swap3A_1005 {add = true, strides = array<i32>} : memref<32x1024xf32, #tpu.memory_space<vmem>>, vector<1x16xf32>,
      %get3A_1006 = arith.index_cast %scan3A_46 : i32 to index
      %get3A_1007 = arith.constant 960 : index
      %get3A_1008 = tpu.vector_load %arg8[%get3A_1006, %get3A_1007] {strides = array<i32>} : memref<64x1024xf32, #tpu.memory_space<vmem>>, vector<1x16xf32>,
      %get3A_1009 = vector.shape_cast %get3A_1008 : vector<1x16xf32> to vector<16xf32>
      %add3A_1010 = arith.constant 32 : i32
      %add3A_1011 = arith.addi %scan3A_46, %add3A_1010 : i32
      %get3A_1012 = arith.index_cast %add3A_1011 : i32 to index
      %get3A_1013 = arith.constant 960 : index
      %get3A_1014 = tpu.vector_load %arg8[%get3A_1012, %get3A_1013] {strides = array<i32>} : memref<64x1024xf32, #tpu.memory_space<vmem>>, vector<1x16xf32>,
      %get3A_1015 = vector.shape_cast %get3A_1014 : vector<1x16xf32> to vector<16xf32>
      %add3A_1016 = arith.addf %get3A_1009, %get3A_1015 : vector<16xf32>
      %swap3A_1017 = arith.index_cast %scan3A_46 : i32 to index
      %swap3A_1018 = arith.constant 960 : index
      %swap3A_1019 = tpu.vector_load %arg7[%swap3A_1017, %swap3A_1018] {strides = array<i32>} : memref<32x1024xf32, #tpu.memory_space<vmem>>, vector<1x16xf32>,
      %swap3A_1020 = vector.shape_cast %swap3A_1019 : vector<1x16xf32> to vector<16xf32>
      %swap3A_1021 = vector.shape_cast %add3A_1016 : vector<16xf32> to vector<1x16xf32>
      tpu.vector_store %arg7[%swap3A_1017, %swap3A_1018], %swap3A_1021 {add = true, strides = array<i32>} : memref<32x1024xf32, #tpu.memory_space<vmem>>, vector<1x16xf32>,
      %get3A_1022 = arith.index_cast %scan3A_46 : i32 to index
      %get3A_1023 = arith.constant 976 : index
      %get3A_1024 = tpu.vector_load %arg8[%get3A_1022, %get3A_1023] {strides = array<i32>} : memref<64x1024xf32, #tpu.memory_space<vmem>>, vector<1x16xf32>,
      %get3A_1025 = vector.shape_cast %get3A_1024 : vector<1x16xf32> to vector<16xf32>
      %add3A_1026 = arith.constant 32 : i32
      %add3A_1027 = arith.addi %scan3A_46, %add3A_1026 : i32
      %get3A_1028 = arith.index_cast %add3A_1027 : i32 to index
      %get3A_1029 = arith.constant 976 : index
      %get3A_1030 = tpu.vector_load %arg8[%get3A_1028, %get3A_1029] {strides = array<i32>} : memref<64x1024xf32, #tpu.memory_space<vmem>>, vector<1x16xf32>,
      %get3A_1031 = vector.shape_cast %get3A_1030 : vector<1x16xf32> to vector<16xf32>
      %add3A_1032 = arith.addf %get3A_1025, %get3A_1031 : vector<16xf32>
      %swap3A_1033 = arith.index_cast %scan3A_46 : i32 to index
      %swap3A_1034 = arith.constant 976 : index
      %swap3A_1035 = tpu.vector_load %arg7[%swap3A_1033, %swap3A_1034] {strides = array<i32>} : memref<32x1024xf32, #tpu.memory_space<vmem>>, vector<1x16xf32>,
      %swap3A_1036 = vector.shape_cast %swap3A_1035 : vector<1x16xf32> to vector<16xf32>
      %swap3A_1037 = vector.shape_cast %add3A_1032 : vector<16xf32> to vector<1x16xf32>
      tpu.vector_store %arg7[%swap3A_1033, %swap3A_1034], %swap3A_1037 {add = true, strides = array<i32>} : memref<32x1024xf32, #tpu.memory_space<vmem>>, vector<1x16xf32>,
      %get3A_1038 = arith.index_cast %scan3A_46 : i32 to index
      %get3A_1039 = arith.constant 992 : index
      %get3A_1040 = tpu.vector_load %arg8[%get3A_1038, %get3A_1039] {strides = array<i32>} : memref<64x1024xf32, #tpu.memory_space<vmem>>, vector<1x16xf32>,
      %get3A_1041 = vector.shape_cast %get3A_1040 : vector<1x16xf32> to vector<16xf32>
      %add3A_1042 = arith.constant 32 : i32
      %add3A_1043 = arith.addi %scan3A_46, %add3A_1042 : i32
      %get3A_1044 = arith.index_cast %add3A_1043 : i32 to index
      %get3A_1045 = arith.constant 992 : index
      %get3A_1046 = tpu.vector_load %arg8[%get3A_1044, %get3A_1045] {strides = array<i32>} : memref<64x1024xf32, #tpu.memory_space<vmem>>, vector<1x16xf32>,
      %get3A_1047 = vector.shape_cast %get3A_1046 : vector<1x16xf32> to vector<16xf32>
      %add3A_1048 = arith.addf %get3A_1041, %get3A_1047 : vector<16xf32>
      %swap3A_1049 = arith.index_cast %scan3A_46 : i32 to index
      %swap3A_1050 = arith.constant 992 : index
      %swap3A_1051 = tpu.vector_load %arg7[%swap3A_1049, %swap3A_1050] {strides = array<i32>} : memref<32x1024xf32, #tpu.memory_space<vmem>>, vector<1x16xf32>,
      %swap3A_1052 = vector.shape_cast %swap3A_1051 : vector<1x16xf32> to vector<16xf32>
      %swap3A_1053 = vector.shape_cast %add3A_1048 : vector<16xf32> to vector<1x16xf32>
      tpu.vector_store %arg7[%swap3A_1049, %swap3A_1050], %swap3A_1053 {add = true, strides = array<i32>} : memref<32x1024xf32, #tpu.memory_space<vmem>>, vector<1x16xf32>,
      %get3A_1054 = arith.index_cast %scan3A_46 : i32 to index
      %get3A_1055 = arith.constant 1008 : index
      %get3A_1056 = tpu.vector_load %arg8[%get3A_1054, %get3A_1055] {strides = array<i32>} : memref<64x1024xf32, #tpu.memory_space<vmem>>, vector<1x16xf32>,
      %get3A_1057 = vector.shape_cast %get3A_1056 : vector<1x16xf32> to vector<16xf32>
      %add3A_1058 = arith.constant 32 : i32
      %add3A_1059 = arith.addi %scan3A_46, %add3A_1058 : i32
      %get3A_1060 = arith.index_cast %add3A_1059 : i32 to index
      %get3A_1061 = arith.constant 1008 : index
      %get3A_1062 = tpu.vector_load %arg8[%get3A_1060, %get3A_1061] {strides = array<i32>} : memref<64x1024xf32, #tpu.memory_space<vmem>>, vector<1x16xf32>,
      %get3A_1063 = vector.shape_cast %get3A_1062 : vector<1x16xf32> to vector<16xf32>
      %add3A_1064 = arith.addf %get3A_1057, %get3A_1063 : vector<16xf32>
      %swap3A_1065 = arith.index_cast %scan3A_46 : i32 to index
      %swap3A_1066 = arith.constant 1008 : index
      %swap3A_1067 = tpu.vector_load %arg7[%swap3A_1065, %swap3A_1066] {strides = array<i32>} : memref<32x1024xf32, #tpu.memory_space<vmem>>, vector<1x16xf32>,
      %swap3A_1068 = vector.shape_cast %swap3A_1067 : vector<1x16xf32> to vector<16xf32>
      %swap3A_1069 = vector.shape_cast %add3A_1064 : vector<16xf32> to vector<1x16xf32>
      tpu.vector_store %arg7[%swap3A_1065, %swap3A_1066], %swap3A_1069 {add = true, strides = array<i32>} : memref<32x1024xf32, #tpu.memory_space<vmem>>, vector<1x16xf32>,
      %scan3A_1070 = arith.constant 0 : i32
      scf.yield %scan3A_1070 : i32
    }
    %scan3A_22 = arith.constant 32 : i32
    "tpu.region"() ({
      %run_scoped3A = tpu.sem_alloc : memref<!tpu.dma_semaphore, #tpu.memory_space<semaphore_mem>>
      %dma_start3A_46 = arith.constant 0 : i32
      %dma_start3A_47 = tpu.memref_slice %arg5[%add3A_4, %dma_start3A_46] : memref<2048x1024xf32, #tpu.memory_space<hbm>> -> memref<32x1024xf32, #tpu.memory_space<hbm>>
      %dma_start3A_48 = arith.constant 0 : i32
      %dma_start3A_49 = tpu.memref_slice %arg5[%add3A_4, %dma_start3A_48] : memref<2048x1024xf32, #tpu.memory_space<hbm>> -> memref<32x1024xf32, #tpu.memory_space<hbm>>
      tpu.enqueue_dma source(%arg7 : memref<32x1024xf32, #tpu.memory_space<vmem>>) target(%dma_start3A_49 : memref<32x1024xf32, #tpu.memory_space<hbm>>) target_semaphore(%run_scoped3A : memref<!tpu.dma_semaphore, #tpu.memory_space<semaphore_mem>>)
      %dma_wait3A_50 = arith.constant 0 : i32
      %dma_wait3A_51 = tpu.memref_slice %arg5[%add3A_4, %dma_wait3A_50] : memref<2048x1024xf32, #tpu.memory_space<hbm>> -> memref<32x1024xf32, #tpu.memory_space<hbm>>
      %dma_wait3A_52 = arith.constant 0 : i32
      %dma_wait3A_53 = tpu.memref_slice %arg5[%add3A_4, %dma_wait3A_52] : memref<2048x1024xf32, #tpu.memory_space<hbm>> -> memref<32x1024xf32, #tpu.memory_space<hbm>>
      tpu.wait_dma2 semaphore(%run_scoped3A : memref<!tpu.dma_semaphore, #tpu.memory_space<semaphore_mem>>) src(%arg7 : memref<32x1024xf32, #tpu.memory_space<vmem>>) dst(%dma_wait3A_53 : memref<32x1024xf32, #tpu.memory_space<hbm>>)
      tpu.yield
    }) : () -> ()
    %add3A_23 = arith.constant 32 : i32
    %add3A_24 = arith.addi %mul3A_2, %add3A_23 : i32
    %dma_start3A_25 = arith.constant 1 : i32
    %dma_start3A_26 = arith.constant 0 : i32
    %dma_start3A_27 = tpu.memref_slice %arg6[%dma_start3A_25, %dma_start3A_26] : memref<2x64xi32, #tpu.memory_space<vmem>> -> memref<1x64xi32, #tpu.memory_space<vmem>>
    %dma_start3A_28 = tpu.memref_squeeze %dma_start3A_27 : memref<1x64xi32, #tpu.memory_space<vmem>> -> memref<64xi32, #tpu.memory_space<vmem>>
    %dma_start3A_29 = arith.constant 0 : i32
    %dma_start3A_30 = arith.constant 0 : i32
    %dma_start3A_31 = tpu.memref_slice %arg2[%dma_start3A_29, %dma_start3A_30] : memref<6144x1024xf32, #tpu.memory_space<hbm>> -> memref<6144x1024xf32, #tpu.memory_space<hbm>>
    tpu.enqueue_indirect_dma source(%dma_start3A_31 : memref<6144x1024xf32, #tpu.memory_space<hbm>>) target(%arg8 : memref<64x1024xf32, #tpu.memory_space<vmem>>) offsets(%dma_start3A_28 : memref<64xi32, #tpu.memory_space<vmem>>) semaphore(%arg9 : memref<!tpu.dma_semaphore, #tpu.memory_space<semaphore_mem>>)
    "tpu.region"() ({
      %run_scoped3A = tpu.sem_alloc : memref<!tpu.dma_semaphore, #tpu.memory_space<semaphore_mem>>
      %dma_start3A_46 = arith.constant 0 : i32
      %dma_start3A_47 = tpu.memref_slice %arg3[%add3A_24, %dma_start3A_46] : memref<2048x1024xf32, #tpu.memory_space<hbm>> -> memref<32x1024xf32, #tpu.memory_space<hbm>>
      %dma_start3A_48 = arith.constant 0 : i32
      %dma_start3A_49 = tpu.memref_slice %arg3[%add3A_24, %dma_start3A_48] : memref<2048x1024xf32, #tpu.memory_space<hbm>> -> memref<32x1024xf32, #tpu.memory_space<hbm>>
      tpu.enqueue_dma source(%dma_start3A_49 : memref<32x1024xf32, #tpu.memory_space<hbm>>) target(%arg7 : memref<32x1024xf32, #tpu.memory_space<vmem>>) target_semaphore(%run_scoped3A : memref<!tpu.dma_semaphore, #tpu.memory_space<semaphore_mem>>)
      %dma_wait3A_50 = arith.constant 0 : i32
      %dma_wait3A_51 = tpu.memref_slice %arg3[%add3A_24, %dma_wait3A_50] : memref<2048x1024xf32, #tpu.memory_space<hbm>> -> memref<32x1024xf32, #tpu.memory_space<hbm>>
      %dma_wait3A_52 = arith.constant 0 : i32
      %dma_wait3A_53 = tpu.memref_slice %arg3[%add3A_24, %dma_wait3A_52] : memref<2048x1024xf32, #tpu.memory_space<hbm>> -> memref<32x1024xf32, #tpu.memory_space<hbm>>
      tpu.wait_dma2 semaphore(%run_scoped3A : memref<!tpu.dma_semaphore, #tpu.memory_space<semaphore_mem>>) src(%dma_wait3A_53 : memref<32x1024xf32, #tpu.memory_space<hbm>>) dst(%arg7 : memref<32x1024xf32, #tpu.memory_space<vmem>>)
      tpu.yield
    }) : () -> ()
    %dma_wait3A_32 = arith.constant 1 : i32
    %dma_wait3A_33 = arith.constant 0 : i32
    %dma_wait3A_34 = tpu.memref_slice %arg6[%dma_wait3A_32, %dma_wait3A_33] : memref<2x64xi32, #tpu.memory_space<vmem>> -> memref<1x64xi32, #tpu.memory_space<vmem>>
    %dma_wait3A_35 = tpu.memref_squeeze %dma_wait3A_34 : memref<1x64xi32, #tpu.memory_space<vmem>> -> memref<64xi32, #tpu.memory_space<vmem>>
    %dma_wait3A_36 = arith.constant 0 : i32
    %dma_wait3A_37 = arith.constant 0 : i32
    %dma_wait3A_38 = tpu.memref_slice %arg2[%dma_wait3A_36, %dma_wait3A_37] : memref<6144x1024xf32, #tpu.memory_space<hbm>> -> memref<6144x1024xf32, #tpu.memory_space<hbm>>
    tpu.wait_indirect_dma semaphore(%arg9 : memref<!tpu.dma_semaphore, #tpu.memory_space<semaphore_mem>>) src(%dma_wait3A_38 : memref<6144x1024xf32, #tpu.memory_space<hbm>>) dst(%arg8 : memref<64x1024xf32, #tpu.memory_space<vmem>>)
    %scan3A_39 = arith.constant 0 : i32
    %scan3A_40 = arith.constant 0 : i32
    %scan3A_41 = arith.constant 32 : i32
    %scan3A_42 = arith.addi %scan3A_40, %scan3A_41 : i32
    %scan3A_43 = arith.constant 1 : i32
    %scan3A_44 = scf.for %scan3A_46 = %scan3A_40 to %scan3A_42 step %scan3A_43 iter_args(%scan3A_47 = %scan3A_39) -> (i32)  : i32 {
      %get3A = arith.index_cast %scan3A_46 : i32 to index
      %get3A_48 = arith.constant 0 : index
      %get3A_49 = tpu.vector_load %arg8[%get3A, %get3A_48] {strides = array<i32>} : memref<64x1024xf32, #tpu.memory_space<vmem>>, vector<1x16xf32>,
      %get3A_50 = vector.shape_cast %get3A_49 : vector<1x16xf32> to vector<16xf32>
      %add3A_51 = arith.constant 32 : i32
      %add3A_52 = arith.addi %scan3A_46, %add3A_51 : i32
      %get3A_53 = arith.index_cast %add3A_52 : i32 to index
      %get3A_54 = arith.constant 0 : index
      %get3A_55 = tpu.vector_load %arg8[%get3A_53, %get3A_54] {strides = array<i32>} : memref<64x1024xf32, #tpu.memory_space<vmem>>, vector<1x16xf32>,
      %get3A_56 = vector.shape_cast %get3A_55 : vector<1x16xf32> to vector<16xf32>
      %add3A_57 = arith.addf %get3A_50, %get3A_56 : vector<16xf32>
      %swap3A = arith.index_cast %scan3A_46 : i32 to index
      %swap3A_58 = arith.constant 0 : index
      %swap3A_59 = tpu.vector_load %arg7[%swap3A, %swap3A_58] {strides = array<i32>} : memref<32x1024xf32, #tpu.memory_space<vmem>>, vector<1x16xf32>,
      %swap3A_60 = vector.shape_cast %swap3A_59 : vector<1x16xf32> to vector<16xf32>
      %swap3A_61 = vector.shape_cast %add3A_57 : vector<16xf32> to vector<1x16xf32>
      tpu.vector_store %arg7[%swap3A, %swap3A_58], %swap3A_61 {add = true, strides = array<i32>} : memref<32x1024xf32, #tpu.memory_space<vmem>>, vector<1x16xf32>,
      %get3A_62 = arith.index_cast %scan3A_46 : i32 to index
      %get3A_63 = arith.constant 16 : index
      %get3A_64 = tpu.vector_load %arg8[%get3A_62, %get3A_63] {strides = array<i32>} : memref<64x1024xf32, #tpu.memory_space<vmem>>, vector<1x16xf32>,
      %get3A_65 = vector.shape_cast %get3A_64 : vector<1x16xf32> to vector<16xf32>
      %add3A_66 = arith.constant 32 : i32
      %add3A_67 = arith.addi %scan3A_46, %add3A_66 : i32
      %get3A_68 = arith.index_cast %add3A_67 : i32 to index
      %get3A_69 = arith.constant 16 : index
      %get3A_70 = tpu.vector_load %arg8[%get3A_68, %get3A_69] {strides = array<i32>} : memref<64x1024xf32, #tpu.memory_space<vmem>>, vector<1x16xf32>,
      %get3A_71 = vector.shape_cast %get3A_70 : vector<1x16xf32> to vector<16xf32>
      %add3A_72 = arith.addf %get3A_65, %get3A_71 : vector<16xf32>
      %swap3A_73 = arith.index_cast %scan3A_46 : i32 to index
      %swap3A_74 = arith.constant 16 : index
      %swap3A_75 = tpu.vector_load %arg7[%swap3A_73, %swap3A_74] {strides = array<i32>} : memref<32x1024xf32, #tpu.memory_space<vmem>>, vector<1x16xf32>,
      %swap3A_76 = vector.shape_cast %swap3A_75 : vector<1x16xf32> to vector<16xf32>
      %swap3A_77 = vector.shape_cast %add3A_72 : vector<16xf32> to vector<1x16xf32>
      tpu.vector_store %arg7[%swap3A_73, %swap3A_74], %swap3A_77 {add = true, strides = array<i32>} : memref<32x1024xf32, #tpu.memory_space<vmem>>, vector<1x16xf32>,
      %get3A_78 = arith.index_cast %scan3A_46 : i32 to index
      %get3A_79 = arith.constant 32 : index
      %get3A_80 = tpu.vector_load %arg8[%get3A_78, %get3A_79] {strides = array<i32>} : memref<64x1024xf32, #tpu.memory_space<vmem>>, vector<1x16xf32>,
      %get3A_81 = vector.shape_cast %get3A_80 : vector<1x16xf32> to vector<16xf32>
      %add3A_82 = arith.constant 32 : i32
      %add3A_83 = arith.addi %scan3A_46, %add3A_82 : i32
      %get3A_84 = arith.index_cast %add3A_83 : i32 to index
      %get3A_85 = arith.constant 32 : index
      %get3A_86 = tpu.vector_load %arg8[%get3A_84, %get3A_85] {strides = array<i32>} : memref<64x1024xf32, #tpu.memory_space<vmem>>, vector<1x16xf32>,
      %get3A_87 = vector.shape_cast %get3A_86 : vector<1x16xf32> to vector<16xf32>
      %add3A_88 = arith.addf %get3A_81, %get3A_87 : vector<16xf32>
      %swap3A_89 = arith.index_cast %scan3A_46 : i32 to index
      %swap3A_90 = arith.constant 32 : index
      %swap3A_91 = tpu.vector_load %arg7[%swap3A_89, %swap3A_90] {strides = array<i32>} : memref<32x1024xf32, #tpu.memory_space<vmem>>, vector<1x16xf32>,
      %swap3A_92 = vector.shape_cast %swap3A_91 : vector<1x16xf32> to vector<16xf32>
      %swap3A_93 = vector.shape_cast %add3A_88 : vector<16xf32> to vector<1x16xf32>
      tpu.vector_store %arg7[%swap3A_89, %swap3A_90], %swap3A_93 {add = true, strides = array<i32>} : memref<32x1024xf32, #tpu.memory_space<vmem>>, vector<1x16xf32>,
      %get3A_94 = arith.index_cast %scan3A_46 : i32 to index
      %get3A_95 = arith.constant 48 : index
      %get3A_96 = tpu.vector_load %arg8[%get3A_94, %get3A_95] {strides = array<i32>} : memref<64x1024xf32, #tpu.memory_space<vmem>>, vector<1x16xf32>,
      %get3A_97 = vector.shape_cast %get3A_96 : vector<1x16xf32> to vector<16xf32>
      %add3A_98 = arith.constant 32 : i32
      %add3A_99 = arith.addi %scan3A_46, %add3A_98 : i32
      %get3A_100 = arith.index_cast %add3A_99 : i32 to index
      %get3A_101 = arith.constant 48 : index
      %get3A_102 = tpu.vector_load %arg8[%get3A_100, %get3A_101] {strides = array<i32>} : memref<64x1024xf32, #tpu.memory_space<vmem>>, vector<1x16xf32>,
      %get3A_103 = vector.shape_cast %get3A_102 : vector<1x16xf32> to vector<16xf32>
      %add3A_104 = arith.addf %get3A_97, %get3A_103 : vector<16xf32>
      %swap3A_105 = arith.index_cast %scan3A_46 : i32 to index
      %swap3A_106 = arith.constant 48 : index
      %swap3A_107 = tpu.vector_load %arg7[%swap3A_105, %swap3A_106] {strides = array<i32>} : memref<32x1024xf32, #tpu.memory_space<vmem>>, vector<1x16xf32>,
      %swap3A_108 = vector.shape_cast %swap3A_107 : vector<1x16xf32> to vector<16xf32>
      %swap3A_109 = vector.shape_cast %add3A_104 : vector<16xf32> to vector<1x16xf32>
      tpu.vector_store %arg7[%swap3A_105, %swap3A_106], %swap3A_109 {add = true, strides = array<i32>} : memref<32x1024xf32, #tpu.memory_space<vmem>>, vector<1x16xf32>,
      %get3A_110 = arith.index_cast %scan3A_46 : i32 to index
      %get3A_111 = arith.constant 64 : index
      %get3A_112 = tpu.vector_load %arg8[%get3A_110, %get3A_111] {strides = array<i32>} : memref<64x1024xf32, #tpu.memory_space<vmem>>, vector<1x16xf32>,
      %get3A_113 = vector.shape_cast %get3A_112 : vector<1x16xf32> to vector<16xf32>
      %add3A_114 = arith.constant 32 : i32
      %add3A_115 = arith.addi %scan3A_46, %add3A_114 : i32
      %get3A_116 = arith.index_cast %add3A_115 : i32 to index
      %get3A_117 = arith.constant 64 : index
      %get3A_118 = tpu.vector_load %arg8[%get3A_116, %get3A_117] {strides = array<i32>} : memref<64x1024xf32, #tpu.memory_space<vmem>>, vector<1x16xf32>,
      %get3A_119 = vector.shape_cast %get3A_118 : vector<1x16xf32> to vector<16xf32>
      %add3A_120 = arith.addf %get3A_113, %get3A_119 : vector<16xf32>
      %swap3A_121 = arith.index_cast %scan3A_46 : i32 to index
      %swap3A_122 = arith.constant 64 : index
      %swap3A_123 = tpu.vector_load %arg7[%swap3A_121, %swap3A_122] {strides = array<i32>} : memref<32x1024xf32, #tpu.memory_space<vmem>>, vector<1x16xf32>,
      %swap3A_124 = vector.shape_cast %swap3A_123 : vector<1x16xf32> to vector<16xf32>
      %swap3A_125 = vector.shape_cast %add3A_120 : vector<16xf32> to vector<1x16xf32>
      tpu.vector_store %arg7[%swap3A_121, %swap3A_122], %swap3A_125 {add = true, strides = array<i32>} : memref<32x1024xf32, #tpu.memory_space<vmem>>, vector<1x16xf32>,
      %get3A_126 = arith.index_cast %scan3A_46 : i32 to index
      %get3A_127 = arith.constant 80 : index
      %get3A_128 = tpu.vector_load %arg8[%get3A_126, %get3A_127] {strides = array<i32>} : memref<64x1024xf32, #tpu.memory_space<vmem>>, vector<1x16xf32>,
      %get3A_129 = vector.shape_cast %get3A_128 : vector<1x16xf32> to vector<16xf32>
      %add3A_130 = arith.constant 32 : i32
      %add3A_131 = arith.addi %scan3A_46, %add3A_130 : i32
      %get3A_132 = arith.index_cast %add3A_131 : i32 to index
      %get3A_133 = arith.constant 80 : index
      %get3A_134 = tpu.vector_load %arg8[%get3A_132, %get3A_133] {strides = array<i32>} : memref<64x1024xf32, #tpu.memory_space<vmem>>, vector<1x16xf32>,
      %get3A_135 = vector.shape_cast %get3A_134 : vector<1x16xf32> to vector<16xf32>
      %add3A_136 = arith.addf %get3A_129, %get3A_135 : vector<16xf32>
      %swap3A_137 = arith.index_cast %scan3A_46 : i32 to index
      %swap3A_138 = arith.constant 80 : index
      %swap3A_139 = tpu.vector_load %arg7[%swap3A_137, %swap3A_138] {strides = array<i32>} : memref<32x1024xf32, #tpu.memory_space<vmem>>, vector<1x16xf32>,
      %swap3A_140 = vector.shape_cast %swap3A_139 : vector<1x16xf32> to vector<16xf32>
      %swap3A_141 = vector.shape_cast %add3A_136 : vector<16xf32> to vector<1x16xf32>
      tpu.vector_store %arg7[%swap3A_137, %swap3A_138], %swap3A_141 {add = true, strides = array<i32>} : memref<32x1024xf32, #tpu.memory_space<vmem>>, vector<1x16xf32>,
      %get3A_142 = arith.index_cast %scan3A_46 : i32 to index
      %get3A_143 = arith.constant 96 : index
      %get3A_144 = tpu.vector_load %arg8[%get3A_142, %get3A_143] {strides = array<i32>} : memref<64x1024xf32, #tpu.memory_space<vmem>>, vector<1x16xf32>,
      %get3A_145 = vector.shape_cast %get3A_144 : vector<1x16xf32> to vector<16xf32>
      %add3A_146 = arith.constant 32 : i32
      %add3A_147 = arith.addi %scan3A_46, %add3A_146 : i32
      %get3A_148 = arith.index_cast %add3A_147 : i32 to index
      %get3A_149 = arith.constant 96 : index
      %get3A_150 = tpu.vector_load %arg8[%get3A_148, %get3A_149] {strides = array<i32>} : memref<64x1024xf32, #tpu.memory_space<vmem>>, vector<1x16xf32>,
      %get3A_151 = vector.shape_cast %get3A_150 : vector<1x16xf32> to vector<16xf32>
      %add3A_152 = arith.addf %get3A_145, %get3A_151 : vector<16xf32>
      %swap3A_153 = arith.index_cast %scan3A_46 : i32 to index
      %swap3A_154 = arith.constant 96 : index
      %swap3A_155 = tpu.vector_load %arg7[%swap3A_153, %swap3A_154] {strides = array<i32>} : memref<32x1024xf32, #tpu.memory_space<vmem>>, vector<1x16xf32>,
      %swap3A_156 = vector.shape_cast %swap3A_155 : vector<1x16xf32> to vector<16xf32>
      %swap3A_157 = vector.shape_cast %add3A_152 : vector<16xf32> to vector<1x16xf32>
      tpu.vector_store %arg7[%swap3A_153, %swap3A_154], %swap3A_157 {add = true, strides = array<i32>} : memref<32x1024xf32, #tpu.memory_space<vmem>>, vector<1x16xf32>,
      %get3A_158 = arith.index_cast %scan3A_46 : i32 to index
      %get3A_159 = arith.constant 112 : index
      %get3A_160 = tpu.vector_load %arg8[%get3A_158, %get3A_159] {strides = array<i32>} : memref<64x1024xf32, #tpu.memory_space<vmem>>, vector<1x16xf32>,
      %get3A_161 = vector.shape_cast %get3A_160 : vector<1x16xf32> to vector<16xf32>
      %add3A_162 = arith.constant 32 : i32
      %add3A_163 = arith.addi %scan3A_46, %add3A_162 : i32
      %get3A_164 = arith.index_cast %add3A_163 : i32 to index
      %get3A_165 = arith.constant 112 : index
      %get3A_166 = tpu.vector_load %arg8[%get3A_164, %get3A_165] {strides = array<i32>} : memref<64x1024xf32, #tpu.memory_space<vmem>>, vector<1x16xf32>,
      %get3A_167 = vector.shape_cast %get3A_166 : vector<1x16xf32> to vector<16xf32>
      %add3A_168 = arith.addf %get3A_161, %get3A_167 : vector<16xf32>
      %swap3A_169 = arith.index_cast %scan3A_46 : i32 to index
      %swap3A_170 = arith.constant 112 : index
      %swap3A_171 = tpu.vector_load %arg7[%swap3A_169, %swap3A_170] {strides = array<i32>} : memref<32x1024xf32, #tpu.memory_space<vmem>>, vector<1x16xf32>,
      %swap3A_172 = vector.shape_cast %swap3A_171 : vector<1x16xf32> to vector<16xf32>
      %swap3A_173 = vector.shape_cast %add3A_168 : vector<16xf32> to vector<1x16xf32>
      tpu.vector_store %arg7[%swap3A_169, %swap3A_170], %swap3A_173 {add = true, strides = array<i32>} : memref<32x1024xf32, #tpu.memory_space<vmem>>, vector<1x16xf32>,
      %get3A_174 = arith.index_cast %scan3A_46 : i32 to index
      %get3A_175 = arith.constant 128 : index
      %get3A_176 = tpu.vector_load %arg8[%get3A_174, %get3A_175] {strides = array<i32>} : memref<64x1024xf32, #tpu.memory_space<vmem>>, vector<1x16xf32>,
      %get3A_177 = vector.shape_cast %get3A_176 : vector<1x16xf32> to vector<16xf32>
      %add3A_178 = arith.constant 32 : i32
      %add3A_179 = arith.addi %scan3A_46, %add3A_178 : i32
      %get3A_180 = arith.index_cast %add3A_179 : i32 to index
      %get3A_181 = arith.constant 128 : index
      %get3A_182 = tpu.vector_load %arg8[%get3A_180, %get3A_181] {strides = array<i32>} : memref<64x1024xf32, #tpu.memory_space<vmem>>, vector<1x16xf32>,
      %get3A_183 = vector.shape_cast %get3A_182 : vector<1x16xf32> to vector<16xf32>
      %add3A_184 = arith.addf %get3A_177, %get3A_183 : vector<16xf32>
      %swap3A_185 = arith.index_cast %scan3A_46 : i32 to index
      %swap3A_186 = arith.constant 128 : index
      %swap3A_187 = tpu.vector_load %arg7[%swap3A_185, %swap3A_186] {strides = array<i32>} : memref<32x1024xf32, #tpu.memory_space<vmem>>, vector<1x16xf32>,
      %swap3A_188 = vector.shape_cast %swap3A_187 : vector<1x16xf32> to vector<16xf32>
      %swap3A_189 = vector.shape_cast %add3A_184 : vector<16xf32> to vector<1x16xf32>
      tpu.vector_store %arg7[%swap3A_185, %swap3A_186], %swap3A_189 {add = true, strides = array<i32>} : memref<32x1024xf32, #tpu.memory_space<vmem>>, vector<1x16xf32>,
      %get3A_190 = arith.index_cast %scan3A_46 : i32 to index
      %get3A_191 = arith.constant 144 : index
      %get3A_192 = tpu.vector_load %arg8[%get3A_190, %get3A_191] {strides = array<i32>} : memref<64x1024xf32, #tpu.memory_space<vmem>>, vector<1x16xf32>,
      %get3A_193 = vector.shape_cast %get3A_192 : vector<1x16xf32> to vector<16xf32>
      %add3A_194 = arith.constant 32 : i32
      %add3A_195 = arith.addi %scan3A_46, %add3A_194 : i32
      %get3A_196 = arith.index_cast %add3A_195 : i32 to index
      %get3A_197 = arith.constant 144 : index
      %get3A_198 = tpu.vector_load %arg8[%get3A_196, %get3A_197] {strides = array<i32>} : memref<64x1024xf32, #tpu.memory_space<vmem>>, vector<1x16xf32>,
      %get3A_199 = vector.shape_cast %get3A_198 : vector<1x16xf32> to vector<16xf32>
      %add3A_200 = arith.addf %get3A_193, %get3A_199 : vector<16xf32>
      %swap3A_201 = arith.index_cast %scan3A_46 : i32 to index
      %swap3A_202 = arith.constant 144 : index
      %swap3A_203 = tpu.vector_load %arg7[%swap3A_201, %swap3A_202] {strides = array<i32>} : memref<32x1024xf32, #tpu.memory_space<vmem>>, vector<1x16xf32>,
      %swap3A_204 = vector.shape_cast %swap3A_203 : vector<1x16xf32> to vector<16xf32>
      %swap3A_205 = vector.shape_cast %add3A_200 : vector<16xf32> to vector<1x16xf32>
      tpu.vector_store %arg7[%swap3A_201, %swap3A_202], %swap3A_205 {add = true, strides = array<i32>} : memref<32x1024xf32, #tpu.memory_space<vmem>>, vector<1x16xf32>,
      %get3A_206 = arith.index_cast %scan3A_46 : i32 to index
      %get3A_207 = arith.constant 160 : index
      %get3A_208 = tpu.vector_load %arg8[%get3A_206, %get3A_207] {strides = array<i32>} : memref<64x1024xf32, #tpu.memory_space<vmem>>, vector<1x16xf32>,
      %get3A_209 = vector.shape_cast %get3A_208 : vector<1x16xf32> to vector<16xf32>
      %add3A_210 = arith.constant 32 : i32
      %add3A_211 = arith.addi %scan3A_46, %add3A_210 : i32
      %get3A_212 = arith.index_cast %add3A_211 : i32 to index
      %get3A_213 = arith.constant 160 : index
      %get3A_214 = tpu.vector_load %arg8[%get3A_212, %get3A_213] {strides = array<i32>} : memref<64x1024xf32, #tpu.memory_space<vmem>>, vector<1x16xf32>,
      %get3A_215 = vector.shape_cast %get3A_214 : vector<1x16xf32> to vector<16xf32>
      %add3A_216 = arith.addf %get3A_209, %get3A_215 : vector<16xf32>
      %swap3A_217 = arith.index_cast %scan3A_46 : i32 to index
      %swap3A_218 = arith.constant 160 : index
      %swap3A_219 = tpu.vector_load %arg7[%swap3A_217, %swap3A_218] {strides = array<i32>} : memref<32x1024xf32, #tpu.memory_space<vmem>>, vector<1x16xf32>,
      %swap3A_220 = vector.shape_cast %swap3A_219 : vector<1x16xf32> to vector<16xf32>
      %swap3A_221 = vector.shape_cast %add3A_216 : vector<16xf32> to vector<1x16xf32>
      tpu.vector_store %arg7[%swap3A_217, %swap3A_218], %swap3A_221 {add = true, strides = array<i32>} : memref<32x1024xf32, #tpu.memory_space<vmem>>, vector<1x16xf32>,
      %get3A_222 = arith.index_cast %scan3A_46 : i32 to index
      %get3A_223 = arith.constant 176 : index
      %get3A_224 = tpu.vector_load %arg8[%get3A_222, %get3A_223] {strides = array<i32>} : memref<64x1024xf32, #tpu.memory_space<vmem>>, vector<1x16xf32>,
      %get3A_225 = vector.shape_cast %get3A_224 : vector<1x16xf32> to vector<16xf32>
      %add3A_226 = arith.constant 32 : i32
      %add3A_227 = arith.addi %scan3A_46, %add3A_226 : i32
      %get3A_228 = arith.index_cast %add3A_227 : i32 to index
      %get3A_229 = arith.constant 176 : index
      %get3A_230 = tpu.vector_load %arg8[%get3A_228, %get3A_229] {strides = array<i32>} : memref<64x1024xf32, #tpu.memory_space<vmem>>, vector<1x16xf32>,
      %get3A_231 = vector.shape_cast %get3A_230 : vector<1x16xf32> to vector<16xf32>
      %add3A_232 = arith.addf %get3A_225, %get3A_231 : vector<16xf32>
      %swap3A_233 = arith.index_cast %scan3A_46 : i32 to index
      %swap3A_234 = arith.constant 176 : index
      %swap3A_235 = tpu.vector_load %arg7[%swap3A_233, %swap3A_234] {strides = array<i32>} : memref<32x1024xf32, #tpu.memory_space<vmem>>, vector<1x16xf32>,
      %swap3A_236 = vector.shape_cast %swap3A_235 : vector<1x16xf32> to vector<16xf32>
      %swap3A_237 = vector.shape_cast %add3A_232 : vector<16xf32> to vector<1x16xf32>
      tpu.vector_store %arg7[%swap3A_233, %swap3A_234], %swap3A_237 {add = true, strides = array<i32>} : memref<32x1024xf32, #tpu.memory_space<vmem>>, vector<1x16xf32>,
      %get3A_238 = arith.index_cast %scan3A_46 : i32 to index
      %get3A_239 = arith.constant 192 : index
      %get3A_240 = tpu.vector_load %arg8[%get3A_238, %get3A_239] {strides = array<i32>} : memref<64x1024xf32, #tpu.memory_space<vmem>>, vector<1x16xf32>,
      %get3A_241 = vector.shape_cast %get3A_240 : vector<1x16xf32> to vector<16xf32>
      %add3A_242 = arith.constant 32 : i32
      %add3A_243 = arith.addi %scan3A_46, %add3A_242 : i32
      %get3A_244 = arith.index_cast %add3A_243 : i32 to index
      %get3A_245 = arith.constant 192 : index
      %get3A_246 = tpu.vector_load %arg8[%get3A_244, %get3A_245] {strides = array<i32>} : memref<64x1024xf32, #tpu.memory_space<vmem>>, vector<1x16xf32>,
      %get3A_247 = vector.shape_cast %get3A_246 : vector<1x16xf32> to vector<16xf32>
      %add3A_248 = arith.addf %get3A_241, %get3A_247 : vector<16xf32>
      %swap3A_249 = arith.index_cast %scan3A_46 : i32 to index
      %swap3A_250 = arith.constant 192 : index
      %swap3A_251 = tpu.vector_load %arg7[%swap3A_249, %swap3A_250] {strides = array<i32>} : memref<32x1024xf32, #tpu.memory_space<vmem>>, vector<1x16xf32>,
      %swap3A_252 = vector.shape_cast %swap3A_251 : vector<1x16xf32> to vector<16xf32>
      %swap3A_253 = vector.shape_cast %add3A_248 : vector<16xf32> to vector<1x16xf32>
      tpu.vector_store %arg7[%swap3A_249, %swap3A_250], %swap3A_253 {add = true, strides = array<i32>} : memref<32x1024xf32, #tpu.memory_space<vmem>>, vector<1x16xf32>,
      %get3A_254 = arith.index_cast %scan3A_46 : i32 to index
      %get3A_255 = arith.constant 208 : index
      %get3A_256 = tpu.vector_load %arg8[%get3A_254, %get3A_255] {strides = array<i32>} : memref<64x1024xf32, #tpu.memory_space<vmem>>, vector<1x16xf32>,
      %get3A_257 = vector.shape_cast %get3A_256 : vector<1x16xf32> to vector<16xf32>
      %add3A_258 = arith.constant 32 : i32
      %add3A_259 = arith.addi %scan3A_46, %add3A_258 : i32
      %get3A_260 = arith.index_cast %add3A_259 : i32 to index
      %get3A_261 = arith.constant 208 : index
      %get3A_262 = tpu.vector_load %arg8[%get3A_260, %get3A_261] {strides = array<i32>} : memref<64x1024xf32, #tpu.memory_space<vmem>>, vector<1x16xf32>,
      %get3A_263 = vector.shape_cast %get3A_262 : vector<1x16xf32> to vector<16xf32>
      %add3A_264 = arith.addf %get3A_257, %get3A_263 : vector<16xf32>
      %swap3A_265 = arith.index_cast %scan3A_46 : i32 to index
      %swap3A_266 = arith.constant 208 : index
      %swap3A_267 = tpu.vector_load %arg7[%swap3A_265, %swap3A_266] {strides = array<i32>} : memref<32x1024xf32, #tpu.memory_space<vmem>>, vector<1x16xf32>,
      %swap3A_268 = vector.shape_cast %swap3A_267 : vector<1x16xf32> to vector<16xf32>
      %swap3A_269 = vector.shape_cast %add3A_264 : vector<16xf32> to vector<1x16xf32>
      tpu.vector_store %arg7[%swap3A_265, %swap3A_266], %swap3A_269 {add = true, strides = array<i32>} : memref<32x1024xf32, #tpu.memory_space<vmem>>, vector<1x16xf32>,
      %get3A_270 = arith.index_cast %scan3A_46 : i32 to index
      %get3A_271 = arith.constant 224 : index
      %get3A_272 = tpu.vector_load %arg8[%get3A_270, %get3A_271] {strides = array<i32>} : memref<64x1024xf32, #tpu.memory_space<vmem>>, vector<1x16xf32>,
      %get3A_273 = vector.shape_cast %get3A_272 : vector<1x16xf32> to vector<16xf32>
      %add3A_274 = arith.constant 32 : i32
      %add3A_275 = arith.addi %scan3A_46, %add3A_274 : i32
      %get3A_276 = arith.index_cast %add3A_275 : i32 to index
      %get3A_277 = arith.constant 224 : index
      %get3A_278 = tpu.vector_load %arg8[%get3A_276, %get3A_277] {strides = array<i32>} : memref<64x1024xf32, #tpu.memory_space<vmem>>, vector<1x16xf32>,
      %get3A_279 = vector.shape_cast %get3A_278 : vector<1x16xf32> to vector<16xf32>
      %add3A_280 = arith.addf %get3A_273, %get3A_279 : vector<16xf32>
      %swap3A_281 = arith.index_cast %scan3A_46 : i32 to index
      %swap3A_282 = arith.constant 224 : index
      %swap3A_283 = tpu.vector_load %arg7[%swap3A_281, %swap3A_282] {strides = array<i32>} : memref<32x1024xf32, #tpu.memory_space<vmem>>, vector<1x16xf32>,
      %swap3A_284 = vector.shape_cast %swap3A_283 : vector<1x16xf32> to vector<16xf32>
      %swap3A_285 = vector.shape_cast %add3A_280 : vector<16xf32> to vector<1x16xf32>
      tpu.vector_store %arg7[%swap3A_281, %swap3A_282], %swap3A_285 {add = true, strides = array<i32>} : memref<32x1024xf32, #tpu.memory_space<vmem>>, vector<1x16xf32>,
      %get3A_286 = arith.index_cast %scan3A_46 : i32 to index
      %get3A_287 = arith.constant 240 : index
      %get3A_288 = tpu.vector_load %arg8[%get3A_286, %get3A_287] {strides = array<i32>} : memref<64x1024xf32, #tpu.memory_space<vmem>>, vector<1x16xf32>,
      %get3A_289 = vector.shape_cast %get3A_288 : vector<1x16xf32> to vector<16xf32>
      %add3A_290 = arith.constant 32 : i32
      %add3A_291 = arith.addi %scan3A_46, %add3A_290 : i32
      %get3A_292 = arith.index_cast %add3A_291 : i32 to index
      %get3A_293 = arith.constant 240 : index
      %get3A_294 = tpu.vector_load %arg8[%get3A_292, %get3A_293] {strides = array<i32>} : memref<64x1024xf32, #tpu.memory_space<vmem>>, vector<1x16xf32>,
      %get3A_295 = vector.shape_cast %get3A_294 : vector<1x16xf32> to vector<16xf32>
      %add3A_296 = arith.addf %get3A_289, %get3A_295 : vector<16xf32>
      %swap3A_297 = arith.index_cast %scan3A_46 : i32 to index
      %swap3A_298 = arith.constant 240 : index
      %swap3A_299 = tpu.vector_load %arg7[%swap3A_297, %swap3A_298] {strides = array<i32>} : memref<32x1024xf32, #tpu.memory_space<vmem>>, vector<1x16xf32>,
      %swap3A_300 = vector.shape_cast %swap3A_299 : vector<1x16xf32> to vector<16xf32>
      %swap3A_301 = vector.shape_cast %add3A_296 : vector<16xf32> to vector<1x16xf32>
      tpu.vector_store %arg7[%swap3A_297, %swap3A_298], %swap3A_301 {add = true, strides = array<i32>} : memref<32x1024xf32, #tpu.memory_space<vmem>>, vector<1x16xf32>,
      %get3A_302 = arith.index_cast %scan3A_46 : i32 to index
      %get3A_303 = arith.constant 256 : index
      %get3A_304 = tpu.vector_load %arg8[%get3A_302, %get3A_303] {strides = array<i32>} : memref<64x1024xf32, #tpu.memory_space<vmem>>, vector<1x16xf32>,
      %get3A_305 = vector.shape_cast %get3A_304 : vector<1x16xf32> to vector<16xf32>
      %add3A_306 = arith.constant 32 : i32
      %add3A_307 = arith.addi %scan3A_46, %add3A_306 : i32
      %get3A_308 = arith.index_cast %add3A_307 : i32 to index
      %get3A_309 = arith.constant 256 : index
      %get3A_310 = tpu.vector_load %arg8[%get3A_308, %get3A_309] {strides = array<i32>} : memref<64x1024xf32, #tpu.memory_space<vmem>>, vector<1x16xf32>,
      %get3A_311 = vector.shape_cast %get3A_310 : vector<1x16xf32> to vector<16xf32>
      %add3A_312 = arith.addf %get3A_305, %get3A_311 : vector<16xf32>
      %swap3A_313 = arith.index_cast %scan3A_46 : i32 to index
      %swap3A_314 = arith.constant 256 : index
      %swap3A_315 = tpu.vector_load %arg7[%swap3A_313, %swap3A_314] {strides = array<i32>} : memref<32x1024xf32, #tpu.memory_space<vmem>>, vector<1x16xf32>,
      %swap3A_316 = vector.shape_cast %swap3A_315 : vector<1x16xf32> to vector<16xf32>
      %swap3A_317 = vector.shape_cast %add3A_312 : vector<16xf32> to vector<1x16xf32>
      tpu.vector_store %arg7[%swap3A_313, %swap3A_314], %swap3A_317 {add = true, strides = array<i32>} : memref<32x1024xf32, #tpu.memory_space<vmem>>, vector<1x16xf32>,
      %get3A_318 = arith.index_cast %scan3A_46 : i32 to index
      %get3A_319 = arith.constant 272 : index
      %get3A_320 = tpu.vector_load %arg8[%get3A_318, %get3A_319] {strides = array<i32>} : memref<64x1024xf32, #tpu.memory_space<vmem>>, vector<1x16xf32>,
      %get3A_321 = vector.shape_cast %get3A_320 : vector<1x16xf32> to vector<16xf32>
      %add3A_322 = arith.constant 32 : i32
      %add3A_323 = arith.addi %scan3A_46, %add3A_322 : i32
      %get3A_324 = arith.index_cast %add3A_323 : i32 to index
      %get3A_325 = arith.constant 272 : index
      %get3A_326 = tpu.vector_load %arg8[%get3A_324, %get3A_325] {strides = array<i32>} : memref<64x1024xf32, #tpu.memory_space<vmem>>, vector<1x16xf32>,
      %get3A_327 = vector.shape_cast %get3A_326 : vector<1x16xf32> to vector<16xf32>
      %add3A_328 = arith.addf %get3A_321, %get3A_327 : vector<16xf32>
      %swap3A_329 = arith.index_cast %scan3A_46 : i32 to index
      %swap3A_330 = arith.constant 272 : index
      %swap3A_331 = tpu.vector_load %arg7[%swap3A_329, %swap3A_330] {strides = array<i32>} : memref<32x1024xf32, #tpu.memory_space<vmem>>, vector<1x16xf32>,
      %swap3A_332 = vector.shape_cast %swap3A_331 : vector<1x16xf32> to vector<16xf32>
      %swap3A_333 = vector.shape_cast %add3A_328 : vector<16xf32> to vector<1x16xf32>
      tpu.vector_store %arg7[%swap3A_329, %swap3A_330], %swap3A_333 {add = true, strides = array<i32>} : memref<32x1024xf32, #tpu.memory_space<vmem>>, vector<1x16xf32>,
      %get3A_334 = arith.index_cast %scan3A_46 : i32 to index
      %get3A_335 = arith.constant 288 : index
      %get3A_336 = tpu.vector_load %arg8[%get3A_334, %get3A_335] {strides = array<i32>} : memref<64x1024xf32, #tpu.memory_space<vmem>>, vector<1x16xf32>,
      %get3A_337 = vector.shape_cast %get3A_336 : vector<1x16xf32> to vector<16xf32>
      %add3A_338 = arith.constant 32 : i32
      %add3A_339 = arith.addi %scan3A_46, %add3A_338 : i32
      %get3A_340 = arith.index_cast %add3A_339 : i32 to index
      %get3A_341 = arith.constant 288 : index
      %get3A_342 = tpu.vector_load %arg8[%get3A_340, %get3A_341] {strides = array<i32>} : memref<64x1024xf32, #tpu.memory_space<vmem>>, vector<1x16xf32>,
      %get3A_343 = vector.shape_cast %get3A_342 : vector<1x16xf32> to vector<16xf32>
      %add3A_344 = arith.addf %get3A_337, %get3A_343 : vector<16xf32>
      %swap3A_345 = arith.index_cast %scan3A_46 : i32 to index
      %swap3A_346 = arith.constant 288 : index
      %swap3A_347 = tpu.vector_load %arg7[%swap3A_345, %swap3A_346] {strides = array<i32>} : memref<32x1024xf32, #tpu.memory_space<vmem>>, vector<1x16xf32>,
      %swap3A_348 = vector.shape_cast %swap3A_347 : vector<1x16xf32> to vector<16xf32>
      %swap3A_349 = vector.shape_cast %add3A_344 : vector<16xf32> to vector<1x16xf32>
      tpu.vector_store %arg7[%swap3A_345, %swap3A_346], %swap3A_349 {add = true, strides = array<i32>} : memref<32x1024xf32, #tpu.memory_space<vmem>>, vector<1x16xf32>,
      %get3A_350 = arith.index_cast %scan3A_46 : i32 to index
      %get3A_351 = arith.constant 304 : index
      %get3A_352 = tpu.vector_load %arg8[%get3A_350, %get3A_351] {strides = array<i32>} : memref<64x1024xf32, #tpu.memory_space<vmem>>, vector<1x16xf32>,
      %get3A_353 = vector.shape_cast %get3A_352 : vector<1x16xf32> to vector<16xf32>
      %add3A_354 = arith.constant 32 : i32
      %add3A_355 = arith.addi %scan3A_46, %add3A_354 : i32
      %get3A_356 = arith.index_cast %add3A_355 : i32 to index
      %get3A_357 = arith.constant 304 : index
      %get3A_358 = tpu.vector_load %arg8[%get3A_356, %get3A_357] {strides = array<i32>} : memref<64x1024xf32, #tpu.memory_space<vmem>>, vector<1x16xf32>,
      %get3A_359 = vector.shape_cast %get3A_358 : vector<1x16xf32> to vector<16xf32>
      %add3A_360 = arith.addf %get3A_353, %get3A_359 : vector<16xf32>
      %swap3A_361 = arith.index_cast %scan3A_46 : i32 to index
      %swap3A_362 = arith.constant 304 : index
      %swap3A_363 = tpu.vector_load %arg7[%swap3A_361, %swap3A_362] {strides = array<i32>} : memref<32x1024xf32, #tpu.memory_space<vmem>>, vector<1x16xf32>,
      %swap3A_364 = vector.shape_cast %swap3A_363 : vector<1x16xf32> to vector<16xf32>
      %swap3A_365 = vector.shape_cast %add3A_360 : vector<16xf32> to vector<1x16xf32>
      tpu.vector_store %arg7[%swap3A_361, %swap3A_362], %swap3A_365 {add = true, strides = array<i32>} : memref<32x1024xf32, #tpu.memory_space<vmem>>, vector<1x16xf32>,
      %get3A_366 = arith.index_cast %scan3A_46 : i32 to index
      %get3A_367 = arith.constant 320 : index
      %get3A_368 = tpu.vector_load %arg8[%get3A_366, %get3A_367] {strides = array<i32>} : memref<64x1024xf32, #tpu.memory_space<vmem>>, vector<1x16xf32>,
      %get3A_369 = vector.shape_cast %get3A_368 : vector<1x16xf32> to vector<16xf32>
      %add3A_370 = arith.constant 32 : i32
      %add3A_371 = arith.addi %scan3A_46, %add3A_370 : i32
      %get3A_372 = arith.index_cast %add3A_371 : i32 to index
      %get3A_373 = arith.constant 320 : index
      %get3A_374 = tpu.vector_load %arg8[%get3A_372, %get3A_373] {strides = array<i32>} : memref<64x1024xf32, #tpu.memory_space<vmem>>, vector<1x16xf32>,
      %get3A_375 = vector.shape_cast %get3A_374 : vector<1x16xf32> to vector<16xf32>
      %add3A_376 = arith.addf %get3A_369, %get3A_375 : vector<16xf32>
      %swap3A_377 = arith.index_cast %scan3A_46 : i32 to index
      %swap3A_378 = arith.constant 320 : index
      %swap3A_379 = tpu.vector_load %arg7[%swap3A_377, %swap3A_378] {strides = array<i32>} : memref<32x1024xf32, #tpu.memory_space<vmem>>, vector<1x16xf32>,
      %swap3A_380 = vector.shape_cast %swap3A_379 : vector<1x16xf32> to vector<16xf32>
      %swap3A_381 = vector.shape_cast %add3A_376 : vector<16xf32> to vector<1x16xf32>
      tpu.vector_store %arg7[%swap3A_377, %swap3A_378], %swap3A_381 {add = true, strides = array<i32>} : memref<32x1024xf32, #tpu.memory_space<vmem>>, vector<1x16xf32>,
      %get3A_382 = arith.index_cast %scan3A_46 : i32 to index
      %get3A_383 = arith.constant 336 : index
      %get3A_384 = tpu.vector_load %arg8[%get3A_382, %get3A_383] {strides = array<i32>} : memref<64x1024xf32, #tpu.memory_space<vmem>>, vector<1x16xf32>,
      %get3A_385 = vector.shape_cast %get3A_384 : vector<1x16xf32> to vector<16xf32>
      %add3A_386 = arith.constant 32 : i32
      %add3A_387 = arith.addi %scan3A_46, %add3A_386 : i32
      %get3A_388 = arith.index_cast %add3A_387 : i32 to index
      %get3A_389 = arith.constant 336 : index
      %get3A_390 = tpu.vector_load %arg8[%get3A_388, %get3A_389] {strides = array<i32>} : memref<64x1024xf32, #tpu.memory_space<vmem>>, vector<1x16xf32>,
      %get3A_391 = vector.shape_cast %get3A_390 : vector<1x16xf32> to vector<16xf32>
      %add3A_392 = arith.addf %get3A_385, %get3A_391 : vector<16xf32>
      %swap3A_393 = arith.index_cast %scan3A_46 : i32 to index
      %swap3A_394 = arith.constant 336 : index
      %swap3A_395 = tpu.vector_load %arg7[%swap3A_393, %swap3A_394] {strides = array<i32>} : memref<32x1024xf32, #tpu.memory_space<vmem>>, vector<1x16xf32>,
      %swap3A_396 = vector.shape_cast %swap3A_395 : vector<1x16xf32> to vector<16xf32>
      %swap3A_397 = vector.shape_cast %add3A_392 : vector<16xf32> to vector<1x16xf32>
      tpu.vector_store %arg7[%swap3A_393, %swap3A_394], %swap3A_397 {add = true, strides = array<i32>} : memref<32x1024xf32, #tpu.memory_space<vmem>>, vector<1x16xf32>,
      %get3A_398 = arith.index_cast %scan3A_46 : i32 to index
      %get3A_399 = arith.constant 352 : index
      %get3A_400 = tpu.vector_load %arg8[%get3A_398, %get3A_399] {strides = array<i32>} : memref<64x1024xf32, #tpu.memory_space<vmem>>, vector<1x16xf32>,
      %get3A_401 = vector.shape_cast %get3A_400 : vector<1x16xf32> to vector<16xf32>
      %add3A_402 = arith.constant 32 : i32
      %add3A_403 = arith.addi %scan3A_46, %add3A_402 : i32
      %get3A_404 = arith.index_cast %add3A_403 : i32 to index
      %get3A_405 = arith.constant 352 : index
      %get3A_406 = tpu.vector_load %arg8[%get3A_404, %get3A_405] {strides = array<i32>} : memref<64x1024xf32, #tpu.memory_space<vmem>>, vector<1x16xf32>,
      %get3A_407 = vector.shape_cast %get3A_406 : vector<1x16xf32> to vector<16xf32>
      %add3A_408 = arith.addf %get3A_401, %get3A_407 : vector<16xf32>
      %swap3A_409 = arith.index_cast %scan3A_46 : i32 to index
      %swap3A_410 = arith.constant 352 : index
      %swap3A_411 = tpu.vector_load %arg7[%swap3A_409, %swap3A_410] {strides = array<i32>} : memref<32x1024xf32, #tpu.memory_space<vmem>>, vector<1x16xf32>,
      %swap3A_412 = vector.shape_cast %swap3A_411 : vector<1x16xf32> to vector<16xf32>
      %swap3A_413 = vector.shape_cast %add3A_408 : vector<16xf32> to vector<1x16xf32>
      tpu.vector_store %arg7[%swap3A_409, %swap3A_410], %swap3A_413 {add = true, strides = array<i32>} : memref<32x1024xf32, #tpu.memory_space<vmem>>, vector<1x16xf32>,
      %get3A_414 = arith.index_cast %scan3A_46 : i32 to index
      %get3A_415 = arith.constant 368 : index
      %get3A_416 = tpu.vector_load %arg8[%get3A_414, %get3A_415] {strides = array<i32>} : memref<64x1024xf32, #tpu.memory_space<vmem>>, vector<1x16xf32>,
      %get3A_417 = vector.shape_cast %get3A_416 : vector<1x16xf32> to vector<16xf32>
      %add3A_418 = arith.constant 32 : i32
      %add3A_419 = arith.addi %scan3A_46, %add3A_418 : i32
      %get3A_420 = arith.index_cast %add3A_419 : i32 to index
      %get3A_421 = arith.constant 368 : index
      %get3A_422 = tpu.vector_load %arg8[%get3A_420, %get3A_421] {strides = array<i32>} : memref<64x1024xf32, #tpu.memory_space<vmem>>, vector<1x16xf32>,
      %get3A_423 = vector.shape_cast %get3A_422 : vector<1x16xf32> to vector<16xf32>
      %add3A_424 = arith.addf %get3A_417, %get3A_423 : vector<16xf32>
      %swap3A_425 = arith.index_cast %scan3A_46 : i32 to index
      %swap3A_426 = arith.constant 368 : index
      %swap3A_427 = tpu.vector_load %arg7[%swap3A_425, %swap3A_426] {strides = array<i32>} : memref<32x1024xf32, #tpu.memory_space<vmem>>, vector<1x16xf32>,
      %swap3A_428 = vector.shape_cast %swap3A_427 : vector<1x16xf32> to vector<16xf32>
      %swap3A_429 = vector.shape_cast %add3A_424 : vector<16xf32> to vector<1x16xf32>
      tpu.vector_store %arg7[%swap3A_425, %swap3A_426], %swap3A_429 {add = true, strides = array<i32>} : memref<32x1024xf32, #tpu.memory_space<vmem>>, vector<1x16xf32>,
      %get3A_430 = arith.index_cast %scan3A_46 : i32 to index
      %get3A_431 = arith.constant 384 : index
      %get3A_432 = tpu.vector_load %arg8[%get3A_430, %get3A_431] {strides = array<i32>} : memref<64x1024xf32, #tpu.memory_space<vmem>>, vector<1x16xf32>,
      %get3A_433 = vector.shape_cast %get3A_432 : vector<1x16xf32> to vector<16xf32>
      %add3A_434 = arith.constant 32 : i32
      %add3A_435 = arith.addi %scan3A_46, %add3A_434 : i32
      %get3A_436 = arith.index_cast %add3A_435 : i32 to index
      %get3A_437 = arith.constant 384 : index
      %get3A_438 = tpu.vector_load %arg8[%get3A_436, %get3A_437] {strides = array<i32>} : memref<64x1024xf32, #tpu.memory_space<vmem>>, vector<1x16xf32>,
      %get3A_439 = vector.shape_cast %get3A_438 : vector<1x16xf32> to vector<16xf32>
      %add3A_440 = arith.addf %get3A_433, %get3A_439 : vector<16xf32>
      %swap3A_441 = arith.index_cast %scan3A_46 : i32 to index
      %swap3A_442 = arith.constant 384 : index
      %swap3A_443 = tpu.vector_load %arg7[%swap3A_441, %swap3A_442] {strides = array<i32>} : memref<32x1024xf32, #tpu.memory_space<vmem>>, vector<1x16xf32>,
      %swap3A_444 = vector.shape_cast %swap3A_443 : vector<1x16xf32> to vector<16xf32>
      %swap3A_445 = vector.shape_cast %add3A_440 : vector<16xf32> to vector<1x16xf32>
      tpu.vector_store %arg7[%swap3A_441, %swap3A_442], %swap3A_445 {add = true, strides = array<i32>} : memref<32x1024xf32, #tpu.memory_space<vmem>>, vector<1x16xf32>,
      %get3A_446 = arith.index_cast %scan3A_46 : i32 to index
      %get3A_447 = arith.constant 400 : index
      %get3A_448 = tpu.vector_load %arg8[%get3A_446, %get3A_447] {strides = array<i32>} : memref<64x1024xf32, #tpu.memory_space<vmem>>, vector<1x16xf32>,
      %get3A_449 = vector.shape_cast %get3A_448 : vector<1x16xf32> to vector<16xf32>
      %add3A_450 = arith.constant 32 : i32
      %add3A_451 = arith.addi %scan3A_46, %add3A_450 : i32
      %get3A_452 = arith.index_cast %add3A_451 : i32 to index
      %get3A_453 = arith.constant 400 : index
      %get3A_454 = tpu.vector_load %arg8[%get3A_452, %get3A_453] {strides = array<i32>} : memref<64x1024xf32, #tpu.memory_space<vmem>>, vector<1x16xf32>,
      %get3A_455 = vector.shape_cast %get3A_454 : vector<1x16xf32> to vector<16xf32>
      %add3A_456 = arith.addf %get3A_449, %get3A_455 : vector<16xf32>
      %swap3A_457 = arith.index_cast %scan3A_46 : i32 to index
      %swap3A_458 = arith.constant 400 : index
      %swap3A_459 = tpu.vector_load %arg7[%swap3A_457, %swap3A_458] {strides = array<i32>} : memref<32x1024xf32, #tpu.memory_space<vmem>>, vector<1x16xf32>,
      %swap3A_460 = vector.shape_cast %swap3A_459 : vector<1x16xf32> to vector<16xf32>
      %swap3A_461 = vector.shape_cast %add3A_456 : vector<16xf32> to vector<1x16xf32>
      tpu.vector_store %arg7[%swap3A_457, %swap3A_458], %swap3A_461 {add = true, strides = array<i32>} : memref<32x1024xf32, #tpu.memory_space<vmem>>, vector<1x16xf32>,
      %get3A_462 = arith.index_cast %scan3A_46 : i32 to index
      %get3A_463 = arith.constant 416 : index
      %get3A_464 = tpu.vector_load %arg8[%get3A_462, %get3A_463] {strides = array<i32>} : memref<64x1024xf32, #tpu.memory_space<vmem>>, vector<1x16xf32>,
      %get3A_465 = vector.shape_cast %get3A_464 : vector<1x16xf32> to vector<16xf32>
      %add3A_466 = arith.constant 32 : i32
      %add3A_467 = arith.addi %scan3A_46, %add3A_466 : i32
      %get3A_468 = arith.index_cast %add3A_467 : i32 to index
      %get3A_469 = arith.constant 416 : index
      %get3A_470 = tpu.vector_load %arg8[%get3A_468, %get3A_469] {strides = array<i32>} : memref<64x1024xf32, #tpu.memory_space<vmem>>, vector<1x16xf32>,
      %get3A_471 = vector.shape_cast %get3A_470 : vector<1x16xf32> to vector<16xf32>
      %add3A_472 = arith.addf %get3A_465, %get3A_471 : vector<16xf32>
      %swap3A_473 = arith.index_cast %scan3A_46 : i32 to index
      %swap3A_474 = arith.constant 416 : index
      %swap3A_475 = tpu.vector_load %arg7[%swap3A_473, %swap3A_474] {strides = array<i32>} : memref<32x1024xf32, #tpu.memory_space<vmem>>, vector<1x16xf32>,
      %swap3A_476 = vector.shape_cast %swap3A_475 : vector<1x16xf32> to vector<16xf32>
      %swap3A_477 = vector.shape_cast %add3A_472 : vector<16xf32> to vector<1x16xf32>
      tpu.vector_store %arg7[%swap3A_473, %swap3A_474], %swap3A_477 {add = true, strides = array<i32>} : memref<32x1024xf32, #tpu.memory_space<vmem>>, vector<1x16xf32>,
      %get3A_478 = arith.index_cast %scan3A_46 : i32 to index
      %get3A_479 = arith.constant 432 : index
      %get3A_480 = tpu.vector_load %arg8[%get3A_478, %get3A_479] {strides = array<i32>} : memref<64x1024xf32, #tpu.memory_space<vmem>>, vector<1x16xf32>,
      %get3A_481 = vector.shape_cast %get3A_480 : vector<1x16xf32> to vector<16xf32>
      %add3A_482 = arith.constant 32 : i32
      %add3A_483 = arith.addi %scan3A_46, %add3A_482 : i32
      %get3A_484 = arith.index_cast %add3A_483 : i32 to index
      %get3A_485 = arith.constant 432 : index
      %get3A_486 = tpu.vector_load %arg8[%get3A_484, %get3A_485] {strides = array<i32>} : memref<64x1024xf32, #tpu.memory_space<vmem>>, vector<1x16xf32>,
      %get3A_487 = vector.shape_cast %get3A_486 : vector<1x16xf32> to vector<16xf32>
      %add3A_488 = arith.addf %get3A_481, %get3A_487 : vector<16xf32>
      %swap3A_489 = arith.index_cast %scan3A_46 : i32 to index
      %swap3A_490 = arith.constant 432 : index
      %swap3A_491 = tpu.vector_load %arg7[%swap3A_489, %swap3A_490] {strides = array<i32>} : memref<32x1024xf32, #tpu.memory_space<vmem>>, vector<1x16xf32>,
      %swap3A_492 = vector.shape_cast %swap3A_491 : vector<1x16xf32> to vector<16xf32>
      %swap3A_493 = vector.shape_cast %add3A_488 : vector<16xf32> to vector<1x16xf32>
      tpu.vector_store %arg7[%swap3A_489, %swap3A_490], %swap3A_493 {add = true, strides = array<i32>} : memref<32x1024xf32, #tpu.memory_space<vmem>>, vector<1x16xf32>,
      %get3A_494 = arith.index_cast %scan3A_46 : i32 to index
      %get3A_495 = arith.constant 448 : index
      %get3A_496 = tpu.vector_load %arg8[%get3A_494, %get3A_495] {strides = array<i32>} : memref<64x1024xf32, #tpu.memory_space<vmem>>, vector<1x16xf32>,
      %get3A_497 = vector.shape_cast %get3A_496 : vector<1x16xf32> to vector<16xf32>
      %add3A_498 = arith.constant 32 : i32
      %add3A_499 = arith.addi %scan3A_46, %add3A_498 : i32
      %get3A_500 = arith.index_cast %add3A_499 : i32 to index
      %get3A_501 = arith.constant 448 : index
      %get3A_502 = tpu.vector_load %arg8[%get3A_500, %get3A_501] {strides = array<i32>} : memref<64x1024xf32, #tpu.memory_space<vmem>>, vector<1x16xf32>,
      %get3A_503 = vector.shape_cast %get3A_502 : vector<1x16xf32> to vector<16xf32>
      %add3A_504 = arith.addf %get3A_497, %get3A_503 : vector<16xf32>
      %swap3A_505 = arith.index_cast %scan3A_46 : i32 to index
      %swap3A_506 = arith.constant 448 : index
      %swap3A_507 = tpu.vector_load %arg7[%swap3A_505, %swap3A_506] {strides = array<i32>} : memref<32x1024xf32, #tpu.memory_space<vmem>>, vector<1x16xf32>,
      %swap3A_508 = vector.shape_cast %swap3A_507 : vector<1x16xf32> to vector<16xf32>
      %swap3A_509 = vector.shape_cast %add3A_504 : vector<16xf32> to vector<1x16xf32>
      tpu.vector_store %arg7[%swap3A_505, %swap3A_506], %swap3A_509 {add = true, strides = array<i32>} : memref<32x1024xf32, #tpu.memory_space<vmem>>, vector<1x16xf32>,
      %get3A_510 = arith.index_cast %scan3A_46 : i32 to index
      %get3A_511 = arith.constant 464 : index
      %get3A_512 = tpu.vector_load %arg8[%get3A_510, %get3A_511] {strides = array<i32>} : memref<64x1024xf32, #tpu.memory_space<vmem>>, vector<1x16xf32>,
      %get3A_513 = vector.shape_cast %get3A_512 : vector<1x16xf32> to vector<16xf32>
      %add3A_514 = arith.constant 32 : i32
      %add3A_515 = arith.addi %scan3A_46, %add3A_514 : i32
      %get3A_516 = arith.index_cast %add3A_515 : i32 to index
      %get3A_517 = arith.constant 464 : index
      %get3A_518 = tpu.vector_load %arg8[%get3A_516, %get3A_517] {strides = array<i32>} : memref<64x1024xf32, #tpu.memory_space<vmem>>, vector<1x16xf32>,
      %get3A_519 = vector.shape_cast %get3A_518 : vector<1x16xf32> to vector<16xf32>
      %add3A_520 = arith.addf %get3A_513, %get3A_519 : vector<16xf32>
      %swap3A_521 = arith.index_cast %scan3A_46 : i32 to index
      %swap3A_522 = arith.constant 464 : index
      %swap3A_523 = tpu.vector_load %arg7[%swap3A_521, %swap3A_522] {strides = array<i32>} : memref<32x1024xf32, #tpu.memory_space<vmem>>, vector<1x16xf32>,
      %swap3A_524 = vector.shape_cast %swap3A_523 : vector<1x16xf32> to vector<16xf32>
      %swap3A_525 = vector.shape_cast %add3A_520 : vector<16xf32> to vector<1x16xf32>
      tpu.vector_store %arg7[%swap3A_521, %swap3A_522], %swap3A_525 {add = true, strides = array<i32>} : memref<32x1024xf32, #tpu.memory_space<vmem>>, vector<1x16xf32>,
      %get3A_526 = arith.index_cast %scan3A_46 : i32 to index
      %get3A_527 = arith.constant 480 : index
      %get3A_528 = tpu.vector_load %arg8[%get3A_526, %get3A_527] {strides = array<i32>} : memref<64x1024xf32, #tpu.memory_space<vmem>>, vector<1x16xf32>,
      %get3A_529 = vector.shape_cast %get3A_528 : vector<1x16xf32> to vector<16xf32>
      %add3A_530 = arith.constant 32 : i32
      %add3A_531 = arith.addi %scan3A_46, %add3A_530 : i32
      %get3A_532 = arith.index_cast %add3A_531 : i32 to index
      %get3A_533 = arith.constant 480 : index
      %get3A_534 = tpu.vector_load %arg8[%get3A_532, %get3A_533] {strides = array<i32>} : memref<64x1024xf32, #tpu.memory_space<vmem>>, vector<1x16xf32>,
      %get3A_535 = vector.shape_cast %get3A_534 : vector<1x16xf32> to vector<16xf32>
      %add3A_536 = arith.addf %get3A_529, %get3A_535 : vector<16xf32>
      %swap3A_537 = arith.index_cast %scan3A_46 : i32 to index
      %swap3A_538 = arith.constant 480 : index
      %swap3A_539 = tpu.vector_load %arg7[%swap3A_537, %swap3A_538] {strides = array<i32>} : memref<32x1024xf32, #tpu.memory_space<vmem>>, vector<1x16xf32>,
      %swap3A_540 = vector.shape_cast %swap3A_539 : vector<1x16xf32> to vector<16xf32>
      %swap3A_541 = vector.shape_cast %add3A_536 : vector<16xf32> to vector<1x16xf32>
      tpu.vector_store %arg7[%swap3A_537, %swap3A_538], %swap3A_541 {add = true, strides = array<i32>} : memref<32x1024xf32, #tpu.memory_space<vmem>>, vector<1x16xf32>,
      %get3A_542 = arith.index_cast %scan3A_46 : i32 to index
      %get3A_543 = arith.constant 496 : index
      %get3A_544 = tpu.vector_load %arg8[%get3A_542, %get3A_543] {strides = array<i32>} : memref<64x1024xf32, #tpu.memory_space<vmem>>, vector<1x16xf32>,
      %get3A_545 = vector.shape_cast %get3A_544 : vector<1x16xf32> to vector<16xf32>
      %add3A_546 = arith.constant 32 : i32
      %add3A_547 = arith.addi %scan3A_46, %add3A_546 : i32
      %get3A_548 = arith.index_cast %add3A_547 : i32 to index
      %get3A_549 = arith.constant 496 : index
      %get3A_550 = tpu.vector_load %arg8[%get3A_548, %get3A_549] {strides = array<i32>} : memref<64x1024xf32, #tpu.memory_space<vmem>>, vector<1x16xf32>,
      %get3A_551 = vector.shape_cast %get3A_550 : vector<1x16xf32> to vector<16xf32>
      %add3A_552 = arith.addf %get3A_545, %get3A_551 : vector<16xf32>
      %swap3A_553 = arith.index_cast %scan3A_46 : i32 to index
      %swap3A_554 = arith.constant 496 : index
      %swap3A_555 = tpu.vector_load %arg7[%swap3A_553, %swap3A_554] {strides = array<i32>} : memref<32x1024xf32, #tpu.memory_space<vmem>>, vector<1x16xf32>,
      %swap3A_556 = vector.shape_cast %swap3A_555 : vector<1x16xf32> to vector<16xf32>
      %swap3A_557 = vector.shape_cast %add3A_552 : vector<16xf32> to vector<1x16xf32>
      tpu.vector_store %arg7[%swap3A_553, %swap3A_554], %swap3A_557 {add = true, strides = array<i32>} : memref<32x1024xf32, #tpu.memory_space<vmem>>, vector<1x16xf32>,
      %get3A_558 = arith.index_cast %scan3A_46 : i32 to index
      %get3A_559 = arith.constant 512 : index
      %get3A_560 = tpu.vector_load %arg8[%get3A_558, %get3A_559] {strides = array<i32>} : memref<64x1024xf32, #tpu.memory_space<vmem>>, vector<1x16xf32>,
      %get3A_561 = vector.shape_cast %get3A_560 : vector<1x16xf32> to vector<16xf32>
      %add3A_562 = arith.constant 32 : i32
      %add3A_563 = arith.addi %scan3A_46, %add3A_562 : i32
      %get3A_564 = arith.index_cast %add3A_563 : i32 to index
      %get3A_565 = arith.constant 512 : index
      %get3A_566 = tpu.vector_load %arg8[%get3A_564, %get3A_565] {strides = array<i32>} : memref<64x1024xf32, #tpu.memory_space<vmem>>, vector<1x16xf32>,
      %get3A_567 = vector.shape_cast %get3A_566 : vector<1x16xf32> to vector<16xf32>
      %add3A_568 = arith.addf %get3A_561, %get3A_567 : vector<16xf32>
      %swap3A_569 = arith.index_cast %scan3A_46 : i32 to index
      %swap3A_570 = arith.constant 512 : index
      %swap3A_571 = tpu.vector_load %arg7[%swap3A_569, %swap3A_570] {strides = array<i32>} : memref<32x1024xf32, #tpu.memory_space<vmem>>, vector<1x16xf32>,
      %swap3A_572 = vector.shape_cast %swap3A_571 : vector<1x16xf32> to vector<16xf32>
      %swap3A_573 = vector.shape_cast %add3A_568 : vector<16xf32> to vector<1x16xf32>
      tpu.vector_store %arg7[%swap3A_569, %swap3A_570], %swap3A_573 {add = true, strides = array<i32>} : memref<32x1024xf32, #tpu.memory_space<vmem>>, vector<1x16xf32>,
      %get3A_574 = arith.index_cast %scan3A_46 : i32 to index
      %get3A_575 = arith.constant 528 : index
      %get3A_576 = tpu.vector_load %arg8[%get3A_574, %get3A_575] {strides = array<i32>} : memref<64x1024xf32, #tpu.memory_space<vmem>>, vector<1x16xf32>,
      %get3A_577 = vector.shape_cast %get3A_576 : vector<1x16xf32> to vector<16xf32>
      %add3A_578 = arith.constant 32 : i32
      %add3A_579 = arith.addi %scan3A_46, %add3A_578 : i32
      %get3A_580 = arith.index_cast %add3A_579 : i32 to index
      %get3A_581 = arith.constant 528 : index
      %get3A_582 = tpu.vector_load %arg8[%get3A_580, %get3A_581] {strides = array<i32>} : memref<64x1024xf32, #tpu.memory_space<vmem>>, vector<1x16xf32>,
      %get3A_583 = vector.shape_cast %get3A_582 : vector<1x16xf32> to vector<16xf32>
      %add3A_584 = arith.addf %get3A_577, %get3A_583 : vector<16xf32>
      %swap3A_585 = arith.index_cast %scan3A_46 : i32 to index
      %swap3A_586 = arith.constant 528 : index
      %swap3A_587 = tpu.vector_load %arg7[%swap3A_585, %swap3A_586] {strides = array<i32>} : memref<32x1024xf32, #tpu.memory_space<vmem>>, vector<1x16xf32>,
      %swap3A_588 = vector.shape_cast %swap3A_587 : vector<1x16xf32> to vector<16xf32>
      %swap3A_589 = vector.shape_cast %add3A_584 : vector<16xf32> to vector<1x16xf32>
      tpu.vector_store %arg7[%swap3A_585, %swap3A_586], %swap3A_589 {add = true, strides = array<i32>} : memref<32x1024xf32, #tpu.memory_space<vmem>>, vector<1x16xf32>,
      %get3A_590 = arith.index_cast %scan3A_46 : i32 to index
      %get3A_591 = arith.constant 544 : index
      %get3A_592 = tpu.vector_load %arg8[%get3A_590, %get3A_591] {strides = array<i32>} : memref<64x1024xf32, #tpu.memory_space<vmem>>, vector<1x16xf32>,
      %get3A_593 = vector.shape_cast %get3A_592 : vector<1x16xf32> to vector<16xf32>
      %add3A_594 = arith.constant 32 : i32
      %add3A_595 = arith.addi %scan3A_46, %add3A_594 : i32
      %get3A_596 = arith.index_cast %add3A_595 : i32 to index
      %get3A_597 = arith.constant 544 : index
      %get3A_598 = tpu.vector_load %arg8[%get3A_596, %get3A_597] {strides = array<i32>} : memref<64x1024xf32, #tpu.memory_space<vmem>>, vector<1x16xf32>,
      %get3A_599 = vector.shape_cast %get3A_598 : vector<1x16xf32> to vector<16xf32>
      %add3A_600 = arith.addf %get3A_593, %get3A_599 : vector<16xf32>
      %swap3A_601 = arith.index_cast %scan3A_46 : i32 to index
      %swap3A_602 = arith.constant 544 : index
      %swap3A_603 = tpu.vector_load %arg7[%swap3A_601, %swap3A_602] {strides = array<i32>} : memref<32x1024xf32, #tpu.memory_space<vmem>>, vector<1x16xf32>,
      %swap3A_604 = vector.shape_cast %swap3A_603 : vector<1x16xf32> to vector<16xf32>
      %swap3A_605 = vector.shape_cast %add3A_600 : vector<16xf32> to vector<1x16xf32>
      tpu.vector_store %arg7[%swap3A_601, %swap3A_602], %swap3A_605 {add = true, strides = array<i32>} : memref<32x1024xf32, #tpu.memory_space<vmem>>, vector<1x16xf32>,
      %get3A_606 = arith.index_cast %scan3A_46 : i32 to index
      %get3A_607 = arith.constant 560 : index
      %get3A_608 = tpu.vector_load %arg8[%get3A_606, %get3A_607] {strides = array<i32>} : memref<64x1024xf32, #tpu.memory_space<vmem>>, vector<1x16xf32>,
      %get3A_609 = vector.shape_cast %get3A_608 : vector<1x16xf32> to vector<16xf32>
      %add3A_610 = arith.constant 32 : i32
      %add3A_611 = arith.addi %scan3A_46, %add3A_610 : i32
      %get3A_612 = arith.index_cast %add3A_611 : i32 to index
      %get3A_613 = arith.constant 560 : index
      %get3A_614 = tpu.vector_load %arg8[%get3A_612, %get3A_613] {strides = array<i32>} : memref<64x1024xf32, #tpu.memory_space<vmem>>, vector<1x16xf32>,
      %get3A_615 = vector.shape_cast %get3A_614 : vector<1x16xf32> to vector<16xf32>
      %add3A_616 = arith.addf %get3A_609, %get3A_615 : vector<16xf32>
      %swap3A_617 = arith.index_cast %scan3A_46 : i32 to index
      %swap3A_618 = arith.constant 560 : index
      %swap3A_619 = tpu.vector_load %arg7[%swap3A_617, %swap3A_618] {strides = array<i32>} : memref<32x1024xf32, #tpu.memory_space<vmem>>, vector<1x16xf32>,
      %swap3A_620 = vector.shape_cast %swap3A_619 : vector<1x16xf32> to vector<16xf32>
      %swap3A_621 = vector.shape_cast %add3A_616 : vector<16xf32> to vector<1x16xf32>
      tpu.vector_store %arg7[%swap3A_617, %swap3A_618], %swap3A_621 {add = true, strides = array<i32>} : memref<32x1024xf32, #tpu.memory_space<vmem>>, vector<1x16xf32>,
      %get3A_622 = arith.index_cast %scan3A_46 : i32 to index
      %get3A_623 = arith.constant 576 : index
      %get3A_624 = tpu.vector_load %arg8[%get3A_622, %get3A_623] {strides = array<i32>} : memref<64x1024xf32, #tpu.memory_space<vmem>>, vector<1x16xf32>,
      %get3A_625 = vector.shape_cast %get3A_624 : vector<1x16xf32> to vector<16xf32>
      %add3A_626 = arith.constant 32 : i32
      %add3A_627 = arith.addi %scan3A_46, %add3A_626 : i32
      %get3A_628 = arith.index_cast %add3A_627 : i32 to index
      %get3A_629 = arith.constant 576 : index
      %get3A_630 = tpu.vector_load %arg8[%get3A_628, %get3A_629] {strides = array<i32>} : memref<64x1024xf32, #tpu.memory_space<vmem>>, vector<1x16xf32>,
      %get3A_631 = vector.shape_cast %get3A_630 : vector<1x16xf32> to vector<16xf32>
      %add3A_632 = arith.addf %get3A_625, %get3A_631 : vector<16xf32>
      %swap3A_633 = arith.index_cast %scan3A_46 : i32 to index
      %swap3A_634 = arith.constant 576 : index
      %swap3A_635 = tpu.vector_load %arg7[%swap3A_633, %swap3A_634] {strides = array<i32>} : memref<32x1024xf32, #tpu.memory_space<vmem>>, vector<1x16xf32>,
      %swap3A_636 = vector.shape_cast %swap3A_635 : vector<1x16xf32> to vector<16xf32>
      %swap3A_637 = vector.shape_cast %add3A_632 : vector<16xf32> to vector<1x16xf32>
      tpu.vector_store %arg7[%swap3A_633, %swap3A_634], %swap3A_637 {add = true, strides = array<i32>} : memref<32x1024xf32, #tpu.memory_space<vmem>>, vector<1x16xf32>,
      %get3A_638 = arith.index_cast %scan3A_46 : i32 to index
      %get3A_639 = arith.constant 592 : index
      %get3A_640 = tpu.vector_load %arg8[%get3A_638, %get3A_639] {strides = array<i32>} : memref<64x1024xf32, #tpu.memory_space<vmem>>, vector<1x16xf32>,
      %get3A_641 = vector.shape_cast %get3A_640 : vector<1x16xf32> to vector<16xf32>
      %add3A_642 = arith.constant 32 : i32
      %add3A_643 = arith.addi %scan3A_46, %add3A_642 : i32
      %get3A_644 = arith.index_cast %add3A_643 : i32 to index
      %get3A_645 = arith.constant 592 : index
      %get3A_646 = tpu.vector_load %arg8[%get3A_644, %get3A_645] {strides = array<i32>} : memref<64x1024xf32, #tpu.memory_space<vmem>>, vector<1x16xf32>,
      %get3A_647 = vector.shape_cast %get3A_646 : vector<1x16xf32> to vector<16xf32>
      %add3A_648 = arith.addf %get3A_641, %get3A_647 : vector<16xf32>
      %swap3A_649 = arith.index_cast %scan3A_46 : i32 to index
      %swap3A_650 = arith.constant 592 : index
      %swap3A_651 = tpu.vector_load %arg7[%swap3A_649, %swap3A_650] {strides = array<i32>} : memref<32x1024xf32, #tpu.memory_space<vmem>>, vector<1x16xf32>,
      %swap3A_652 = vector.shape_cast %swap3A_651 : vector<1x16xf32> to vector<16xf32>
      %swap3A_653 = vector.shape_cast %add3A_648 : vector<16xf32> to vector<1x16xf32>
      tpu.vector_store %arg7[%swap3A_649, %swap3A_650], %swap3A_653 {add = true, strides = array<i32>} : memref<32x1024xf32, #tpu.memory_space<vmem>>, vector<1x16xf32>,
      %get3A_654 = arith.index_cast %scan3A_46 : i32 to index
      %get3A_655 = arith.constant 608 : index
      %get3A_656 = tpu.vector_load %arg8[%get3A_654, %get3A_655] {strides = array<i32>} : memref<64x1024xf32, #tpu.memory_space<vmem>>, vector<1x16xf32>,
      %get3A_657 = vector.shape_cast %get3A_656 : vector<1x16xf32> to vector<16xf32>
      %add3A_658 = arith.constant 32 : i32
      %add3A_659 = arith.addi %scan3A_46, %add3A_658 : i32
      %get3A_660 = arith.index_cast %add3A_659 : i32 to index
      %get3A_661 = arith.constant 608 : index
      %get3A_662 = tpu.vector_load %arg8[%get3A_660, %get3A_661] {strides = array<i32>} : memref<64x1024xf32, #tpu.memory_space<vmem>>, vector<1x16xf32>,
      %get3A_663 = vector.shape_cast %get3A_662 : vector<1x16xf32> to vector<16xf32>
      %add3A_664 = arith.addf %get3A_657, %get3A_663 : vector<16xf32>
      %swap3A_665 = arith.index_cast %scan3A_46 : i32 to index
      %swap3A_666 = arith.constant 608 : index
      %swap3A_667 = tpu.vector_load %arg7[%swap3A_665, %swap3A_666] {strides = array<i32>} : memref<32x1024xf32, #tpu.memory_space<vmem>>, vector<1x16xf32>,
      %swap3A_668 = vector.shape_cast %swap3A_667 : vector<1x16xf32> to vector<16xf32>
      %swap3A_669 = vector.shape_cast %add3A_664 : vector<16xf32> to vector<1x16xf32>
      tpu.vector_store %arg7[%swap3A_665, %swap3A_666], %swap3A_669 {add = true, strides = array<i32>} : memref<32x1024xf32, #tpu.memory_space<vmem>>, vector<1x16xf32>,
      %get3A_670 = arith.index_cast %scan3A_46 : i32 to index
      %get3A_671 = arith.constant 624 : index
      %get3A_672 = tpu.vector_load %arg8[%get3A_670, %get3A_671] {strides = array<i32>} : memref<64x1024xf32, #tpu.memory_space<vmem>>, vector<1x16xf32>,
      %get3A_673 = vector.shape_cast %get3A_672 : vector<1x16xf32> to vector<16xf32>
      %add3A_674 = arith.constant 32 : i32
      %add3A_675 = arith.addi %scan3A_46, %add3A_674 : i32
      %get3A_676 = arith.index_cast %add3A_675 : i32 to index
      %get3A_677 = arith.constant 624 : index
      %get3A_678 = tpu.vector_load %arg8[%get3A_676, %get3A_677] {strides = array<i32>} : memref<64x1024xf32, #tpu.memory_space<vmem>>, vector<1x16xf32>,
      %get3A_679 = vector.shape_cast %get3A_678 : vector<1x16xf32> to vector<16xf32>
      %add3A_680 = arith.addf %get3A_673, %get3A_679 : vector<16xf32>
      %swap3A_681 = arith.index_cast %scan3A_46 : i32 to index
      %swap3A_682 = arith.constant 624 : index
      %swap3A_683 = tpu.vector_load %arg7[%swap3A_681, %swap3A_682] {strides = array<i32>} : memref<32x1024xf32, #tpu.memory_space<vmem>>, vector<1x16xf32>,
      %swap3A_684 = vector.shape_cast %swap3A_683 : vector<1x16xf32> to vector<16xf32>
      %swap3A_685 = vector.shape_cast %add3A_680 : vector<16xf32> to vector<1x16xf32>
      tpu.vector_store %arg7[%swap3A_681, %swap3A_682], %swap3A_685 {add = true, strides = array<i32>} : memref<32x1024xf32, #tpu.memory_space<vmem>>, vector<1x16xf32>,
      %get3A_686 = arith.index_cast %scan3A_46 : i32 to index
      %get3A_687 = arith.constant 640 : index
      %get3A_688 = tpu.vector_load %arg8[%get3A_686, %get3A_687] {strides = array<i32>} : memref<64x1024xf32, #tpu.memory_space<vmem>>, vector<1x16xf32>,
      %get3A_689 = vector.shape_cast %get3A_688 : vector<1x16xf32> to vector<16xf32>
      %add3A_690 = arith.constant 32 : i32
      %add3A_691 = arith.addi %scan3A_46, %add3A_690 : i32
      %get3A_692 = arith.index_cast %add3A_691 : i32 to index
      %get3A_693 = arith.constant 640 : index
      %get3A_694 = tpu.vector_load %arg8[%get3A_692, %get3A_693] {strides = array<i32>} : memref<64x1024xf32, #tpu.memory_space<vmem>>, vector<1x16xf32>,
      %get3A_695 = vector.shape_cast %get3A_694 : vector<1x16xf32> to vector<16xf32>
      %add3A_696 = arith.addf %get3A_689, %get3A_695 : vector<16xf32>
      %swap3A_697 = arith.index_cast %scan3A_46 : i32 to index
      %swap3A_698 = arith.constant 640 : index
      %swap3A_699 = tpu.vector_load %arg7[%swap3A_697, %swap3A_698] {strides = array<i32>} : memref<32x1024xf32, #tpu.memory_space<vmem>>, vector<1x16xf32>,
      %swap3A_700 = vector.shape_cast %swap3A_699 : vector<1x16xf32> to vector<16xf32>
      %swap3A_701 = vector.shape_cast %add3A_696 : vector<16xf32> to vector<1x16xf32>
      tpu.vector_store %arg7[%swap3A_697, %swap3A_698], %swap3A_701 {add = true, strides = array<i32>} : memref<32x1024xf32, #tpu.memory_space<vmem>>, vector<1x16xf32>,
      %get3A_702 = arith.index_cast %scan3A_46 : i32 to index
      %get3A_703 = arith.constant 656 : index
      %get3A_704 = tpu.vector_load %arg8[%get3A_702, %get3A_703] {strides = array<i32>} : memref<64x1024xf32, #tpu.memory_space<vmem>>, vector<1x16xf32>,
      %get3A_705 = vector.shape_cast %get3A_704 : vector<1x16xf32> to vector<16xf32>
      %add3A_706 = arith.constant 32 : i32
      %add3A_707 = arith.addi %scan3A_46, %add3A_706 : i32
      %get3A_708 = arith.index_cast %add3A_707 : i32 to index
      %get3A_709 = arith.constant 656 : index
      %get3A_710 = tpu.vector_load %arg8[%get3A_708, %get3A_709] {strides = array<i32>} : memref<64x1024xf32, #tpu.memory_space<vmem>>, vector<1x16xf32>,
      %get3A_711 = vector.shape_cast %get3A_710 : vector<1x16xf32> to vector<16xf32>
      %add3A_712 = arith.addf %get3A_705, %get3A_711 : vector<16xf32>
      %swap3A_713 = arith.index_cast %scan3A_46 : i32 to index
      %swap3A_714 = arith.constant 656 : index
      %swap3A_715 = tpu.vector_load %arg7[%swap3A_713, %swap3A_714] {strides = array<i32>} : memref<32x1024xf32, #tpu.memory_space<vmem>>, vector<1x16xf32>,
      %swap3A_716 = vector.shape_cast %swap3A_715 : vector<1x16xf32> to vector<16xf32>
      %swap3A_717 = vector.shape_cast %add3A_712 : vector<16xf32> to vector<1x16xf32>
      tpu.vector_store %arg7[%swap3A_713, %swap3A_714], %swap3A_717 {add = true, strides = array<i32>} : memref<32x1024xf32, #tpu.memory_space<vmem>>, vector<1x16xf32>,
      %get3A_718 = arith.index_cast %scan3A_46 : i32 to index
      %get3A_719 = arith.constant 672 : index
      %get3A_720 = tpu.vector_load %arg8[%get3A_718, %get3A_719] {strides = array<i32>} : memref<64x1024xf32, #tpu.memory_space<vmem>>, vector<1x16xf32>,
      %get3A_721 = vector.shape_cast %get3A_720 : vector<1x16xf32> to vector<16xf32>
      %add3A_722 = arith.constant 32 : i32
      %add3A_723 = arith.addi %scan3A_46, %add3A_722 : i32
      %get3A_724 = arith.index_cast %add3A_723 : i32 to index
      %get3A_725 = arith.constant 672 : index
      %get3A_726 = tpu.vector_load %arg8[%get3A_724, %get3A_725] {strides = array<i32>} : memref<64x1024xf32, #tpu.memory_space<vmem>>, vector<1x16xf32>,
      %get3A_727 = vector.shape_cast %get3A_726 : vector<1x16xf32> to vector<16xf32>
      %add3A_728 = arith.addf %get3A_721, %get3A_727 : vector<16xf32>
      %swap3A_729 = arith.index_cast %scan3A_46 : i32 to index
      %swap3A_730 = arith.constant 672 : index
      %swap3A_731 = tpu.vector_load %arg7[%swap3A_729, %swap3A_730] {strides = array<i32>} : memref<32x1024xf32, #tpu.memory_space<vmem>>, vector<1x16xf32>,
      %swap3A_732 = vector.shape_cast %swap3A_731 : vector<1x16xf32> to vector<16xf32>
      %swap3A_733 = vector.shape_cast %add3A_728 : vector<16xf32> to vector<1x16xf32>
      tpu.vector_store %arg7[%swap3A_729, %swap3A_730], %swap3A_733 {add = true, strides = array<i32>} : memref<32x1024xf32, #tpu.memory_space<vmem>>, vector<1x16xf32>,
      %get3A_734 = arith.index_cast %scan3A_46 : i32 to index
      %get3A_735 = arith.constant 688 : index
      %get3A_736 = tpu.vector_load %arg8[%get3A_734, %get3A_735] {strides = array<i32>} : memref<64x1024xf32, #tpu.memory_space<vmem>>, vector<1x16xf32>,
      %get3A_737 = vector.shape_cast %get3A_736 : vector<1x16xf32> to vector<16xf32>
      %add3A_738 = arith.constant 32 : i32
      %add3A_739 = arith.addi %scan3A_46, %add3A_738 : i32
      %get3A_740 = arith.index_cast %add3A_739 : i32 to index
      %get3A_741 = arith.constant 688 : index
      %get3A_742 = tpu.vector_load %arg8[%get3A_740, %get3A_741] {strides = array<i32>} : memref<64x1024xf32, #tpu.memory_space<vmem>>, vector<1x16xf32>,
      %get3A_743 = vector.shape_cast %get3A_742 : vector<1x16xf32> to vector<16xf32>
      %add3A_744 = arith.addf %get3A_737, %get3A_743 : vector<16xf32>
      %swap3A_745 = arith.index_cast %scan3A_46 : i32 to index
      %swap3A_746 = arith.constant 688 : index
      %swap3A_747 = tpu.vector_load %arg7[%swap3A_745, %swap3A_746] {strides = array<i32>} : memref<32x1024xf32, #tpu.memory_space<vmem>>, vector<1x16xf32>,
      %swap3A_748 = vector.shape_cast %swap3A_747 : vector<1x16xf32> to vector<16xf32>
      %swap3A_749 = vector.shape_cast %add3A_744 : vector<16xf32> to vector<1x16xf32>
      tpu.vector_store %arg7[%swap3A_745, %swap3A_746], %swap3A_749 {add = true, strides = array<i32>} : memref<32x1024xf32, #tpu.memory_space<vmem>>, vector<1x16xf32>,
      %get3A_750 = arith.index_cast %scan3A_46 : i32 to index
      %get3A_751 = arith.constant 704 : index
      %get3A_752 = tpu.vector_load %arg8[%get3A_750, %get3A_751] {strides = array<i32>} : memref<64x1024xf32, #tpu.memory_space<vmem>>, vector<1x16xf32>,
      %get3A_753 = vector.shape_cast %get3A_752 : vector<1x16xf32> to vector<16xf32>
      %add3A_754 = arith.constant 32 : i32
      %add3A_755 = arith.addi %scan3A_46, %add3A_754 : i32
      %get3A_756 = arith.index_cast %add3A_755 : i32 to index
      %get3A_757 = arith.constant 704 : index
      %get3A_758 = tpu.vector_load %arg8[%get3A_756, %get3A_757] {strides = array<i32>} : memref<64x1024xf32, #tpu.memory_space<vmem>>, vector<1x16xf32>,
      %get3A_759 = vector.shape_cast %get3A_758 : vector<1x16xf32> to vector<16xf32>
      %add3A_760 = arith.addf %get3A_753, %get3A_759 : vector<16xf32>
      %swap3A_761 = arith.index_cast %scan3A_46 : i32 to index
      %swap3A_762 = arith.constant 704 : index
      %swap3A_763 = tpu.vector_load %arg7[%swap3A_761, %swap3A_762] {strides = array<i32>} : memref<32x1024xf32, #tpu.memory_space<vmem>>, vector<1x16xf32>,
      %swap3A_764 = vector.shape_cast %swap3A_763 : vector<1x16xf32> to vector<16xf32>
      %swap3A_765 = vector.shape_cast %add3A_760 : vector<16xf32> to vector<1x16xf32>
      tpu.vector_store %arg7[%swap3A_761, %swap3A_762], %swap3A_765 {add = true, strides = array<i32>} : memref<32x1024xf32, #tpu.memory_space<vmem>>, vector<1x16xf32>,
      %get3A_766 = arith.index_cast %scan3A_46 : i32 to index
      %get3A_767 = arith.constant 720 : index
      %get3A_768 = tpu.vector_load %arg8[%get3A_766, %get3A_767] {strides = array<i32>} : memref<64x1024xf32, #tpu.memory_space<vmem>>, vector<1x16xf32>,
      %get3A_769 = vector.shape_cast %get3A_768 : vector<1x16xf32> to vector<16xf32>
      %add3A_770 = arith.constant 32 : i32
      %add3A_771 = arith.addi %scan3A_46, %add3A_770 : i32
      %get3A_772 = arith.index_cast %add3A_771 : i32 to index
      %get3A_773 = arith.constant 720 : index
      %get3A_774 = tpu.vector_load %arg8[%get3A_772, %get3A_773] {strides = array<i32>} : memref<64x1024xf32, #tpu.memory_space<vmem>>, vector<1x16xf32>,
      %get3A_775 = vector.shape_cast %get3A_774 : vector<1x16xf32> to vector<16xf32>
      %add3A_776 = arith.addf %get3A_769, %get3A_775 : vector<16xf32>
      %swap3A_777 = arith.index_cast %scan3A_46 : i32 to index
      %swap3A_778 = arith.constant 720 : index
      %swap3A_779 = tpu.vector_load %arg7[%swap3A_777, %swap3A_778] {strides = array<i32>} : memref<32x1024xf32, #tpu.memory_space<vmem>>, vector<1x16xf32>,
      %swap3A_780 = vector.shape_cast %swap3A_779 : vector<1x16xf32> to vector<16xf32>
      %swap3A_781 = vector.shape_cast %add3A_776 : vector<16xf32> to vector<1x16xf32>
      tpu.vector_store %arg7[%swap3A_777, %swap3A_778], %swap3A_781 {add = true, strides = array<i32>} : memref<32x1024xf32, #tpu.memory_space<vmem>>, vector<1x16xf32>,
      %get3A_782 = arith.index_cast %scan3A_46 : i32 to index
      %get3A_783 = arith.constant 736 : index
      %get3A_784 = tpu.vector_load %arg8[%get3A_782, %get3A_783] {strides = array<i32>} : memref<64x1024xf32, #tpu.memory_space<vmem>>, vector<1x16xf32>,
      %get3A_785 = vector.shape_cast %get3A_784 : vector<1x16xf32> to vector<16xf32>
      %add3A_786 = arith.constant 32 : i32
      %add3A_787 = arith.addi %scan3A_46, %add3A_786 : i32
      %get3A_788 = arith.index_cast %add3A_787 : i32 to index
      %get3A_789 = arith.constant 736 : index
      %get3A_790 = tpu.vector_load %arg8[%get3A_788, %get3A_789] {strides = array<i32>} : memref<64x1024xf32, #tpu.memory_space<vmem>>, vector<1x16xf32>,
      %get3A_791 = vector.shape_cast %get3A_790 : vector<1x16xf32> to vector<16xf32>
      %add3A_792 = arith.addf %get3A_785, %get3A_791 : vector<16xf32>
      %swap3A_793 = arith.index_cast %scan3A_46 : i32 to index
      %swap3A_794 = arith.constant 736 : index
      %swap3A_795 = tpu.vector_load %arg7[%swap3A_793, %swap3A_794] {strides = array<i32>} : memref<32x1024xf32, #tpu.memory_space<vmem>>, vector<1x16xf32>,
      %swap3A_796 = vector.shape_cast %swap3A_795 : vector<1x16xf32> to vector<16xf32>
      %swap3A_797 = vector.shape_cast %add3A_792 : vector<16xf32> to vector<1x16xf32>
      tpu.vector_store %arg7[%swap3A_793, %swap3A_794], %swap3A_797 {add = true, strides = array<i32>} : memref<32x1024xf32, #tpu.memory_space<vmem>>, vector<1x16xf32>,
      %get3A_798 = arith.index_cast %scan3A_46 : i32 to index
      %get3A_799 = arith.constant 752 : index
      %get3A_800 = tpu.vector_load %arg8[%get3A_798, %get3A_799] {strides = array<i32>} : memref<64x1024xf32, #tpu.memory_space<vmem>>, vector<1x16xf32>,
      %get3A_801 = vector.shape_cast %get3A_800 : vector<1x16xf32> to vector<16xf32>
      %add3A_802 = arith.constant 32 : i32
      %add3A_803 = arith.addi %scan3A_46, %add3A_802 : i32
      %get3A_804 = arith.index_cast %add3A_803 : i32 to index
      %get3A_805 = arith.constant 752 : index
      %get3A_806 = tpu.vector_load %arg8[%get3A_804, %get3A_805] {strides = array<i32>} : memref<64x1024xf32, #tpu.memory_space<vmem>>, vector<1x16xf32>,
      %get3A_807 = vector.shape_cast %get3A_806 : vector<1x16xf32> to vector<16xf32>
      %add3A_808 = arith.addf %get3A_801, %get3A_807 : vector<16xf32>
      %swap3A_809 = arith.index_cast %scan3A_46 : i32 to index
      %swap3A_810 = arith.constant 752 : index
      %swap3A_811 = tpu.vector_load %arg7[%swap3A_809, %swap3A_810] {strides = array<i32>} : memref<32x1024xf32, #tpu.memory_space<vmem>>, vector<1x16xf32>,
      %swap3A_812 = vector.shape_cast %swap3A_811 : vector<1x16xf32> to vector<16xf32>
      %swap3A_813 = vector.shape_cast %add3A_808 : vector<16xf32> to vector<1x16xf32>
      tpu.vector_store %arg7[%swap3A_809, %swap3A_810], %swap3A_813 {add = true, strides = array<i32>} : memref<32x1024xf32, #tpu.memory_space<vmem>>, vector<1x16xf32>,
      %get3A_814 = arith.index_cast %scan3A_46 : i32 to index
      %get3A_815 = arith.constant 768 : index
      %get3A_816 = tpu.vector_load %arg8[%get3A_814, %get3A_815] {strides = array<i32>} : memref<64x1024xf32, #tpu.memory_space<vmem>>, vector<1x16xf32>,
      %get3A_817 = vector.shape_cast %get3A_816 : vector<1x16xf32> to vector<16xf32>
      %add3A_818 = arith.constant 32 : i32
      %add3A_819 = arith.addi %scan3A_46, %add3A_818 : i32
      %get3A_820 = arith.index_cast %add3A_819 : i32 to index
      %get3A_821 = arith.constant 768 : index
      %get3A_822 = tpu.vector_load %arg8[%get3A_820, %get3A_821] {strides = array<i32>} : memref<64x1024xf32, #tpu.memory_space<vmem>>, vector<1x16xf32>,
      %get3A_823 = vector.shape_cast %get3A_822 : vector<1x16xf32> to vector<16xf32>
      %add3A_824 = arith.addf %get3A_817, %get3A_823 : vector<16xf32>
      %swap3A_825 = arith.index_cast %scan3A_46 : i32 to index
      %swap3A_826 = arith.constant 768 : index
      %swap3A_827 = tpu.vector_load %arg7[%swap3A_825, %swap3A_826] {strides = array<i32>} : memref<32x1024xf32, #tpu.memory_space<vmem>>, vector<1x16xf32>,
      %swap3A_828 = vector.shape_cast %swap3A_827 : vector<1x16xf32> to vector<16xf32>
      %swap3A_829 = vector.shape_cast %add3A_824 : vector<16xf32> to vector<1x16xf32>
      tpu.vector_store %arg7[%swap3A_825, %swap3A_826], %swap3A_829 {add = true, strides = array<i32>} : memref<32x1024xf32, #tpu.memory_space<vmem>>, vector<1x16xf32>,
      %get3A_830 = arith.index_cast %scan3A_46 : i32 to index
      %get3A_831 = arith.constant 784 : index
      %get3A_832 = tpu.vector_load %arg8[%get3A_830, %get3A_831] {strides = array<i32>} : memref<64x1024xf32, #tpu.memory_space<vmem>>, vector<1x16xf32>,
      %get3A_833 = vector.shape_cast %get3A_832 : vector<1x16xf32> to vector<16xf32>
      %add3A_834 = arith.constant 32 : i32
      %add3A_835 = arith.addi %scan3A_46, %add3A_834 : i32
      %get3A_836 = arith.index_cast %add3A_835 : i32 to index
      %get3A_837 = arith.constant 784 : index
      %get3A_838 = tpu.vector_load %arg8[%get3A_836, %get3A_837] {strides = array<i32>} : memref<64x1024xf32, #tpu.memory_space<vmem>>, vector<1x16xf32>,
      %get3A_839 = vector.shape_cast %get3A_838 : vector<1x16xf32> to vector<16xf32>
      %add3A_840 = arith.addf %get3A_833, %get3A_839 : vector<16xf32>
      %swap3A_841 = arith.index_cast %scan3A_46 : i32 to index
      %swap3A_842 = arith.constant 784 : index
      %swap3A_843 = tpu.vector_load %arg7[%swap3A_841, %swap3A_842] {strides = array<i32>} : memref<32x1024xf32, #tpu.memory_space<vmem>>, vector<1x16xf32>,
      %swap3A_844 = vector.shape_cast %swap3A_843 : vector<1x16xf32> to vector<16xf32>
      %swap3A_845 = vector.shape_cast %add3A_840 : vector<16xf32> to vector<1x16xf32>
      tpu.vector_store %arg7[%swap3A_841, %swap3A_842], %swap3A_845 {add = true, strides = array<i32>} : memref<32x1024xf32, #tpu.memory_space<vmem>>, vector<1x16xf32>,
      %get3A_846 = arith.index_cast %scan3A_46 : i32 to index
      %get3A_847 = arith.constant 800 : index
      %get3A_848 = tpu.vector_load %arg8[%get3A_846, %get3A_847] {strides = array<i32>} : memref<64x1024xf32, #tpu.memory_space<vmem>>, vector<1x16xf32>,
      %get3A_849 = vector.shape_cast %get3A_848 : vector<1x16xf32> to vector<16xf32>
      %add3A_850 = arith.constant 32 : i32
      %add3A_851 = arith.addi %scan3A_46, %add3A_850 : i32
      %get3A_852 = arith.index_cast %add3A_851 : i32 to index
      %get3A_853 = arith.constant 800 : index
      %get3A_854 = tpu.vector_load %arg8[%get3A_852, %get3A_853] {strides = array<i32>} : memref<64x1024xf32, #tpu.memory_space<vmem>>, vector<1x16xf32>,
      %get3A_855 = vector.shape_cast %get3A_854 : vector<1x16xf32> to vector<16xf32>
      %add3A_856 = arith.addf %get3A_849, %get3A_855 : vector<16xf32>
      %swap3A_857 = arith.index_cast %scan3A_46 : i32 to index
      %swap3A_858 = arith.constant 800 : index
      %swap3A_859 = tpu.vector_load %arg7[%swap3A_857, %swap3A_858] {strides = array<i32>} : memref<32x1024xf32, #tpu.memory_space<vmem>>, vector<1x16xf32>,
      %swap3A_860 = vector.shape_cast %swap3A_859 : vector<1x16xf32> to vector<16xf32>
      %swap3A_861 = vector.shape_cast %add3A_856 : vector<16xf32> to vector<1x16xf32>
      tpu.vector_store %arg7[%swap3A_857, %swap3A_858], %swap3A_861 {add = true, strides = array<i32>} : memref<32x1024xf32, #tpu.memory_space<vmem>>, vector<1x16xf32>,
      %get3A_862 = arith.index_cast %scan3A_46 : i32 to index
      %get3A_863 = arith.constant 816 : index
      %get3A_864 = tpu.vector_load %arg8[%get3A_862, %get3A_863] {strides = array<i32>} : memref<64x1024xf32, #tpu.memory_space<vmem>>, vector<1x16xf32>,
      %get3A_865 = vector.shape_cast %get3A_864 : vector<1x16xf32> to vector<16xf32>
      %add3A_866 = arith.constant 32 : i32
      %add3A_867 = arith.addi %scan3A_46, %add3A_866 : i32
      %get3A_868 = arith.index_cast %add3A_867 : i32 to index
      %get3A_869 = arith.constant 816 : index
      %get3A_870 = tpu.vector_load %arg8[%get3A_868, %get3A_869] {strides = array<i32>} : memref<64x1024xf32, #tpu.memory_space<vmem>>, vector<1x16xf32>,
      %get3A_871 = vector.shape_cast %get3A_870 : vector<1x16xf32> to vector<16xf32>
      %add3A_872 = arith.addf %get3A_865, %get3A_871 : vector<16xf32>
      %swap3A_873 = arith.index_cast %scan3A_46 : i32 to index
      %swap3A_874 = arith.constant 816 : index
      %swap3A_875 = tpu.vector_load %arg7[%swap3A_873, %swap3A_874] {strides = array<i32>} : memref<32x1024xf32, #tpu.memory_space<vmem>>, vector<1x16xf32>,
      %swap3A_876 = vector.shape_cast %swap3A_875 : vector<1x16xf32> to vector<16xf32>
      %swap3A_877 = vector.shape_cast %add3A_872 : vector<16xf32> to vector<1x16xf32>
      tpu.vector_store %arg7[%swap3A_873, %swap3A_874], %swap3A_877 {add = true, strides = array<i32>} : memref<32x1024xf32, #tpu.memory_space<vmem>>, vector<1x16xf32>,
      %get3A_878 = arith.index_cast %scan3A_46 : i32 to index
      %get3A_879 = arith.constant 832 : index
      %get3A_880 = tpu.vector_load %arg8[%get3A_878, %get3A_879] {strides = array<i32>} : memref<64x1024xf32, #tpu.memory_space<vmem>>, vector<1x16xf32>,
      %get3A_881 = vector.shape_cast %get3A_880 : vector<1x16xf32> to vector<16xf32>
      %add3A_882 = arith.constant 32 : i32
      %add3A_883 = arith.addi %scan3A_46, %add3A_882 : i32
      %get3A_884 = arith.index_cast %add3A_883 : i32 to index
      %get3A_885 = arith.constant 832 : index
      %get3A_886 = tpu.vector_load %arg8[%get3A_884, %get3A_885] {strides = array<i32>} : memref<64x1024xf32, #tpu.memory_space<vmem>>, vector<1x16xf32>,
      %get3A_887 = vector.shape_cast %get3A_886 : vector<1x16xf32> to vector<16xf32>
      %add3A_888 = arith.addf %get3A_881, %get3A_887 : vector<16xf32>
      %swap3A_889 = arith.index_cast %scan3A_46 : i32 to index
      %swap3A_890 = arith.constant 832 : index
      %swap3A_891 = tpu.vector_load %arg7[%swap3A_889, %swap3A_890] {strides = array<i32>} : memref<32x1024xf32, #tpu.memory_space<vmem>>, vector<1x16xf32>,
      %swap3A_892 = vector.shape_cast %swap3A_891 : vector<1x16xf32> to vector<16xf32>
      %swap3A_893 = vector.shape_cast %add3A_888 : vector<16xf32> to vector<1x16xf32>
      tpu.vector_store %arg7[%swap3A_889, %swap3A_890], %swap3A_893 {add = true, strides = array<i32>} : memref<32x1024xf32, #tpu.memory_space<vmem>>, vector<1x16xf32>,
      %get3A_894 = arith.index_cast %scan3A_46 : i32 to index
      %get3A_895 = arith.constant 848 : index
      %get3A_896 = tpu.vector_load %arg8[%get3A_894, %get3A_895] {strides = array<i32>} : memref<64x1024xf32, #tpu.memory_space<vmem>>, vector<1x16xf32>,
      %get3A_897 = vector.shape_cast %get3A_896 : vector<1x16xf32> to vector<16xf32>
      %add3A_898 = arith.constant 32 : i32
      %add3A_899 = arith.addi %scan3A_46, %add3A_898 : i32
      %get3A_900 = arith.index_cast %add3A_899 : i32 to index
      %get3A_901 = arith.constant 848 : index
      %get3A_902 = tpu.vector_load %arg8[%get3A_900, %get3A_901] {strides = array<i32>} : memref<64x1024xf32, #tpu.memory_space<vmem>>, vector<1x16xf32>,
      %get3A_903 = vector.shape_cast %get3A_902 : vector<1x16xf32> to vector<16xf32>
      %add3A_904 = arith.addf %get3A_897, %get3A_903 : vector<16xf32>
      %swap3A_905 = arith.index_cast %scan3A_46 : i32 to index
      %swap3A_906 = arith.constant 848 : index
      %swap3A_907 = tpu.vector_load %arg7[%swap3A_905, %swap3A_906] {strides = array<i32>} : memref<32x1024xf32, #tpu.memory_space<vmem>>, vector<1x16xf32>,
      %swap3A_908 = vector.shape_cast %swap3A_907 : vector<1x16xf32> to vector<16xf32>
      %swap3A_909 = vector.shape_cast %add3A_904 : vector<16xf32> to vector<1x16xf32>
      tpu.vector_store %arg7[%swap3A_905, %swap3A_906], %swap3A_909 {add = true, strides = array<i32>} : memref<32x1024xf32, #tpu.memory_space<vmem>>, vector<1x16xf32>,
      %get3A_910 = arith.index_cast %scan3A_46 : i32 to index
      %get3A_911 = arith.constant 864 : index
      %get3A_912 = tpu.vector_load %arg8[%get3A_910, %get3A_911] {strides = array<i32>} : memref<64x1024xf32, #tpu.memory_space<vmem>>, vector<1x16xf32>,
      %get3A_913 = vector.shape_cast %get3A_912 : vector<1x16xf32> to vector<16xf32>
      %add3A_914 = arith.constant 32 : i32
      %add3A_915 = arith.addi %scan3A_46, %add3A_914 : i32
      %get3A_916 = arith.index_cast %add3A_915 : i32 to index
      %get3A_917 = arith.constant 864 : index
      %get3A_918 = tpu.vector_load %arg8[%get3A_916, %get3A_917] {strides = array<i32>} : memref<64x1024xf32, #tpu.memory_space<vmem>>, vector<1x16xf32>,
      %get3A_919 = vector.shape_cast %get3A_918 : vector<1x16xf32> to vector<16xf32>
      %add3A_920 = arith.addf %get3A_913, %get3A_919 : vector<16xf32>
      %swap3A_921 = arith.index_cast %scan3A_46 : i32 to index
      %swap3A_922 = arith.constant 864 : index
      %swap3A_923 = tpu.vector_load %arg7[%swap3A_921, %swap3A_922] {strides = array<i32>} : memref<32x1024xf32, #tpu.memory_space<vmem>>, vector<1x16xf32>,
      %swap3A_924 = vector.shape_cast %swap3A_923 : vector<1x16xf32> to vector<16xf32>
      %swap3A_925 = vector.shape_cast %add3A_920 : vector<16xf32> to vector<1x16xf32>
      tpu.vector_store %arg7[%swap3A_921, %swap3A_922], %swap3A_925 {add = true, strides = array<i32>} : memref<32x1024xf32, #tpu.memory_space<vmem>>, vector<1x16xf32>,
      %get3A_926 = arith.index_cast %scan3A_46 : i32 to index
      %get3A_927 = arith.constant 880 : index
      %get3A_928 = tpu.vector_load %arg8[%get3A_926, %get3A_927] {strides = array<i32>} : memref<64x1024xf32, #tpu.memory_space<vmem>>, vector<1x16xf32>,
      %get3A_929 = vector.shape_cast %get3A_928 : vector<1x16xf32> to vector<16xf32>
      %add3A_930 = arith.constant 32 : i32
      %add3A_931 = arith.addi %scan3A_46, %add3A_930 : i32
      %get3A_932 = arith.index_cast %add3A_931 : i32 to index
      %get3A_933 = arith.constant 880 : index
      %get3A_934 = tpu.vector_load %arg8[%get3A_932, %get3A_933] {strides = array<i32>} : memref<64x1024xf32, #tpu.memory_space<vmem>>, vector<1x16xf32>,
      %get3A_935 = vector.shape_cast %get3A_934 : vector<1x16xf32> to vector<16xf32>
      %add3A_936 = arith.addf %get3A_929, %get3A_935 : vector<16xf32>
      %swap3A_937 = arith.index_cast %scan3A_46 : i32 to index
      %swap3A_938 = arith.constant 880 : index
      %swap3A_939 = tpu.vector_load %arg7[%swap3A_937, %swap3A_938] {strides = array<i32>} : memref<32x1024xf32, #tpu.memory_space<vmem>>, vector<1x16xf32>,
      %swap3A_940 = vector.shape_cast %swap3A_939 : vector<1x16xf32> to vector<16xf32>
      %swap3A_941 = vector.shape_cast %add3A_936 : vector<16xf32> to vector<1x16xf32>
      tpu.vector_store %arg7[%swap3A_937, %swap3A_938], %swap3A_941 {add = true, strides = array<i32>} : memref<32x1024xf32, #tpu.memory_space<vmem>>, vector<1x16xf32>,
      %get3A_942 = arith.index_cast %scan3A_46 : i32 to index
      %get3A_943 = arith.constant 896 : index
      %get3A_944 = tpu.vector_load %arg8[%get3A_942, %get3A_943] {strides = array<i32>} : memref<64x1024xf32, #tpu.memory_space<vmem>>, vector<1x16xf32>,
      %get3A_945 = vector.shape_cast %get3A_944 : vector<1x16xf32> to vector<16xf32>
      %add3A_946 = arith.constant 32 : i32
      %add3A_947 = arith.addi %scan3A_46, %add3A_946 : i32
      %get3A_948 = arith.index_cast %add3A_947 : i32 to index
      %get3A_949 = arith.constant 896 : index
      %get3A_950 = tpu.vector_load %arg8[%get3A_948, %get3A_949] {strides = array<i32>} : memref<64x1024xf32, #tpu.memory_space<vmem>>, vector<1x16xf32>,
      %get3A_951 = vector.shape_cast %get3A_950 : vector<1x16xf32> to vector<16xf32>
      %add3A_952 = arith.addf %get3A_945, %get3A_951 : vector<16xf32>
      %swap3A_953 = arith.index_cast %scan3A_46 : i32 to index
      %swap3A_954 = arith.constant 896 : index
      %swap3A_955 = tpu.vector_load %arg7[%swap3A_953, %swap3A_954] {strides = array<i32>} : memref<32x1024xf32, #tpu.memory_space<vmem>>, vector<1x16xf32>,
      %swap3A_956 = vector.shape_cast %swap3A_955 : vector<1x16xf32> to vector<16xf32>
      %swap3A_957 = vector.shape_cast %add3A_952 : vector<16xf32> to vector<1x16xf32>
      tpu.vector_store %arg7[%swap3A_953, %swap3A_954], %swap3A_957 {add = true, strides = array<i32>} : memref<32x1024xf32, #tpu.memory_space<vmem>>, vector<1x16xf32>,
      %get3A_958 = arith.index_cast %scan3A_46 : i32 to index
      %get3A_959 = arith.constant 912 : index
      %get3A_960 = tpu.vector_load %arg8[%get3A_958, %get3A_959] {strides = array<i32>} : memref<64x1024xf32, #tpu.memory_space<vmem>>, vector<1x16xf32>,
      %get3A_961 = vector.shape_cast %get3A_960 : vector<1x16xf32> to vector<16xf32>
      %add3A_962 = arith.constant 32 : i32
      %add3A_963 = arith.addi %scan3A_46, %add3A_962 : i32
      %get3A_964 = arith.index_cast %add3A_963 : i32 to index
      %get3A_965 = arith.constant 912 : index
      %get3A_966 = tpu.vector_load %arg8[%get3A_964, %get3A_965] {strides = array<i32>} : memref<64x1024xf32, #tpu.memory_space<vmem>>, vector<1x16xf32>,
      %get3A_967 = vector.shape_cast %get3A_966 : vector<1x16xf32> to vector<16xf32>
      %add3A_968 = arith.addf %get3A_961, %get3A_967 : vector<16xf32>
      %swap3A_969 = arith.index_cast %scan3A_46 : i32 to index
      %swap3A_970 = arith.constant 912 : index
      %swap3A_971 = tpu.vector_load %arg7[%swap3A_969, %swap3A_970] {strides = array<i32>} : memref<32x1024xf32, #tpu.memory_space<vmem>>, vector<1x16xf32>,
      %swap3A_972 = vector.shape_cast %swap3A_971 : vector<1x16xf32> to vector<16xf32>
      %swap3A_973 = vector.shape_cast %add3A_968 : vector<16xf32> to vector<1x16xf32>
      tpu.vector_store %arg7[%swap3A_969, %swap3A_970], %swap3A_973 {add = true, strides = array<i32>} : memref<32x1024xf32, #tpu.memory_space<vmem>>, vector<1x16xf32>,
      %get3A_974 = arith.index_cast %scan3A_46 : i32 to index
      %get3A_975 = arith.constant 928 : index
      %get3A_976 = tpu.vector_load %arg8[%get3A_974, %get3A_975] {strides = array<i32>} : memref<64x1024xf32, #tpu.memory_space<vmem>>, vector<1x16xf32>,
      %get3A_977 = vector.shape_cast %get3A_976 : vector<1x16xf32> to vector<16xf32>
      %add3A_978 = arith.constant 32 : i32
      %add3A_979 = arith.addi %scan3A_46, %add3A_978 : i32
      %get3A_980 = arith.index_cast %add3A_979 : i32 to index
      %get3A_981 = arith.constant 928 : index
      %get3A_982 = tpu.vector_load %arg8[%get3A_980, %get3A_981] {strides = array<i32>} : memref<64x1024xf32, #tpu.memory_space<vmem>>, vector<1x16xf32>,
      %get3A_983 = vector.shape_cast %get3A_982 : vector<1x16xf32> to vector<16xf32>
      %add3A_984 = arith.addf %get3A_977, %get3A_983 : vector<16xf32>
      %swap3A_985 = arith.index_cast %scan3A_46 : i32 to index
      %swap3A_986 = arith.constant 928 : index
      %swap3A_987 = tpu.vector_load %arg7[%swap3A_985, %swap3A_986] {strides = array<i32>} : memref<32x1024xf32, #tpu.memory_space<vmem>>, vector<1x16xf32>,
      %swap3A_988 = vector.shape_cast %swap3A_987 : vector<1x16xf32> to vector<16xf32>
      %swap3A_989 = vector.shape_cast %add3A_984 : vector<16xf32> to vector<1x16xf32>
      tpu.vector_store %arg7[%swap3A_985, %swap3A_986], %swap3A_989 {add = true, strides = array<i32>} : memref<32x1024xf32, #tpu.memory_space<vmem>>, vector<1x16xf32>,
      %get3A_990 = arith.index_cast %scan3A_46 : i32 to index
      %get3A_991 = arith.constant 944 : index
      %get3A_992 = tpu.vector_load %arg8[%get3A_990, %get3A_991] {strides = array<i32>} : memref<64x1024xf32, #tpu.memory_space<vmem>>, vector<1x16xf32>,
      %get3A_993 = vector.shape_cast %get3A_992 : vector<1x16xf32> to vector<16xf32>
      %add3A_994 = arith.constant 32 : i32
      %add3A_995 = arith.addi %scan3A_46, %add3A_994 : i32
      %get3A_996 = arith.index_cast %add3A_995 : i32 to index
      %get3A_997 = arith.constant 944 : index
      %get3A_998 = tpu.vector_load %arg8[%get3A_996, %get3A_997] {strides = array<i32>} : memref<64x1024xf32, #tpu.memory_space<vmem>>, vector<1x16xf32>,
      %get3A_999 = vector.shape_cast %get3A_998 : vector<1x16xf32> to vector<16xf32>
      %add3A_1000 = arith.addf %get3A_993, %get3A_999 : vector<16xf32>
      %swap3A_1001 = arith.index_cast %scan3A_46 : i32 to index
      %swap3A_1002 = arith.constant 944 : index
      %swap3A_1003 = tpu.vector_load %arg7[%swap3A_1001, %swap3A_1002] {strides = array<i32>} : memref<32x1024xf32, #tpu.memory_space<vmem>>, vector<1x16xf32>,
      %swap3A_1004 = vector.shape_cast %swap3A_1003 : vector<1x16xf32> to vector<16xf32>
      %swap3A_1005 = vector.shape_cast %add3A_1000 : vector<16xf32> to vector<1x16xf32>
      tpu.vector_store %arg7[%swap3A_1001, %swap3A_1002], %swap3A_1005 {add = true, strides = array<i32>} : memref<32x1024xf32, #tpu.memory_space<vmem>>, vector<1x16xf32>,
      %get3A_1006 = arith.index_cast %scan3A_46 : i32 to index
      %get3A_1007 = arith.constant 960 : index
      %get3A_1008 = tpu.vector_load %arg8[%get3A_1006, %get3A_1007] {strides = array<i32>} : memref<64x1024xf32, #tpu.memory_space<vmem>>, vector<1x16xf32>,
      %get3A_1009 = vector.shape_cast %get3A_1008 : vector<1x16xf32> to vector<16xf32>
      %add3A_1010 = arith.constant 32 : i32
      %add3A_1011 = arith.addi %scan3A_46, %add3A_1010 : i32
      %get3A_1012 = arith.index_cast %add3A_1011 : i32 to index
      %get3A_1013 = arith.constant 960 : index
      %get3A_1014 = tpu.vector_load %arg8[%get3A_1012, %get3A_1013] {strides = array<i32>} : memref<64x1024xf32, #tpu.memory_space<vmem>>, vector<1x16xf32>,
      %get3A_1015 = vector.shape_cast %get3A_1014 : vector<1x16xf32> to vector<16xf32>
      %add3A_1016 = arith.addf %get3A_1009, %get3A_1015 : vector<16xf32>
      %swap3A_1017 = arith.index_cast %scan3A_46 : i32 to index
      %swap3A_1018 = arith.constant 960 : index
      %swap3A_1019 = tpu.vector_load %arg7[%swap3A_1017, %swap3A_1018] {strides = array<i32>} : memref<32x1024xf32, #tpu.memory_space<vmem>>, vector<1x16xf32>,
      %swap3A_1020 = vector.shape_cast %swap3A_1019 : vector<1x16xf32> to vector<16xf32>
      %swap3A_1021 = vector.shape_cast %add3A_1016 : vector<16xf32> to vector<1x16xf32>
      tpu.vector_store %arg7[%swap3A_1017, %swap3A_1018], %swap3A_1021 {add = true, strides = array<i32>} : memref<32x1024xf32, #tpu.memory_space<vmem>>, vector<1x16xf32>,
      %get3A_1022 = arith.index_cast %scan3A_46 : i32 to index
      %get3A_1023 = arith.constant 976 : index
      %get3A_1024 = tpu.vector_load %arg8[%get3A_1022, %get3A_1023] {strides = array<i32>} : memref<64x1024xf32, #tpu.memory_space<vmem>>, vector<1x16xf32>,
      %get3A_1025 = vector.shape_cast %get3A_1024 : vector<1x16xf32> to vector<16xf32>
      %add3A_1026 = arith.constant 32 : i32
      %add3A_1027 = arith.addi %scan3A_46, %add3A_1026 : i32
      %get3A_1028 = arith.index_cast %add3A_1027 : i32 to index
      %get3A_1029 = arith.constant 976 : index
      %get3A_1030 = tpu.vector_load %arg8[%get3A_1028, %get3A_1029] {strides = array<i32>} : memref<64x1024xf32, #tpu.memory_space<vmem>>, vector<1x16xf32>,
      %get3A_1031 = vector.shape_cast %get3A_1030 : vector<1x16xf32> to vector<16xf32>
      %add3A_1032 = arith.addf %get3A_1025, %get3A_1031 : vector<16xf32>
      %swap3A_1033 = arith.index_cast %scan3A_46 : i32 to index
      %swap3A_1034 = arith.constant 976 : index
      %swap3A_1035 = tpu.vector_load %arg7[%swap3A_1033, %swap3A_1034] {strides = array<i32>} : memref<32x1024xf32, #tpu.memory_space<vmem>>, vector<1x16xf32>,
      %swap3A_1036 = vector.shape_cast %swap3A_1035 : vector<1x16xf32> to vector<16xf32>
      %swap3A_1037 = vector.shape_cast %add3A_1032 : vector<16xf32> to vector<1x16xf32>
      tpu.vector_store %arg7[%swap3A_1033, %swap3A_1034], %swap3A_1037 {add = true, strides = array<i32>} : memref<32x1024xf32, #tpu.memory_space<vmem>>, vector<1x16xf32>,
      %get3A_1038 = arith.index_cast %scan3A_46 : i32 to index
      %get3A_1039 = arith.constant 992 : index
      %get3A_1040 = tpu.vector_load %arg8[%get3A_1038, %get3A_1039] {strides = array<i32>} : memref<64x1024xf32, #tpu.memory_space<vmem>>, vector<1x16xf32>,
      %get3A_1041 = vector.shape_cast %get3A_1040 : vector<1x16xf32> to vector<16xf32>
      %add3A_1042 = arith.constant 32 : i32
      %add3A_1043 = arith.addi %scan3A_46, %add3A_1042 : i32
      %get3A_1044 = arith.index_cast %add3A_1043 : i32 to index
      %get3A_1045 = arith.constant 992 : index
      %get3A_1046 = tpu.vector_load %arg8[%get3A_1044, %get3A_1045] {strides = array<i32>} : memref<64x1024xf32, #tpu.memory_space<vmem>>, vector<1x16xf32>,
      %get3A_1047 = vector.shape_cast %get3A_1046 : vector<1x16xf32> to vector<16xf32>
      %add3A_1048 = arith.addf %get3A_1041, %get3A_1047 : vector<16xf32>
      %swap3A_1049 = arith.index_cast %scan3A_46 : i32 to index
      %swap3A_1050 = arith.constant 992 : index
      %swap3A_1051 = tpu.vector_load %arg7[%swap3A_1049, %swap3A_1050] {strides = array<i32>} : memref<32x1024xf32, #tpu.memory_space<vmem>>, vector<1x16xf32>,
      %swap3A_1052 = vector.shape_cast %swap3A_1051 : vector<1x16xf32> to vector<16xf32>
      %swap3A_1053 = vector.shape_cast %add3A_1048 : vector<16xf32> to vector<1x16xf32>
      tpu.vector_store %arg7[%swap3A_1049, %swap3A_1050], %swap3A_1053 {add = true, strides = array<i32>} : memref<32x1024xf32, #tpu.memory_space<vmem>>, vector<1x16xf32>,
      %get3A_1054 = arith.index_cast %scan3A_46 : i32 to index
      %get3A_1055 = arith.constant 1008 : index
      %get3A_1056 = tpu.vector_load %arg8[%get3A_1054, %get3A_1055] {strides = array<i32>} : memref<64x1024xf32, #tpu.memory_space<vmem>>, vector<1x16xf32>,
      %get3A_1057 = vector.shape_cast %get3A_1056 : vector<1x16xf32> to vector<16xf32>
      %add3A_1058 = arith.constant 32 : i32
      %add3A_1059 = arith.addi %scan3A_46, %add3A_1058 : i32
      %get3A_1060 = arith.index_cast %add3A_1059 : i32 to index
      %get3A_1061 = arith.constant 1008 : index
      %get3A_1062 = tpu.vector_load %arg8[%get3A_1060, %get3A_1061] {strides = array<i32>} : memref<64x1024xf32, #tpu.memory_space<vmem>>, vector<1x16xf32>,
      %get3A_1063 = vector.shape_cast %get3A_1062 : vector<1x16xf32> to vector<16xf32>
      %add3A_1064 = arith.addf %get3A_1057, %get3A_1063 : vector<16xf32>
      %swap3A_1065 = arith.index_cast %scan3A_46 : i32 to index
      %swap3A_1066 = arith.constant 1008 : index
      %swap3A_1067 = tpu.vector_load %arg7[%swap3A_1065, %swap3A_1066] {strides = array<i32>} : memref<32x1024xf32, #tpu.memory_space<vmem>>, vector<1x16xf32>,
      %swap3A_1068 = vector.shape_cast %swap3A_1067 : vector<1x16xf32> to vector<16xf32>
      %swap3A_1069 = vector.shape_cast %add3A_1064 : vector<16xf32> to vector<1x16xf32>
      tpu.vector_store %arg7[%swap3A_1065, %swap3A_1066], %swap3A_1069 {add = true, strides = array<i32>} : memref<32x1024xf32, #tpu.memory_space<vmem>>, vector<1x16xf32>,
      %scan3A_1070 = arith.constant 0 : i32
      scf.yield %scan3A_1070 : i32
    }
    %scan3A_45 = arith.constant 32 : i32
    "tpu.region"() ({
      %run_scoped3A = tpu.sem_alloc : memref<!tpu.dma_semaphore, #tpu.memory_space<semaphore_mem>>
      %dma_start3A_46 = arith.constant 0 : i32
      %dma_start3A_47 = tpu.memref_slice %arg5[%add3A_24, %dma_start3A_46] : memref<2048x1024xf32, #tpu.memory_space<hbm>> -> memref<32x1024xf32, #tpu.memory_space<hbm>>
      %dma_start3A_48 = arith.constant 0 : i32
      %dma_start3A_49 = tpu.memref_slice %arg5[%add3A_24, %dma_start3A_48] : memref<2048x1024xf32, #tpu.memory_space<hbm>> -> memref<32x1024xf32, #tpu.memory_space<hbm>>
      tpu.enqueue_dma source(%arg7 : memref<32x1024xf32, #tpu.memory_space<vmem>>) target(%dma_start3A_49 : memref<32x1024xf32, #tpu.memory_space<hbm>>) target_semaphore(%run_scoped3A : memref<!tpu.dma_semaphore, #tpu.memory_space<semaphore_mem>>)
      %dma_wait3A_50 = arith.constant 0 : i32
      %dma_wait3A_51 = tpu.memref_slice %arg5[%add3A_24, %dma_wait3A_50] : memref<2048x1024xf32, #tpu.memory_space<hbm>> -> memref<32x1024xf32, #tpu.memory_space<hbm>>
      %dma_wait3A_52 = arith.constant 0 : i32
      %dma_wait3A_53 = tpu.memref_slice %arg5[%add3A_24, %dma_wait3A_52] : memref<2048x1024xf32, #tpu.memory_space<hbm>> -> memref<32x1024xf32, #tpu.memory_space<hbm>>
      tpu.wait_dma2 semaphore(%run_scoped3A : memref<!tpu.dma_semaphore, #tpu.memory_space<semaphore_mem>>) src(%arg7 : memref<32x1024xf32, #tpu.memory_space<vmem>>) dst(%dma_wait3A_53 : memref<32x1024xf32, #tpu.memory_space<hbm>>)
      tpu.yield
    }) : () -> ()
    return
  }
}

module attributes {stable_mosaic.version = 14 : i64} {
  func.func @_pre_kernel(%arg0: i32, %arg1: memref<256x1xi32, #tpu.memory_space<vmem>>, %arg2: memref<256x1024xf32, #tpu.memory_space<vmem>>, %arg3: memref<1024x1024xbf16, #tpu.memory_space<vmem>>, %arg4: memref<1024x1024xbf16, #tpu.memory_space<vmem>>, %arg5: memref<1024x512xbf16, #tpu.memory_space<vmem>>, %arg6: memref<1024x512xbf16, #tpu.memory_space<vmem>>, %arg7: memref<1024x512xbf16, #tpu.memory_space<vmem>>, %arg8: memref<1x1024xf32, #tpu.memory_space<vmem>>, %arg9: memref<256x1024xbf16, #tpu.memory_space<vmem>>, %arg10: memref<256x512xbf16, #tpu.memory_space<vmem>>, %arg11: memref<256x512xbf16, #tpu.memory_space<vmem>>) attributes {dimension_semantics = [#tpu.dimension_semantics<arbitrary>], iteration_bounds = array<i64: 8>, scalar_prefetch = 0 : i64, scratch_operands = 0 : i64, tpu.core_type = #tpu.core_type<tc>, window_params = [{transform_indices = @transform_0, window_bounds = array<i64: 256, 1>}, {transform_indices = @transform_1, window_bounds = array<i64: 256, 1024>}, {pipeline_mode = #tpu.pipeline_mode<synchronous>, transform_indices = @transform_2, window_bounds = array<i64: 1024, 1024>}, {pipeline_mode = #tpu.pipeline_mode<synchronous>, transform_indices = @transform_3, window_bounds = array<i64: 1024, 1024>}, {pipeline_mode = #tpu.pipeline_mode<synchronous>, transform_indices = @transform_4, window_bounds = array<i64: 1024, 512>}, {pipeline_mode = #tpu.pipeline_mode<synchronous>, transform_indices = @transform_5, window_bounds = array<i64: 1024, 512>}, {pipeline_mode = #tpu.pipeline_mode<synchronous>, transform_indices = @transform_6, window_bounds = array<i64: 1024, 512>}, {pipeline_mode = #tpu.pipeline_mode<synchronous>, transform_indices = @transform_7, window_bounds = array<i64: 1, 1024>}, {transform_indices = @transform_8, window_bounds = array<i64: 256, 1024>}, {transform_indices = @transform_9, window_bounds = array<i64: 256, 512>}, {transform_indices = @transform_10, window_bounds = array<i64: 256, 512>}]} {
    %get3A = arith.constant 0 : index
    %get3A_0 = arith.constant 0 : index
    %get3A_1 = vector.load %arg2[%get3A, %get3A_0] : memref<256x1024xf32, #tpu.memory_space<vmem>>, vector<256x1024xf32>
    %mul3A = arith.mulf %get3A_1, %get3A_1 : vector<256x1024xf32>
    %reduce_sum3A = arith.constant dense<0.000000e+00> : vector<256xf32>
    %reduce_sum3A_2 = vector.multi_reduction <add>, %mul3A, %reduce_sum3A [1] : vector<256x1024xf32> to vector<256xf32>
    %broadcast_in_dim3A = vector.shape_cast %reduce_sum3A_2 : vector<256xf32> to vector<256x1xf32>
    %div3A = arith.constant 1.024000e+03 : f32
    %div3A_3 = vector.broadcast %div3A : f32 to vector<256x1xf32>
    %div3A_4 = arith.divf %broadcast_in_dim3A, %div3A_3 : vector<256x1xf32>
    %get3A_5 = arith.constant 0 : index
    %get3A_6 = arith.constant 0 : index
    %get3A_7 = vector.load %arg8[%get3A_5, %get3A_6] : memref<1x1024xf32, #tpu.memory_space<vmem>>, vector<1x1024xf32>
    %add3A = arith.constant 9.99999997E-7 : f32
    %add3A_8 = vector.broadcast %add3A : f32 to vector<256x1xf32>
    %add3A_9 = arith.addf %div3A_4, %add3A_8 : vector<256x1xf32>
    %rsqrt3A = math.rsqrt %add3A_9 : vector<256x1xf32>
    %mul3A_10 = vector.broadcast %rsqrt3A : vector<256x1xf32> to vector<256x1024xf32>
    %mul3A_11 = arith.mulf %get3A_1, %mul3A_10 : vector<256x1024xf32>
    %mul3A_12 = vector.broadcast %get3A_7 : vector<1x1024xf32> to vector<256x1024xf32>
    %mul3A_13 = arith.mulf %mul3A_12, %mul3A_11 : vector<256x1024xf32>
    %get3A_14 = arith.constant 0 : index
    %get3A_15 = arith.constant 0 : index
    %get3A_16 = vector.load %arg1[%get3A_14, %get3A_15] : memref<256x1xi32, #tpu.memory_space<vmem>>, vector<256x1xi32>
    %convert_element_type3A = arith.sitofp %get3A_16 : vector<256x1xi32> to vector<256x1xf32>
    %iota3A = tpu.iota {dimensions = array<i32: 1>} : vector<1x32xi32>
    %convert_element_type3A_17 = arith.sitofp %iota3A : vector<1x32xi32> to vector<1x32xf32>
    %mul3A_18 = arith.constant 3.125000e-02 : f32
    %mul3A_19 = vector.broadcast %mul3A_18 : f32 to vector<1x32xf32>
    %mul3A_20 = arith.mulf %convert_element_type3A_17, %mul3A_19 : vector<1x32xf32>
    %neg3A = arith.constant 0.000000e+00 : f32
    %neg3A_21 = vector.broadcast %neg3A : f32 to vector<1x32xf32>
    %neg3A_22 = arith.subf %neg3A_21, %mul3A_20 : vector<1x32xf32>
    %mul3A_23 = arith.constant 9.21034049 : f32
    %mul3A_24 = vector.broadcast %mul3A_23 : f32 to vector<1x32xf32>
    %mul3A_25 = arith.mulf %neg3A_22, %mul3A_24 : vector<1x32xf32>
    %exp3A = math.exp %mul3A_25 : vector<1x32xf32>
    %mul3A_26 = vector.broadcast %convert_element_type3A : vector<256x1xf32> to vector<256x32xf32>
    %mul3A_27 = vector.broadcast %exp3A : vector<1x32xf32> to vector<256x32xf32>
    %mul3A_28 = arith.mulf %mul3A_26, %mul3A_27 : vector<256x32xf32>
    %cos3A = math.cos %mul3A_28 : vector<256x32xf32>
    %sin3A = math.sin %mul3A_28 : vector<256x32xf32>
    %concatenate3A = tpu.concatenate %cos3A, %cos3A in 1 : vector<256x32xf32>, vector<256x32xf32> -> vector<256x64xf32>
    %concatenate3A_29 = tpu.concatenate %sin3A, %sin3A in 1 : vector<256x32xf32>, vector<256x32xf32> -> vector<256x64xf32>
    %tile3A = tpu.concatenate %concatenate3A, %concatenate3A, %concatenate3A, %concatenate3A, %concatenate3A, %concatenate3A, %concatenate3A, %concatenate3A, %concatenate3A, %concatenate3A, %concatenate3A, %concatenate3A, %concatenate3A, %concatenate3A, %concatenate3A, %concatenate3A in 1 : vector<256x64xf32>, vector<256x64xf32>, vector<256x64xf32>, vector<256x64xf32>, vector<256x64xf32>, vector<256x64xf32>, vector<256x64xf32>, vector<256x64xf32>, vector<256x64xf32>, vector<256x64xf32>, vector<256x64xf32>, vector<256x64xf32>, vector<256x64xf32>, vector<256x64xf32>, vector<256x64xf32>, vector<256x64xf32> -> vector<256x1024xf32>
    %tile3A_30 = tpu.concatenate %concatenate3A_29, %concatenate3A_29, %concatenate3A_29, %concatenate3A_29, %concatenate3A_29, %concatenate3A_29, %concatenate3A_29, %concatenate3A_29, %concatenate3A_29, %concatenate3A_29, %concatenate3A_29, %concatenate3A_29, %concatenate3A_29, %concatenate3A_29, %concatenate3A_29, %concatenate3A_29 in 1 : vector<256x64xf32>, vector<256x64xf32>, vector<256x64xf32>, vector<256x64xf32>, vector<256x64xf32>, vector<256x64xf32>, vector<256x64xf32>, vector<256x64xf32>, vector<256x64xf32>, vector<256x64xf32>, vector<256x64xf32>, vector<256x64xf32>, vector<256x64xf32>, vector<256x64xf32>, vector<256x64xf32>, vector<256x64xf32> -> vector<256x1024xf32>
    %tile3A_31 = tpu.concatenate %concatenate3A, %concatenate3A, %concatenate3A, %concatenate3A, %concatenate3A, %concatenate3A, %concatenate3A, %concatenate3A in 1 : vector<256x64xf32>, vector<256x64xf32>, vector<256x64xf32>, vector<256x64xf32>, vector<256x64xf32>, vector<256x64xf32>, vector<256x64xf32>, vector<256x64xf32> -> vector<256x512xf32>
    %tile3A_32 = tpu.concatenate %concatenate3A_29, %concatenate3A_29, %concatenate3A_29, %concatenate3A_29, %concatenate3A_29, %concatenate3A_29, %concatenate3A_29, %concatenate3A_29 in 1 : vector<256x64xf32>, vector<256x64xf32>, vector<256x64xf32>, vector<256x64xf32>, vector<256x64xf32>, vector<256x64xf32>, vector<256x64xf32>, vector<256x64xf32> -> vector<256x512xf32>
    %convert_element_type3A_33 = arith.truncf %mul3A_13 : vector<256x1024xf32> to vector<256x1024xbf16>
    %get3A_34 = arith.constant 0 : index
    %get3A_35 = arith.constant 0 : index
    %get3A_36 = vector.load %arg3[%get3A_34, %get3A_35] : memref<1024x1024xbf16, #tpu.memory_space<vmem>>, vector<1024x1024xbf16>
    %dot_general3A = arith.constant dense<0.000000e+00> : vector<256x1024xf32>
    %dot_general3A_37 = tpu.matmul %convert_element_type3A_33, %get3A_36, %dot_general3A {dimension_numbers = #tpu.dot_dimension_numbers<[1], [0], [0], [1], [0, 0, 1, 1], [], []>, transpose_lhs_hint = false} : vector<256x1024xbf16>, vector<1024x1024xbf16>, vector<256x1024xf32> -> vector<256x1024xf32>
    %get3A_38 = arith.constant 0 : index
    %get3A_39 = arith.constant 0 : index
    %get3A_40 = vector.load %arg4[%get3A_38, %get3A_39] : memref<1024x1024xbf16, #tpu.memory_space<vmem>>, vector<1024x1024xbf16>
    %dot_general3A_41 = arith.constant dense<0.000000e+00> : vector<256x1024xf32>
    %dot_general3A_42 = tpu.matmul %convert_element_type3A_33, %get3A_40, %dot_general3A_41 {dimension_numbers = #tpu.dot_dimension_numbers<[1], [0], [0], [1], [0, 0, 1, 1], [], []>, transpose_lhs_hint = false} : vector<256x1024xbf16>, vector<1024x1024xbf16>, vector<256x1024xf32> -> vector<256x1024xf32>
    %mul3A_43 = arith.mulf %dot_general3A_37, %tile3A : vector<256x1024xf32>
    %mul3A_44 = arith.mulf %dot_general3A_42, %tile3A_30 : vector<256x1024xf32>
    %add3A_45 = arith.addf %mul3A_43, %mul3A_44 : vector<256x1024xf32>
    %convert_element_type3A_46 = arith.truncf %add3A_45 : vector<256x1024xf32> to vector<256x1024xbf16>
    %swap3A = arith.constant 0 : index
    %swap3A_47 = arith.constant 0 : index
    %swap3A_48 = vector.load %arg9[%swap3A, %swap3A_47] : memref<256x1024xbf16, #tpu.memory_space<vmem>>, vector<256x1024xbf16>
    tpu.vector_store %arg9[%swap3A, %swap3A_47], %convert_element_type3A_46 {strides = array<i32>} : memref<256x1024xbf16, #tpu.memory_space<vmem>>, vector<256x1024xbf16>,
    %get3A_49 = arith.constant 0 : index
    %get3A_50 = arith.constant 0 : index
    %get3A_51 = vector.load %arg5[%get3A_49, %get3A_50] : memref<1024x512xbf16, #tpu.memory_space<vmem>>, vector<1024x512xbf16>
    %dot_general3A_52 = arith.constant dense<0.000000e+00> : vector<256x512xf32>
    %dot_general3A_53 = tpu.matmul %convert_element_type3A_33, %get3A_51, %dot_general3A_52 {dimension_numbers = #tpu.dot_dimension_numbers<[1], [0], [0], [1], [0, 0, 1, 1], [], []>, transpose_lhs_hint = false} : vector<256x1024xbf16>, vector<1024x512xbf16>, vector<256x512xf32> -> vector<256x512xf32>
    %get3A_54 = arith.constant 0 : index
    %get3A_55 = arith.constant 0 : index
    %get3A_56 = vector.load %arg6[%get3A_54, %get3A_55] : memref<1024x512xbf16, #tpu.memory_space<vmem>>, vector<1024x512xbf16>
    %dot_general3A_57 = arith.constant dense<0.000000e+00> : vector<256x512xf32>
    %dot_general3A_58 = tpu.matmul %convert_element_type3A_33, %get3A_56, %dot_general3A_57 {dimension_numbers = #tpu.dot_dimension_numbers<[1], [0], [0], [1], [0, 0, 1, 1], [], []>, transpose_lhs_hint = false} : vector<256x1024xbf16>, vector<1024x512xbf16>, vector<256x512xf32> -> vector<256x512xf32>
    %mul3A_59 = arith.mulf %dot_general3A_53, %tile3A_31 : vector<256x512xf32>
    %mul3A_60 = arith.mulf %dot_general3A_58, %tile3A_32 : vector<256x512xf32>
    %add3A_61 = arith.addf %mul3A_59, %mul3A_60 : vector<256x512xf32>
    %convert_element_type3A_62 = arith.truncf %add3A_61 : vector<256x512xf32> to vector<256x512xbf16>
    %swap3A_63 = arith.constant 0 : index
    %swap3A_64 = arith.constant 0 : index
    %swap3A_65 = vector.load %arg10[%swap3A_63, %swap3A_64] : memref<256x512xbf16, #tpu.memory_space<vmem>>, vector<256x512xbf16>
    tpu.vector_store %arg10[%swap3A_63, %swap3A_64], %convert_element_type3A_62 {strides = array<i32>} : memref<256x512xbf16, #tpu.memory_space<vmem>>, vector<256x512xbf16>,
    %get3A_66 = arith.constant 0 : index
    %get3A_67 = arith.constant 0 : index
    %get3A_68 = vector.load %arg7[%get3A_66, %get3A_67] : memref<1024x512xbf16, #tpu.memory_space<vmem>>, vector<1024x512xbf16>
    %dot_general3A_69 = arith.constant dense<0.000000e+00> : vector<256x512xf32>
    %dot_general3A_70 = tpu.matmul %convert_element_type3A_33, %get3A_68, %dot_general3A_69 {dimension_numbers = #tpu.dot_dimension_numbers<[1], [0], [0], [1], [0, 0, 1, 1], [], []>, transpose_lhs_hint = false} : vector<256x1024xbf16>, vector<1024x512xbf16>, vector<256x512xf32> -> vector<256x512xf32>
    %convert_element_type3A_71 = arith.truncf %dot_general3A_70 : vector<256x512xf32> to vector<256x512xbf16>
    %swap3A_72 = arith.constant 0 : index
    %swap3A_73 = arith.constant 0 : index
    %swap3A_74 = vector.load %arg11[%swap3A_72, %swap3A_73] : memref<256x512xbf16, #tpu.memory_space<vmem>>, vector<256x512xbf16>
    tpu.vector_store %arg11[%swap3A_72, %swap3A_73], %convert_element_type3A_71 {strides = array<i32>} : memref<256x512xbf16, #tpu.memory_space<vmem>>, vector<256x512xbf16>,
    return
  }
  func.func @transform_0(%arg0: i32) -> (i32, i32) {
    %c0_i32 = arith.constant 0 : i32
    %c0_i32_0 = arith.constant 0 : i32
    return %arg0, %c0_i32 : i32, i32
  }
  func.func @transform_1(%arg0: i32) -> (i32, i32) {
    %c0_i32 = arith.constant 0 : i32
    %c0_i32_0 = arith.constant 0 : i32
    return %arg0, %c0_i32 : i32, i32
  }
  func.func @transform_2(%arg0: i32) -> (i32, i32) {
    %c0_i32 = arith.constant 0 : i32
    %c0_i32_0 = arith.constant 0 : i32
    %c0_i32_1 = arith.constant 0 : i32
    return %c0_i32, %c0_i32_0 : i32, i32
  }
  func.func @transform_3(%arg0: i32) -> (i32, i32) {
    %c0_i32 = arith.constant 0 : i32
    %c0_i32_0 = arith.constant 0 : i32
    %c0_i32_1 = arith.constant 0 : i32
    return %c0_i32, %c0_i32_0 : i32, i32
  }
  func.func @transform_4(%arg0: i32) -> (i32, i32) {
    %c0_i32 = arith.constant 0 : i32
    %c0_i32_0 = arith.constant 0 : i32
    %c0_i32_1 = arith.constant 0 : i32
    return %c0_i32, %c0_i32_0 : i32, i32
  }
  func.func @transform_5(%arg0: i32) -> (i32, i32) {
    %c0_i32 = arith.constant 0 : i32
    %c0_i32_0 = arith.constant 0 : i32
    %c0_i32_1 = arith.constant 0 : i32
    return %c0_i32, %c0_i32_0 : i32, i32
  }
  func.func @transform_6(%arg0: i32) -> (i32, i32) {
    %c0_i32 = arith.constant 0 : i32
    %c0_i32_0 = arith.constant 0 : i32
    %c0_i32_1 = arith.constant 0 : i32
    return %c0_i32, %c0_i32_0 : i32, i32
  }
  func.func @transform_7(%arg0: i32) -> (i32, i32) {
    %c0_i32 = arith.constant 0 : i32
    %c0_i32_0 = arith.constant 0 : i32
    %c0_i32_1 = arith.constant 0 : i32
    return %c0_i32, %c0_i32_0 : i32, i32
  }
  func.func @transform_8(%arg0: i32) -> (i32, i32) {
    %c0_i32 = arith.constant 0 : i32
    %c0_i32_0 = arith.constant 0 : i32
    return %arg0, %c0_i32 : i32, i32
  }
  func.func @transform_9(%arg0: i32) -> (i32, i32) {
    %c0_i32 = arith.constant 0 : i32
    %c0_i32_0 = arith.constant 0 : i32
    return %arg0, %c0_i32 : i32, i32
  }
  func.func @transform_10(%arg0: i32) -> (i32, i32) {
    %c0_i32 = arith.constant 0 : i32
    %c0_i32_0 = arith.constant 0 : i32
    return %arg0, %c0_i32 : i32, i32
  }
}

module attributes {stable_mosaic.version = 14 : i64} {
  func.func @_attn_kernel(%arg0: i32, %arg1: i32, %arg2: memref<1x256x64xbf16, #tpu.memory_space<vmem>>, %arg3: memref<1x64x2048xbf16, #tpu.memory_space<vmem>>, %arg4: memref<1x2048x64xbf16, #tpu.memory_space<vmem>>, %arg5: memref<1x256x64xbf16, #tpu.memory_space<vmem>>) attributes {dimension_semantics = [#tpu.dimension_semantics<arbitrary>, #tpu.dimension_semantics<arbitrary>], iteration_bounds = array<i64: 16, 8>, scalar_prefetch = 0 : i64, scratch_operands = 0 : i64, tpu.core_type = #tpu.core_type<tc>, window_params = [{transform_indices = @transform_0, window_bounds = array<i64: 1, 256, 64>}, {transform_indices = @transform_1, window_bounds = array<i64: 1, 64, 2048>}, {transform_indices = @transform_2, window_bounds = array<i64: 1, 2048, 64>}, {transform_indices = @transform_3, window_bounds = array<i64: 1, 256, 64>}]} {
    %add3A = arith.constant 0 : i32
    %add3A_0 = arith.addi %arg1, %add3A : i32
    %get3A = arith.constant 0 : index
    %get3A_1 = arith.constant 0 : index
    %get3A_2 = arith.constant 0 : index
    %get3A_3 = vector.load %arg2[%get3A, %get3A_1, %get3A_2] : memref<1x256x64xbf16, #tpu.memory_space<vmem>>, vector<1x256x64xbf16>
    %get3A_4 = vector.shape_cast %get3A_3 : vector<1x256x64xbf16> to vector<256x64xbf16>
    %get3A_5 = arith.constant 0 : index
    %get3A_6 = arith.constant 0 : index
    %get3A_7 = arith.constant 0 : index
    %get3A_8 = vector.load %arg3[%get3A_5, %get3A_6, %get3A_7] : memref<1x64x2048xbf16, #tpu.memory_space<vmem>>, vector<1x64x2048xbf16>
    %get3A_9 = vector.shape_cast %get3A_8 : vector<1x64x2048xbf16> to vector<64x2048xbf16>
    %dot_general3A = arith.constant dense<0.000000e+00> : vector<256x2048xf32>
    %dot_general3A_10 = tpu.matmul %get3A_4, %get3A_9, %dot_general3A {dimension_numbers = #tpu.dot_dimension_numbers<[1], [0], [0], [1], [0, 0, 1, 1], [], []>, transpose_lhs_hint = false} : vector<256x64xbf16>, vector<64x2048xbf16>, vector<256x2048xf32> -> vector<256x2048xf32>
    %mul3A = arith.constant 1.250000e-01 : f32
    %mul3A_11 = vector.broadcast %mul3A : f32 to vector<256x2048xf32>
    %mul3A_12 = arith.mulf %dot_general3A_10, %mul3A_11 : vector<256x2048xf32>
    %iota3A = tpu.iota {dimensions = array<i32: 0>} : vector<256x2048xi32>
    %mul3A_13 = arith.constant 256 : i32
    %mul3A_14 = arith.muli %add3A_0, %mul3A_13 : i32
    %add3A_15 = vector.broadcast %mul3A_14 : i32 to vector<256x2048xi32>
    %add3A_16 = arith.addi %iota3A, %add3A_15 : vector<256x2048xi32>
    %iota3A_17 = tpu.iota {dimensions = array<i32: 1>} : vector<256x2048xi32>
    %le3A = arith.cmpi sle, %iota3A_17, %add3A_16 : vector<256x2048xi32>
    %exp3A = math.exp %mul3A_12 : vector<256x2048xf32>
    %jit3A = arith.constant 0.000000e+00 : f32
    %broadcast_in_dim3A = vector.broadcast %jit3A : f32 to vector<256x2048xf32>
    %select_n3A = arith.select %le3A, %exp3A, %broadcast_in_dim3A : vector<256x2048xi1>, vector<256x2048xf32>
    %reduce_sum3A = arith.constant dense<0.000000e+00> : vector<256xf32>
    %reduce_sum3A_18 = vector.multi_reduction <add>, %select_n3A, %reduce_sum3A [1] : vector<256x2048xf32> to vector<256xf32>
    %broadcast_in_dim3A_19 = vector.shape_cast %reduce_sum3A_18 : vector<256xf32> to vector<256x1xf32>
    %div3A = arith.constant 1.000000e+00 : f32
    %div3A_20 = vector.broadcast %div3A : f32 to vector<256x1xf32>
    %div3A_21 = arith.divf %div3A_20, %broadcast_in_dim3A_19 : vector<256x1xf32>
    %convert_element_type3A = arith.truncf %select_n3A : vector<256x2048xf32> to vector<256x2048xbf16>
    %get3A_22 = arith.constant 0 : index
    %get3A_23 = arith.constant 0 : index
    %get3A_24 = arith.constant 0 : index
    %get3A_25 = vector.load %arg4[%get3A_22, %get3A_23, %get3A_24] : memref<1x2048x64xbf16, #tpu.memory_space<vmem>>, vector<1x2048x64xbf16>
    %get3A_26 = vector.shape_cast %get3A_25 : vector<1x2048x64xbf16> to vector<2048x64xbf16>
    %dot_general3A_27 = arith.constant dense<0.000000e+00> : vector<256x64xf32>
    %dot_general3A_28 = tpu.matmul %convert_element_type3A, %get3A_26, %dot_general3A_27 {dimension_numbers = #tpu.dot_dimension_numbers<[1], [0], [0], [1], [0, 0, 1, 1], [], []>, transpose_lhs_hint = false} : vector<256x2048xbf16>, vector<2048x64xbf16>, vector<256x64xf32> -> vector<256x64xf32>
    %mul3A_29 = vector.broadcast %div3A_21 : vector<256x1xf32> to vector<256x64xf32>
    %mul3A_30 = arith.mulf %dot_general3A_28, %mul3A_29 : vector<256x64xf32>
    %convert_element_type3A_31 = arith.truncf %mul3A_30 : vector<256x64xf32> to vector<256x64xbf16>
    %swap3A = arith.constant 0 : index
    %swap3A_32 = arith.constant 0 : index
    %swap3A_33 = arith.constant 0 : index
    %swap3A_34 = vector.load %arg5[%swap3A, %swap3A_32, %swap3A_33] : memref<1x256x64xbf16, #tpu.memory_space<vmem>>, vector<1x256x64xbf16>
    %swap3A_35 = vector.shape_cast %swap3A_34 : vector<1x256x64xbf16> to vector<256x64xbf16>
    %swap3A_36 = vector.shape_cast %convert_element_type3A_31 : vector<256x64xbf16> to vector<1x256x64xbf16>
    tpu.vector_store %arg5[%swap3A, %swap3A_32, %swap3A_33], %swap3A_36 {strides = array<i32>} : memref<1x256x64xbf16, #tpu.memory_space<vmem>>, vector<1x256x64xbf16>,
    return
  }
  func.func @transform_0(%arg0: i32, %arg1: i32) -> (i32, i32, i32) {
    %c0_i32 = arith.constant 0 : i32
    %c0_i32_0 = arith.constant 0 : i32
    return %arg0, %arg1, %c0_i32 : i32, i32, i32
  }
  func.func @transform_1(%arg0: i32, %arg1: i32) -> (i32, i32, i32) {
    %jit3A = arith.constant 2 : i32
    %div3A = arith.divsi %arg0, %jit3A : i32
    %sign3A = arith.constant 0 : i32
    %sign3A_0 = arith.cmpi sgt, %arg0, %sign3A : i32
    %sign3A_1 = arith.extui %sign3A_0 : i1 to i32
    %sign3A_2 = arith.constant 0 : i32
    %sign3A_3 = arith.cmpi slt, %arg0, %sign3A_2 : i32
    %sign3A_4 = arith.extui %sign3A_3 : i1 to i32
    %sign3A_5 = arith.subi %sign3A_1, %sign3A_4 : i32
    %sign3A_6 = arith.constant 0 : i32
    %sign3A_7 = arith.cmpi sgt, %jit3A, %sign3A_6 : i32
    %sign3A_8 = arith.extui %sign3A_7 : i1 to i32
    %sign3A_9 = arith.constant 0 : i32
    %sign3A_10 = arith.cmpi slt, %jit3A, %sign3A_9 : i32
    %sign3A_11 = arith.extui %sign3A_10 : i1 to i32
    %sign3A_12 = arith.subi %sign3A_8, %sign3A_11 : i32
    %ne3A = arith.cmpi ne, %sign3A_5, %sign3A_12 : i32
    %rem3A = arith.remsi %arg0, %jit3A : i32
    %ne3A_13 = arith.constant 0 : i32
    %ne3A_14 = arith.cmpi ne, %rem3A, %ne3A_13 : i32
    %and3A = arith.andi %ne3A, %ne3A_14 : i1
    %sub3A = arith.constant 1 : i32
    %sub3A_15 = arith.subi %div3A, %sub3A : i32
    %select_n3A = arith.select %and3A, %sub3A_15, %div3A : i32
    %c0_i32 = arith.constant 0 : i32
    %c0_i32_16 = arith.constant 0 : i32
    %c0_i32_17 = arith.constant 0 : i32
    return %select_n3A, %c0_i32, %c0_i32_16 : i32, i32, i32
  }
  func.func @transform_2(%arg0: i32, %arg1: i32) -> (i32, i32, i32) {
    %jit3A = arith.constant 2 : i32
    %div3A = arith.divsi %arg0, %jit3A : i32
    %sign3A = arith.constant 0 : i32
    %sign3A_0 = arith.cmpi sgt, %arg0, %sign3A : i32
    %sign3A_1 = arith.extui %sign3A_0 : i1 to i32
    %sign3A_2 = arith.constant 0 : i32
    %sign3A_3 = arith.cmpi slt, %arg0, %sign3A_2 : i32
    %sign3A_4 = arith.extui %sign3A_3 : i1 to i32
    %sign3A_5 = arith.subi %sign3A_1, %sign3A_4 : i32
    %sign3A_6 = arith.constant 0 : i32
    %sign3A_7 = arith.cmpi sgt, %jit3A, %sign3A_6 : i32
    %sign3A_8 = arith.extui %sign3A_7 : i1 to i32
    %sign3A_9 = arith.constant 0 : i32
    %sign3A_10 = arith.cmpi slt, %jit3A, %sign3A_9 : i32
    %sign3A_11 = arith.extui %sign3A_10 : i1 to i32
    %sign3A_12 = arith.subi %sign3A_8, %sign3A_11 : i32
    %ne3A = arith.cmpi ne, %sign3A_5, %sign3A_12 : i32
    %rem3A = arith.remsi %arg0, %jit3A : i32
    %ne3A_13 = arith.constant 0 : i32
    %ne3A_14 = arith.cmpi ne, %rem3A, %ne3A_13 : i32
    %and3A = arith.andi %ne3A, %ne3A_14 : i1
    %sub3A = arith.constant 1 : i32
    %sub3A_15 = arith.subi %div3A, %sub3A : i32
    %select_n3A = arith.select %and3A, %sub3A_15, %div3A : i32
    %c0_i32 = arith.constant 0 : i32
    %c0_i32_16 = arith.constant 0 : i32
    %c0_i32_17 = arith.constant 0 : i32
    return %select_n3A, %c0_i32, %c0_i32_16 : i32, i32, i32
  }
  func.func @transform_3(%arg0: i32, %arg1: i32) -> (i32, i32, i32) {
    %c0_i32 = arith.constant 0 : i32
    %c0_i32_0 = arith.constant 0 : i32
    return %arg0, %arg1, %c0_i32 : i32, i32, i32
  }
}

module attributes {stable_mosaic.version = 14 : i64} {
  func.func @_post_kernel(%arg0: i32, %arg1: memref<256x1024xbf16, #tpu.memory_space<vmem>>, %arg2: memref<1024x1024xbf16, #tpu.memory_space<vmem>>, %arg3: memref<256x1024xf32, #tpu.memory_space<vmem>>, %arg4: memref<1x1024xf32, #tpu.memory_space<vmem>>, %arg5: memref<1024x128xf32, #tpu.memory_space<vmem>>, %arg6: memref<256x1024xf32, #tpu.memory_space<vmem>>, %arg7: memref<256x1024xbf16, #tpu.memory_space<vmem>>, %arg8: memref<256x128xf32, #tpu.memory_space<vmem>>) attributes {dimension_semantics = [#tpu.dimension_semantics<arbitrary>], iteration_bounds = array<i64: 8>, scalar_prefetch = 0 : i64, scratch_operands = 0 : i64, tpu.core_type = #tpu.core_type<tc>, window_params = [{transform_indices = @transform_0, window_bounds = array<i64: 256, 1024>}, {pipeline_mode = #tpu.pipeline_mode<synchronous>, transform_indices = @transform_1, window_bounds = array<i64: 1024, 1024>}, {transform_indices = @transform_2, window_bounds = array<i64: 256, 1024>}, {pipeline_mode = #tpu.pipeline_mode<synchronous>, transform_indices = @transform_3, window_bounds = array<i64: 1, 1024>}, {pipeline_mode = #tpu.pipeline_mode<synchronous>, transform_indices = @transform_4, window_bounds = array<i64: 1024, 128>}, {transform_indices = @transform_5, window_bounds = array<i64: 256, 1024>}, {transform_indices = @transform_6, window_bounds = array<i64: 256, 1024>}, {transform_indices = @transform_7, window_bounds = array<i64: 256, 128>}]} {
    %get3A = arith.constant 0 : index
    %get3A_0 = arith.constant 0 : index
    %get3A_1 = vector.load %arg1[%get3A, %get3A_0] : memref<256x1024xbf16, #tpu.memory_space<vmem>>, vector<256x1024xbf16>
    %get3A_2 = arith.constant 0 : index
    %get3A_3 = arith.constant 0 : index
    %get3A_4 = vector.load %arg2[%get3A_2, %get3A_3] : memref<1024x1024xbf16, #tpu.memory_space<vmem>>, vector<1024x1024xbf16>
    %dot_general3A = arith.constant dense<0.000000e+00> : vector<256x1024xf32>
    %dot_general3A_5 = tpu.matmul %get3A_1, %get3A_4, %dot_general3A {dimension_numbers = #tpu.dot_dimension_numbers<[1], [0], [0], [1], [0, 0, 1, 1], [], []>, transpose_lhs_hint = false} : vector<256x1024xbf16>, vector<1024x1024xbf16>, vector<256x1024xf32> -> vector<256x1024xf32>
    %get3A_6 = arith.constant 0 : index
    %get3A_7 = arith.constant 0 : index
    %get3A_8 = vector.load %arg3[%get3A_6, %get3A_7] : memref<256x1024xf32, #tpu.memory_space<vmem>>, vector<256x1024xf32>
    %add3A = arith.addf %get3A_8, %dot_general3A_5 : vector<256x1024xf32>
    %swap3A = arith.constant 0 : index
    %swap3A_9 = arith.constant 0 : index
    %swap3A_10 = vector.load %arg6[%swap3A, %swap3A_9] : memref<256x1024xf32, #tpu.memory_space<vmem>>, vector<256x1024xf32>
    tpu.vector_store %arg6[%swap3A, %swap3A_9], %add3A {strides = array<i32>} : memref<256x1024xf32, #tpu.memory_space<vmem>>, vector<256x1024xf32>,
    %mul3A = arith.mulf %add3A, %add3A : vector<256x1024xf32>
    %reduce_sum3A = arith.constant dense<0.000000e+00> : vector<256xf32>
    %reduce_sum3A_11 = vector.multi_reduction <add>, %mul3A, %reduce_sum3A [1] : vector<256x1024xf32> to vector<256xf32>
    %broadcast_in_dim3A = vector.shape_cast %reduce_sum3A_11 : vector<256xf32> to vector<256x1xf32>
    %div3A = arith.constant 1.024000e+03 : f32
    %div3A_12 = vector.broadcast %div3A : f32 to vector<256x1xf32>
    %div3A_13 = arith.divf %broadcast_in_dim3A, %div3A_12 : vector<256x1xf32>
    %get3A_14 = arith.constant 0 : index
    %get3A_15 = arith.constant 0 : index
    %get3A_16 = vector.load %arg4[%get3A_14, %get3A_15] : memref<1x1024xf32, #tpu.memory_space<vmem>>, vector<1x1024xf32>
    %add3A_17 = arith.constant 9.99999997E-7 : f32
    %add3A_18 = vector.broadcast %add3A_17 : f32 to vector<256x1xf32>
    %add3A_19 = arith.addf %div3A_13, %add3A_18 : vector<256x1xf32>
    %rsqrt3A = math.rsqrt %add3A_19 : vector<256x1xf32>
    %mul3A_20 = vector.broadcast %rsqrt3A : vector<256x1xf32> to vector<256x1024xf32>
    %mul3A_21 = arith.mulf %add3A, %mul3A_20 : vector<256x1024xf32>
    %mul3A_22 = vector.broadcast %get3A_16 : vector<1x1024xf32> to vector<256x1024xf32>
    %mul3A_23 = arith.mulf %mul3A_22, %mul3A_21 : vector<256x1024xf32>
    %convert_element_type3A = arith.truncf %mul3A_23 : vector<256x1024xf32> to vector<256x1024xbf16>
    %swap3A_24 = arith.constant 0 : index
    %swap3A_25 = arith.constant 0 : index
    %swap3A_26 = vector.load %arg7[%swap3A_24, %swap3A_25] : memref<256x1024xbf16, #tpu.memory_space<vmem>>, vector<256x1024xbf16>
    tpu.vector_store %arg7[%swap3A_24, %swap3A_25], %convert_element_type3A {strides = array<i32>} : memref<256x1024xbf16, #tpu.memory_space<vmem>>, vector<256x1024xbf16>,
    %get3A_27 = arith.constant 0 : index
    %get3A_28 = arith.constant 0 : index
    %get3A_29 = vector.load %arg5[%get3A_27, %get3A_28] : memref<1024x128xf32, #tpu.memory_space<vmem>>, vector<1024x128xf32>
    %dot_general3A_30 = arith.constant dense<0.000000e+00> : vector<256x128xf32>
    %dot_general3A_31 = tpu.matmul %mul3A_23, %get3A_29, %dot_general3A_30 {dimension_numbers = #tpu.dot_dimension_numbers<[1], [0], [0], [1], [0, 0, 1, 1], [], []>, transpose_lhs_hint = false} : vector<256x1024xf32>, vector<1024x128xf32>, vector<256x128xf32> -> vector<256x128xf32>
    %iota3A = tpu.iota {dimensions = array<i32: 1>} : vector<256x128xi32>
    %lt3A = arith.constant 8 : i32
    %lt3A_32 = vector.broadcast %lt3A : i32 to vector<256x128xi32>
    %lt3A_33 = arith.cmpi slt, %iota3A, %lt3A_32 : vector<256x128xi32>
    %jit3A = arith.constant -3.40282347E+38 : f32
    %broadcast_in_dim3A_34 = vector.broadcast %jit3A : f32 to vector<256x128xf32>
    %select_n3A = arith.select %lt3A_33, %dot_general3A_31, %broadcast_in_dim3A_34 : vector<256x128xi1>, vector<256x128xf32>
    %reduce_max3A = arith.constant dense<0xFF800000> : vector<256xf32>
    %reduce_max3A_35 = vector.multi_reduction <maximumf>, %select_n3A, %reduce_max3A [1] : vector<256x128xf32> to vector<256xf32>
    %broadcast_in_dim3A_36 = vector.shape_cast %reduce_max3A_35 : vector<256xf32> to vector<256x1xf32>
    %sub3A = vector.broadcast %broadcast_in_dim3A_36 : vector<256x1xf32> to vector<256x128xf32>
    %sub3A_37 = arith.subf %select_n3A, %sub3A : vector<256x128xf32>
    %exp3A = math.exp %sub3A_37 : vector<256x128xf32>
    %reduce_sum3A_38 = arith.constant dense<0.000000e+00> : vector<256xf32>
    %reduce_sum3A_39 = vector.multi_reduction <add>, %exp3A, %reduce_sum3A_38 [1] : vector<256x128xf32> to vector<256xf32>
    %broadcast_in_dim3A_40 = vector.shape_cast %reduce_sum3A_39 : vector<256xf32> to vector<256x1xf32>
    %div3A_41 = vector.broadcast %broadcast_in_dim3A_40 : vector<256x1xf32> to vector<256x128xf32>
    %div3A_42 = arith.divf %exp3A, %div3A_41 : vector<256x128xf32>
    %reduce_max3A_43 = arith.constant dense<0xFF800000> : vector<256xf32>
    %reduce_max3A_44 = vector.multi_reduction <maximumf>, %div3A_42, %reduce_max3A_43 [1] : vector<256x128xf32> to vector<256xf32>
    %broadcast_in_dim3A_45 = vector.shape_cast %reduce_max3A_44 : vector<256xf32> to vector<256x1xf32>
    %lt3A_46 = vector.broadcast %broadcast_in_dim3A_45 : vector<256x1xf32> to vector<256x128xf32>
    %lt3A_47 = arith.cmpf olt, %div3A_42, %lt3A_46 : vector<256x128xf32>
    %jit3A_48 = arith.constant -1.000000e+00 : f32
    %broadcast_in_dim3A_49 = vector.broadcast %jit3A_48 : f32 to vector<256x128xf32>
    %select_n3A_50 = arith.select %lt3A_47, %div3A_42, %broadcast_in_dim3A_49 : vector<256x128xi1>, vector<256x128xf32>
    %reduce_max3A_51 = arith.constant dense<0xFF800000> : vector<256xf32>
    %reduce_max3A_52 = vector.multi_reduction <maximumf>, %select_n3A_50, %reduce_max3A_51 [1] : vector<256x128xf32> to vector<256xf32>
    %broadcast_in_dim3A_53 = vector.shape_cast %reduce_max3A_52 : vector<256xf32> to vector<256x1xf32>
    %ge3A = vector.broadcast %broadcast_in_dim3A_53 : vector<256x1xf32> to vector<256x128xf32>
    %ge3A_54 = arith.cmpf oge, %div3A_42, %ge3A : vector<256x128xf32>
    %jit3A_55 = arith.constant 0.000000e+00 : f32
    %broadcast_in_dim3A_56 = vector.broadcast %jit3A_55 : f32 to vector<256x128xf32>
    %select_n3A_57 = arith.select %ge3A_54, %div3A_42, %broadcast_in_dim3A_56 : vector<256x128xi1>, vector<256x128xf32>
    %add3A_58 = arith.addf %broadcast_in_dim3A_45, %broadcast_in_dim3A_53 : vector<256x1xf32>
    %div3A_59 = vector.broadcast %add3A_58 : vector<256x1xf32> to vector<256x128xf32>
    %div3A_60 = arith.divf %select_n3A_57, %div3A_59 : vector<256x128xf32>
    %swap3A_61 = arith.constant 0 : index
    %swap3A_62 = arith.constant 0 : index
    %swap3A_63 = vector.load %arg8[%swap3A_61, %swap3A_62] : memref<256x128xf32, #tpu.memory_space<vmem>>, vector<256x128xf32>
    tpu.vector_store %arg8[%swap3A_61, %swap3A_62], %div3A_60 {strides = array<i32>} : memref<256x128xf32, #tpu.memory_space<vmem>>, vector<256x128xf32>,
    return
  }
  func.func @transform_0(%arg0: i32) -> (i32, i32) {
    %c0_i32 = arith.constant 0 : i32
    %c0_i32_0 = arith.constant 0 : i32
    return %arg0, %c0_i32 : i32, i32
  }
  func.func @transform_1(%arg0: i32) -> (i32, i32) {
    %c0_i32 = arith.constant 0 : i32
    %c0_i32_0 = arith.constant 0 : i32
    %c0_i32_1 = arith.constant 0 : i32
    return %c0_i32, %c0_i32_0 : i32, i32
  }
  func.func @transform_2(%arg0: i32) -> (i32, i32) {
    %c0_i32 = arith.constant 0 : i32
    %c0_i32_0 = arith.constant 0 : i32
    return %arg0, %c0_i32 : i32, i32
  }
  func.func @transform_3(%arg0: i32) -> (i32, i32) {
    %c0_i32 = arith.constant 0 : i32
    %c0_i32_0 = arith.constant 0 : i32
    %c0_i32_1 = arith.constant 0 : i32
    return %c0_i32, %c0_i32_0 : i32, i32
  }
  func.func @transform_4(%arg0: i32) -> (i32, i32) {
    %c0_i32 = arith.constant 0 : i32
    %c0_i32_0 = arith.constant 0 : i32
    %c0_i32_1 = arith.constant 0 : i32
    return %c0_i32, %c0_i32_0 : i32, i32
  }
  func.func @transform_5(%arg0: i32) -> (i32, i32) {
    %c0_i32 = arith.constant 0 : i32
    %c0_i32_0 = arith.constant 0 : i32
    return %arg0, %c0_i32 : i32, i32
  }
  func.func @transform_6(%arg0: i32) -> (i32, i32) {
    %c0_i32 = arith.constant 0 : i32
    %c0_i32_0 = arith.constant 0 : i32
    return %arg0, %c0_i32 : i32, i32
  }
  func.func @transform_7(%arg0: i32) -> (i32, i32) {
    %c0_i32 = arith.constant 0 : i32
    %c0_i32_0 = arith.constant 0 : i32
    return %arg0, %c0_i32 : i32, i32
  }
}

module attributes {stable_mosaic.version = 14 : i64} {
  func.func @_route_kernel(%arg0: i32, %arg1: memref<2048x128xf32, #tpu.memory_space<vmem>>, %arg2: memref<2048x128xi32, #tpu.memory_space<vmem>>, %arg3: memref<1x128xi32, #tpu.memory_space<vmem>>, %arg4: memref<1x128xi32, #tpu.memory_space<vmem>>, %arg5: memref<2048x128xi32, #tpu.memory_space<vmem>>) attributes {dimension_semantics = [#tpu.dimension_semantics<arbitrary>], iteration_bounds = array<i64: 1>, scalar_prefetch = 0 : i64, scratch_operands = 0 : i64, tpu.core_type = #tpu.core_type<tc>, window_params = [{pipeline_mode = #tpu.pipeline_mode<synchronous>, transform_indices = @transform_0, window_bounds = array<i64: 2048, 128>}, {pipeline_mode = #tpu.pipeline_mode<synchronous>, transform_indices = @transform_1, window_bounds = array<i64: 2048, 128>}, {pipeline_mode = #tpu.pipeline_mode<synchronous>, transform_indices = @transform_2, window_bounds = array<i64: 1, 128>}, {pipeline_mode = #tpu.pipeline_mode<synchronous>, transform_indices = @transform_3, window_bounds = array<i64: 1, 128>}, {pipeline_mode = #tpu.pipeline_mode<synchronous>, transform_indices = @transform_4, window_bounds = array<i64: 2048, 128>}]} {
    %get3A = arith.constant 0 : index
    %get3A_0 = arith.constant 0 : index
    %get3A_1 = vector.load %arg1[%get3A, %get3A_0] : memref<2048x128xf32, #tpu.memory_space<vmem>>, vector<2048x128xf32>
    %gt3A = arith.constant 0.000000e+00 : f32
    %gt3A_2 = vector.broadcast %gt3A : f32 to vector<2048x128xf32>
    %gt3A_3 = arith.cmpf ogt, %get3A_1, %gt3A_2 : vector<2048x128xf32>
    %convert_element_type3A = arith.extui %gt3A_3 : vector<2048x128xi1> to vector<2048x128xi32>
    %convert_element_type3A_4 = arith.sitofp %convert_element_type3A : vector<2048x128xi32> to vector<2048x128xf32>
    %iota3A = tpu.iota {dimensions = array<i32: 0>} : vector<2048x2048xi32>
    %iota3A_5 = tpu.iota {dimensions = array<i32: 1>} : vector<2048x2048xi32>
    %lt3A = arith.cmpi slt, %iota3A_5, %iota3A : vector<2048x2048xi32>
    %convert_element_type3A_6 = arith.extui %lt3A : vector<2048x2048xi1> to vector<2048x2048xi32>
    %convert_element_type3A_7 = arith.sitofp %convert_element_type3A_6 : vector<2048x2048xi32> to vector<2048x2048xf32>
    %dot_general3A = arith.constant dense<0.000000e+00> : vector<2048x128xf32>
    %dot_general3A_8 = tpu.matmul %convert_element_type3A_7, %convert_element_type3A_4, %dot_general3A {dimension_numbers = #tpu.dot_dimension_numbers<[1], [0], [0], [1], [0, 0, 1, 1], [], []>, transpose_lhs_hint = false} : vector<2048x2048xf32>, vector<2048x128xf32>, vector<2048x128xf32> -> vector<2048x128xf32>
    %reduce_sum3A = arith.constant dense<0.000000e+00> : vector<128xf32>
    %reduce_sum3A_9 = vector.multi_reduction <add>, %convert_element_type3A_4, %reduce_sum3A [0] : vector<2048x128xf32> to vector<128xf32>
    %broadcast_in_dim3A = vector.shape_cast %reduce_sum3A_9 : vector<128xf32> to vector<1x128xf32>
    %convert_element_type3A_10 = arith.fptosi %broadcast_in_dim3A : vector<1x128xf32> to vector<1x128xi32>
    %add3A = arith.constant 255 : i32
    %add3A_11 = vector.broadcast %add3A : i32 to vector<1x128xi32>
    %add3A_12 = arith.addi %convert_element_type3A_10, %add3A_11 : vector<1x128xi32>
    %jit3A = arith.constant 256 : i32
    %div3A = vector.broadcast %jit3A : i32 to vector<1x128xi32>
    %div3A_13 = arith.divsi %add3A_12, %div3A : vector<1x128xi32>
    %sign3A = arith.constant 0 : i32
    %sign3A_14 = vector.broadcast %sign3A : i32 to vector<1x128xi32>
    %sign3A_15 = arith.cmpi sgt, %add3A_12, %sign3A_14 : vector<1x128xi32>
    %sign3A_16 = arith.extui %sign3A_15 : vector<1x128xi1> to vector<1x128xi32>
    %sign3A_17 = arith.constant 0 : i32
    %sign3A_18 = vector.broadcast %sign3A_17 : i32 to vector<1x128xi32>
    %sign3A_19 = arith.cmpi slt, %add3A_12, %sign3A_18 : vector<1x128xi32>
    %sign3A_20 = arith.extui %sign3A_19 : vector<1x128xi1> to vector<1x128xi32>
    %sign3A_21 = arith.subi %sign3A_16, %sign3A_20 : vector<1x128xi32>
    %sign3A_22 = arith.constant 0 : i32
    %sign3A_23 = arith.cmpi sgt, %jit3A, %sign3A_22 : i32
    %sign3A_24 = arith.extui %sign3A_23 : i1 to i32
    %sign3A_25 = arith.constant 0 : i32
    %sign3A_26 = arith.cmpi slt, %jit3A, %sign3A_25 : i32
    %sign3A_27 = arith.extui %sign3A_26 : i1 to i32
    %sign3A_28 = arith.subi %sign3A_24, %sign3A_27 : i32
    %ne3A = vector.broadcast %sign3A_28 : i32 to vector<1x128xi32>
    %ne3A_29 = arith.cmpi ne, %sign3A_21, %ne3A : vector<1x128xi32>
    %rem3A = vector.broadcast %jit3A : i32 to vector<1x128xi32>
    %rem3A_30 = arith.remsi %add3A_12, %rem3A : vector<1x128xi32>
    %ne3A_31 = arith.constant 0 : i32
    %ne3A_32 = vector.broadcast %ne3A_31 : i32 to vector<1x128xi32>
    %ne3A_33 = arith.cmpi ne, %rem3A_30, %ne3A_32 : vector<1x128xi32>
    %and3A = arith.andi %ne3A_29, %ne3A_33 : vector<1x128xi1>
    %sub3A = arith.constant 1 : i32
    %sub3A_34 = vector.broadcast %sub3A : i32 to vector<1x128xi32>
    %sub3A_35 = arith.subi %div3A_13, %sub3A_34 : vector<1x128xi32>
    %select_n3A = arith.select %and3A, %sub3A_35, %div3A_13 : vector<1x128xi1>, vector<1x128xi32>
    %mul3A = arith.constant 256 : i32
    %mul3A_36 = vector.broadcast %mul3A : i32 to vector<1x128xi32>
    %mul3A_37 = arith.muli %select_n3A, %mul3A_36 : vector<1x128xi32>
    %iota3A_38 = tpu.iota {dimensions = array<i32: 0>} : vector<128x128xi32>
    %iota3A_39 = tpu.iota {dimensions = array<i32: 1>} : vector<128x128xi32>
    %lt3A_40 = arith.cmpi slt, %iota3A_38, %iota3A_39 : vector<128x128xi32>
    %convert_element_type3A_41 = arith.extui %lt3A_40 : vector<128x128xi1> to vector<128x128xi32>
    %convert_element_type3A_42 = arith.sitofp %convert_element_type3A_41 : vector<128x128xi32> to vector<128x128xf32>
    %convert_element_type3A_43 = arith.sitofp %mul3A_37 : vector<1x128xi32> to vector<1x128xf32>
    %dot_general3A_44 = arith.constant dense<0.000000e+00> : vector<1x128xf32>
    %dot_general3A_45 = tpu.matmul %convert_element_type3A_43, %convert_element_type3A_42, %dot_general3A_44 {dimension_numbers = #tpu.dot_dimension_numbers<[1], [0], [0], [1], [0, 0, 1, 1], [], []>, transpose_lhs_hint = false} : vector<1x128xf32>, vector<128x128xf32>, vector<1x128xf32> -> vector<1x128xf32>
    %gt3A_46 = arith.constant 0.000000e+00 : f32
    %gt3A_47 = vector.broadcast %gt3A_46 : f32 to vector<2048x128xf32>
    %gt3A_48 = arith.cmpf ogt, %convert_element_type3A_4, %gt3A_47 : vector<2048x128xf32>
    %add3A_49 = vector.broadcast %dot_general3A_45 : vector<1x128xf32> to vector<2048x128xf32>
    %add3A_50 = arith.addf %dot_general3A_8, %add3A_49 : vector<2048x128xf32>
    %add3A_51 = arith.constant 5.000000e-01 : f32
    %add3A_52 = vector.broadcast %add3A_51 : f32 to vector<2048x128xf32>
    %add3A_53 = arith.addf %add3A_50, %add3A_52 : vector<2048x128xf32>
    %jit3A_54 = arith.constant -1.000000e+00 : f32
    %broadcast_in_dim3A_55 = vector.broadcast %jit3A_54 : f32 to vector<2048x128xf32>
    %select_n3A_56 = arith.select %gt3A_48, %add3A_53, %broadcast_in_dim3A_55 : vector<2048x128xi1>, vector<2048x128xf32>
    %convert_element_type3A_57 = arith.fptosi %select_n3A_56 : vector<2048x128xf32> to vector<2048x128xi32>
    %swap3A = arith.constant 0 : index
    %swap3A_58 = arith.constant 0 : index
    %swap3A_59 = vector.load %arg2[%swap3A, %swap3A_58] : memref<2048x128xi32, #tpu.memory_space<vmem>>, vector<2048x128xi32>
    tpu.vector_store %arg2[%swap3A, %swap3A_58], %convert_element_type3A_57 {strides = array<i32>} : memref<2048x128xi32, #tpu.memory_space<vmem>>, vector<2048x128xi32>,
    %add3A_60 = arith.constant 5.000000e-01 : f32
    %add3A_61 = vector.broadcast %add3A_60 : f32 to vector<1x128xf32>
    %add3A_62 = arith.addf %dot_general3A_45, %add3A_61 : vector<1x128xf32>
    %convert_element_type3A_63 = arith.fptosi %add3A_62 : vector<1x128xf32> to vector<1x128xi32>
    %swap3A_64 = arith.constant 0 : index
    %swap3A_65 = arith.constant 0 : index
    %swap3A_66 = vector.load %arg3[%swap3A_64, %swap3A_65] : memref<1x128xi32, #tpu.memory_space<vmem>>, vector<1x128xi32>
    tpu.vector_store %arg3[%swap3A_64, %swap3A_65], %convert_element_type3A_63 {strides = array<i32>} : memref<1x128xi32, #tpu.memory_space<vmem>>, vector<1x128xi32>,
    %add3A_67 = arith.addi %convert_element_type3A_63, %mul3A_37 : vector<1x128xi32>
    %swap3A_68 = arith.constant 0 : index
    %swap3A_69 = arith.constant 0 : index
    %swap3A_70 = vector.load %arg4[%swap3A_68, %swap3A_69] : memref<1x128xi32, #tpu.memory_space<vmem>>, vector<1x128xi32>
    tpu.vector_store %arg4[%swap3A_68, %swap3A_69], %add3A_67 {strides = array<i32>} : memref<1x128xi32, #tpu.memory_space<vmem>>, vector<1x128xi32>,
    %reduce_max3A = arith.constant dense<0xFF800000> : vector<2048xf32>
    %reduce_max3A_71 = vector.multi_reduction <maximumf>, %select_n3A_56, %reduce_max3A [1] : vector<2048x128xf32> to vector<2048xf32>
    %broadcast_in_dim3A_72 = vector.shape_cast %reduce_max3A_71 : vector<2048xf32> to vector<2048x1xf32>
    %gt3A_73 = arith.constant 0.000000e+00 : f32
    %gt3A_74 = vector.broadcast %gt3A_73 : f32 to vector<2048x128xf32>
    %gt3A_75 = arith.cmpf ogt, %select_n3A_56, %gt3A_74 : vector<2048x128xf32>
    %jit3A_76 = arith.constant 0.000000e+00 : f32
    %broadcast_in_dim3A_77 = vector.broadcast %jit3A_76 : f32 to vector<2048x128xf32>
    %select_n3A_78 = arith.select %gt3A_75, %select_n3A_56, %broadcast_in_dim3A_77 : vector<2048x128xi1>, vector<2048x128xf32>
    %reduce_sum3A_79 = arith.constant dense<0.000000e+00> : vector<2048xf32>
    %reduce_sum3A_80 = vector.multi_reduction <add>, %select_n3A_78, %reduce_sum3A_79 [1] : vector<2048x128xf32> to vector<2048xf32>
    %broadcast_in_dim3A_81 = vector.shape_cast %reduce_sum3A_80 : vector<2048xf32> to vector<2048x1xf32>
    %sub3A_82 = arith.subf %broadcast_in_dim3A_81, %broadcast_in_dim3A_72 : vector<2048x1xf32>
    %iota3A_83 = tpu.iota {dimensions = array<i32: 1>} : vector<2048x128xi32>
    %eq3A = arith.constant 0 : i32
    %eq3A_84 = vector.broadcast %eq3A : i32 to vector<2048x128xi32>
    %eq3A_85 = arith.cmpi eq, %iota3A_83, %eq3A_84 : vector<2048x128xi32>
    %eq3A_86 = arith.constant 1 : i32
    %eq3A_87 = vector.broadcast %eq3A_86 : i32 to vector<2048x128xi32>
    %eq3A_88 = arith.cmpi eq, %iota3A_83, %eq3A_87 : vector<2048x128xi32>
    %jit3A_89 = arith.constant 0.000000e+00 : f32
    %broadcast_in_dim3A_90 = vector.shape_cast %broadcast_in_dim3A_72 : vector<2048x1xf32> to vector<2048x1xf32>
    %broadcast_in_dim3A_91 = vector.broadcast %broadcast_in_dim3A_90 : vector<2048x1xf32> to vector<2048x128xf32>
    %broadcast_in_dim3A_92 = vector.broadcast %jit3A_89 : f32 to vector<2048x128xf32>
    %select_n3A_93 = arith.select %eq3A_88, %broadcast_in_dim3A_91, %broadcast_in_dim3A_92 : vector<2048x128xi1>, vector<2048x128xf32>
    %broadcast_in_dim3A_94 = vector.shape_cast %sub3A_82 : vector<2048x1xf32> to vector<2048x1xf32>
    %broadcast_in_dim3A_95 = vector.broadcast %broadcast_in_dim3A_94 : vector<2048x1xf32> to vector<2048x128xf32>
    %select_n3A_96 = arith.select %eq3A_85, %broadcast_in_dim3A_95, %select_n3A_93 : vector<2048x128xi1>, vector<2048x128xf32>
    %convert_element_type3A_97 = arith.fptosi %select_n3A_96 : vector<2048x128xf32> to vector<2048x128xi32>
    %swap3A_98 = arith.constant 0 : index
    %swap3A_99 = arith.constant 0 : index
    %swap3A_100 = vector.load %arg5[%swap3A_98, %swap3A_99] : memref<2048x128xi32, #tpu.memory_space<vmem>>, vector<2048x128xi32>
    tpu.vector_store %arg5[%swap3A_98, %swap3A_99], %convert_element_type3A_97 {strides = array<i32>} : memref<2048x128xi32, #tpu.memory_space<vmem>>, vector<2048x128xi32>,
    return
  }
  func.func @transform_0(%arg0: i32) -> (i32, i32) {
    %c0_i32 = arith.constant 0 : i32
    %c0_i32_0 = arith.constant 0 : i32
    %c0_i32_1 = arith.constant 0 : i32
    return %c0_i32, %c0_i32_0 : i32, i32
  }
  func.func @transform_1(%arg0: i32) -> (i32, i32) {
    %c0_i32 = arith.constant 0 : i32
    %c0_i32_0 = arith.constant 0 : i32
    %c0_i32_1 = arith.constant 0 : i32
    return %c0_i32, %c0_i32_0 : i32, i32
  }
  func.func @transform_2(%arg0: i32) -> (i32, i32) {
    %c0_i32 = arith.constant 0 : i32
    %c0_i32_0 = arith.constant 0 : i32
    %c0_i32_1 = arith.constant 0 : i32
    return %c0_i32, %c0_i32_0 : i32, i32
  }
  func.func @transform_3(%arg0: i32) -> (i32, i32) {
    %c0_i32 = arith.constant 0 : i32
    %c0_i32_0 = arith.constant 0 : i32
    %c0_i32_1 = arith.constant 0 : i32
    return %c0_i32, %c0_i32_0 : i32, i32
  }
  func.func @transform_4(%arg0: i32) -> (i32, i32) {
    %c0_i32 = arith.constant 0 : i32
    %c0_i32_0 = arith.constant 0 : i32
    %c0_i32_1 = arith.constant 0 : i32
    return %c0_i32, %c0_i32_0 : i32, i32
  }
}

module attributes {stable_mosaic.version = 14 : i64} {
  func.func @_moe_kernel(%arg0: i32, %arg1: memref<24xi32, #tpu.memory_space<smem>>, %arg2: memref<1x1x2048xi32, #tpu.memory_space<vmem>>, %arg3: memref<1x1x2048xf32, #tpu.memory_space<vmem>>, %arg4: memref<2048x1024xbf16, #tpu.memory_space<vmem>>, %arg5: memref<1x1024x2048xbf16, #tpu.memory_space<vmem>>, %arg6: memref<1x1024x2048xbf16, #tpu.memory_space<vmem>>, %arg7: memref<1x2048x1024xbf16, #tpu.memory_space<vmem>>, %arg8: memref<256x1024xf32, #tpu.memory_space<vmem>>) attributes {dimension_semantics = [#tpu.dimension_semantics<arbitrary>], iteration_bounds = array<i64: 24>, scalar_prefetch = 1 : i64, scratch_operands = 0 : i64, tpu.core_type = #tpu.core_type<tc>, window_params = [{transform_indices = @transform_0, window_bounds = array<i64: 1, 1, 2048>}, {transform_indices = @transform_1, window_bounds = array<i64: 1, 1, 2048>}, {pipeline_mode = #tpu.pipeline_mode<synchronous>, transform_indices = @transform_2, window_bounds = array<i64: 2048, 1024>}, {transform_indices = @transform_3, window_bounds = array<i64: 1, 1024, 2048>}, {transform_indices = @transform_4, window_bounds = array<i64: 1, 1024, 2048>}, {transform_indices = @transform_5, window_bounds = array<i64: 1, 2048, 1024>}, {transform_indices = @transform_6, window_bounds = array<i64: 256, 1024>}]} {
    %get3A = arith.constant 0 : index
    %get3A_0 = arith.constant 0 : index
    %get3A_1 = arith.constant 0 : index
    %get3A_2 = vector.load %arg2[%get3A, %get3A_0, %get3A_1] : memref<1x1x2048xi32, #tpu.memory_space<vmem>>, vector<1x1x2048xi32>
    %get3A_3 = vector.shape_cast %get3A_2 : vector<1x1x2048xi32> to vector<1x2048xi32>
    %iota3A = tpu.iota {dimensions = array<i32: 0>} : vector<256x2048xi32>
    %mul3A = arith.constant 256 : i32
    %mul3A_4 = arith.muli %arg0, %mul3A : i32
    %add3A = vector.broadcast %mul3A_4 : i32 to vector<256x2048xi32>
    %add3A_5 = arith.addi %iota3A, %add3A : vector<256x2048xi32>
    %eq3A = vector.broadcast %get3A_3 : vector<1x2048xi32> to vector<256x2048xi32>
    %eq3A_6 = arith.cmpi eq, %eq3A, %add3A_5 : vector<256x2048xi32>
    %convert_element_type3A = arith.extui %eq3A_6 : vector<256x2048xi1> to vector<256x2048xi32>
    %convert_element_type3A_7 = arith.sitofp %convert_element_type3A : vector<256x2048xi32> to vector<256x2048xf32>
    %convert_element_type3A_8 = arith.truncf %convert_element_type3A_7 : vector<256x2048xf32> to vector<256x2048xbf16>
    %get3A_9 = arith.constant 0 : index
    %get3A_10 = arith.constant 0 : index
    %get3A_11 = vector.load %arg4[%get3A_9, %get3A_10] : memref<2048x1024xbf16, #tpu.memory_space<vmem>>, vector<2048x1024xbf16>
    %dot_general3A = arith.constant dense<0.000000e+00> : vector<256x1024xf32>
    %dot_general3A_12 = tpu.matmul %convert_element_type3A_8, %get3A_11, %dot_general3A {dimension_numbers = #tpu.dot_dimension_numbers<[1], [0], [0], [1], [0, 0, 1, 1], [], []>, transpose_lhs_hint = false} : vector<256x2048xbf16>, vector<2048x1024xbf16>, vector<256x1024xf32> -> vector<256x1024xf32>
    %convert_element_type3A_13 = arith.truncf %dot_general3A_12 : vector<256x1024xf32> to vector<256x1024xbf16>
    %get3A_14 = arith.constant 0 : index
    %get3A_15 = arith.constant 0 : index
    %get3A_16 = arith.constant 0 : index
    %get3A_17 = vector.load %arg5[%get3A_14, %get3A_15, %get3A_16] : memref<1x1024x2048xbf16, #tpu.memory_space<vmem>>, vector<1x1024x2048xbf16>
    %get3A_18 = vector.shape_cast %get3A_17 : vector<1x1024x2048xbf16> to vector<1024x2048xbf16>
    %dot_general3A_19 = arith.constant dense<0.000000e+00> : vector<256x2048xf32>
    %dot_general3A_20 = tpu.matmul %convert_element_type3A_13, %get3A_18, %dot_general3A_19 {dimension_numbers = #tpu.dot_dimension_numbers<[1], [0], [0], [1], [0, 0, 1, 1], [], []>, transpose_lhs_hint = false} : vector<256x1024xbf16>, vector<1024x2048xbf16>, vector<256x2048xf32> -> vector<256x2048xf32>
    %get3A_21 = arith.constant 0 : index
    %get3A_22 = arith.constant 0 : index
    %get3A_23 = arith.constant 0 : index
    %get3A_24 = vector.load %arg6[%get3A_21, %get3A_22, %get3A_23] : memref<1x1024x2048xbf16, #tpu.memory_space<vmem>>, vector<1x1024x2048xbf16>
    %get3A_25 = vector.shape_cast %get3A_24 : vector<1x1024x2048xbf16> to vector<1024x2048xbf16>
    %dot_general3A_26 = arith.constant dense<0.000000e+00> : vector<256x2048xf32>
    %dot_general3A_27 = tpu.matmul %convert_element_type3A_13, %get3A_25, %dot_general3A_26 {dimension_numbers = #tpu.dot_dimension_numbers<[1], [0], [0], [1], [0, 0, 1, 1], [], []>, transpose_lhs_hint = false} : vector<256x1024xbf16>, vector<1024x2048xbf16>, vector<256x2048xf32> -> vector<256x2048xf32>
    %logistic3A = arith.negf %dot_general3A_20 : vector<256x2048xf32>
    %logistic3A_28 = math.exp %logistic3A : vector<256x2048xf32>
    %logistic3A_29 = arith.constant 1.000000e+00 : f32
    %logistic3A_30 = vector.broadcast %logistic3A_29 : f32 to vector<256x2048xf32>
    %logistic3A_31 = arith.addf %logistic3A_30, %logistic3A_28 : vector<256x2048xf32>
    %logistic3A_32 = arith.divf %logistic3A_30, %logistic3A_31 : vector<256x2048xf32>
    %mul3A_33 = arith.mulf %dot_general3A_20, %logistic3A_32 : vector<256x2048xf32>
    %mul3A_34 = arith.mulf %mul3A_33, %dot_general3A_27 : vector<256x2048xf32>
    %convert_element_type3A_35 = arith.truncf %mul3A_34 : vector<256x2048xf32> to vector<256x2048xbf16>
    %get3A_36 = arith.constant 0 : index
    %get3A_37 = arith.constant 0 : index
    %get3A_38 = arith.constant 0 : index
    %get3A_39 = vector.load %arg7[%get3A_36, %get3A_37, %get3A_38] : memref<1x2048x1024xbf16, #tpu.memory_space<vmem>>, vector<1x2048x1024xbf16>
    %get3A_40 = vector.shape_cast %get3A_39 : vector<1x2048x1024xbf16> to vector<2048x1024xbf16>
    %dot_general3A_41 = arith.constant dense<0.000000e+00> : vector<256x1024xf32>
    %dot_general3A_42 = tpu.matmul %convert_element_type3A_35, %get3A_40, %dot_general3A_41 {dimension_numbers = #tpu.dot_dimension_numbers<[1], [0], [0], [1], [0, 0, 1, 1], [], []>, transpose_lhs_hint = false} : vector<256x2048xbf16>, vector<2048x1024xbf16>, vector<256x1024xf32> -> vector<256x1024xf32>
    %get3A_43 = arith.constant 0 : index
    %get3A_44 = arith.constant 0 : index
    %get3A_45 = arith.constant 0 : index
    %get3A_46 = vector.load %arg3[%get3A_43, %get3A_44, %get3A_45] : memref<1x1x2048xf32, #tpu.memory_space<vmem>>, vector<1x1x2048xf32>
    %get3A_47 = vector.shape_cast %get3A_46 : vector<1x1x2048xf32> to vector<1x2048xf32>
    %jit3A = arith.constant 0.000000e+00 : f32
    %broadcast_in_dim3A = vector.shape_cast %get3A_47 : vector<1x2048xf32> to vector<1x2048xf32>
    %broadcast_in_dim3A_48 = vector.broadcast %broadcast_in_dim3A : vector<1x2048xf32> to vector<256x2048xf32>
    %broadcast_in_dim3A_49 = vector.broadcast %jit3A : f32 to vector<256x2048xf32>
    %select_n3A = arith.select %eq3A_6, %broadcast_in_dim3A_48, %broadcast_in_dim3A_49 : vector<256x2048xi1>, vector<256x2048xf32>
    %reduce_sum3A = arith.constant dense<0.000000e+00> : vector<256xf32>
    %reduce_sum3A_50 = vector.multi_reduction <add>, %select_n3A, %reduce_sum3A [1] : vector<256x2048xf32> to vector<256xf32>
    %broadcast_in_dim3A_51 = vector.shape_cast %reduce_sum3A_50 : vector<256xf32> to vector<256x1xf32>
    %mul3A_52 = vector.broadcast %broadcast_in_dim3A_51 : vector<256x1xf32> to vector<256x1024xf32>
    %mul3A_53 = arith.mulf %dot_general3A_42, %mul3A_52 : vector<256x1024xf32>
    %swap3A = arith.constant 0 : index
    %swap3A_54 = arith.constant 0 : index
    %swap3A_55 = vector.load %arg8[%swap3A, %swap3A_54] : memref<256x1024xf32, #tpu.memory_space<vmem>>, vector<256x1024xf32>
    tpu.vector_store %arg8[%swap3A, %swap3A_54], %mul3A_53 {strides = array<i32>} : memref<256x1024xf32, #tpu.memory_space<vmem>>, vector<256x1024xf32>,
    return
  }
  func.func @transform_0(%arg0: i32, %arg1: memref<24xi32, #tpu.memory_space<smem>>) -> (i32, i32, i32) {
    %get3A = arith.index_cast %arg0 : i32 to index
    %get3A_0 = memref.load %arg1[%get3A] : memref<24xi32, #tpu.memory_space<smem>>
    %c0_i32 = arith.constant 0 : i32
    %c0_i32_1 = arith.constant 0 : i32
    %c0_i32_2 = arith.constant 0 : i32
    return %get3A_0, %c0_i32, %c0_i32_1 : i32, i32, i32
  }
  func.func @transform_1(%arg0: i32, %arg1: memref<24xi32, #tpu.memory_space<smem>>) -> (i32, i32, i32) {
    %get3A = arith.index_cast %arg0 : i32 to index
    %get3A_0 = memref.load %arg1[%get3A] : memref<24xi32, #tpu.memory_space<smem>>
    %c0_i32 = arith.constant 0 : i32
    %c0_i32_1 = arith.constant 0 : i32
    %c0_i32_2 = arith.constant 0 : i32
    return %get3A_0, %c0_i32, %c0_i32_1 : i32, i32, i32
  }
  func.func @transform_2(%arg0: i32, %arg1: memref<24xi32, #tpu.memory_space<smem>>) -> (i32, i32) {
    %c0_i32 = arith.constant 0 : i32
    %c0_i32_0 = arith.constant 0 : i32
    %c0_i32_1 = arith.constant 0 : i32
    return %c0_i32, %c0_i32_0 : i32, i32
  }
  func.func @transform_3(%arg0: i32, %arg1: memref<24xi32, #tpu.memory_space<smem>>) -> (i32, i32, i32) {
    %get3A = arith.index_cast %arg0 : i32 to index
    %get3A_0 = memref.load %arg1[%get3A] : memref<24xi32, #tpu.memory_space<smem>>
    %c0_i32 = arith.constant 0 : i32
    %c0_i32_1 = arith.constant 0 : i32
    %c0_i32_2 = arith.constant 0 : i32
    return %get3A_0, %c0_i32, %c0_i32_1 : i32, i32, i32
  }
  func.func @transform_4(%arg0: i32, %arg1: memref<24xi32, #tpu.memory_space<smem>>) -> (i32, i32, i32) {
    %get3A = arith.index_cast %arg0 : i32 to index
    %get3A_0 = memref.load %arg1[%get3A] : memref<24xi32, #tpu.memory_space<smem>>
    %c0_i32 = arith.constant 0 : i32
    %c0_i32_1 = arith.constant 0 : i32
    %c0_i32_2 = arith.constant 0 : i32
    return %get3A_0, %c0_i32, %c0_i32_1 : i32, i32, i32
  }
  func.func @transform_5(%arg0: i32, %arg1: memref<24xi32, #tpu.memory_space<smem>>) -> (i32, i32, i32) {
    %get3A = arith.index_cast %arg0 : i32 to index
    %get3A_0 = memref.load %arg1[%get3A] : memref<24xi32, #tpu.memory_space<smem>>
    %c0_i32 = arith.constant 0 : i32
    %c0_i32_1 = arith.constant 0 : i32
    %c0_i32_2 = arith.constant 0 : i32
    return %get3A_0, %c0_i32, %c0_i32_1 : i32, i32, i32
  }
  func.func @transform_6(%arg0: i32, %arg1: memref<24xi32, #tpu.memory_space<smem>>) -> (i32, i32) {
    %c0_i32 = arith.constant 0 : i32
    %c0_i32_0 = arith.constant 0 : i32
    return %arg0, %c0_i32 : i32, i32
  }
}

</mosaic_0001>

<sc_bundles>
// kernel: kernel.8.cloned.1.call-start
scs
__scs_entry_jumppad:
0x0: {  	(pc) =	sbr.rel $0x88, $3  }
0x1: {  	(tag) =	ssettag $0x0;
	lr =	simm.s32 $0x1  }
0x2: {  	[smem:$0x3F95] =	sst lr;
	_ =	strace $0xD0000000  }
0x3: {  	_ = 	snop  }
0x4: {  	_ = 	snop  }
0x5: {  	_ = 	snop  }
0x6: {  	_ = 	snop  }
0x7: {  	_ = 	snop  }
__scs_overlays_trampoline_lowered:
0x8: {  	[smem:$0x3FA4] =	sst s0  }
0x9: {  	[smem:$0x3FA5] =	sst s1  }
0xa: {  	[smem:$0x3FA6] =	sst s2  }
0xb: {  	[smem:$0x3FA7] =	sst s3  }
0xc: {  	[smem:$0x3FA8] =	sst s4  }
0xd: {  	[smem:$0x3FA9] =	sst s5  }
0xe: {  	[smem:$0x3FAA] =	sst s6  }
0xf: {  	[smem:$0x3FAB] =	sst s7  }
0x10: {  	[smem:$0x3FAC] =	sst s8  }
0x11: {  	[smem:$0x3FAD] =	sst s9;
	s0 =	simm.s32 @!p0 $0x0  }
0x12: {  	s1 =	sld [smem:$0x3F93];
	s0 =	simm.s32 @p0 $0x1  }
0x13: {  	[smem:$0x3FAE] =	sst s0;
	s0 =	simm.s32 @!p1 $0x0  }
0x14: {  	s2 =	sld [smem:$0x3F92];
	s0 =	simm.s32 @p1 $0x1  }
0x15: {  	[smem:$0x3FAF] =	sst s0;
	s0 =	simm.s32 @!p2 $0x0  }
0x16: {  	s3 =	sld [smem:$0x3FDB];
	s0 =	simm.s32 @p2 $0x1  }
0x17: {  	s4 =	simm.s32 $0x1BF5;
	[smem:$0x3FB1] =	sst s0  }
0x18: {  	s0 =	sld [smem:$0x3F94];
	_ =	swait.ge [sflag:s4], $0x0  }
0x19: {  	s7 =	sld [smem:$0x3F95]  }
0x1a: {  	s8 =	sadd.s32 $0xFFFFE003, lr  }
0x1b: {  	s9 =	sadd.s32 $0xFFFFFEF7, lr;
	s5 =	simm.s32 $0xFFFFFFFF;
	p2 =	slt.u32 s8, $0xFFFFF086  }
0x1c: {  	p1 =	slt.u32 s9, $0xF7A;
	s5 =	simm.s32 @!p2 $0x0  }
0x1d: {  	s5 =	simm.s32 @p1 $0x1;
	p0 =	seq.s32 s7, s2  }
0x1e: {  	s7 =	smul.u32 @!p0 $0xF7A, s2;
	p2 =	seq.s32 @!p0 s5, $0x0  }
0x1f: {  	s9 =	smul.u32 $0xF7A, s1;
	s8 =	simm.s32 @!p0 $0x1BF5;
	p2 =	por !p2, p0  }
0x20: {  	[sflag:s8] =	ssyncset.s32 @!p0 $0xFFFFF086;
	s6 =	sadd.s32 @!p0 s3, s7;
	s7 =	simm.s32 @!p0 $0x108  }
0x21: {  	s3 =	sadd.s32 s3, s9;
	s6 =	sadd.s32 @!p0 $0x88, s6;
	s7 =	simm.s32 @p2 $0x1082  }
0x22: {  	[simem:s7], [sflag:s8] =	dma.local @!p0 [hbm:s6], $0xF7A  }
0x23: {  	s9 =	sor.u32 $0xD0000000, s2;
	s6 =	simm.s32 $0x108;
	_ =	swait.ge @!p0 [sflag:s8], $0x0  }
0x24: {  	s3 =	sadd.s32 $0x88, s3;
	s6 =	simm.s32 @!p1 $0x1082;
	[sflag:s4] =	ssyncset.s32 $0xFFFFF086  }
0x25: {  	[simem:s6], [sflag:s4] =	dma.local [hbm:s3], $0xF7A  }
0x26: {  	[smem:$0x3F95] =	sst s1;
	(tag) =	ssettag s2;
	_ =	strace s9  }
0x27: {  	s1 =	sld [smem:$0x3FA5]  }
0x28: {  	s2 =	sld [smem:$0x3FA6]  }
0x29: {  	s4 =	sld [smem:$0x3FA8]  }
0x2a: {  	p0 =	seq.s32 s5, $0x0;
	s5 =	sld [smem:$0x3FA9]  }
0x2b: {  	s6 =	sld [smem:$0x3FAA]  }
0x2c: {  	s7 =	sld [smem:$0x3FAB]  }
0x2d: {  	s3 =	simm.s32 $0x108;
	s8 =	sld [smem:$0x3FAC]  }
0x2e: {  	s3 =	simm.s32 @!p0 $0x1082;
	s9 =	sld [smem:$0x3FAD]  }
0x2f: {  	lr =	sadd.s32 s0, s3;
	s0 =	sld [smem:$0x3FA4]  }
0x30: {  	s3 =	sld [smem:$0x3FA7]  }
0x31: {  	[smem:$0x3FB0] =	sst s10  }
0x32: {  	s10 =	sld [smem:$0x3FAE];
	_ =	sdelay $0x3  }
0x33: {  	p0 =	seq.s32 s10, $0x1;
	s10 =	sld [smem:$0x3FB0];
	_ =	sdelay $0x3  }
0x34: {  	[smem:$0x3FB0] =	sst s10  }
0x35: {  	s10 =	sld [smem:$0x3FAF];
	_ =	sdelay $0x3  }
0x36: {  	p1 =	seq.s32 s10, $0x1;
	s10 =	sld [smem:$0x3FB0];
	_ =	sdelay $0x3  }
0x37: {  	[smem:$0x3FB0] =	sst s10  }
0x38: {  	s10 =	sld [smem:$0x3FB1]  }
0x39: {  	_ = 	snop;
	(pc) =	sbr.ind lr, $3  }
0x3a: {  	_ = 	snop  }
0x3b: {  	_ = 	snop  }
0x3c: {  	p2 =	seq.s32 s10, $0x1;
	s10 =	sld [smem:$0x3FB0]  }
0x3d: {  	_ =	shalt  }
0x3e: {  	_ =	shalt  }
0x3f: {  	_ =	shalt  }
0x40: {  	_ =	shalt  }
0x41: {  	_ =	shalt  }
0x42: {  	_ =	shalt  }
0x43: {  	_ =	shalt  }
0x44: {  	_ =	shalt  }
0x45: {  	_ =	shalt  }
0x46: {  	_ =	shalt  }
0x47: {  	_ =	shalt  }
0x48: {  	_ =	shalt  }
0x49: {  	_ =	shalt  }
0x4a: {  	_ =	shalt  }
0x4b: {  	_ =	shalt  }
0x4c: {  	_ =	shalt  }
0x4d: {  	_ =	shalt  }
0x4e: {  	_ =	shalt  }
0x4f: {  	_ =	shalt  }
0x50: {  	_ =	shalt  }
0x51: {  	_ =	shalt  }
0x52: {  	_ =	shalt  }
0x53: {  	_ =	shalt  }
0x54: {  	_ =	shalt  }
0x55: {  	_ =	shalt  }
0x56: {  	_ =	shalt  }
0x57: {  	_ =	shalt  }
0x58: {  	_ =	shalt  }
0x59: {  	_ =	shalt  }
0x5a: {  	_ =	shalt  }
0x5b: {  	_ =	shalt  }
0x5c: {  	_ =	shalt  }
0x5d: {  	_ =	shalt  }
0x5e: {  	_ =	shalt  }
0x5f: {  	_ =	shalt  }
0x60: {  	_ =	shalt  }
0x61: {  	_ =	shalt  }
0x62: {  	_ =	shalt  }
0x63: {  	_ =	shalt  }
0x64: {  	_ =	shalt  }
0x65: {  	_ =	shalt  }
0x66: {  	_ =	shalt  }
0x67: {  	_ =	shalt  }
0x68: {  	_ =	shalt  }
0x69: {  	_ =	shalt  }
0x6a: {  	_ =	shalt  }
0x6b: {  	_ =	shalt  }
0x6c: {  	_ =	shalt  }
0x6d: {  	_ =	shalt  }
0x6e: {  	_ =	shalt  }
0x6f: {  	_ =	shalt  }
0x70: {  	_ =	shalt  }
0x71: {  	_ =	shalt  }
0x72: {  	_ =	shalt  }
0x73: {  	_ =	shalt  }
0x74: {  	_ =	shalt  }
0x75: {  	_ =	shalt  }
0x76: {  	_ =	shalt  }
0x77: {  	_ =	shalt  }
0x78: {  	_ =	shalt  }
0x79: {  	_ =	shalt  }
0x7a: {  	_ =	shalt  }
0x7b: {  	_ =	shalt  }
0x7c: {  	_ =	shalt  }
0x7d: {  	_ =	shalt  }
0x7e: {  	_ =	shalt  }
0x7f: {  	_ =	shalt  }
0x80: {  	_ =	shalt  }
0x81: {  	_ =	shalt  }
0x82: {  	_ =	shalt  }
0x83: {  	_ =	shalt  }
0x84: {  	_ =	shalt  }
0x85: {  	_ =	shalt  }
0x86: {  	_ =	shalt  }
0x87: {  	_ =	shalt  }
.Lfunc_end0:
.L_simem_size_0:
called_computation_lowered:
.L_overlay_start_0:
0x88: {  	s2 =	sld [smem:$0x3FD9]  }
0x89: {  	s3 =	sld [smem:$0x3FFE];
	_ =	sdelay $0x1  }
0x8a: {  	s1 =	srdreg.scid  }
0x8b: {  	s0 =	sand.u32 $0x1, s1  }
0x8c: {  	s17 =	sshll.u32 s0, $0xA;
	s2 =	sadd.s32 s3, s2  }
0x8d: {  	s2 =	sadd.s32 s2, s17  }
0x8e: {  	[smem:$0x3FBC] =	sst s2  }
0x8f: {  	_ = 	snop  }
0x90: {  	s2 =	sld [smem:$0x3FD0];
	(tm) =	ssettm $0x1  }
0x91: {  	s18 =	sld [smem:$0x3FFB];
	_ =	sdelay $0x3  }
0x92: {  	_ =	strace s18  }
0x93: {  	s3 =	sld [smem:$0x3FFC];
	_ =	sdelay $0x3  }
0x94: {  	_ =	strace s3  }
0x95: {  	s3 =	sld [smem:$0x3FFD];
	_ =	sdelay $0x3  }
0x96: {  	_ =	strace s3  }
0x97: {  	_ =	strace $0x8FFFFFFF  }
0x98: {  	s19 =	sld [smem:$0x3FDB];
	_ =	sdelay $0x1  }
0x99: {  	s4 =	simm.s32 $_scs_section_size  }
0x9a: {  	s5 =	simm.s32 $_size__tile_overlayer_lowered;
	s6 =	simm.s32 $_tile_overlayer_lowered  }
0x9b: {  	s22 =	simm.s32 $0x1BFF;
	s21 =	sshll.u32 s6, $0x1;
	s3 =	sadd.s32 s4, s19  }
0x9c: {  	s7 =	simm.s32 $0x0;
	s20 =	sshll.u32 s5, $0x1;
	s5 =	sadd.s32 s21, s3  }
0x9d: {  	[timem:s7], [sflag:s22] =	dma.local [hbm:s5], s20  }
0x9e: {  	_ =	swait.ge [sflag:s22], s20  }
0x9f: {  	s4 =	ssub.s32 $0x0, s20;
	[sflag:s22] =	ssyncset.done $0x0  }
0xa0: {  	[sflag:s22] =	ssyncadd.s32 s4;
	_ =	sdelay $0x1  }
0xa1: {  	s23 =	simm.s32 $0x1B8B  }
0xa2: {  	_ =	swait.ge [sflag:s23], $0x1  }
0xa3: {  	[sflag:s23] =	ssyncset.done $0x0  }
0xa4: {  	s25 =	simm.s32 $0x1B8E;
	s24 =	sld [smem:$0x3FFE];
	[sflag:s23] =	ssyncadd.s32 $0xFFFFFFFF  }
0xa5: {  	s26 =	simm.s32 $execute0_lowered;
	[smem:$0x3FD2] =	sst s25  }
0xa6: {  	s5 =	sshll.u32 s26, $0x1;
	_ =	strace $0x80000046;
	[dreg:$0x1] =	wrdreg $0xFFFFFFFF  }
0xa7: {  	s28 =	simm.s32 $_size_execute0_lowered;
	s3 =	sadd.s32 s3, s5;
	[dreg:$0x0] =	wrdreg $0x0  }
0xa8: {  	s5 =	sshll.u32 s28, $0x1;
	[dreg:$0x2] =	wrdreg s3  }
0xa9: {  	[dreg:$0x3] =	wrdreg s5  }
0xaa: {  	[dreg:$0x4] =	wrdreg $0xC0  }
0xab: {  	_ =	task [dreg:s7], $0x5FFFF  }
0xac: {  	[dreg:$0x1] =	wrdreg $0xFFFFFFFF  }
0xad: {  	[dreg:$0x0] =	wrdreg $0x60  }
0xae: {  	[dreg:$0x2] =	wrdreg s24  }
0xaf: {  	[dreg:$0x3] =	wrdreg s2  }
0xb0: {  	[dreg:$0x4] =	wrdreg $0x9  }
0xb1: {  	_ =	task.clear_ibuf [dreg:s7], $0x5FFFF;
	_ =	strace $0x90000046  }
0xb2: {  	s29 =	simm.s32 $0x9;
	_ =	strace $0x80000048  }
0xb3: {  	_ =	swait.ge [sflag:s29], $0x1  }
0xb4: {  	[sflag:s29] =	ssyncadd.s32 $0xFFFFFFFF  }
0xb5: {  	_ =	strace $0x90000048  }
0xb6: {  	_ =	sfence  }
0xb7: {  	s30 =	sld [smem:$0x0];
	_ =	sdelay $0x2  }
0xb8: {  	s31 =	sshll.u32 s1, $0xD;
	s1 =	sshrl.u32 s1, $0x2  }
0xb9: {  	s3 =	sand.u32 $0x4000, s31;
	s1 =	sadd.s32 s1, s30  }
0xba: {  	s0 =	sor.u32 s3, s0;
	s1 =	sshll.u32 s1, $0x11  }
0xbb: {  	s0 =	sor.u32 s1, s0  }
0xbc: {  	s0 =	sadd.s32 $0x8F2B, s0  }
0xbd: {  	[sflag:s0] =	ssyncadd.remote.s32 $0x1  }
0xbe: {  	_ =	sfence.sel $0xFFFF  }
0xbf: {  	[dreg:$0x0] =	wrdreg $0xFFFFFFFF;
	(pc) =	sbr.abs _section_cstart, $3  }
0xc0: {  	[dreg:$0x1] =	wrdreg $0xFFFFFFFF  }
0xc1: {  	_ =	task.clear_ibuf [dreg:s7], $0x2FFFF;
	_ =	strace $0x9FFFFFFF  }
0xc2: {  	(tm) =	ssettm $0x7FFFFFFF  }
0xc3: {  	_ =	shalt  }
tec
execute0_lowered:
.L_overlay_start_1:
0x0: {  	(tag) =	ssettag $0x1  }
0x1: {  	s0 =	rddreg [dreg:$0x0]  }
0x2: {  	s1 =	srdreg.scid;
	s2 =	stileid.u32  }
0x3: {  	s4 =	rddreg [dreg:$0x1];
	s13 =	simm.s32 $0x2;
	s31 =	simm.s32 $0x10100  }
0x4: {  	s14 =	simm.s32 $0x12100;
	s15 =	simm.s32 $0x12900;
	s16 =	simm.s32 $0x13100  }
0x5: {  	s17 =	simm.s32 $0x13900;
	s18 =	simm.s32 $0x14100;
	s19 =	simm.s32 $0x14900  }
0x6: {  	s20 =	simm.s32 $0x15900;
	s21 =	simm.s32 $0x16900;
	s22 =	simm.s32 $0x17100  }
0x7: {  	s10 =	simm.s32 $0x17900;
	s23 =	simm.s32 $0x100;
	s11 =	simm.s32 $0x1  }
0x8: {  	s24 =	simm.s32 $0x0;
	s1 =	sand.u32 $0x1, s1;
	s3 =	sshll.u32 s2, $0x1  }
0x9: {  	s2 =	simm.s32 $0x0;
	s9 =	sadd.s32 $0x800, s0;
	s6 =	sadd.s32 $0x340E00, s0  }
0xa: {  	s8 =	sor.u32 s1, s3;
	[smem:$0x7FF] =	sst s2;
	s3 =	sadd.s32 $0x340C00, s0  }
0xb: {  	s1 =	ssub.s32 $0x2, s1;
	s5 =	sshll.u32 s8, $0x5;
	_ =	strace $0x80000047  }
0xc: {  	s7 =	sshrl.u32 s1, $0x1;
	s26 =	sshll.u32 s8, $0xD;
	s5 =	sadd.s32 s5, s0  }
0xd: {  	s1 =	ssub.s32 s1, s7;
	s7 =	sadd.s32 $0x340F00, s0;
	s8 =	sadd.s32 s9, s26  }
0xe: {  	s28 =	sadd.s32 s4, s26;
	s5 =	sadd.s32 $0x340800, s5;
	[dreg:$0x4] =	wrdreg s8  }
0xf: {  	[dreg:$0x5] =	wrdreg s28;
	s30 =	smax.u32 s1, $0x1;
	s1 =	simm.s32 $0x10900  }
0x10: {  	[dreg:$0x3] =	wrdreg s5;
	s5 =	sadd.s32 $0x340D00, s0;
	s0 =	sor.u32 $0x1000, s26  }
0x11: {  	v2 =	vlaneseq.u32;
	s8 =	simm.s32 $0x15100;
	[dreg:$0x8] =	wrdreg s30;
	s29 =	sadd.s32 s9, s0  }
0x12: {  	vm0 =	vmmov $0xffff;
	v1 =	vshrl.u32 v2, $0x3;
	s0 =	sadd.s32 s4, s0;
	s4 =	simm.s32 $0x11900;
	[dreg:$0x6] =	wrdreg s29  }
0x13: {  	v0 =	vand.u32 $0x7, v2;
	v2 =	vor.u32 $0x8, v2;
	v1 =	vmul.u32 $0x8, v1;
	s9 =	simm.s32 $0x16100;
	[dreg:$0x7] =	wrdreg s0;
	s0 =	simm.s32 $0x11100  }
.LBB2_1:
0x14: {  	s12 =	rddreg [dreg:$0x3]  }
0x15: {  	[tilespmem:s2], [sflag:$0x2] =	stream.linear.gather [hbm4b:s12+s2], $0x100, $0x38;
	[tilespmem:$0x18100] =	vst v63  }
0x16: {  	_ =	swait.ge [sflag:s13], $0x100  }
0x17: {  	[sflag:s13] =	ssyncset.done $0x0  }
0x18: {  	[sflag:s13] =	ssyncadd.s32 $0xFFFFFF00  }
0x19: {  	v3 =	vld [tilespmem:$0x0];
	_ =	sdelay $0x4  }
0x1a: {  	v4 =	vshll.u32 v3, $0x3  }
0x1b: {  	v3 =	vand.u32 $0x7, v3;
	v4 =	vand.u32 $0xFFFFFFC0, v4  }
0x1c: {  	v3 =	vor.u32 v3, v4  }
0x1d: {  	v4 =	vperm.xlane v3, v0;
	_ =	sdelay $0x1  }
0x1e: {  	v4 =	vadd.s32 v1, v4;
	_ =	sdelay $0x3  }
0x1f: {  	s29 =	simm.s32 $0x8100  }
0x20: {  	[tilespmem:s29], [sflag:$0x1] =	stream.indirect_vreg.gather [hbm4b:s3+s2], $0x80, v4, vm0, $0xb8;
	[tilespmem:$0x18100] =	vst v63  }
0x21: {  	s30 =	simm.s32 $0x8900;
	v3 =	vperm.xlane v3, v2  }
0x22: {  	[tilespmem:s30], [sflag:$0x1] =	stream.indirect_vreg.gather [hbm4b:s5+s2], $0x80, v4, vm0, $0xb8;
	[tilespmem:$0x18100] =	vst v63  }
0x23: {  	s25 =	simm.s32 $0x9100;
	v3 =	vadd.s32 v1, v3  }
0x24: {  	[tilespmem:s25], [sflag:$0x1] =	stream.indirect_vreg.gather [hbm4b:s6+s2], $0x80, v4, vm0, $0xb8;
	[tilespmem:$0x18100] =	vst v63  }
0x25: {  	s26 =	simm.s32 $0x9900  }
0x26: {  	[tilespmem:s26], [sflag:$0x1] =	stream.indirect_vreg.gather [hbm4b:s7+s2], $0x80, v4, vm0, $0xb8;
	[tilespmem:$0x18100] =	vst v63  }
0x27: {  	s28 =	simm.s32 $0xA100  }
0x28: {  	[tilespmem:s28], [sflag:$0x1] =	stream.indirect_vreg.gather [hbm4b:s3+s2], $0x80, v3, vm0, $0xb8;
	[tilespmem:$0x18100] =	vst v63  }
0x29: {  	s29 =	simm.s32 $0xA900  }
0x2a: {  	[tilespmem:s29], [sflag:$0x1] =	stream.indirect_vreg.gather [hbm4b:s5+s2], $0x80, v3, vm0, $0xb8;
	[tilespmem:$0x18100] =	vst v63  }
0x2b: {  	s30 =	simm.s32 $0xB100  }
0x2c: {  	[tilespmem:s30], [sflag:$0x1] =	stream.indirect_vreg.gather [hbm4b:s6+s2], $0x80, v3, vm0, $0xb8;
	[tilespmem:$0x18100] =	vst v63  }
0x2d: {  	s25 =	simm.s32 $0xB900  }
0x2e: {  	[tilespmem:s25], [sflag:$0x1] =	stream.indirect_vreg.gather [hbm4b:s7+s2], $0x80, v3, vm0, $0xb8;
	[tilespmem:$0x18100] =	vst v63  }
0x2f: {  	v3 =	vld [tilespmem:$0x10];
	_ =	sdelay $0x4  }
0x30: {  	v61 =	vshll.u32 v3, $0x3  }
0x31: {  	v3 =	vand.u32 $0x7, v3;
	v4 =	vand.u32 $0xFFFFFFC0, v61  }
0x32: {  	v3 =	vor.u32 v3, v4  }
0x33: {  	v4 =	vperm.xlane v3, v0;
	_ =	sdelay $0x1  }
0x34: {  	v4 =	vadd.s32 v1, v4;
	_ =	sdelay $0x3  }
0x35: {  	s26 =	simm.s32 $0xC100  }
0x36: {  	[tilespmem:s26], [sflag:$0x1] =	stream.indirect_vreg.gather [hbm4b:s3+s2], $0x80, v4, vm0, $0xb8;
	[tilespmem:$0x18100] =	vst v63  }
0x37: {  	s28 =	simm.s32 $0xC900;
	v3 =	vperm.xlane v3, v2  }
0x38: {  	[tilespmem:s28], [sflag:$0x1] =	stream.indirect_vreg.gather [hbm4b:s5+s2], $0x80, v4, vm0, $0xb8;
	[tilespmem:$0x18100] =	vst v63  }
0x39: {  	s29 =	simm.s32 $0xD100;
	v3 =	vadd.s32 v1, v3  }
0x3a: {  	[tilespmem:s29], [sflag:$0x1] =	stream.indirect_vreg.gather [hbm4b:s6+s2], $0x80, v4, vm0, $0xb8;
	[tilespmem:$0x18100] =	vst v63  }
0x3b: {  	s30 =	simm.s32 $0xD900  }
0x3c: {  	[tilespmem:s30], [sflag:$0x1] =	stream.indirect_vreg.gather [hbm4b:s7+s2], $0x80, v4, vm0, $0xb8;
	[tilespmem:$0x18100] =	vst v63  }
0x3d: {  	s25 =	simm.s32 $0xE100  }
0x3e: {  	[tilespmem:s25], [sflag:$0x1] =	stream.indirect_vreg.gather [hbm4b:s3+s2], $0x80, v3, vm0, $0xb8;
	[tilespmem:$0x18100] =	vst v63  }
0x3f: {  	s26 =	simm.s32 $0xE900  }
0x40: {  	[tilespmem:s26], [sflag:$0x1] =	stream.indirect_vreg.gather [hbm4b:s5+s2], $0x80, v3, vm0, $0xb8;
	[tilespmem:$0x18100] =	vst v63  }
0x41: {  	s28 =	simm.s32 $0xF100  }
0x42: {  	[tilespmem:s28], [sflag:$0x1] =	stream.indirect_vreg.gather [hbm4b:s6+s2], $0x80, v3, vm0, $0xb8;
	[tilespmem:$0x18100] =	vst v63  }
0x43: {  	s29 =	simm.s32 $0xF900  }
0x44: {  	[tilespmem:s29], [sflag:$0x1] =	stream.indirect_vreg.gather [hbm4b:s7+s2], $0x80, v3, vm0, $0xb8;
	[tilespmem:$0x18100] =	vst v63  }
0x45: {  	v3 =	vld [tilespmem:$0x20];
	_ =	sdelay $0x4  }
0x46: {  	v62 =	vshll.u32 v3, $0x3  }
0x47: {  	v3 =	vand.u32 $0x7, v3;
	v4 =	vand.u32 $0xFFFFFFC0, v62  }
0x48: {  	v3 =	vor.u32 v3, v4  }
0x49: {  	v4 =	vperm.xlane v3, v0;
	_ =	sdelay $0x1  }
0x4a: {  	v4 =	vadd.s32 v1, v4;
	_ =	sdelay $0x4  }
0x4b: {  	[tilespmem:s31], [sflag:$0x1] =	stream.indirect_vreg.gather [hbm4b:s3+s2], $0x80, v4, vm0, $0xb8;
	[tilespmem:$0x18100] =	vst v63  }
0x4c: {  	v3 =	vperm.xlane v3, v2  }
0x4d: {  	[tilespmem:s1], [sflag:$0x1] =	stream.indirect_vreg.gather [hbm4b:s5+s2], $0x80, v4, vm0, $0xb8;
	[tilespmem:$0x18100] =	vst v63  }
0x4e: {  	v3 =	vadd.s32 v1, v3  }
0x4f: {  	[tilespmem:s0], [sflag:$0x1] =	stream.indirect_vreg.gather [hbm4b:s6+s2], $0x80, v4, vm0, $0xb8;
	[tilespmem:$0x18100] =	vst v63  }
0x50: {  	_ = 	snop  }
0x51: {  	[tilespmem:s4], [sflag:$0x1] =	stream.indirect_vreg.gather [hbm4b:s7+s2], $0x80, v4, vm0, $0xb8;
	[tilespmem:$0x18100] =	vst v63  }
0x52: {  	_ = 	snop  }
0x53: {  	[tilespmem:s14], [sflag:$0x1] =	stream.indirect_vreg.gather [hbm4b:s3+s2], $0x80, v3, vm0, $0xb8;
	[tilespmem:$0x18100] =	vst v63  }
0x54: {  	_ = 	snop  }
0x55: {  	[tilespmem:s15], [sflag:$0x1] =	stream.indirect_vreg.gather [hbm4b:s5+s2], $0x80, v3, vm0, $0xb8;
	[tilespmem:$0x18100] =	vst v63  }
0x56: {  	_ = 	snop  }
0x57: {  	[tilespmem:s16], [sflag:$0x1] =	stream.indirect_vreg.gather [hbm4b:s6+s2], $0x80, v3, vm0, $0xb8;
	[tilespmem:$0x18100] =	vst v63  }
0x58: {  	_ = 	snop  }
0x59: {  	[tilespmem:s17], [sflag:$0x1] =	stream.indirect_vreg.gather [hbm4b:s7+s2], $0x80, v3, vm0, $0xb8;
	[tilespmem:$0x18100] =	vst v63  }
0x5a: {  	v3 =	vld [tilespmem:$0x30];
	_ =	sdelay $0x4  }
0x5b: {  	v63 =	vshll.u32 v3, $0x3  }
0x5c: {  	v3 =	vand.u32 $0x7, v3;
	v4 =	vand.u32 $0xFFFFFFC0, v63  }
0x5d: {  	v3 =	vor.u32 v3, v4  }
0x5e: {  	v4 =	vperm.xlane v3, v0;
	_ =	sdelay $0x1  }
0x5f: {  	v4 =	vadd.s32 v1, v4;
	_ =	sdelay $0x4  }
0x60: {  	[tilespmem:s18], [sflag:$0x1] =	stream.indirect_vreg.gather [hbm4b:s3+s2], $0x80, v4, vm0, $0xb8;
	[tilespmem:$0x18100] =	vst v63  }
0x61: {  	v3 =	vperm.xlane v3, v2  }
0x62: {  	[tilespmem:s19], [sflag:$0x1] =	stream.indirect_vreg.gather [hbm4b:s5+s2], $0x80, v4, vm0, $0xb8;
	[tilespmem:$0x18100] =	vst v63  }
0x63: {  	v3 =	vadd.s32 v1, v3  }
0x64: {  	[tilespmem:s8], [sflag:$0x1] =	stream.indirect_vreg.gather [hbm4b:s6+s2], $0x80, v4, vm0, $0xb8;
	[tilespmem:$0x18100] =	vst v63  }
0x65: {  	_ = 	snop  }
0x66: {  	[tilespmem:s20], [sflag:$0x1] =	stream.indirect_vreg.gather [hbm4b:s7+s2], $0x80, v4, vm0, $0xb8;
	[tilespmem:$0x18100] =	vst v63  }
0x67: {  	_ = 	snop  }
0x68: {  	[tilespmem:s9], [sflag:$0x1] =	stream.indirect_vreg.gather [hbm4b:s3+s2], $0x80, v3, vm0, $0xb8;
	[tilespmem:$0x18100] =	vst v63  }
0x69: {  	_ = 	snop  }
0x6a: {  	[tilespmem:s21], [sflag:$0x1] =	stream.indirect_vreg.gather [hbm4b:s5+s2], $0x80, v3, vm0, $0xb8;
	[tilespmem:$0x18100] =	vst v63  }
0x6b: {  	_ = 	snop  }
0x6c: {  	[tilespmem:s22], [sflag:$0x1] =	stream.indirect_vreg.gather [hbm4b:s6+s2], $0x80, v3, vm0, $0xb8;
	[tilespmem:$0x18100] =	vst v63  }
0x6d: {  	_ = 	snop  }
0x6e: {  	[tilespmem:s10], [sflag:$0x1] =	stream.indirect_vreg.gather [hbm4b:s7+s2], $0x80, v3, vm0, $0xb8;
	[tilespmem:$0x18100] =	vst v63  }
0x6f: {  	s30 =	rddreg [dreg:$0x4]  }
0x70: {  	[tilespmem:s23], [sflag:$0x2] =	stream.linear.gather [hbm4b:s30+s2], $0x8000, $0x38;
	[tilespmem:$0x18100] =	vst v63  }
0x71: {  	_ =	swait.ge [sflag:s13], $0x8000  }
0x72: {  	[sflag:s13] =	ssyncset.done $0x0  }
0x73: {  	[sflag:s13] =	ssyncadd.s32 $0xFFFF8000  }
0x74: {  	_ =	swait.ge [sflag:s11], $0x10000  }
0x75: {  	s12 =	simm.s32 $0x0;
	[sflag:s11] =	ssyncset.done $0x0  }
0x76: {  	s25 =	simm.s32 $0x0;
	s26 =	simm.s32 $0x0;
	[sflag:s11] =	ssyncadd.s32 $0xFFFF0000  }
.LBB2_2:
0x77: {  	s29 =	sand.u32 $0x6000, s26;
	s28 =	sand.u32 $0x380, s25  }
0x78: {  	s28 =	sor.u32 s28, s29  }
0x79: {  	v3 =	vld [tilespmem:s28+$0x8100]  }
0x7a: {  	v4 =	vld [tilespmem:s28+$0x10100]  }
0x7b: {  	v5 =	vld [tilespmem:s28+$0x8110]  }
0x7c: {  	v6 =	vld [tilespmem:s28+$0x10110]  }
0x7d: {  	v7 =	vld [tilespmem:s28+$0x8120]  }
0x7e: {  	v8 =	vld [tilespmem:s28+$0x10120]  }
0x7f: {  	v52 =	vld [tilespmem:s28+$0x10130]  }
0x80: {  	v53 =	vld [tilespmem:s28+$0x8140]  }
0x81: {  	v54 =	vld [tilespmem:s28+$0x10140]  }
0x82: {  	v55 =	vld [tilespmem:s28+$0x8150]  }
0x83: {  	v56 =	vld [tilespmem:s28+$0x10150]  }
0x84: {  	v9 =	vld [tilespmem:s28+$0x8160]  }
0x85: {  	v10 =	vld [tilespmem:s28+$0x10160]  }
0x86: {  	v11 =	vld [tilespmem:s28+$0x8170]  }
0x87: {  	v12 =	vld [tilespmem:s28+$0x10170]  }
0x88: {  	v13 =	vld [tilespmem:s28+$0x8500]  }
0x89: {  	v14 =	vld [tilespmem:s28+$0x10500]  }
0x8a: {  	v57 =	vld [tilespmem:s28+$0x8510]  }
0x8b: {  	v58 =	vld [tilespmem:s28+$0x10510]  }
0x8c: {  	v61 =	vld [tilespmem:s28+$0x10520]  }
0x8d: {  	v62 =	vld [tilespmem:s28+$0x8530]  }
0x8e: {  	v63 =	vld [tilespmem:s28+$0x10530]  }
0x8f: {  	v16 =	vld [tilespmem:s28+$0x8540]  }
0x90: {  	v17 =	vld [tilespmem:s28+$0x10540]  }
0x91: {  	v18 =	vld [tilespmem:s28+$0x8550]  }
0x92: {  	v19 =	vld [tilespmem:s28+$0x10550];
	v3 =	vadd.f32 v4, v3  }
0x93: {  	v20 =	vld [tilespmem:s28+$0x8560]  }
0x94: {  	[tilespmem:s28+$0x100] =	vst.add.f32.msk $0xffff, v3;
	v3 =	vadd.f32 v8, v7  }
0x95: {  	v21 =	vld [tilespmem:s28+$0x10560]  }
0x96: {  	[tilespmem:s28+$0x120] =	vst.add.f32.msk $0xffff, v3  }
0x97: {  	v3 =	vld [tilespmem:s28+$0x8130]  }
0x98: {  	v22 =	vld [tilespmem:s28+$0x8570]  }
0x99: {  	v23 =	vld [tilespmem:s28+$0x10570]  }
0x9a: {  	v24 =	vld [tilespmem:s28+$0x8900]  }
0x9b: {  	v25 =	vld [tilespmem:s28+$0x10900]  }
0x9c: {  	v28 =	vld [tilespmem:s28+$0x10910];
	v3 =	vadd.f32 v52, v3  }
0x9d: {  	v29 =	vld [tilespmem:s28+$0x8920]  }
0x9e: {  	[tilespmem:s28+$0x130] =	vst.add.f32.msk $0xffff, v3;
	v3 =	vadd.f32 v56, v55  }
0x9f: {  	v30 =	vld [tilespmem:s28+$0x10920]  }
0xa0: {  	[tilespmem:s28+$0x150] =	vst.add.f32.msk $0xffff, v3;
	v3 =	vadd.f32 v12, v11  }
0xa1: {  	v31 =	vld [tilespmem:s28+$0x8930]  }
0xa2: {  	[tilespmem:s28+$0x170] =	vst.add.f32.msk $0xffff, v3;
	v3 =	vadd.f32 v58, v57  }
0xa3: {  	v32 =	vld [tilespmem:s28+$0x10930]  }
0xa4: {  	[tilespmem:s28+$0x510] =	vst.add.f32.msk $0xffff, v3  }
0xa5: {  	v3 =	vld [tilespmem:s28+$0x8520]  }
0xa6: {  	v33 =	vld [tilespmem:s28+$0x8940]  }
0xa7: {  	v34 =	vld [tilespmem:s28+$0x10940]  }
0xa8: {  	v35 =	vld [tilespmem:s28+$0x8950]  }
0xa9: {  	v36 =	vld [tilespmem:s28+$0x10950]  }
0xaa: {  	v37 =	vld [tilespmem:s28+$0x8960];
	v3 =	vadd.f32 v61, v3  }
0xab: {  	v38 =	vld [tilespmem:s28+$0x10960]  }
0xac: {  	[tilespmem:s28+$0x520] =	vst.add.f32.msk $0xffff, v3;
	v3 =	vadd.f32 v17, v16  }
0xad: {  	v39 =	vld [tilespmem:s28+$0x8970]  }
0xae: {  	[tilespmem:s28+$0x540] =	vst.add.f32.msk $0xffff, v3;
	v3 =	vadd.f32 v21, v20  }
0xaf: {  	v40 =	vld [tilespmem:s28+$0x10970];
	v51 =	vadd.f32 v6, v5  }
0xb0: {  	[tilespmem:s28+$0x560] =	vst.add.f32.msk $0xffff, v3;
	v3 =	vadd.f32 v25, v24  }
0xb1: {  	[tilespmem:s28+$0x110] =	vst.add.f32.msk $0xffff, v51  }
0xb2: {  	v5 =	vadd.f32 v54, v53;
	[tilespmem:s28+$0x900] =	vst.add.f32.msk $0xffff, v3  }
0xb3: {  	v59 =	vadd.f32 v10, v9;
	v3 =	vld [tilespmem:s28+$0x8910]  }
0xb4: {  	v60 =	vadd.f32 v14, v13;
	[tilespmem:s28+$0x140] =	vst.add.f32.msk $0xffff, v5  }
0xb5: {  	v26 =	vadd.f32 v19, v18;
	[tilespmem:s28+$0x160] =	vst.add.f32.msk $0xffff, v59  }
0xb6: {  	v27 =	vadd.f32 v23, v22;
	[tilespmem:s28+$0x500] =	vst.add.f32.msk $0xffff, v60  }
0xb7: {  	v41 =	vadd.f32 v34, v33;
	[tilespmem:s28+$0x550] =	vst.add.f32.msk $0xffff, v26  }
0xb8: {  	[tilespmem:s28+$0x570] =	vst.add.f32.msk $0xffff, v27;
	v3 =	vadd.f32 v28, v3  }
0xb9: {  	v42 =	vadd.f32 v38, v37;
	[tilespmem:s28+$0x940] =	vst.add.f32.msk $0xffff, v41  }
0xba: {  	[tilespmem:s28+$0x910] =	vst.add.f32.msk $0xffff, v3;
	v3 =	vadd.f32 v32, v31  }
0xbb: {  	v5 =	vadd.f32 v63, v62;
	[tilespmem:s28+$0x960] =	vst.add.f32.msk $0xffff, v42  }
0xbc: {  	[tilespmem:s28+$0x930] =	vst.add.f32.msk $0xffff, v3;
	v3 =	vadd.f32 v36, v35  }
0xbd: {  	[tilespmem:s28+$0x530] =	vst.add.f32.msk $0xffff, v5;
	v5 =	vadd.f32 v30, v29  }
0xbe: {  	[tilespmem:s28+$0x950] =	vst.add.f32.msk $0xffff, v3;
	v3 =	vadd.f32 v40, v39  }
0xbf: {  	[tilespmem:s28+$0x920] =	vst.add.f32.msk $0xffff, v5  }
0xc0: {  	s29 =	sor.u32 s29, s25;
	[tilespmem:s28+$0x970] =	vst.add.f32.msk $0xffff, v3  }
0xc1: {  	s29 =	sor.u32 $0x8C00, s29;
	v3 =	vld [tilespmem:s28+$0x8D00]  }
0xc2: {  	v43 =	vld [tilespmem:s29+$0x8100];
	_ =	sdelay $0x4  }
0xc3: {  	v3 =	vadd.f32 v43, v3;
	_ =	sdelay $0x1  }
0xc4: {  	[tilespmem:s28+$0xD00] =	vst.add.f32.msk $0xffff, v3  }
0xc5: {  	v3 =	vld [tilespmem:s28+$0x8D10]  }
0xc6: {  	v44 =	vld [tilespmem:s29+$0x8110];
	_ =	sdelay $0x4  }
0xc7: {  	v3 =	vadd.f32 v44, v3;
	_ =	sdelay $0x1  }
0xc8: {  	[tilespmem:s28+$0xD10] =	vst.add.f32.msk $0xffff, v3  }
0xc9: {  	v3 =	vld [tilespmem:s28+$0x8D20]  }
0xca: {  	v45 =	vld [tilespmem:s29+$0x8120];
	_ =	sdelay $0x4  }
0xcb: {  	v3 =	vadd.f32 v45, v3;
	_ =	sdelay $0x1  }
0xcc: {  	[tilespmem:s28+$0xD20] =	vst.add.f32.msk $0xffff, v3  }
0xcd: {  	v3 =	vld [tilespmem:s28+$0x8D30]  }
0xce: {  	v46 =	vld [tilespmem:s29+$0x8130];
	_ =	sdelay $0x2  }
0xcf: {  	v53 =	vld [tilespmem:s28+$0x9110]  }
0xd0: {  	v54 =	vld [tilespmem:s28+$0x11110]  }
0xd1: {  	v18 =	vld [tilespmem:s28+$0x9170];
	v3 =	vadd.f32 v46, v3  }
0xd2: {  	v19 =	vld [tilespmem:s28+$0x11170]  }
0xd3: {  	[tilespmem:s28+$0xD30] =	vst.add.f32.msk $0xffff, v3  }
0xd4: {  	v3 =	vld [tilespmem:s28+$0x8D40]  }
0xd5: {  	v47 =	vld [tilespmem:s29+$0x8140]  }
0xd6: {  	v22 =	vld [tilespmem:s28+$0x9510]  }
0xd7: {  	v23 =	vld [tilespmem:s28+$0x11510]  }
0xd8: {  	v33 =	vld [tilespmem:s28+$0x9560]  }
0xd9: {  	v34 =	vld [tilespmem:s28+$0x11560]  }
0xda: {  	v37 =	vld [tilespmem:s28+$0x9900];
	v3 =	vadd.f32 v47, v3  }
0xdb: {  	v38 =	vld [tilespmem:s28+$0x11900]  }
0xdc: {  	[tilespmem:s28+$0xD40] =	vst.add.f32.msk $0xffff, v3  }
0xdd: {  	v3 =	vld [tilespmem:s28+$0x8D50]  }
0xde: {  	v48 =	vld [tilespmem:s29+$0x8150]  }
0xdf: {  	v51 =	vld [tilespmem:s28+$0x9100]  }
0xe0: {  	v59 =	vld [tilespmem:s28+$0x11130]  }
0xe1: {  	v60 =	vld [tilespmem:s28+$0x9140]  }
0xe2: {  	v62 =	vld [tilespmem:s28+$0x9150]  }
0xe3: {  	v63 =	vld [tilespmem:s28+$0x11150];
	v3 =	vadd.f32 v48, v3  }
0xe4: {  	v26 =	vld [tilespmem:s28+$0x11520]  }
0xe5: {  	[tilespmem:s28+$0xD50] =	vst.add.f32.msk $0xffff, v3  }
0xe6: {  	v3 =	vld [tilespmem:s28+$0x8D60]  }
0xe7: {  	v49 =	vld [tilespmem:s29+$0x8160]  }
0xe8: {  	v27 =	vld [tilespmem:s28+$0x9530]  }
0xe9: {  	v41 =	vld [tilespmem:s28+$0x11910]  }
0xea: {  	v42 =	vld [tilespmem:s28+$0x9920]  }
0xeb: {  	v29 =	vld [tilespmem:s28+$0x9540]  }
0xec: {  	v30 =	vld [tilespmem:s28+$0x11540];
	v3 =	vadd.f32 v49, v3  }
0xed: {  	v52 =	vld [tilespmem:s28+$0x11100]  }
0xee: {  	[tilespmem:s28+$0xD60] =	vst.add.f32.msk $0xffff, v3  }
0xef: {  	v3 =	vld [tilespmem:s28+$0x8D70]  }
0xf0: {  	v50 =	vld [tilespmem:s29+$0x8170]  }
0xf1: {  	v55 =	vld [tilespmem:s28+$0x9120]  }
0xf2: {  	v56 =	vld [tilespmem:s28+$0x11120]  }
0xf3: {  	v57 =	vadd.f32 v52, v51;
	v51 =	vld [tilespmem:s28+$0x11960]  }
0xf4: {  	v52 =	vld [tilespmem:s28+$0x9970]  }
0xf5: {  	v61 =	vld [tilespmem:s28+$0x11140];
	v3 =	vadd.f32 v50, v3  }
0xf6: {  	v16 =	vld [tilespmem:s28+$0x9160]  }
0xf7: {  	[tilespmem:s28+$0xD70] =	vst.add.f32.msk $0xffff, v3;
	v3 =	vadd.f32 v54, v53  }
0xf8: {  	v17 =	vld [tilespmem:s28+$0x11160]  }
0xf9: {  	[tilespmem:s28+$0x1110] =	vst.add.f32.msk $0xffff, v3  }
0xfa: {  	v3 =	vld [tilespmem:s28+$0x9130]  }
0xfb: {  	v20 =	vld [tilespmem:s28+$0x9500]  }
0xfc: {  	v21 =	vld [tilespmem:s28+$0x11500]  }
0xfd: {  	v28 =	vld [tilespmem:s28+$0x11530]  }
0xfe: {  	v31 =	vld [tilespmem:s28+$0x9550]  }
0xff: {  	v32 =	vld [tilespmem:s28+$0x11550];
	v3 =	vadd.f32 v59, v3  }
0x100: {  	v35 =	vld [tilespmem:s28+$0x9570]  }
0x101: {  	[tilespmem:s28+$0x1130] =	vst.add.f32.msk $0xffff, v3;
	v3 =	vadd.f32 v63, v62  }
0x102: {  	v36 =	vld [tilespmem:s28+$0x11570]  }
0x103: {  	[tilespmem:s28+$0x1150] =	vst.add.f32.msk $0xffff, v3;
	v3 =	vadd.f32 v19, v18  }
0x104: {  	v43 =	vld [tilespmem:s28+$0x11920]  }
0x105: {  	[tilespmem:s28+$0x1170] =	vst.add.f32.msk $0xffff, v3;
	v3 =	vadd.f32 v23, v22  }
0x106: {  	v44 =	vld [tilespmem:s28+$0x9930]  }
0x107: {  	[tilespmem:s28+$0x1510] =	vst.add.f32.msk $0xffff, v3  }
0x108: {  	v3 =	vld [tilespmem:s28+$0x9520]  }
0x109: {  	v45 =	vld [tilespmem:s28+$0x11930]  }
0x10a: {  	v46 =	vld [tilespmem:s28+$0x9940]  }
0x10b: {  	v47 =	vld [tilespmem:s28+$0x11940]  }
0x10c: {  	v48 =	vld [tilespmem:s28+$0x9950]  }
0x10d: {  	v49 =	vld [tilespmem:s28+$0x11950];
	v3 =	vadd.f32 v26, v3  }
0x10e: {  	v58 =	vadd.f32 v56, v55;
	[tilespmem:s28+$0x1100] =	vst.add.f32.msk $0xffff, v57  }
0x10f: {  	[tilespmem:s28+$0x1520] =	vst.add.f32.msk $0xffff, v3;
	v3 =	vadd.f32 v30, v29  }
0x110: {  	v5 =	vadd.f32 v61, v60;
	[tilespmem:s28+$0x1120] =	vst.add.f32.msk $0xffff, v58  }
0x111: {  	[tilespmem:s28+$0x1540] =	vst.add.f32.msk $0xffff, v3;
	v3 =	vadd.f32 v34, v33  }
0x112: {  	v24 =	vadd.f32 v17, v16;
	[tilespmem:s28+$0x1140] =	vst.add.f32.msk $0xffff, v5  }
0x113: {  	[tilespmem:s28+$0x1560] =	vst.add.f32.msk $0xffff, v3;
	v3 =	vadd.f32 v38, v37  }
0x114: {  	[tilespmem:s28+$0x1160] =	vst.add.f32.msk $0xffff, v24  }
0x115: {  	v25 =	vadd.f32 v21, v20;
	[tilespmem:s28+$0x1900] =	vst.add.f32.msk $0xffff, v3  }
0x116: {  	v39 =	vadd.f32 v32, v31;
	v3 =	vld [tilespmem:s28+$0x9910]  }
0x117: {  	v40 =	vadd.f32 v36, v35;
	[tilespmem:s28+$0x1500] =	vst.add.f32.msk $0xffff, v25  }
0x118: {  	v5 =	vadd.f32 v28, v27;
	[tilespmem:s28+$0x1550] =	vst.add.f32.msk $0xffff, v39  }
0x119: {  	[tilespmem:s28+$0x1570] =	vst.add.f32.msk $0xffff, v40  }
0x11a: {  	[tilespmem:s28+$0x1530] =	vst.add.f32.msk $0xffff, v5  }
0x11b: {  	v50 =	vld [tilespmem:s28+$0x9960];
	v3 =	vadd.f32 v41, v3  }
0x11c: {  	v5 =	vadd.f32 v43, v42;
	v53 =	vld [tilespmem:s28+$0x11970]  }
0x11d: {  	[tilespmem:s28+$0x1910] =	vst.add.f32.msk $0xffff, v3;
	v3 =	vadd.f32 v45, v44  }
0x11e: {  	[tilespmem:s28+$0x1920] =	vst.add.f32.msk $0xffff, v5;
	v54 =	vadd.f32 v47, v46  }
0x11f: {  	[tilespmem:s28+$0x1930] =	vst.add.f32.msk $0xffff, v3;
	v3 =	vadd.f32 v49, v48  }
0x120: {  	s30 =	sand.u32 $0x7, s12;
	[tilespmem:s28+$0x1940] =	vst.add.f32.msk $0xffff, v54;
	v55 =	vadd.f32 v51, v50  }
0x121: {  	s29 =	sshll.u32 s30, $0x7;
	[tilespmem:s28+$0x1950] =	vst.add.f32.msk $0xffff, v3;
	v3 =	vadd.f32 v53, v52  }
0x122: {  	s29 =	sadd.s32 s29, s26;
	[tilespmem:s28+$0x1960] =	vst.add.f32.msk $0xffff, v55  }
0x123: {  	s30 =	sor.u32 s26, s25;
	[tilespmem:s28+$0x1970] =	vst.add.f32.msk $0xffff, v3;
	s28 =	sor.u32 $0x1C00, s29  }
0x124: {  	s30 =	sor.u32 $0x9C00, s30;
	v3 =	vld [tilespmem:s28+$0x8100]  }
0x125: {  	v56 =	vld [tilespmem:s30+$0x8100];
	_ =	sdelay $0x4  }
0x126: {  	v3 =	vadd.f32 v56, v3;
	_ =	sdelay $0x1  }
0x127: {  	[tilespmem:s28+$0x100] =	vst.add.f32.msk $0xffff, v3;
	s28 =	sor.u32 $0x1C10, s29  }
0x128: {  	v3 =	vld [tilespmem:s28+$0x8100]  }
0x129: {  	v57 =	vld [tilespmem:s30+$0x8110];
	_ =	sdelay $0x4  }
0x12a: {  	v3 =	vadd.f32 v57, v3;
	_ =	sdelay $0x1  }
0x12b: {  	[tilespmem:s28+$0x100] =	vst.add.f32.msk $0xffff, v3;
	s28 =	sor.u32 $0x1C20, s29  }
0x12c: {  	v3 =	vld [tilespmem:s28+$0x8100]  }
0x12d: {  	v58 =	vld [tilespmem:s30+$0x8120];
	_ =	sdelay $0x4  }
0x12e: {  	v3 =	vadd.f32 v58, v3;
	_ =	sdelay $0x1  }
0x12f: {  	[tilespmem:s28+$0x100] =	vst.add.f32.msk $0xffff, v3;
	s28 =	sor.u32 $0x1C30, s29  }
0x130: {  	v3 =	vld [tilespmem:s28+$0x8100]  }
0x131: {  	v59 =	vld [tilespmem:s30+$0x8130];
	_ =	sdelay $0x4  }
0x132: {  	v3 =	vadd.f32 v59, v3;
	_ =	sdelay $0x1  }
0x133: {  	[tilespmem:s28+$0x100] =	vst.add.f32.msk $0xffff, v3;
	s28 =	sor.u32 $0x1C40, s29  }
0x134: {  	v3 =	vld [tilespmem:s28+$0x8100]  }
0x135: {  	v60 =	vld [tilespmem:s30+$0x8140];
	_ =	sdelay $0x4  }
0x136: {  	v3 =	vadd.f32 v60, v3;
	_ =	sdelay $0x1  }
0x137: {  	[tilespmem:s28+$0x100] =	vst.add.f32.msk $0xffff, v3;
	s28 =	sor.u32 $0x1C50, s29  }
0x138: {  	v3 =	vld [tilespmem:s28+$0x8100]  }
0x139: {  	v61 =	vld [tilespmem:s30+$0x8150];
	_ =	sdelay $0x4  }
0x13a: {  	v3 =	vadd.f32 v61, v3;
	_ =	sdelay $0x1  }
0x13b: {  	[tilespmem:s28+$0x100] =	vst.add.f32.msk $0xffff, v3;
	s28 =	sor.u32 $0x1C60, s29  }
0x13c: {  	v3 =	vld [tilespmem:s28+$0x8100]  }
0x13d: {  	v62 =	vld [tilespmem:s30+$0x8160];
	_ =	sdelay $0x4  }
0x13e: {  	v3 =	vadd.f32 v62, v3;
	_ =	sdelay $0x1  }
0x13f: {  	s29 =	sor.u32 $0x1C70, s29;
	[tilespmem:s28+$0x100] =	vst.add.f32.msk $0xffff, v3  }
0x140: {  	v3 =	vld [tilespmem:s29+$0x8100]  }
0x141: {  	v63 =	vld [tilespmem:s30+$0x8170];
	_ =	sdelay $0x1  }
0x142: {  	p0 =	sne.s32 s26, $0x7C00  }
.Ltmp0:
0x143: {  	_ = 	snop;
	(pc) =	sbr.rel @p0 .LBB2_2-.Ltmp0, $3  }
0x144: {  	_ = 	snop  }
0x145: {  	v3 =	vadd.f32 v63, v3;
	_ =	sdelay $0x1  }
0x146: {  	s12 =	sadd.s32 $0x1, s12;
	s25 =	sadd.s32 $0x80, s25;
	s26 =	sadd.s32 $0x400, s26;
	[tilespmem:s29+$0x100] =	vst.add.f32.msk $0xffff, v3  }
0x147: {  	s12 =	simm.s32 $0x0;
	s25 =	rddreg [dreg:$0x5]  }
0x148: {  	[hbm4b:s25+s12] =	stream.linear.scatter [tilespmem:s23], [sflag:$0x2], $0x8000, $0x38;
	[tilespmem:$0x18100] =	vst v63  }
0x149: {  	_ =	swait.ge [sflag:s13], $0x8000  }
0x14a: {  	[sflag:s13] =	ssyncset.done $0x0  }
0x14b: {  	[sflag:s13] =	ssyncadd.s32 $0xFFFF8000  }
0x14c: {  	v3 =	vld [tilespmem:$0x80];
	_ =	sdelay $0x4  }
0x14d: {  	v4 =	vshll.u32 v3, $0x3  }
0x14e: {  	v3 =	vand.u32 $0x7, v3;
	v4 =	vand.u32 $0xFFFFFFC0, v4  }
0x14f: {  	v3 =	vor.u32 v3, v4  }
0x150: {  	v4 =	vperm.xlane v3, v0;
	_ =	sdelay $0x1  }
0x151: {  	v4 =	vadd.s32 v1, v4;
	_ =	sdelay $0x3  }
0x152: {  	s30 =	simm.s32 $0x8100  }
0x153: {  	[tilespmem:s30], [sflag:$0x1] =	stream.indirect_vreg.gather [hbm4b:s3+s12], $0x80, v4, vm0, $0xb8;
	[tilespmem:$0x18100] =	vst v63  }
0x154: {  	s26 =	simm.s32 $0x8900;
	v3 =	vperm.xlane v3, v2  }
0x155: {  	[tilespmem:s26], [sflag:$0x1] =	stream.indirect_vreg.gather [hbm4b:s5+s12], $0x80, v4, vm0, $0xb8;
	[tilespmem:$0x18100] =	vst v63  }
0x156: {  	s28 =	simm.s32 $0x9100;
	v3 =	vadd.s32 v1, v3  }
0x157: {  	[tilespmem:s28], [sflag:$0x1] =	stream.indirect_vreg.gather [hbm4b:s6+s12], $0x80, v4, vm0, $0xb8;
	[tilespmem:$0x18100] =	vst v63  }
0x158: {  	s29 =	simm.s32 $0x9900  }
0x159: {  	[tilespmem:s29], [sflag:$0x1] =	stream.indirect_vreg.gather [hbm4b:s7+s12], $0x80, v4, vm0, $0xb8;
	[tilespmem:$0x18100] =	vst v63  }
0x15a: {  	s30 =	simm.s32 $0xA100  }
0x15b: {  	[tilespmem:s30], [sflag:$0x1] =	stream.indirect_vreg.gather [hbm4b:s3+s12], $0x80, v3, vm0, $0xb8;
	[tilespmem:$0x18100] =	vst v63  }
0x15c: {  	s26 =	simm.s32 $0xA900  }
0x15d: {  	[tilespmem:s26], [sflag:$0x1] =	stream.indirect_vreg.gather [hbm4b:s5+s12], $0x80, v3, vm0, $0xb8;
	[tilespmem:$0x18100] =	vst v63  }
0x15e: {  	s28 =	simm.s32 $0xB100  }
0x15f: {  	[tilespmem:s28], [sflag:$0x1] =	stream.indirect_vreg.gather [hbm4b:s6+s12], $0x80, v3, vm0, $0xb8;
	[tilespmem:$0x18100] =	vst v63  }
0x160: {  	s29 =	simm.s32 $0xB900  }
0x161: {  	[tilespmem:s29], [sflag:$0x1] =	stream.indirect_vreg.gather [hbm4b:s7+s12], $0x80, v3, vm0, $0xb8;
	[tilespmem:$0x18100] =	vst v63  }
0x162: {  	v3 =	vld [tilespmem:$0x90];
	_ =	sdelay $0x4  }
0x163: {  	v61 =	vshll.u32 v3, $0x3  }
0x164: {  	v3 =	vand.u32 $0x7, v3;
	v4 =	vand.u32 $0xFFFFFFC0, v61  }
0x165: {  	v3 =	vor.u32 v3, v4  }
0x166: {  	v4 =	vperm.xlane v3, v0;
	_ =	sdelay $0x1  }
0x167: {  	v4 =	vadd.s32 v1, v4;
	_ =	sdelay $0x3  }
0x168: {  	s30 =	simm.s32 $0xC100  }
0x169: {  	[tilespmem:s30], [sflag:$0x1] =	stream.indirect_vreg.gather [hbm4b:s3+s12], $0x80, v4, vm0, $0xb8;
	[tilespmem:$0x18100] =	vst v63  }
0x16a: {  	s26 =	simm.s32 $0xC900;
	v3 =	vperm.xlane v3, v2  }
0x16b: {  	[tilespmem:s26], [sflag:$0x1] =	stream.indirect_vreg.gather [hbm4b:s5+s12], $0x80, v4, vm0, $0xb8;
	[tilespmem:$0x18100] =	vst v63  }
0x16c: {  	s28 =	simm.s32 $0xD100;
	v3 =	vadd.s32 v1, v3  }
0x16d: {  	[tilespmem:s28], [sflag:$0x1] =	stream.indirect_vreg.gather [hbm4b:s6+s12], $0x80, v4, vm0, $0xb8;
	[tilespmem:$0x18100] =	vst v63  }
0x16e: {  	s29 =	simm.s32 $0xD900  }
0x16f: {  	[tilespmem:s29], [sflag:$0x1] =	stream.indirect_vreg.gather [hbm4b:s7+s12], $0x80, v4, vm0, $0xb8;
	[tilespmem:$0x18100] =	vst v63  }
0x170: {  	s30 =	simm.s32 $0xE100  }
0x171: {  	[tilespmem:s30], [sflag:$0x1] =	stream.indirect_vreg.gather [hbm4b:s3+s12], $0x80, v3, vm0, $0xb8;
	[tilespmem:$0x18100] =	vst v63  }
0x172: {  	s26 =	simm.s32 $0xE900  }
0x173: {  	[tilespmem:s26], [sflag:$0x1] =	stream.indirect_vreg.gather [hbm4b:s5+s12], $0x80, v3, vm0, $0xb8;
	[tilespmem:$0x18100] =	vst v63  }
0x174: {  	s28 =	simm.s32 $0xF100  }
0x175: {  	[tilespmem:s28], [sflag:$0x1] =	stream.indirect_vreg.gather [hbm4b:s6+s12], $0x80, v3, vm0, $0xb8;
	[tilespmem:$0x18100] =	vst v63  }
0x176: {  	s29 =	simm.s32 $0xF900  }
0x177: {  	[tilespmem:s29], [sflag:$0x1] =	stream.indirect_vreg.gather [hbm4b:s7+s12], $0x80, v3, vm0, $0xb8;
	[tilespmem:$0x18100] =	vst v63  }
0x178: {  	v3 =	vld [tilespmem:$0xA0];
	_ =	sdelay $0x4  }
0x179: {  	v62 =	vshll.u32 v3, $0x3  }
0x17a: {  	v3 =	vand.u32 $0x7, v3;
	v4 =	vand.u32 $0xFFFFFFC0, v62  }
0x17b: {  	v3 =	vor.u32 v3, v4  }
0x17c: {  	v4 =	vperm.xlane v3, v0;
	_ =	sdelay $0x1  }
0x17d: {  	v4 =	vadd.s32 v1, v4;
	_ =	sdelay $0x4  }
0x17e: {  	[tilespmem:s31], [sflag:$0x1] =	stream.indirect_vreg.gather [hbm4b:s3+s12], $0x80, v4, vm0, $0xb8;
	[tilespmem:$0x18100] =	vst v63  }
0x17f: {  	v3 =	vperm.xlane v3, v2  }
0x180: {  	[tilespmem:s1], [sflag:$0x1] =	stream.indirect_vreg.gather [hbm4b:s5+s12], $0x80, v4, vm0, $0xb8;
	[tilespmem:$0x18100] =	vst v63  }
0x181: {  	v3 =	vadd.s32 v1, v3  }
0x182: {  	[tilespmem:s0], [sflag:$0x1] =	stream.indirect_vreg.gather [hbm4b:s6+s12], $0x80, v4, vm0, $0xb8;
	[tilespmem:$0x18100] =	vst v63  }
0x183: {  	_ = 	snop  }
0x184: {  	[tilespmem:s4], [sflag:$0x1] =	stream.indirect_vreg.gather [hbm4b:s7+s12], $0x80, v4, vm0, $0xb8;
	[tilespmem:$0x18100] =	vst v63  }
0x185: {  	_ = 	snop  }
0x186: {  	[tilespmem:s14], [sflag:$0x1] =	stream.indirect_vreg.gather [hbm4b:s3+s12], $0x80, v3, vm0, $0xb8;
	[tilespmem:$0x18100] =	vst v63  }
0x187: {  	_ = 	snop  }
0x188: {  	[tilespmem:s15], [sflag:$0x1] =	stream.indirect_vreg.gather [hbm4b:s5+s12], $0x80, v3, vm0, $0xb8;
	[tilespmem:$0x18100] =	vst v63  }
0x189: {  	_ = 	snop  }
0x18a: {  	[tilespmem:s16], [sflag:$0x1] =	stream.indirect_vreg.gather [hbm4b:s6+s12], $0x80, v3, vm0, $0xb8;
	[tilespmem:$0x18100] =	vst v63  }
0x18b: {  	_ = 	snop  }
0x18c: {  	[tilespmem:s17], [sflag:$0x1] =	stream.indirect_vreg.gather [hbm4b:s7+s12], $0x80, v3, vm0, $0xb8;
	[tilespmem:$0x18100] =	vst v63  }
0x18d: {  	v3 =	vld [tilespmem:$0xB0];
	_ =	sdelay $0x4  }
0x18e: {  	v63 =	vshll.u32 v3, $0x3  }
0x18f: {  	v3 =	vand.u32 $0x7, v3;
	v4 =	vand.u32 $0xFFFFFFC0, v63  }
0x190: {  	v3 =	vor.u32 v3, v4  }
0x191: {  	v4 =	vperm.xlane v3, v0;
	_ =	sdelay $0x1  }
0x192: {  	v4 =	vadd.s32 v1, v4;
	_ =	sdelay $0x4  }
0x193: {  	[tilespmem:s18], [sflag:$0x1] =	stream.indirect_vreg.gather [hbm4b:s3+s12], $0x80, v4, vm0, $0xb8;
	[tilespmem:$0x18100] =	vst v63  }
0x194: {  	v3 =	vperm.xlane v3, v2  }
0x195: {  	[tilespmem:s19], [sflag:$0x1] =	stream.indirect_vreg.gather [hbm4b:s5+s12], $0x80, v4, vm0, $0xb8;
	[tilespmem:$0x18100] =	vst v63  }
0x196: {  	v3 =	vadd.s32 v1, v3  }
0x197: {  	[tilespmem:s8], [sflag:$0x1] =	stream.indirect_vreg.gather [hbm4b:s6+s12], $0x80, v4, vm0, $0xb8;
	[tilespmem:$0x18100] =	vst v63  }
0x198: {  	_ = 	snop  }
0x199: {  	[tilespmem:s20], [sflag:$0x1] =	stream.indirect_vreg.gather [hbm4b:s7+s12], $0x80, v4, vm0, $0xb8;
	[tilespmem:$0x18100] =	vst v63  }
0x19a: {  	_ = 	snop  }
0x19b: {  	[tilespmem:s9], [sflag:$0x1] =	stream.indirect_vreg.gather [hbm4b:s3+s12], $0x80, v3, vm0, $0xb8;
	[tilespmem:$0x18100] =	vst v63  }
0x19c: {  	_ = 	snop  }
0x19d: {  	[tilespmem:s21], [sflag:$0x1] =	stream.indirect_vreg.gather [hbm4b:s5+s12], $0x80, v3, vm0, $0xb8;
	[tilespmem:$0x18100] =	vst v63  }
0x19e: {  	_ = 	snop  }
0x19f: {  	[tilespmem:s22], [sflag:$0x1] =	stream.indirect_vreg.gather [hbm4b:s6+s12], $0x80, v3, vm0, $0xb8;
	[tilespmem:$0x18100] =	vst v63  }
0x1a0: {  	_ = 	snop  }
0x1a1: {  	[tilespmem:s10], [sflag:$0x1] =	stream.indirect_vreg.gather [hbm4b:s7+s12], $0x80, v3, vm0, $0xb8;
	[tilespmem:$0x18100] =	vst v63  }
0x1a2: {  	s30 =	rddreg [dreg:$0x6]  }
0x1a3: {  	[tilespmem:s23], [sflag:$0x2] =	stream.linear.gather [hbm4b:s30+s12], $0x8000, $0x38;
	[tilespmem:$0x18100] =	vst v63  }
0x1a4: {  	_ =	swait.ge [sflag:s13], $0x8000  }
0x1a5: {  	[sflag:s13] =	ssyncset.done $0x0  }
0x1a6: {  	[sflag:s13] =	ssyncadd.s32 $0xFFFF8000  }
0x1a7: {  	_ =	swait.ge [sflag:s11], $0x10000  }
0x1a8: {  	[sflag:s11] =	ssyncset.done $0x0  }
0x1a9: {  	s25 =	simm.s32 $0x0;
	s26 =	simm.s32 $0x0;
	[sflag:s11] =	ssyncadd.s32 $0xFFFF0000  }
.LBB2_4:
0x1aa: {  	s29 =	sand.u32 $0x6000, s26;
	s28 =	sand.u32 $0x380, s25  }
0x1ab: {  	s28 =	sor.u32 s28, s29  }
0x1ac: {  	v3 =	vld [tilespmem:s28+$0x8100]  }
0x1ad: {  	v4 =	vld [tilespmem:s28+$0x10100]  }
0x1ae: {  	v5 =	vld [tilespmem:s28+$0x8110]  }
0x1af: {  	v6 =	vld [tilespmem:s28+$0x10110]  }
0x1b0: {  	v7 =	vld [tilespmem:s28+$0x8120]  }
0x1b1: {  	v8 =	vld [tilespmem:s28+$0x10120]  }
0x1b2: {  	v52 =	vld [tilespmem:s28+$0x10130]  }
0x1b3: {  	v53 =	vld [tilespmem:s28+$0x8140]  }
0x1b4: {  	v54 =	vld [tilespmem:s28+$0x10140]  }
0x1b5: {  	v55 =	vld [tilespmem:s28+$0x8150]  }
0x1b6: {  	v56 =	vld [tilespmem:s28+$0x10150]  }
0x1b7: {  	v9 =	vld [tilespmem:s28+$0x8160]  }
0x1b8: {  	v10 =	vld [tilespmem:s28+$0x10160]  }
0x1b9: {  	v11 =	vld [tilespmem:s28+$0x8170]  }
0x1ba: {  	v12 =	vld [tilespmem:s28+$0x10170]  }
0x1bb: {  	v13 =	vld [tilespmem:s28+$0x8500]  }
0x1bc: {  	v14 =	vld [tilespmem:s28+$0x10500]  }
0x1bd: {  	v57 =	vld [tilespmem:s28+$0x8510]  }
0x1be: {  	v58 =	vld [tilespmem:s28+$0x10510]  }
0x1bf: {  	v61 =	vld [tilespmem:s28+$0x10520]  }
0x1c0: {  	v62 =	vld [tilespmem:s28+$0x8530]  }
0x1c1: {  	v63 =	vld [tilespmem:s28+$0x10530]  }
0x1c2: {  	v16 =	vld [tilespmem:s28+$0x8540]  }
0x1c3: {  	v17 =	vld [tilespmem:s28+$0x10540]  }
0x1c4: {  	v18 =	vld [tilespmem:s28+$0x8550]  }
0x1c5: {  	v19 =	vld [tilespmem:s28+$0x10550];
	v3 =	vadd.f32 v4, v3  }
0x1c6: {  	v20 =	vld [tilespmem:s28+$0x8560]  }
0x1c7: {  	[tilespmem:s28+$0x100] =	vst.add.f32.msk $0xffff, v3;
	v3 =	vadd.f32 v8, v7  }
0x1c8: {  	v21 =	vld [tilespmem:s28+$0x10560]  }
0x1c9: {  	[tilespmem:s28+$0x120] =	vst.add.f32.msk $0xffff, v3  }
0x1ca: {  	v3 =	vld [tilespmem:s28+$0x8130]  }
0x1cb: {  	v22 =	vld [tilespmem:s28+$0x8570]  }
0x1cc: {  	v23 =	vld [tilespmem:s28+$0x10570]  }
0x1cd: {  	v24 =	vld [tilespmem:s28+$0x8900]  }
0x1ce: {  	v25 =	vld [tilespmem:s28+$0x10900]  }
0x1cf: {  	v28 =	vld [tilespmem:s28+$0x10910];
	v3 =	vadd.f32 v52, v3  }
0x1d0: {  	v29 =	vld [tilespmem:s28+$0x8920]  }
0x1d1: {  	[tilespmem:s28+$0x130] =	vst.add.f32.msk $0xffff, v3;
	v3 =	vadd.f32 v56, v55  }
0x1d2: {  	v30 =	vld [tilespmem:s28+$0x10920]  }
0x1d3: {  	[tilespmem:s28+$0x150] =	vst.add.f32.msk $0xffff, v3;
	v3 =	vadd.f32 v12, v11  }
0x1d4: {  	v31 =	vld [tilespmem:s28+$0x8930]  }
0x1d5: {  	[tilespmem:s28+$0x170] =	vst.add.f32.msk $0xffff, v3;
	v3 =	vadd.f32 v58, v57  }
0x1d6: {  	v32 =	vld [tilespmem:s28+$0x10930]  }
0x1d7: {  	[tilespmem:s28+$0x510] =	vst.add.f32.msk $0xffff, v3  }
0x1d8: {  	v3 =	vld [tilespmem:s28+$0x8520]  }
0x1d9: {  	v33 =	vld [tilespmem:s28+$0x8940]  }
0x1da: {  	v34 =	vld [tilespmem:s28+$0x10940]  }
0x1db: {  	v35 =	vld [tilespmem:s28+$0x8950]  }
0x1dc: {  	v36 =	vld [tilespmem:s28+$0x10950]  }
0x1dd: {  	v37 =	vld [tilespmem:s28+$0x8960];
	v3 =	vadd.f32 v61, v3  }
0x1de: {  	v38 =	vld [tilespmem:s28+$0x10960]  }
0x1df: {  	[tilespmem:s28+$0x520] =	vst.add.f32.msk $0xffff, v3;
	v3 =	vadd.f32 v17, v16  }
0x1e0: {  	v39 =	vld [tilespmem:s28+$0x8970]  }
0x1e1: {  	[tilespmem:s28+$0x540] =	vst.add.f32.msk $0xffff, v3;
	v3 =	vadd.f32 v21, v20  }
0x1e2: {  	v40 =	vld [tilespmem:s28+$0x10970];
	v51 =	vadd.f32 v6, v5  }
0x1e3: {  	[tilespmem:s28+$0x560] =	vst.add.f32.msk $0xffff, v3;
	v3 =	vadd.f32 v25, v24  }
0x1e4: {  	[tilespmem:s28+$0x110] =	vst.add.f32.msk $0xffff, v51  }
0x1e5: {  	v5 =	vadd.f32 v54, v53;
	[tilespmem:s28+$0x900] =	vst.add.f32.msk $0xffff, v3  }
0x1e6: {  	v59 =	vadd.f32 v10, v9;
	v3 =	vld [tilespmem:s28+$0x8910]  }
0x1e7: {  	v60 =	vadd.f32 v14, v13;
	[tilespmem:s28+$0x140] =	vst.add.f32.msk $0xffff, v5  }
0x1e8: {  	v26 =	vadd.f32 v19, v18;
	[tilespmem:s28+$0x160] =	vst.add.f32.msk $0xffff, v59  }
0x1e9: {  	v27 =	vadd.f32 v23, v22;
	[tilespmem:s28+$0x500] =	vst.add.f32.msk $0xffff, v60  }
0x1ea: {  	v41 =	vadd.f32 v34, v33;
	[tilespmem:s28+$0x550] =	vst.add.f32.msk $0xffff, v26  }
0x1eb: {  	[tilespmem:s28+$0x570] =	vst.add.f32.msk $0xffff, v27;
	v3 =	vadd.f32 v28, v3  }
0x1ec: {  	v42 =	vadd.f32 v38, v37;
	[tilespmem:s28+$0x940] =	vst.add.f32.msk $0xffff, v41  }
0x1ed: {  	[tilespmem:s28+$0x910] =	vst.add.f32.msk $0xffff, v3;
	v3 =	vadd.f32 v32, v31  }
0x1ee: {  	v5 =	vadd.f32 v63, v62;
	[tilespmem:s28+$0x960] =	vst.add.f32.msk $0xffff, v42  }
0x1ef: {  	[tilespmem:s28+$0x930] =	vst.add.f32.msk $0xffff, v3;
	v3 =	vadd.f32 v36, v35  }
0x1f0: {  	[tilespmem:s28+$0x530] =	vst.add.f32.msk $0xffff, v5;
	v5 =	vadd.f32 v30, v29  }
0x1f1: {  	[tilespmem:s28+$0x950] =	vst.add.f32.msk $0xffff, v3;
	v3 =	vadd.f32 v40, v39  }
0x1f2: {  	[tilespmem:s28+$0x920] =	vst.add.f32.msk $0xffff, v5  }
0x1f3: {  	s29 =	sor.u32 s29, s25;
	[tilespmem:s28+$0x970] =	vst.add.f32.msk $0xffff, v3  }
0x1f4: {  	s29 =	sor.u32 $0x8C00, s29;
	v3 =	vld [tilespmem:s28+$0x8D00]  }
0x1f5: {  	v43 =	vld [tilespmem:s29+$0x8100];
	_ =	sdelay $0x4  }
0x1f6: {  	v3 =	vadd.f32 v43, v3;
	_ =	sdelay $0x1  }
0x1f7: {  	[tilespmem:s28+$0xD00] =	vst.add.f32.msk $0xffff, v3  }
0x1f8: {  	v3 =	vld [tilespmem:s28+$0x8D10]  }
0x1f9: {  	v44 =	vld [tilespmem:s29+$0x8110];
	_ =	sdelay $0x4  }
0x1fa: {  	v3 =	vadd.f32 v44, v3;
	_ =	sdelay $0x1  }
0x1fb: {  	[tilespmem:s28+$0xD10] =	vst.add.f32.msk $0xffff, v3  }
0x1fc: {  	v3 =	vld [tilespmem:s28+$0x8D20]  }
0x1fd: {  	v45 =	vld [tilespmem:s29+$0x8120];
	_ =	sdelay $0x4  }
0x1fe: {  	v3 =	vadd.f32 v45, v3;
	_ =	sdelay $0x1  }
0x1ff: {  	[tilespmem:s28+$0xD20] =	vst.add.f32.msk $0xffff, v3  }
0x200: {  	v3 =	vld [tilespmem:s28+$0x8D30]  }
0x201: {  	v46 =	vld [tilespmem:s29+$0x8130];
	_ =	sdelay $0x2  }
0x202: {  	v53 =	vld [tilespmem:s28+$0x9110]  }
0x203: {  	v54 =	vld [tilespmem:s28+$0x11110]  }
0x204: {  	v18 =	vld [tilespmem:s28+$0x9170];
	v3 =	vadd.f32 v46, v3  }
0x205: {  	v19 =	vld [tilespmem:s28+$0x11170]  }
0x206: {  	[tilespmem:s28+$0xD30] =	vst.add.f32.msk $0xffff, v3  }
0x207: {  	v3 =	vld [tilespmem:s28+$0x8D40]  }
0x208: {  	v47 =	vld [tilespmem:s29+$0x8140]  }
0x209: {  	v22 =	vld [tilespmem:s28+$0x9510]  }
0x20a: {  	v23 =	vld [tilespmem:s28+$0x11510]  }
0x20b: {  	v33 =	vld [tilespmem:s28+$0x9560]  }
0x20c: {  	v34 =	vld [tilespmem:s28+$0x11560]  }
0x20d: {  	v37 =	vld [tilespmem:s28+$0x9900];
	v3 =	vadd.f32 v47, v3  }
0x20e: {  	v38 =	vld [tilespmem:s28+$0x11900]  }
0x20f: {  	[tilespmem:s28+$0xD40] =	vst.add.f32.msk $0xffff, v3  }
0x210: {  	v3 =	vld [tilespmem:s28+$0x8D50]  }
0x211: {  	v48 =	vld [tilespmem:s29+$0x8150]  }
0x212: {  	v51 =	vld [tilespmem:s28+$0x9100]  }
0x213: {  	v59 =	vld [tilespmem:s28+$0x11130]  }
0x214: {  	v60 =	vld [tilespmem:s28+$0x9140]  }
0x215: {  	v62 =	vld [tilespmem:s28+$0x9150]  }
0x216: {  	v63 =	vld [tilespmem:s28+$0x11150];
	v3 =	vadd.f32 v48, v3  }
0x217: {  	v26 =	vld [tilespmem:s28+$0x11520]  }
0x218: {  	[tilespmem:s28+$0xD50] =	vst.add.f32.msk $0xffff, v3  }
0x219: {  	v3 =	vld [tilespmem:s28+$0x8D60]  }
0x21a: {  	v49 =	vld [tilespmem:s29+$0x8160]  }
0x21b: {  	v27 =	vld [tilespmem:s28+$0x9530]  }
0x21c: {  	v41 =	vld [tilespmem:s28+$0x11910]  }
0x21d: {  	v42 =	vld [tilespmem:s28+$0x9920]  }
0x21e: {  	v29 =	vld [tilespmem:s28+$0x9540]  }
0x21f: {  	v30 =	vld [tilespmem:s28+$0x11540];
	v3 =	vadd.f32 v49, v3  }
0x220: {  	v52 =	vld [tilespmem:s28+$0x11100]  }
0x221: {  	[tilespmem:s28+$0xD60] =	vst.add.f32.msk $0xffff, v3  }
0x222: {  	v3 =	vld [tilespmem:s28+$0x8D70]  }
0x223: {  	v50 =	vld [tilespmem:s29+$0x8170]  }
0x224: {  	v55 =	vld [tilespmem:s28+$0x9120]  }
0x225: {  	v56 =	vld [tilespmem:s28+$0x11120]  }
0x226: {  	v57 =	vadd.f32 v52, v51;
	v51 =	vld [tilespmem:s28+$0x11960]  }
0x227: {  	v52 =	vld [tilespmem:s28+$0x9970]  }
0x228: {  	v61 =	vld [tilespmem:s28+$0x11140];
	v3 =	vadd.f32 v50, v3  }
0x229: {  	v16 =	vld [tilespmem:s28+$0x9160]  }
0x22a: {  	[tilespmem:s28+$0xD70] =	vst.add.f32.msk $0xffff, v3;
	v3 =	vadd.f32 v54, v53  }
0x22b: {  	v17 =	vld [tilespmem:s28+$0x11160]  }
0x22c: {  	[tilespmem:s28+$0x1110] =	vst.add.f32.msk $0xffff, v3  }
0x22d: {  	v3 =	vld [tilespmem:s28+$0x9130]  }
0x22e: {  	v20 =	vld [tilespmem:s28+$0x9500]  }
0x22f: {  	v21 =	vld [tilespmem:s28+$0x11500]  }
0x230: {  	v28 =	vld [tilespmem:s28+$0x11530]  }
0x231: {  	v31 =	vld [tilespmem:s28+$0x9550]  }
0x232: {  	v32 =	vld [tilespmem:s28+$0x11550];
	v3 =	vadd.f32 v59, v3  }
0x233: {  	v35 =	vld [tilespmem:s28+$0x9570]  }
0x234: {  	[tilespmem:s28+$0x1130] =	vst.add.f32.msk $0xffff, v3;
	v3 =	vadd.f32 v63, v62  }
0x235: {  	v36 =	vld [tilespmem:s28+$0x11570]  }
0x236: {  	[tilespmem:s28+$0x1150] =	vst.add.f32.msk $0xffff, v3;
	v3 =	vadd.f32 v19, v18  }
0x237: {  	v43 =	vld [tilespmem:s28+$0x11920]  }
0x238: {  	[tilespmem:s28+$0x1170] =	vst.add.f32.msk $0xffff, v3;
	v3 =	vadd.f32 v23, v22  }
0x239: {  	v44 =	vld [tilespmem:s28+$0x9930]  }
0x23a: {  	[tilespmem:s28+$0x1510] =	vst.add.f32.msk $0xffff, v3  }
0x23b: {  	v3 =	vld [tilespmem:s28+$0x9520]  }
0x23c: {  	v45 =	vld [tilespmem:s28+$0x11930]  }
0x23d: {  	v46 =	vld [tilespmem:s28+$0x9940]  }
0x23e: {  	v47 =	vld [tilespmem:s28+$0x11940]  }
0x23f: {  	v48 =	vld [tilespmem:s28+$0x9950]  }
0x240: {  	v49 =	vld [tilespmem:s28+$0x11950];
	v3 =	vadd.f32 v26, v3  }
0x241: {  	v58 =	vadd.f32 v56, v55;
	[tilespmem:s28+$0x1100] =	vst.add.f32.msk $0xffff, v57  }
0x242: {  	[tilespmem:s28+$0x1520] =	vst.add.f32.msk $0xffff, v3;
	v3 =	vadd.f32 v30, v29  }
0x243: {  	v5 =	vadd.f32 v61, v60;
	[tilespmem:s28+$0x1120] =	vst.add.f32.msk $0xffff, v58  }
0x244: {  	[tilespmem:s28+$0x1540] =	vst.add.f32.msk $0xffff, v3;
	v3 =	vadd.f32 v34, v33  }
0x245: {  	v24 =	vadd.f32 v17, v16;
	[tilespmem:s28+$0x1140] =	vst.add.f32.msk $0xffff, v5  }
0x246: {  	[tilespmem:s28+$0x1560] =	vst.add.f32.msk $0xffff, v3;
	v3 =	vadd.f32 v38, v37  }
0x247: {  	[tilespmem:s28+$0x1160] =	vst.add.f32.msk $0xffff, v24  }
0x248: {  	v25 =	vadd.f32 v21, v20;
	[tilespmem:s28+$0x1900] =	vst.add.f32.msk $0xffff, v3  }
0x249: {  	v39 =	vadd.f32 v32, v31;
	v3 =	vld [tilespmem:s28+$0x9910]  }
0x24a: {  	v40 =	vadd.f32 v36, v35;
	[tilespmem:s28+$0x1500] =	vst.add.f32.msk $0xffff, v25  }
0x24b: {  	v5 =	vadd.f32 v28, v27;
	[tilespmem:s28+$0x1550] =	vst.add.f32.msk $0xffff, v39  }
0x24c: {  	[tilespmem:s28+$0x1570] =	vst.add.f32.msk $0xffff, v40  }
0x24d: {  	[tilespmem:s28+$0x1530] =	vst.add.f32.msk $0xffff, v5  }
0x24e: {  	v50 =	vld [tilespmem:s28+$0x9960];
	v3 =	vadd.f32 v41, v3  }
0x24f: {  	v5 =	vadd.f32 v43, v42;
	v53 =	vld [tilespmem:s28+$0x11970]  }
0x250: {  	[tilespmem:s28+$0x1910] =	vst.add.f32.msk $0xffff, v3;
	v3 =	vadd.f32 v45, v44  }
0x251: {  	[tilespmem:s28+$0x1920] =	vst.add.f32.msk $0xffff, v5;
	v54 =	vadd.f32 v47, v46  }
0x252: {  	[tilespmem:s28+$0x1930] =	vst.add.f32.msk $0xffff, v3;
	v3 =	vadd.f32 v49, v48  }
0x253: {  	s30 =	sand.u32 $0x7, s12;
	[tilespmem:s28+$0x1940] =	vst.add.f32.msk $0xffff, v54;
	v55 =	vadd.f32 v51, v50  }
0x254: {  	s29 =	sshll.u32 s30, $0x7;
	[tilespmem:s28+$0x1950] =	vst.add.f32.msk $0xffff, v3;
	v3 =	vadd.f32 v53, v52  }
0x255: {  	s29 =	sadd.s32 s29, s26;
	[tilespmem:s28+$0x1960] =	vst.add.f32.msk $0xffff, v55  }
0x256: {  	s30 =	sor.u32 s26, s25;
	[tilespmem:s28+$0x1970] =	vst.add.f32.msk $0xffff, v3;
	s28 =	sor.u32 $0x1C00, s29  }
0x257: {  	s30 =	sor.u32 $0x9C00, s30;
	v3 =	vld [tilespmem:s28+$0x8100]  }
0x258: {  	v56 =	vld [tilespmem:s30+$0x8100];
	_ =	sdelay $0x4  }
0x259: {  	v3 =	vadd.f32 v56, v3;
	_ =	sdelay $0x1  }
0x25a: {  	[tilespmem:s28+$0x100] =	vst.add.f32.msk $0xffff, v3;
	s28 =	sor.u32 $0x1C10, s29  }
0x25b: {  	v3 =	vld [tilespmem:s28+$0x8100]  }
0x25c: {  	v57 =	vld [tilespmem:s30+$0x8110];
	_ =	sdelay $0x4  }
0x25d: {  	v3 =	vadd.f32 v57, v3;
	_ =	sdelay $0x1  }
0x25e: {  	[tilespmem:s28+$0x100] =	vst.add.f32.msk $0xffff, v3;
	s28 =	sor.u32 $0x1C20, s29  }
0x25f: {  	v3 =	vld [tilespmem:s28+$0x8100]  }
0x260: {  	v58 =	vld [tilespmem:s30+$0x8120];
	_ =	sdelay $0x4  }
0x261: {  	v3 =	vadd.f32 v58, v3;
	_ =	sdelay $0x1  }
0x262: {  	[tilespmem:s28+$0x100] =	vst.add.f32.msk $0xffff, v3;
	s28 =	sor.u32 $0x1C30, s29  }
0x263: {  	v3 =	vld [tilespmem:s28+$0x8100]  }
0x264: {  	v59 =	vld [tilespmem:s30+$0x8130];
	_ =	sdelay $0x4  }
0x265: {  	v3 =	vadd.f32 v59, v3;
	_ =	sdelay $0x1  }
0x266: {  	[tilespmem:s28+$0x100] =	vst.add.f32.msk $0xffff, v3;
	s28 =	sor.u32 $0x1C40, s29  }
0x267: {  	v3 =	vld [tilespmem:s28+$0x8100]  }
0x268: {  	v60 =	vld [tilespmem:s30+$0x8140];
	_ =	sdelay $0x4  }
0x269: {  	v3 =	vadd.f32 v60, v3;
	_ =	sdelay $0x1  }
0x26a: {  	[tilespmem:s28+$0x100] =	vst.add.f32.msk $0xffff, v3;
	s28 =	sor.u32 $0x1C50, s29  }
0x26b: {  	v3 =	vld [tilespmem:s28+$0x8100]  }
0x26c: {  	v61 =	vld [tilespmem:s30+$0x8150];
	_ =	sdelay $0x4  }
0x26d: {  	v3 =	vadd.f32 v61, v3;
	_ =	sdelay $0x1  }
0x26e: {  	[tilespmem:s28+$0x100] =	vst.add.f32.msk $0xffff, v3;
	s28 =	sor.u32 $0x1C60, s29  }
0x26f: {  	v3 =	vld [tilespmem:s28+$0x8100]  }
0x270: {  	v62 =	vld [tilespmem:s30+$0x8160];
	_ =	sdelay $0x4  }
0x271: {  	v3 =	vadd.f32 v62, v3;
	_ =	sdelay $0x1  }
0x272: {  	s29 =	sor.u32 $0x1C70, s29;
	[tilespmem:s28+$0x100] =	vst.add.f32.msk $0xffff, v3  }
0x273: {  	v3 =	vld [tilespmem:s29+$0x8100]  }
0x274: {  	v63 =	vld [tilespmem:s30+$0x8170];
	_ =	sdelay $0x1  }
0x275: {  	p0 =	sne.s32 s26, $0x7C00  }
.Ltmp1:
0x276: {  	_ = 	snop;
	(pc) =	sbr.rel @p0 .LBB2_4-.Ltmp1, $3  }
0x277: {  	_ = 	snop  }
0x278: {  	v3 =	vadd.f32 v63, v3;
	_ =	sdelay $0x1  }
0x279: {  	s12 =	sadd.s32 $0x1, s12;
	s25 =	sadd.s32 $0x80, s25;
	s26 =	sadd.s32 $0x400, s26;
	[tilespmem:s29+$0x100] =	vst.add.f32.msk $0xffff, v3  }
0x27a: {  	s12 =	rddreg [dreg:$0x7]  }
0x27b: {  	[hbm4b:s12+s2] =	stream.linear.scatter [tilespmem:s23], [sflag:$0x2], $0x8000, $0x38;
	[tilespmem:$0x18100] =	vst v63  }
0x27c: {  	_ =	swait.ge [sflag:s13], $0x8000  }
0x27d: {  	s24 =	sadd.s32 $0x1, s24;
	s30 =	rddreg [dreg:$0x8]  }
0x27e: {  	p0 =	sne.s32 s24, s30  }
.Ltmp2:
0x27f: {  	_ = 	snop;
	(pc) =	sbr.rel @p0 .LBB2_1-.Ltmp2, $3  }
0x280: {  	_ =	sdelay $0x1  }
0x281: {  	[sflag:s13] =	ssyncset.done $0x0  }
0x282: {  	[sflag:s13] =	ssyncadd.s32 $0xFFFF8000  }
0x283: {  	_ =	sfence.sel $0x180000  }
0x284: {  	[bflag:$0x0] =	sbarrier.arrive $0xFFFF  }
0x285: {  	_ =	strace $0x90000047  }
0x286: {  	s0 =	stileid.u32;
	[bflag:$0x2] =	sbarrier.arrive $0xFFFF  }
0x287: {  	p0 =	sne.s32 s0, $0x0;
	s0 =	rddreg [dreg:$0x2]  }
0x288: {  	s0 =	sadd.s32 @!p0 $0x100000, s0  }
0x289: {  	[sflag:s0] =	ssyncadd.tile.s32 @!p0 $0x1;
	_ =	shalt  }
.Lfunc_end2:
_tile_overlayer_lowered:
.L_overlay_start_2:
0x28a: {  	(tag) =	ssettag $0x2  }
0x28b: {  	s0 =	rddreg [dreg:$0x0];
	s2 =	stileid.u32  }
0x28c: {  	s1 =	rddreg [dreg:$0x1];
	p0 =	sne.s32 s2, $0x0  }
0x28d: {  	s3 =	rddreg [dreg:$0x2];
	[bflag:$0x3] =	sbarrier.arrive $0xFFFF;
	s2 =	simm.s32 @!p0 $0x1C02  }
0x28e: {  	[timem:s3], [sflag:s2] =	dma.local @!p0 [hbm:s0], s1  }
0x28f: {  	s0 =	simm.s32 @!p0 $0x2  }
0x290: {  	_ =	swait.ge @!p0 [sflag:s0], s1  }
0x291: {  	s1 =	ssub.s32 @!p0 $0x0, s1;
	[sflag:s0] =	ssyncset.done @!p0 $0x0  }
0x292: {  	[sflag:s0] =	ssyncadd.s32 @!p0 s1  }
0x293: {  	[bflag:$0x3] =	sbarrier.arrive $0xFFFF  }
0x294: {  	_ =	shalt  }

</sc_bundles>
